<compile_context>
chip_gen: v7x
topology: tpu7x:2x2x1
jax: 0.10.2.dev20260603
libtpu: 0.0.44.dev20260713+nightly
codegen_flags: <defaults>
</compile_context>

<pallas_src>
import functools

import jax
import jax.numpy as jnp
from jax import lax
from jax.experimental import pallas as pl
from jax.experimental.pallas import tpu as pltpu
from jax.experimental.pallas import tpu_sc as plsc

N = 10000
E = 320000
ND = 128
ED = 16
HID = 40
DP = 128
ADD_LANES = 48
NC, NS = 2, 16
NW = NC * NS
BPW = E // NW
GCH = 200
EP8 = E // 8
SCH = 100
EPS = 1e-5
F32 = jnp.float32



def _node_prep_body(x_ref, g_ref, b_ref, w1s_ref, w1d_ref, wq_ref, bq_ref,
                    ps_ref, pd_ref, q_ref):
    x = x_ref[...]
    mu = jnp.mean(x, axis=0, keepdims=True)
    xc = x - mu
    var = jnp.mean(xc * xc, axis=0, keepdims=True)
    xb = jnp.maximum(g_ref[...] * xc / jnp.sqrt(var + EPS) + b_ref[...], 0.0)
    ps_ref[...] = jnp.dot(xb, w1s_ref[...], preferred_element_type=F32)
    pd_ref[...] = jnp.dot(xb, w1d_ref[...], preferred_element_type=F32)
    q_ref[...] = jnp.dot(xb, wq_ref[...], preferred_element_type=F32) + bq_ref[...]


def _node_prep(cur_x, gamma, beta, w1s, w1d, wq, bq):
    return pl.pallas_call(
        _node_prep_body,
        out_shape=[
            jax.ShapeDtypeStruct((N, DP), F32),
            jax.ShapeDtypeStruct((N, DP), F32),
            jax.ShapeDtypeStruct((N, HID), F32),
        ],
    )(cur_x, gamma.reshape(1, ND), beta.reshape(1, ND), w1s, w1d, wq,
      bq.reshape(1, HID))


def _colstats_body(a_ref, o_ref):
    a = a_ref[...]
    s1 = jnp.sum(a, axis=0, keepdims=True)
    s2 = jnp.sum(a * a, axis=0, keepdims=True)
    li = lax.broadcasted_iota(jnp.int32, (128, 128), 0)
    lj = lax.broadcasted_iota(jnp.int32, (128, 128), 1)
    fold = jnp.where(li % ED == lj % ED, 1.0, 0.0).astype(F32)
    s1f = jnp.dot(s1, fold, preferred_element_type=F32)
    s2f = jnp.dot(s2, fold, preferred_element_type=F32)
    mu = s1f * (1.0 / E)
    var = s2f * (1.0 / E) - mu * mu
    o_ref[...] = jnp.concatenate([mu, var], axis=0)


def _colstats(arr_pack):
    return pl.pallas_call(
        _colstats_body,
        out_shape=jax.ShapeDtypeStruct((2, 128), F32),
    )(arr_pack)


BEP = 1000


def _edge_core(g_refs, ea_ref, st_ref, gm_ref, bt_ref, w1_ref, b1_ref, w2_ref,
               b2_ref):
    mu = st_ref[0:1, :]
    var = st_ref[1:2, :]
    eb = jnp.maximum(
        gm_ref[...] * (ea_ref[...] - mu) / jnp.sqrt(var + EPS) + bt_ref[...], 0.0)
    c = jnp.dot(eb, w1_ref[...], preferred_element_type=F32) + b1_ref[...]
    eo = b2_ref[...]
    for t in range(3):
        h = jnp.maximum(g_refs[t][...] + c[:, 128 * t:128 * (t + 1)], 0.0)
        eo = eo + jnp.dot(h, w2_ref[...][128 * t:128 * (t + 1), :],
                          preferred_element_type=F32)
    return eo


def _edge_body_mid(g0, g1, g2, ea_ref, st_ref, gm_ref, bt_ref, w1_ref, b1_ref,
                   w2_ref, b2_ref, eo_ref):
    eo_ref[...] = _edge_core((g0, g1, g2), ea_ref, st_ref, gm_ref, bt_ref,
                             w1_ref, b1_ref, w2_ref, b2_ref)


def _edge_body_fin(g0, g1, g2, ea_ref, st_ref, gm_ref, bt_ref, w1_ref, b1_ref,
                   w2_ref, b2_ref, eorig_ref, eo_ref, efin_ref):
    eo = _edge_core((g0, g1, g2), ea_ref, st_ref, gm_ref, bt_ref,
                    w1_ref, b1_ref, w2_ref, b2_ref)
    eo_ref[...] = eo
    efin_ref[...] = 0.5 * eorig_ref[...] + 0.5 * eo


def _edge_mlp(g3, cur_e, stats, gm_t, bt_t, w1bd, b1t, w2bd, b2t, eorig):
    blk = lambda c: pl.BlockSpec((BEP, c), lambda i: (i, 0))
    fix = lambda r, c: pl.BlockSpec((r, c), lambda i: (0, 0))
    args = [g3[0], g3[1], g3[2], cur_e, stats, gm_t, bt_t, w1bd, b1t, w2bd, b2t]
    in_specs = [blk(128), blk(128), blk(128), blk(128), fix(2, 128),
                fix(1, 128), fix(1, 128),
                fix(128, GW), fix(1, GW), fix(GW, 128), fix(1, 128)]
    if eorig is None:
        return pl.pallas_call(
            _edge_body_mid,
            grid=(EP8 // BEP,),
            in_specs=in_specs,
            out_specs=blk(128),
            out_shape=jax.ShapeDtypeStruct((EP8, 128), F32),
        )(*args)
    return pl.pallas_call(
        _edge_body_fin,
        grid=(EP8 // BEP,),
        in_specs=in_specs + [blk(128)],
        out_specs=[blk(128), blk(128)],
        out_shape=[jax.ShapeDtypeStruct((EP8, 128), F32),
                   jax.ShapeDtypeStruct((EP8, 128), F32)],
    )(*(args + [eorig]))


def _node_body_mid(q_ref, agg_ref, wa_ref, w2_ref, b2_ref, out_ref):
    agg = agg_ref[0] + agg_ref[1]
    t = jnp.maximum(q_ref[...] + jnp.dot(agg, wa_ref[...],
                                         preferred_element_type=F32), 0.0)
    out_ref[...] = jnp.dot(t, w2_ref[...], preferred_element_type=F32) + b2_ref[...]


def _node_body_fin(q_ref, agg_ref, wa_ref, w2_ref, b2_ref, xorig_ref, out_ref):
    agg = agg_ref[0] + agg_ref[1]
    t = jnp.maximum(q_ref[...] + jnp.dot(agg, wa_ref[...],
                                         preferred_element_type=F32), 0.0)
    xo = jnp.dot(t, w2_ref[...], preferred_element_type=F32) + b2_ref[...]
    out_ref[...] = 0.5 * xorig_ref[...] + 0.5 * xo


def _node_mlp(q, agg2, wa, w2, b2, xorig):
    args = [q, agg2, wa, w2, b2.reshape(1, ND)]
    if xorig is None:
        return pl.pallas_call(
            _node_body_mid,
            out_shape=jax.ShapeDtypeStruct((N, ND), F32),
        )(*args)
    return pl.pallas_call(
        _node_body_fin,
        out_shape=jax.ShapeDtypeStruct((N, ND), F32),
    )(*(args + [xorig]))



GNB = 2
GNC = BPW // GCH
GW = 8 * ADD_LANES
GPR = GCH // 8


def _sc_gather(ps, pd, src2, dst2):
    mesh = plsc.VectorSubcoreMesh(core_axis_name="c", subcore_axis_name="s")

    @functools.partial(
        pl.kernel, mesh=mesh,
        out_type=[jax.ShapeDtypeStruct((E // 8, 128), F32) for _ in range(3)],
        compiler_params=pltpu.CompilerParams(use_tc_tiling_on_sc=False),
        scratch_types=[
            pltpu.VMEM((BPW,), jnp.int32),
            pltpu.VMEM((BPW,), jnp.int32),
        ] + [pltpu.VMEM((GCH, 64), F32) for _ in range(2 * GNB)]
          + [pltpu.VMEM((GPR, 128), F32) for _ in range(3 * GNB)]
          + [pltpu.SemaphoreType.DMA for _ in range(2 * GNB)],
    )
    def k(ps_hbm, pd_hbm, src_hbm, dst_hbm, o0_hbm, o1_hbm, o2_hbm,
          si_all, di_all, *bufs):
        rs = bufs[0:GNB]
        rd = bufs[GNB:2 * GNB]
        co = bufs[2 * GNB:5 * GNB]
        sg = bufs[5 * GNB:6 * GNB]
        ss = bufs[6 * GNB:7 * GNB]
        outs = (o0_hbm, o1_hbm, o2_hbm)
        wid = lax.axis_index("s") * NC + lax.axis_index("c")
        base = wid * BPW
        pltpu.sync_copy(src_hbm.at[pl.ds(base, BPW)], si_all)
        pltpu.sync_copy(dst_hbm.at[pl.ds(base, BPW)], di_all)

        def issue_gather(j, b):
            loc = pl.multiple_of(j * GCH, 8)
            pltpu.async_copy(ps_hbm.at[si_all.at[pl.ds(loc, GCH)]],
                             rs[b], sg[b])
            pltpu.async_copy(pd_hbm.at[di_all.at[pl.ds(loc, GCH)]],
                             rd[b], sg[b])

        def wait_gathers(b):
            for _ in range(2):
                pltpu.make_async_copy(
                    ps_hbm.at[si_all.at[pl.ds(0, GCH)]], rs[b], sg[b]).wait()

        def wait_stores(b):
            for t in range(3):
                pltpu.make_async_copy(
                    co[3 * b + t], outs[t].at[pl.ds(0, GPR)], ss[b]).wait()

        for b in range(GNB):
            issue_gather(b, b)

        def outer(jj, carry):
            for b in range(GNB):
                j = jj * GNB + b
                wait_gathers(b)

                def addrow8(r8, cc):
                    for k8 in range(8):
                        for c in range(3):
                            pos = 48 * k8 + 16 * c
                            sl = (r8 * 8 + k8, pl.ds(c * 16, 16))
                            co[3 * b + pos // 128][r8, pl.ds(pos % 128, 16)] = (
                                rs[b][sl] + rd[b][sl])
                    return cc

                lax.fori_loop(0, GPR, addrow8, 0)
                row = (base + j * GCH) // 8
                for t in range(3):
                    pltpu.async_copy(co[3 * b + t],
                                     outs[t].at[pl.ds(row, GPR)], ss[b])

                @pl.when(j + GNB < GNC)
                def _():
                    wait_stores(b)
                    issue_gather(j + GNB, b)
            return carry

        lax.fori_loop(0, GNC // GNB, outer, 0)
        for b in range(GNB):
            wait_stores(b)

    return k(ps, pd, src2, dst2)


SNB = 2
SNC = BPW // SCH


def _sc_scatter(eo, dst):
    mesh = plsc.VectorSubcoreMesh(core_axis_name="c", subcore_axis_name="s")
    rpt = N // NS

    @functools.partial(
        pl.kernel, mesh=mesh,
        out_type=jax.ShapeDtypeStruct((NC, N, ED), F32),
        compiler_params=pltpu.CompilerParams(use_tc_tiling_on_sc=False),
        scratch_types=[
            pltpu.VMEM((SNC, SCH), jnp.int32),
            pltpu.VMEM((rpt, ED), F32),
            pltpu.VMEM_SHARED((N, ED), F32),
        ] + [pltpu.VMEM((SCH, ED), F32) for _ in range(SNB)]
          + [pltpu.SemaphoreType.DMA for _ in range(SNB)],
    )
    def k(eo_hbm, dst_hbm, out_hbm, dstw, stage, aggsh, *bufs):
        rows = bufs[0:SNB]
        sr = bufs[SNB:2 * SNB]
        cid = lax.axis_index("c")
        sid = lax.axis_index("s")
        wid = sid * NC + cid
        base = wid * BPW
        pltpu.sync_copy(dst_hbm.at[pl.ds(wid * SNC, SNC)], dstw)

        def zrow(r, carry):
            stage[r, pl.ds(0, ED)] = jnp.zeros((ED,), F32)
            return carry

        lax.fori_loop(0, rpt, zrow, 0)
        pltpu.sync_copy(stage, aggsh.at[pl.ds(sid * rpt, rpt)])
        plsc.subcore_barrier()

        for b in range(SNB):
            pltpu.async_copy(eo_hbm.at[pl.ds(base + b * SCH, SCH)],
                             rows[b], sr[b])

        def outer(jj, carry):
            for b in range(SNB):
                j = jj * SNB + b
                pltpu.make_async_copy(eo_hbm.at[pl.ds(0, SCH)],
                                      rows[b], sr[b]).wait()
                pltpu.sync_copy(rows[b], aggsh.at[dstw.at[j]], add=True)

                @pl.when(j + SNB < SNC)
                def _():
                    pltpu.async_copy(
                        eo_hbm.at[pl.ds(base + (j + SNB) * SCH, SCH)],
                        rows[b], sr[b])
            return carry

        lax.fori_loop(0, SNC // SNB, outer, 0)
        plsc.subcore_barrier()
        pltpu.sync_copy(aggsh.at[pl.ds(sid * rpt, rpt)], stage)
        pltpu.sync_copy(stage, out_hbm.at[cid, pl.ds(sid * rpt, rpt)])

    return k(eo, dst)



def kernel(x, edge_index, edge_attr, params):
    layers = params["layers"]
    src = edge_index[0]
    dst = edge_index[1]
    src2 = src * 2
    dst2 = dst * 2
    dstr = dst.reshape(E // SCH, SCH)
    ea_pack = edge_attr.reshape(EP8, 128)
    eye8 = jnp.eye(8, dtype=F32)
    cur_x, cur_e = x, ea_pack
    out_x = out_e = None
    for li, p in enumerate(layers):
        final = li == len(layers) - 1
        pe, pn = p["edge_mlp"], p["node_mlp"]
        w1 = pe["W1"]
        pad = ((0, 0), (0, DP - HID))
        w1s = jnp.pad(w1[:ND], pad)
        w1d = jnp.pad(w1[ND:2 * ND], pad)
        w1bd = jnp.kron(eye8, jnp.pad(w1[2 * ND:], ((0, 0), (0, 8))))
        w2bd = jnp.kron(eye8, jnp.pad(pe["W2"], ((0, 8), (0, 0))))
        b1t = jnp.tile(jnp.pad(pe["b1"], (0, 8)), 8).reshape(1, GW)
        b2t = jnp.tile(pe["b2"], 8).reshape(1, 128)
        gm_t = jnp.tile(p["bn_edge"]["gamma"], 8).reshape(1, 128)
        bt_t = jnp.tile(p["bn_edge"]["beta"], 8).reshape(1, 128)
        wn1 = pn["W1"]
        ps, pd_, q = _node_prep(cur_x, p["bn_node"]["gamma"], p["bn_node"]["beta"],
                                w1s, w1d, wn1[:ND], pn["b1"])
        stats = _colstats(cur_e)
        g = _sc_gather(ps.reshape(2 * N, 64), pd_.reshape(2 * N, 64), src2, dst2)
        if final:
            eo, oe_pack = _edge_mlp(g, cur_e, stats, gm_t, bt_t, w1bd, b1t,
                                    w2bd, b2t, ea_pack)
            out_e = oe_pack.reshape(E, ED)
        else:
            eo = _edge_mlp(g, cur_e, stats, gm_t, bt_t, w1bd, b1t,
                           w2bd, b2t, None)
        agg2 = _sc_scatter(eo.reshape(E, ED), dstr)
        xo = _node_mlp(q, agg2, wn1[ND:], pn["W2"], pn["b2"],
                       x if final else None)
        if final:
            out_x = xo
        cur_x, cur_e = xo, eo
    return (out_x, out_e)

# --- scband reference (transcript-rebuilt; emitter-appended) ---
"""Pipeline reference for scband-res-in-90142773608454 (READ-ONLY COPY).

The authoritative reference and input builder live on the scoring server;
editing this copy changes nothing except your own understanding.
"""

import jax, jax.numpy as jnp
import numpy as np

N_NODES = 10000
N_EDGES = 320000
NODE_DIM = 128
EDGE_DIM = 16
HID = 40
N_LAYERS = 2


def _mlp_params(key, din, dh, dout):
    k1, k2 = jax.random.split(key)
    s1 = 1.0 / np.sqrt(din)
    s2 = 1.0 / np.sqrt(dh)
    return {
        "W1": jax.random.uniform(k1, (din, dh), minval=-s1, maxval=s1, dtype=jnp.float32),
        "b1": jnp.zeros((dh,), dtype=jnp.float32),
        "W2": jax.random.uniform(k2, (dh, dout), minval=-s2, maxval=s2, dtype=jnp.float32),
        "b2": jnp.zeros((dout,), dtype=jnp.float32),
    }


def setup_inputs(seed: int = 0) -> dict:
    key = jax.random.key(seed)
    ks = jax.random.split(key, 4)
    x = jax.random.normal(ks[0], (N_NODES, NODE_DIM), dtype=jnp.float32)
    edge_index = jax.random.randint(ks[1], (2, N_EDGES), 0, N_NODES, dtype=jnp.int32)
    edge_attr = jax.random.normal(ks[2], (N_EDGES, EDGE_DIM), dtype=jnp.float32)
    layers = []
    for i in range(N_LAYERS):
        kk = jax.random.fold_in(key, 100 + i)
        ke, kn = jax.random.split(kk)
        layers.append({
            "edge_mlp": _mlp_params(ke, 2 * NODE_DIM + EDGE_DIM, HID, EDGE_DIM),
            "node_mlp": _mlp_params(kn, NODE_DIM + EDGE_DIM, HID, NODE_DIM),
            "bn_node": {"gamma": jnp.ones((NODE_DIM,), dtype=jnp.float32), "beta": jnp.zeros((NODE_DIM,), dtype=jnp.float32)},
            "bn_edge": {"gamma": jnp.ones((EDGE_DIM,), dtype=jnp.float32), "beta": jnp.zeros((EDGE_DIM,), dtype=jnp.float32)},
        })
    return {"x": x, "edge_index": edge_index, "edge_attr": edge_attr, "params": {"layers": layers}}


def _bn(v, gamma, beta, eps=1e-5):
    mu = jnp.mean(v, axis=0, keepdims=True)
    var = jnp.var(v, axis=0, keepdims=True)
    return gamma * (v - mu) / jnp.sqrt(var + eps) + beta


def _mlp(v, p):
    return jax.nn.relu(v @ p["W1"] + p["b1"]) @ p["W2"] + p["b2"]


def _interaction(x, edge_index, edge_attr, p):
    src = edge_index[0]
    dst = edge_index[1]
    m = jnp.concatenate([x[src], x[dst], edge_attr], axis=-1)
    e_out = _mlp(m, p["edge_mlp"])
    agg = jnp.zeros((x.shape[0], e_out.shape[1]), dtype=x.dtype).at[dst].add(e_out)
    n_in = jnp.concatenate([x, agg], axis=-1)
    x_out = _mlp(n_in, p["node_mlp"])
    return x_out, e_out


def reference(x, edge_index, edge_attr, params):
    layers = params["layers"]
    alpha_node = 0.5
    alpha_edge = 0.5
    for i in range(len(layers) // 2):
        p0 = layers[2 * i]
        p1 = layers[2 * i + 1]
        hx, he = _interaction(
            jax.nn.relu(_bn(x, p0["bn_node"]["gamma"], p0["bn_node"]["beta"])),
            edge_index,
            jax.nn.relu(_bn(edge_attr, p0["bn_edge"]["gamma"], p0["bn_edge"]["beta"])),
            p0,
        )
        dx, de = _interaction(
            jax.nn.relu(_bn(hx, p1["bn_node"]["gamma"], p1["bn_node"]["beta"])),
            edge_index,
            jax.nn.relu(_bn(he, p1["bn_edge"]["gamma"], p1["bn_edge"]["beta"])),
            p1,
        )
        x = alpha_node * x + (1 - alpha_node) * dx
        edge_attr = alpha_edge * edge_attr + (1 - alpha_edge) * de
    return (x, edge_attr)

if __name__ == "__main__":
    import jax
    _d = setup_inputs()
    print(jax.jit(kernel)(*tuple(_d.values())))

</pallas_src>

<mosaic_0001>
#map = affine_map<(d0, d1) -> (0, 0)>
#map1 = affine_map<(d0, d1) -> (0, 0, 0)>
module attributes {stable_mosaic.version = 14 : i64} {
  func.func @k(%arg0: i32, %arg1: i32, %arg2: memref<320000x16xf32, #tpu.memory_space<hbm>>, %arg3: memref<3200x100xi32, #tpu.memory_space<hbm>>, %arg4: memref<2x10000x16xf32, #tpu.memory_space<hbm>>, %arg5: memref<100x100xi32, #tpu.memory_space<vmem>>, %arg6: memref<625x16xf32, #tpu.memory_space<vmem>>, %arg7: memref<10000x16xf32, #tpu.memory_space<vmem_shared>>, %arg8: memref<100x16xf32, #tpu.memory_space<vmem>>, %arg9: memref<100x16xf32, #tpu.memory_space<vmem>>, %arg10: memref<!tpu.dma_semaphore, #tpu.memory_space<semaphore_mem>>, %arg11: memref<!tpu.dma_semaphore, #tpu.memory_space<semaphore_mem>>) attributes {dimension_semantics = [#tpu.dimension_semantics<core_parallel>, #tpu.dimension_semantics<subcore_parallel>], iteration_bounds = array<i64: 2, 16>, scalar_prefetch = 0 : i64, scratch_operands = 7 : i64, tpu.core_type = #tpu.core_type<sc_vector_subcore>, window_params = [{transform_indices = #map}, {transform_indices = #map}, {transform_indices = #map1}]} {
    %mul3A = arith.constant 2 : i32
    %mul3A_0 = arith.muli %arg1, %mul3A : i32
    %add3A = arith.addi %mul3A_0, %arg0 : i32
    %mul3A_1 = arith.constant 10000 : i32
    %mul3A_2 = arith.muli %add3A, %mul3A_1 : i32
    %mul3A_3 = arith.constant 100 : i32
    %mul3A_4 = arith.muli %add3A, %mul3A_3 : i32
    "tpu.region"() ({
      %run_scoped3A = tpu.sem_alloc : memref<!tpu.dma_semaphore, #tpu.memory_space<semaphore_mem>>
      %dma_start3A_34 = arith.constant 0 : i32
      %dma_start3A_35 = tpu.memref_slice %arg3[%mul3A_4, %dma_start3A_34] : memref<3200x100xi32, #tpu.memory_space<hbm>> -> memref<100x100xi32, #tpu.memory_space<hbm>>
      %dma_start3A_36 = arith.constant 0 : i32
      %dma_start3A_37 = tpu.memref_slice %arg3[%mul3A_4, %dma_start3A_36] : memref<3200x100xi32, #tpu.memory_space<hbm>> -> memref<100x100xi32, #tpu.memory_space<hbm>>
      tpu.enqueue_dma source(%dma_start3A_37 : memref<100x100xi32, #tpu.memory_space<hbm>>) target(%arg5 : memref<100x100xi32, #tpu.memory_space<vmem>>) target_semaphore(%run_scoped3A : memref<!tpu.dma_semaphore, #tpu.memory_space<semaphore_mem>>)
      %dma_wait3A = arith.constant 0 : i32
      %dma_wait3A_38 = tpu.memref_slice %arg3[%mul3A_4, %dma_wait3A] : memref<3200x100xi32, #tpu.memory_space<hbm>> -> memref<100x100xi32, #tpu.memory_space<hbm>>
      %dma_wait3A_39 = arith.constant 0 : i32
      %dma_wait3A_40 = tpu.memref_slice %arg3[%mul3A_4, %dma_wait3A_39] : memref<3200x100xi32, #tpu.memory_space<hbm>> -> memref<100x100xi32, #tpu.memory_space<hbm>>
      tpu.wait_dma2 semaphore(%run_scoped3A : memref<!tpu.dma_semaphore, #tpu.memory_space<semaphore_mem>>) src(%dma_wait3A_40 : memref<100x100xi32, #tpu.memory_space<hbm>>) dst(%arg5 : memref<100x100xi32, #tpu.memory_space<vmem>>)
      tpu.yield
    }) : () -> ()
    %scan3A = arith.constant 0 : i32
    %scan3A_5 = arith.constant 0 : i32
    %scan3A_6 = arith.constant 625 : i32
    %scan3A_7 = arith.addi %scan3A_5, %scan3A_6 : i32
    %scan3A_8 = arith.constant 1 : i32
    scf.for %scan3A_34 = %scan3A_5 to %scan3A_7 step %scan3A_8  : i32 {
      %broadcast_in_dim3A = arith.constant 0.000000e+00 : f32
      %broadcast_in_dim3A_35 = vector.broadcast %broadcast_in_dim3A : f32 to vector<16xf32>
      %swap3A = arith.index_cast %scan3A_34 : i32 to index
      %swap3A_36 = arith.constant 0 : index
      %swap3A_37 = tpu.vector_load %arg6[%swap3A, %swap3A_36] {strides = array<i32>} : memref<625x16xf32, #tpu.memory_space<vmem>>, vector<1x16xf32>,
      %swap3A_38 = vector.shape_cast %swap3A_37 : vector<1x16xf32> to vector<16xf32>
      %swap3A_39 = vector.shape_cast %broadcast_in_dim3A_35 : vector<16xf32> to vector<1x16xf32>
      tpu.vector_store %arg6[%swap3A, %swap3A_36], %swap3A_39 {strides = array<i32>} : memref<625x16xf32, #tpu.memory_space<vmem>>, vector<1x16xf32>,
    }
    %scan3A_9 = arith.constant 625 : i32
    %mul3A_10 = arith.constant 625 : i32
    %mul3A_11 = arith.muli %arg1, %mul3A_10 : i32
    "tpu.region"() ({
      %run_scoped3A = tpu.sem_alloc : memref<!tpu.dma_semaphore, #tpu.memory_space<semaphore_mem>>
      %dma_start3A_34 = arith.constant 0 : i32
      %dma_start3A_35 = tpu.memref_slice %arg7[%mul3A_11, %dma_start3A_34] : memref<10000x16xf32, #tpu.memory_space<vmem_shared>> -> memref<625x16xf32, #tpu.memory_space<vmem_shared>>
      %dma_start3A_36 = arith.constant 0 : i32
      %dma_start3A_37 = tpu.memref_slice %arg7[%mul3A_11, %dma_start3A_36] : memref<10000x16xf32, #tpu.memory_space<vmem_shared>> -> memref<625x16xf32, #tpu.memory_space<vmem_shared>>
      tpu.enqueue_dma source(%arg6 : memref<625x16xf32, #tpu.memory_space<vmem>>) target(%dma_start3A_37 : memref<625x16xf32, #tpu.memory_space<vmem_shared>>) target_semaphore(%run_scoped3A : memref<!tpu.dma_semaphore, #tpu.memory_space<semaphore_mem>>)
      %dma_wait3A = arith.constant 0 : i32
      %dma_wait3A_38 = tpu.memref_slice %arg7[%mul3A_11, %dma_wait3A] : memref<10000x16xf32, #tpu.memory_space<vmem_shared>> -> memref<625x16xf32, #tpu.memory_space<vmem_shared>>
      %dma_wait3A_39 = arith.constant 0 : i32
      %dma_wait3A_40 = tpu.memref_slice %arg7[%mul3A_11, %dma_wait3A_39] : memref<10000x16xf32, #tpu.memory_space<vmem_shared>> -> memref<625x16xf32, #tpu.memory_space<vmem_shared>>
      tpu.wait_dma2 semaphore(%run_scoped3A : memref<!tpu.dma_semaphore, #tpu.memory_space<semaphore_mem>>) src(%arg6 : memref<625x16xf32, #tpu.memory_space<vmem>>) dst(%dma_wait3A_40 : memref<625x16xf32, #tpu.memory_space<vmem_shared>>)
      tpu.yield
    }) : () -> ()
    %barrier3A = arith.constant 0 : index
    tpu.barrier barrier_id(%barrier3A)
    %add3A_12 = arith.constant 0 : i32
    %add3A_13 = arith.addi %mul3A_2, %add3A_12 : i32
    %dma_start3A = arith.constant 0 : i32
    %dma_start3A_14 = tpu.memref_slice %arg2[%add3A_13, %dma_start3A] : memref<320000x16xf32, #tpu.memory_space<hbm>> -> memref<100x16xf32, #tpu.memory_space<hbm>>
    %dma_start3A_15 = arith.constant 0 : i32
    %dma_start3A_16 = tpu.memref_slice %arg2[%add3A_13, %dma_start3A_15] : memref<320000x16xf32, #tpu.memory_space<hbm>> -> memref<100x16xf32, #tpu.memory_space<hbm>>
    tpu.enqueue_dma source(%dma_start3A_16 : memref<100x16xf32, #tpu.memory_space<hbm>>) target(%arg8 : memref<100x16xf32, #tpu.memory_space<vmem>>) target_semaphore(%arg10 : memref<!tpu.dma_semaphore, #tpu.memory_space<semaphore_mem>>)
    %add3A_17 = arith.constant 100 : i32
    %add3A_18 = arith.addi %mul3A_2, %add3A_17 : i32
    %dma_start3A_19 = arith.constant 0 : i32
    %dma_start3A_20 = tpu.memref_slice %arg2[%add3A_18, %dma_start3A_19] : memref<320000x16xf32, #tpu.memory_space<hbm>> -> memref<100x16xf32, #tpu.memory_space<hbm>>
    %dma_start3A_21 = arith.constant 0 : i32
    %dma_start3A_22 = tpu.memref_slice %arg2[%add3A_18, %dma_start3A_21] : memref<320000x16xf32, #tpu.memory_space<hbm>> -> memref<100x16xf32, #tpu.memory_space<hbm>>
    tpu.enqueue_dma source(%dma_start3A_22 : memref<100x16xf32, #tpu.memory_space<hbm>>) target(%arg9 : memref<100x16xf32, #tpu.memory_space<vmem>>) target_semaphore(%arg11 : memref<!tpu.dma_semaphore, #tpu.memory_space<semaphore_mem>>)
    %scan3A_23 = arith.constant 0 : i32
    %scan3A_24 = arith.constant 0 : i32
    %scan3A_25 = arith.constant 50 : i32
    %scan3A_26 = arith.addi %scan3A_24, %scan3A_25 : i32
    %scan3A_27 = arith.constant 1 : i32
    scf.for %scan3A_34 = %scan3A_24 to %scan3A_26 step %scan3A_27  : i32 {
      %mul3A_35 = arith.constant 2 : i32
      %mul3A_36 = arith.muli %scan3A_34, %mul3A_35 : i32
      %add3A_37 = arith.constant 0 : i32
      %add3A_38 = arith.addi %mul3A_36, %add3A_37 : i32
      %dma_wait3A = arith.constant 0 : i32
      %dma_wait3A_39 = arith.constant 0 : i32
      %dma_wait3A_40 = tpu.memref_slice %arg2[%dma_wait3A, %dma_wait3A_39] : memref<320000x16xf32, #tpu.memory_space<hbm>> -> memref<100x16xf32, #tpu.memory_space<hbm>>
      %dma_wait3A_41 = arith.constant 0 : i32
      %dma_wait3A_42 = arith.constant 0 : i32
      %dma_wait3A_43 = tpu.memref_slice %arg2[%dma_wait3A_41, %dma_wait3A_42] : memref<320000x16xf32, #tpu.memory_space<hbm>> -> memref<100x16xf32, #tpu.memory_space<hbm>>
      tpu.wait_dma2 semaphore(%arg10 : memref<!tpu.dma_semaphore, #tpu.memory_space<semaphore_mem>>) src(%dma_wait3A_43 : memref<100x16xf32, #tpu.memory_space<hbm>>) dst(%arg8 : memref<100x16xf32, #tpu.memory_space<vmem>>)
      "tpu.region"() ({
        %run_scoped3A = tpu.sem_alloc : memref<!tpu.dma_semaphore, #tpu.memory_space<semaphore_mem>>
        %dma_start3A_65 = arith.constant 0 : i32
        %dma_start3A_66 = tpu.memref_slice %arg5[%add3A_38, %dma_start3A_65] : memref<100x100xi32, #tpu.memory_space<vmem>> -> memref<1x100xi32, #tpu.memory_space<vmem>>
        %dma_start3A_67 = tpu.memref_squeeze %dma_start3A_66 : memref<1x100xi32, #tpu.memory_space<vmem>> -> memref<100xi32, #tpu.memory_space<vmem>>
        %dma_start3A_68 = arith.constant 0 : i32
        %dma_start3A_69 = arith.constant 0 : i32
        %dma_start3A_70 = tpu.memref_slice %arg7[%dma_start3A_68, %dma_start3A_69] : memref<10000x16xf32, #tpu.memory_space<vmem_shared>> -> memref<10000x16xf32, #tpu.memory_space<vmem_shared>>
        tpu.enqueue_indirect_dma source(%arg8 : memref<100x16xf32, #tpu.memory_space<vmem>>) target(%dma_start3A_70 : memref<10000x16xf32, #tpu.memory_space<vmem_shared>>) offsets(%dma_start3A_67 : memref<100xi32, #tpu.memory_space<vmem>>) semaphore(%run_scoped3A : memref<!tpu.dma_semaphore, #tpu.memory_space<semaphore_mem>>) {add = true}
        %dma_wait3A_71 = arith.constant 0 : i32
        %dma_wait3A_72 = tpu.memref_slice %arg5[%add3A_38, %dma_wait3A_71] : memref<100x100xi32, #tpu.memory_space<vmem>> -> memref<1x100xi32, #tpu.memory_space<vmem>>
        %dma_wait3A_73 = tpu.memref_squeeze %dma_wait3A_72 : memref<1x100xi32, #tpu.memory_space<vmem>> -> memref<100xi32, #tpu.memory_space<vmem>>
        %dma_wait3A_74 = arith.constant 0 : i32
        %dma_wait3A_75 = arith.constant 0 : i32
        %dma_wait3A_76 = tpu.memref_slice %arg7[%dma_wait3A_74, %dma_wait3A_75] : memref<10000x16xf32, #tpu.memory_space<vmem_shared>> -> memref<10000x16xf32, #tpu.memory_space<vmem_shared>>
        tpu.wait_indirect_dma semaphore(%run_scoped3A : memref<!tpu.dma_semaphore, #tpu.memory_space<semaphore_mem>>) src(%arg8 : memref<100x16xf32, #tpu.memory_space<vmem>>) dst(%dma_wait3A_76 : memref<10000x16xf32, #tpu.memory_space<vmem_shared>>)
        tpu.yield
      }) : () -> ()
      %add3A_44 = arith.constant 2 : i32
      %add3A_45 = arith.addi %add3A_38, %add3A_44 : i32
      %lt3A = arith.constant 100 : i32
      %lt3A_46 = arith.cmpi slt, %add3A_45, %lt3A : i32
      %convert_element_type3A = arith.extui %lt3A_46 : i1 to i32
      %cond3A = arith.constant 0 : i32
      %cond3A_47 = arith.cmpi ne, %convert_element_type3A, %cond3A : i32
      scf.if %cond3A_47 {
        %add3A_65 = arith.constant 2 : i32
        %add3A_66 = arith.addi %add3A_38, %add3A_65 : i32
        %mul3A_67 = arith.constant 100 : i32
        %mul3A_68 = arith.muli %add3A_66, %mul3A_67 : i32
        %add3A_69 = arith.addi %mul3A_2, %mul3A_68 : i32
        %dma_start3A_70 = arith.constant 0 : i32
        %dma_start3A_71 = tpu.memref_slice %arg2[%add3A_69, %dma_start3A_70] : memref<320000x16xf32, #tpu.memory_space<hbm>> -> memref<100x16xf32, #tpu.memory_space<hbm>>
        %dma_start3A_72 = arith.constant 0 : i32
        %dma_start3A_73 = tpu.memref_slice %arg2[%add3A_69, %dma_start3A_72] : memref<320000x16xf32, #tpu.memory_space<hbm>> -> memref<100x16xf32, #tpu.memory_space<hbm>>
        tpu.enqueue_dma source(%dma_start3A_73 : memref<100x16xf32, #tpu.memory_space<hbm>>) target(%arg8 : memref<100x16xf32, #tpu.memory_space<vmem>>) target_semaphore(%arg10 : memref<!tpu.dma_semaphore, #tpu.memory_space<semaphore_mem>>)
      } else {
      }
      %mul3A_48 = arith.constant 2 : i32
      %mul3A_49 = arith.muli %scan3A_34, %mul3A_48 : i32
      %add3A_50 = arith.constant 1 : i32
      %add3A_51 = arith.addi %mul3A_49, %add3A_50 : i32
      %dma_wait3A_52 = arith.constant 0 : i32
      %dma_wait3A_53 = arith.constant 0 : i32
      %dma_wait3A_54 = tpu.memref_slice %arg2[%dma_wait3A_52, %dma_wait3A_53] : memref<320000x16xf32, #tpu.memory_space<hbm>> -> memref<100x16xf32, #tpu.memory_space<hbm>>
      %dma_wait3A_55 = arith.constant 0 : i32
      %dma_wait3A_56 = arith.constant 0 : i32
      %dma_wait3A_57 = tpu.memref_slice %arg2[%dma_wait3A_55, %dma_wait3A_56] : memref<320000x16xf32, #tpu.memory_space<hbm>> -> memref<100x16xf32, #tpu.memory_space<hbm>>
      tpu.wait_dma2 semaphore(%arg11 : memref<!tpu.dma_semaphore, #tpu.memory_space<semaphore_mem>>) src(%dma_wait3A_57 : memref<100x16xf32, #tpu.memory_space<hbm>>) dst(%arg9 : memref<100x16xf32, #tpu.memory_space<vmem>>)
      "tpu.region"() ({
        %run_scoped3A = tpu.sem_alloc : memref<!tpu.dma_semaphore, #tpu.memory_space<semaphore_mem>>
        %dma_start3A_65 = arith.constant 0 : i32
        %dma_start3A_66 = tpu.memref_slice %arg5[%add3A_51, %dma_start3A_65] : memref<100x100xi32, #tpu.memory_space<vmem>> -> memref<1x100xi32, #tpu.memory_space<vmem>>
        %dma_start3A_67 = tpu.memref_squeeze %dma_start3A_66 : memref<1x100xi32, #tpu.memory_space<vmem>> -> memref<100xi32, #tpu.memory_space<vmem>>
        %dma_start3A_68 = arith.constant 0 : i32
        %dma_start3A_69 = arith.constant 0 : i32
        %dma_start3A_70 = tpu.memref_slice %arg7[%dma_start3A_68, %dma_start3A_69] : memref<10000x16xf32, #tpu.memory_space<vmem_shared>> -> memref<10000x16xf32, #tpu.memory_space<vmem_shared>>
        tpu.enqueue_indirect_dma source(%arg9 : memref<100x16xf32, #tpu.memory_space<vmem>>) target(%dma_start3A_70 : memref<10000x16xf32, #tpu.memory_space<vmem_shared>>) offsets(%dma_start3A_67 : memref<100xi32, #tpu.memory_space<vmem>>) semaphore(%run_scoped3A : memref<!tpu.dma_semaphore, #tpu.memory_space<semaphore_mem>>) {add = true}
        %dma_wait3A_71 = arith.constant 0 : i32
        %dma_wait3A_72 = tpu.memref_slice %arg5[%add3A_51, %dma_wait3A_71] : memref<100x100xi32, #tpu.memory_space<vmem>> -> memref<1x100xi32, #tpu.memory_space<vmem>>
        %dma_wait3A_73 = tpu.memref_squeeze %dma_wait3A_72 : memref<1x100xi32, #tpu.memory_space<vmem>> -> memref<100xi32, #tpu.memory_space<vmem>>
        %dma_wait3A_74 = arith.constant 0 : i32
        %dma_wait3A_75 = arith.constant 0 : i32
        %dma_wait3A_76 = tpu.memref_slice %arg7[%dma_wait3A_74, %dma_wait3A_75] : memref<10000x16xf32, #tpu.memory_space<vmem_shared>> -> memref<10000x16xf32, #tpu.memory_space<vmem_shared>>
        tpu.wait_indirect_dma semaphore(%run_scoped3A : memref<!tpu.dma_semaphore, #tpu.memory_space<semaphore_mem>>) src(%arg9 : memref<100x16xf32, #tpu.memory_space<vmem>>) dst(%dma_wait3A_76 : memref<10000x16xf32, #tpu.memory_space<vmem_shared>>)
        tpu.yield
      }) : () -> ()
      %add3A_58 = arith.constant 2 : i32
      %add3A_59 = arith.addi %add3A_51, %add3A_58 : i32
      %lt3A_60 = arith.constant 100 : i32
      %lt3A_61 = arith.cmpi slt, %add3A_59, %lt3A_60 : i32
      %convert_element_type3A_62 = arith.extui %lt3A_61 : i1 to i32
      %cond3A_63 = arith.constant 0 : i32
      %cond3A_64 = arith.cmpi ne, %convert_element_type3A_62, %cond3A_63 : i32
      scf.if %cond3A_64 {
        %add3A_65 = arith.constant 2 : i32
        %add3A_66 = arith.addi %add3A_51, %add3A_65 : i32
        %mul3A_67 = arith.constant 100 : i32
        %mul3A_68 = arith.muli %add3A_66, %mul3A_67 : i32
        %add3A_69 = arith.addi %mul3A_2, %mul3A_68 : i32
        %dma_start3A_70 = arith.constant 0 : i32
        %dma_start3A_71 = tpu.memref_slice %arg2[%add3A_69, %dma_start3A_70] : memref<320000x16xf32, #tpu.memory_space<hbm>> -> memref<100x16xf32, #tpu.memory_space<hbm>>
        %dma_start3A_72 = arith.constant 0 : i32
        %dma_start3A_73 = tpu.memref_slice %arg2[%add3A_69, %dma_start3A_72] : memref<320000x16xf32, #tpu.memory_space<hbm>> -> memref<100x16xf32, #tpu.memory_space<hbm>>
        tpu.enqueue_dma source(%dma_start3A_73 : memref<100x16xf32, #tpu.memory_space<hbm>>) target(%arg9 : memref<100x16xf32, #tpu.memory_space<vmem>>) target_semaphore(%arg11 : memref<!tpu.dma_semaphore, #tpu.memory_space<semaphore_mem>>)
      } else {
      }
    }
    %scan3A_28 = arith.constant 50 : i32
    %barrier3A_29 = arith.constant 0 : index
    tpu.barrier barrier_id(%barrier3A_29)
    %mul3A_30 = arith.constant 625 : i32
    %mul3A_31 = arith.muli %arg1, %mul3A_30 : i32
    "tpu.region"() ({
      %run_scoped3A = tpu.sem_alloc : memref<!tpu.dma_semaphore, #tpu.memory_space<semaphore_mem>>
      %dma_start3A_34 = arith.constant 0 : i32
      %dma_start3A_35 = tpu.memref_slice %arg7[%mul3A_31, %dma_start3A_34] : memref<10000x16xf32, #tpu.memory_space<vmem_shared>> -> memref<625x16xf32, #tpu.memory_space<vmem_shared>>
      %dma_start3A_36 = arith.constant 0 : i32
      %dma_start3A_37 = tpu.memref_slice %arg7[%mul3A_31, %dma_start3A_36] : memref<10000x16xf32, #tpu.memory_space<vmem_shared>> -> memref<625x16xf32, #tpu.memory_space<vmem_shared>>
      tpu.enqueue_dma source(%dma_start3A_37 : memref<625x16xf32, #tpu.memory_space<vmem_shared>>) target(%arg6 : memref<625x16xf32, #tpu.memory_space<vmem>>) target_semaphore(%run_scoped3A : memref<!tpu.dma_semaphore, #tpu.memory_space<semaphore_mem>>)
      %dma_wait3A = arith.constant 0 : i32
      %dma_wait3A_38 = tpu.memref_slice %arg7[%mul3A_31, %dma_wait3A] : memref<10000x16xf32, #tpu.memory_space<vmem_shared>> -> memref<625x16xf32, #tpu.memory_space<vmem_shared>>
      %dma_wait3A_39 = arith.constant 0 : i32
      %dma_wait3A_40 = tpu.memref_slice %arg7[%mul3A_31, %dma_wait3A_39] : memref<10000x16xf32, #tpu.memory_space<vmem_shared>> -> memref<625x16xf32, #tpu.memory_space<vmem_shared>>
      tpu.wait_dma2 semaphore(%run_scoped3A : memref<!tpu.dma_semaphore, #tpu.memory_space<semaphore_mem>>) src(%dma_wait3A_40 : memref<625x16xf32, #tpu.memory_space<vmem_shared>>) dst(%arg6 : memref<625x16xf32, #tpu.memory_space<vmem>>)
      tpu.yield
    }) : () -> ()
    %mul3A_32 = arith.constant 625 : i32
    %mul3A_33 = arith.muli %arg1, %mul3A_32 : i32
    "tpu.region"() ({
      %run_scoped3A = tpu.sem_alloc : memref<!tpu.dma_semaphore, #tpu.memory_space<semaphore_mem>>
      %dma_start3A_34 = arith.constant 0 : i32
      %dma_start3A_35 = tpu.memref_slice %arg4[%arg0, %mul3A_33, %dma_start3A_34] : memref<2x10000x16xf32, #tpu.memory_space<hbm>> -> memref<1x625x16xf32, #tpu.memory_space<hbm>>
      %dma_start3A_36 = tpu.memref_squeeze %dma_start3A_35 : memref<1x625x16xf32, #tpu.memory_space<hbm>> -> memref<625x16xf32, #tpu.memory_space<hbm>>
      %dma_start3A_37 = arith.constant 0 : i32
      %dma_start3A_38 = tpu.memref_slice %arg4[%arg0, %mul3A_33, %dma_start3A_37] : memref<2x10000x16xf32, #tpu.memory_space<hbm>> -> memref<1x625x16xf32, #tpu.memory_space<hbm>>
      %dma_start3A_39 = tpu.memref_squeeze %dma_start3A_38 : memref<1x625x16xf32, #tpu.memory_space<hbm>> -> memref<625x16xf32, #tpu.memory_space<hbm>>
      tpu.enqueue_dma source(%arg6 : memref<625x16xf32, #tpu.memory_space<vmem>>) target(%dma_start3A_39 : memref<625x16xf32, #tpu.memory_space<hbm>>) target_semaphore(%run_scoped3A : memref<!tpu.dma_semaphore, #tpu.memory_space<semaphore_mem>>)
      %dma_wait3A = arith.constant 0 : i32
      %dma_wait3A_40 = tpu.memref_slice %arg4[%arg0, %mul3A_33, %dma_wait3A] : memref<2x10000x16xf32, #tpu.memory_space<hbm>> -> memref<1x625x16xf32, #tpu.memory_space<hbm>>
      %dma_wait3A_41 = tpu.memref_squeeze %dma_wait3A_40 : memref<1x625x16xf32, #tpu.memory_space<hbm>> -> memref<625x16xf32, #tpu.memory_space<hbm>>
      %dma_wait3A_42 = arith.constant 0 : i32
      %dma_wait3A_43 = tpu.memref_slice %arg4[%arg0, %mul3A_33, %dma_wait3A_42] : memref<2x10000x16xf32, #tpu.memory_space<hbm>> -> memref<1x625x16xf32, #tpu.memory_space<hbm>>
      %dma_wait3A_44 = tpu.memref_squeeze %dma_wait3A_43 : memref<1x625x16xf32, #tpu.memory_space<hbm>> -> memref<625x16xf32, #tpu.memory_space<hbm>>
      tpu.wait_dma2 semaphore(%run_scoped3A : memref<!tpu.dma_semaphore, #tpu.memory_space<semaphore_mem>>) src(%arg6 : memref<625x16xf32, #tpu.memory_space<vmem>>) dst(%dma_wait3A_44 : memref<625x16xf32, #tpu.memory_space<hbm>>)
      tpu.yield
    }) : () -> ()
    return
  }
}

#map = affine_map<(d0, d1) -> (0, 0)>
#map1 = affine_map<(d0, d1) -> (0)>
module attributes {stable_mosaic.version = 14 : i64} {
  func.func @k(%arg0: i32, %arg1: i32, %arg2: memref<20000x64xf32, #tpu.memory_space<hbm>>, %arg3: memref<20000x64xf32, #tpu.memory_space<hbm>>, %arg4: memref<320000xi32, #tpu.memory_space<hbm>>, %arg5: memref<320000xi32, #tpu.memory_space<hbm>>, %arg6: memref<40000x128xf32, #tpu.memory_space<hbm>>, %arg7: memref<40000x128xf32, #tpu.memory_space<hbm>>, %arg8: memref<40000x128xf32, #tpu.memory_space<hbm>>, %arg9: memref<10000xi32, #tpu.memory_space<vmem>>, %arg10: memref<10000xi32, #tpu.memory_space<vmem>>, %arg11: memref<200x64xf32, #tpu.memory_space<vmem>>, %arg12: memref<200x64xf32, #tpu.memory_space<vmem>>, %arg13: memref<200x64xf32, #tpu.memory_space<vmem>>, %arg14: memref<200x64xf32, #tpu.memory_space<vmem>>, %arg15: memref<25x128xf32, #tpu.memory_space<vmem>>, %arg16: memref<25x128xf32, #tpu.memory_space<vmem>>, %arg17: memref<25x128xf32, #tpu.memory_space<vmem>>, %arg18: memref<25x128xf32, #tpu.memory_space<vmem>>, %arg19: memref<25x128xf32, #tpu.memory_space<vmem>>, %arg20: memref<25x128xf32, #tpu.memory_space<vmem>>, %arg21: memref<!tpu.dma_semaphore, #tpu.memory_space<semaphore_mem>>, %arg22: memref<!tpu.dma_semaphore, #tpu.memory_space<semaphore_mem>>, %arg23: memref<!tpu.dma_semaphore, #tpu.memory_space<semaphore_mem>>, %arg24: memref<!tpu.dma_semaphore, #tpu.memory_space<semaphore_mem>>) attributes {dimension_semantics = [#tpu.dimension_semantics<core_parallel>, #tpu.dimension_semantics<subcore_parallel>], iteration_bounds = array<i64: 2, 16>, scalar_prefetch = 0 : i64, scratch_operands = 16 : i64, tpu.core_type = #tpu.core_type<sc_vector_subcore>, window_params = [{transform_indices = #map}, {transform_indices = #map}, {transform_indices = #map1}, {transform_indices = #map1}, {transform_indices = #map}, {transform_indices = #map}, {transform_indices = #map}]} {
    %mul3A = arith.constant 2 : i32
    %mul3A_0 = arith.muli %arg1, %mul3A : i32
    %add3A = arith.addi %mul3A_0, %arg0 : i32
    %mul3A_1 = arith.constant 10000 : i32
    %mul3A_2 = arith.muli %add3A, %mul3A_1 : i32
    "tpu.region"() ({
      %run_scoped3A = tpu.sem_alloc : memref<!tpu.dma_semaphore, #tpu.memory_space<semaphore_mem>>
      %dma_start3A_61 = tpu.memref_slice %arg4[%mul3A_2] : memref<320000xi32, #tpu.memory_space<hbm>> -> memref<10000xi32, #tpu.memory_space<hbm>>
      %dma_start3A_62 = tpu.memref_slice %arg4[%mul3A_2] : memref<320000xi32, #tpu.memory_space<hbm>> -> memref<10000xi32, #tpu.memory_space<hbm>>
      tpu.enqueue_dma source(%dma_start3A_62 : memref<10000xi32, #tpu.memory_space<hbm>>) target(%arg9 : memref<10000xi32, #tpu.memory_space<vmem>>) target_semaphore(%run_scoped3A : memref<!tpu.dma_semaphore, #tpu.memory_space<semaphore_mem>>)
      %dma_wait3A_63 = tpu.memref_slice %arg4[%mul3A_2] : memref<320000xi32, #tpu.memory_space<hbm>> -> memref<10000xi32, #tpu.memory_space<hbm>>
      %dma_wait3A_64 = tpu.memref_slice %arg4[%mul3A_2] : memref<320000xi32, #tpu.memory_space<hbm>> -> memref<10000xi32, #tpu.memory_space<hbm>>
      tpu.wait_dma2 semaphore(%run_scoped3A : memref<!tpu.dma_semaphore, #tpu.memory_space<semaphore_mem>>) src(%dma_wait3A_64 : memref<10000xi32, #tpu.memory_space<hbm>>) dst(%arg9 : memref<10000xi32, #tpu.memory_space<vmem>>)
      tpu.yield
    }) : () -> ()
    "tpu.region"() ({
      %run_scoped3A = tpu.sem_alloc : memref<!tpu.dma_semaphore, #tpu.memory_space<semaphore_mem>>
      %dma_start3A_61 = tpu.memref_slice %arg5[%mul3A_2] : memref<320000xi32, #tpu.memory_space<hbm>> -> memref<10000xi32, #tpu.memory_space<hbm>>
      %dma_start3A_62 = tpu.memref_slice %arg5[%mul3A_2] : memref<320000xi32, #tpu.memory_space<hbm>> -> memref<10000xi32, #tpu.memory_space<hbm>>
      tpu.enqueue_dma source(%dma_start3A_62 : memref<10000xi32, #tpu.memory_space<hbm>>) target(%arg10 : memref<10000xi32, #tpu.memory_space<vmem>>) target_semaphore(%run_scoped3A : memref<!tpu.dma_semaphore, #tpu.memory_space<semaphore_mem>>)
      %dma_wait3A_63 = tpu.memref_slice %arg5[%mul3A_2] : memref<320000xi32, #tpu.memory_space<hbm>> -> memref<10000xi32, #tpu.memory_space<hbm>>
      %dma_wait3A_64 = tpu.memref_slice %arg5[%mul3A_2] : memref<320000xi32, #tpu.memory_space<hbm>> -> memref<10000xi32, #tpu.memory_space<hbm>>
      tpu.wait_dma2 semaphore(%run_scoped3A : memref<!tpu.dma_semaphore, #tpu.memory_space<semaphore_mem>>) src(%dma_wait3A_64 : memref<10000xi32, #tpu.memory_space<hbm>>) dst(%arg10 : memref<10000xi32, #tpu.memory_space<vmem>>)
      tpu.yield
    }) : () -> ()
    %multiple_of3A = arith.constant 0 : i32
    %multiple_of3A_3 = tpu.assume_multiple %multiple_of3A, 8 : i32
    %dma_start3A = tpu.memref_slice %arg9[%multiple_of3A_3] : memref<10000xi32, #tpu.memory_space<vmem>> -> memref<200xi32, #tpu.memory_space<vmem>>
    %dma_start3A_4 = arith.constant 0 : i32
    %dma_start3A_5 = arith.constant 0 : i32
    %dma_start3A_6 = tpu.memref_slice %arg2[%dma_start3A_4, %dma_start3A_5] : memref<20000x64xf32, #tpu.memory_space<hbm>> -> memref<20000x64xf32, #tpu.memory_space<hbm>>
    tpu.enqueue_indirect_dma source(%dma_start3A_6 : memref<20000x64xf32, #tpu.memory_space<hbm>>) target(%arg11 : memref<200x64xf32, #tpu.memory_space<vmem>>) offsets(%dma_start3A : memref<200xi32, #tpu.memory_space<vmem>>) semaphore(%arg21 : memref<!tpu.dma_semaphore, #tpu.memory_space<semaphore_mem>>)
    %dma_start3A_7 = tpu.memref_slice %arg10[%multiple_of3A_3] : memref<10000xi32, #tpu.memory_space<vmem>> -> memref<200xi32, #tpu.memory_space<vmem>>
    %dma_start3A_8 = arith.constant 0 : i32
    %dma_start3A_9 = arith.constant 0 : i32
    %dma_start3A_10 = tpu.memref_slice %arg3[%dma_start3A_8, %dma_start3A_9] : memref<20000x64xf32, #tpu.memory_space<hbm>> -> memref<20000x64xf32, #tpu.memory_space<hbm>>
    tpu.enqueue_indirect_dma source(%dma_start3A_10 : memref<20000x64xf32, #tpu.memory_space<hbm>>) target(%arg13 : memref<200x64xf32, #tpu.memory_space<vmem>>) offsets(%dma_start3A_7 : memref<200xi32, #tpu.memory_space<vmem>>) semaphore(%arg21 : memref<!tpu.dma_semaphore, #tpu.memory_space<semaphore_mem>>)
    %multiple_of3A_11 = arith.constant 200 : i32
    %multiple_of3A_12 = tpu.assume_multiple %multiple_of3A_11, 8 : i32
    %dma_start3A_13 = tpu.memref_slice %arg9[%multiple_of3A_12] : memref<10000xi32, #tpu.memory_space<vmem>> -> memref<200xi32, #tpu.memory_space<vmem>>
    %dma_start3A_14 = arith.constant 0 : i32
    %dma_start3A_15 = arith.constant 0 : i32
    %dma_start3A_16 = tpu.memref_slice %arg2[%dma_start3A_14, %dma_start3A_15] : memref<20000x64xf32, #tpu.memory_space<hbm>> -> memref<20000x64xf32, #tpu.memory_space<hbm>>
    tpu.enqueue_indirect_dma source(%dma_start3A_16 : memref<20000x64xf32, #tpu.memory_space<hbm>>) target(%arg12 : memref<200x64xf32, #tpu.memory_space<vmem>>) offsets(%dma_start3A_13 : memref<200xi32, #tpu.memory_space<vmem>>) semaphore(%arg22 : memref<!tpu.dma_semaphore, #tpu.memory_space<semaphore_mem>>)
    %dma_start3A_17 = tpu.memref_slice %arg10[%multiple_of3A_12] : memref<10000xi32, #tpu.memory_space<vmem>> -> memref<200xi32, #tpu.memory_space<vmem>>
    %dma_start3A_18 = arith.constant 0 : i32
    %dma_start3A_19 = arith.constant 0 : i32
    %dma_start3A_20 = tpu.memref_slice %arg3[%dma_start3A_18, %dma_start3A_19] : memref<20000x64xf32, #tpu.memory_space<hbm>> -> memref<20000x64xf32, #tpu.memory_space<hbm>>
    tpu.enqueue_indirect_dma source(%dma_start3A_20 : memref<20000x64xf32, #tpu.memory_space<hbm>>) target(%arg14 : memref<200x64xf32, #tpu.memory_space<vmem>>) offsets(%dma_start3A_17 : memref<200xi32, #tpu.memory_space<vmem>>) semaphore(%arg22 : memref<!tpu.dma_semaphore, #tpu.memory_space<semaphore_mem>>)
    %scan3A = arith.constant 0 : i32
    %scan3A_21 = arith.constant 0 : i32
    %scan3A_22 = arith.constant 25 : i32
    %scan3A_23 = arith.addi %scan3A_21, %scan3A_22 : i32
    %scan3A_24 = arith.constant 1 : i32
    scf.for %scan3A_61 = %scan3A_21 to %scan3A_23 step %scan3A_24  : i32 {
      %mul3A_62 = arith.constant 2 : i32
      %mul3A_63 = arith.muli %scan3A_61, %mul3A_62 : i32
      %add3A_64 = arith.constant 0 : i32
      %add3A_65 = arith.addi %mul3A_63, %add3A_64 : i32
      %dma_wait3A_66 = arith.constant 0 : i32
      %dma_wait3A_67 = tpu.memref_slice %arg9[%dma_wait3A_66] : memref<10000xi32, #tpu.memory_space<vmem>> -> memref<200xi32, #tpu.memory_space<vmem>>
      %dma_wait3A_68 = arith.constant 0 : i32
      %dma_wait3A_69 = arith.constant 0 : i32
      %dma_wait3A_70 = tpu.memref_slice %arg2[%dma_wait3A_68, %dma_wait3A_69] : memref<20000x64xf32, #tpu.memory_space<hbm>> -> memref<20000x64xf32, #tpu.memory_space<hbm>>
      tpu.wait_indirect_dma semaphore(%arg21 : memref<!tpu.dma_semaphore, #tpu.memory_space<semaphore_mem>>) src(%dma_wait3A_70 : memref<20000x64xf32, #tpu.memory_space<hbm>>) dst(%arg11 : memref<200x64xf32, #tpu.memory_space<vmem>>)
      %dma_wait3A_71 = arith.constant 0 : i32
      %dma_wait3A_72 = tpu.memref_slice %arg9[%dma_wait3A_71] : memref<10000xi32, #tpu.memory_space<vmem>> -> memref<200xi32, #tpu.memory_space<vmem>>
      %dma_wait3A_73 = arith.constant 0 : i32
      %dma_wait3A_74 = arith.constant 0 : i32
      %dma_wait3A_75 = tpu.memref_slice %arg2[%dma_wait3A_73, %dma_wait3A_74] : memref<20000x64xf32, #tpu.memory_space<hbm>> -> memref<20000x64xf32, #tpu.memory_space<hbm>>
      tpu.wait_indirect_dma semaphore(%arg21 : memref<!tpu.dma_semaphore, #tpu.memory_space<semaphore_mem>>) src(%dma_wait3A_75 : memref<20000x64xf32, #tpu.memory_space<hbm>>) dst(%arg11 : memref<200x64xf32, #tpu.memory_space<vmem>>)
      %scan3A_76 = arith.constant 0 : i32
      %scan3A_77 = arith.constant 0 : i32
      %scan3A_78 = arith.constant 25 : i32
      %scan3A_79 = arith.addi %scan3A_77, %scan3A_78 : i32
      %scan3A_80 = arith.constant 1 : i32
      scf.for %scan3A_183 = %scan3A_77 to %scan3A_79 step %scan3A_80  : i32 {
        %mul3A_184 = arith.constant 8 : i32
        %mul3A_185 = arith.muli %scan3A_183, %mul3A_184 : i32
        %add3A_186 = arith.constant 0 : i32
        %add3A_187 = arith.addi %mul3A_185, %add3A_186 : i32
        %get3A = arith.index_cast %add3A_187 : i32 to index
        %get3A_188 = arith.constant 0 : index
        %get3A_189 = tpu.vector_load %arg11[%get3A, %get3A_188] {strides = array<i32>} : memref<200x64xf32, #tpu.memory_space<vmem>>, vector<1x16xf32>,
        %get3A_190 = vector.shape_cast %get3A_189 : vector<1x16xf32> to vector<16xf32>
        %get3A_191 = arith.index_cast %add3A_187 : i32 to index
        %get3A_192 = arith.constant 0 : index
        %get3A_193 = tpu.vector_load %arg13[%get3A_191, %get3A_192] {strides = array<i32>} : memref<200x64xf32, #tpu.memory_space<vmem>>, vector<1x16xf32>,
        %get3A_194 = vector.shape_cast %get3A_193 : vector<1x16xf32> to vector<16xf32>
        %add3A_195 = arith.addf %get3A_190, %get3A_194 : vector<16xf32>
        %swap3A = arith.index_cast %scan3A_183 : i32 to index
        %swap3A_196 = arith.constant 0 : index
        %swap3A_197 = tpu.vector_load %arg15[%swap3A, %swap3A_196] {strides = array<i32>} : memref<25x128xf32, #tpu.memory_space<vmem>>, vector<1x16xf32>,
        %swap3A_198 = vector.shape_cast %swap3A_197 : vector<1x16xf32> to vector<16xf32>
        %swap3A_199 = vector.shape_cast %add3A_195 : vector<16xf32> to vector<1x16xf32>
        tpu.vector_store %arg15[%swap3A, %swap3A_196], %swap3A_199 {strides = array<i32>} : memref<25x128xf32, #tpu.memory_space<vmem>>, vector<1x16xf32>,
        %mul3A_200 = arith.constant 8 : i32
        %mul3A_201 = arith.muli %scan3A_183, %mul3A_200 : i32
        %add3A_202 = arith.constant 0 : i32
        %add3A_203 = arith.addi %mul3A_201, %add3A_202 : i32
        %get3A_204 = arith.index_cast %add3A_203 : i32 to index
        %get3A_205 = arith.constant 16 : index
        %get3A_206 = tpu.vector_load %arg11[%get3A_204, %get3A_205] {strides = array<i32>} : memref<200x64xf32, #tpu.memory_space<vmem>>, vector<1x16xf32>,
        %get3A_207 = vector.shape_cast %get3A_206 : vector<1x16xf32> to vector<16xf32>
        %get3A_208 = arith.index_cast %add3A_203 : i32 to index
        %get3A_209 = arith.constant 16 : index
        %get3A_210 = tpu.vector_load %arg13[%get3A_208, %get3A_209] {strides = array<i32>} : memref<200x64xf32, #tpu.memory_space<vmem>>, vector<1x16xf32>,
        %get3A_211 = vector.shape_cast %get3A_210 : vector<1x16xf32> to vector<16xf32>
        %add3A_212 = arith.addf %get3A_207, %get3A_211 : vector<16xf32>
        %swap3A_213 = arith.index_cast %scan3A_183 : i32 to index
        %swap3A_214 = arith.constant 16 : index
        %swap3A_215 = tpu.vector_load %arg15[%swap3A_213, %swap3A_214] {strides = array<i32>} : memref<25x128xf32, #tpu.memory_space<vmem>>, vector<1x16xf32>,
        %swap3A_216 = vector.shape_cast %swap3A_215 : vector<1x16xf32> to vector<16xf32>
        %swap3A_217 = vector.shape_cast %add3A_212 : vector<16xf32> to vector<1x16xf32>
        tpu.vector_store %arg15[%swap3A_213, %swap3A_214], %swap3A_217 {strides = array<i32>} : memref<25x128xf32, #tpu.memory_space<vmem>>, vector<1x16xf32>,
        %mul3A_218 = arith.constant 8 : i32
        %mul3A_219 = arith.muli %scan3A_183, %mul3A_218 : i32
        %add3A_220 = arith.constant 0 : i32
        %add3A_221 = arith.addi %mul3A_219, %add3A_220 : i32
        %get3A_222 = arith.index_cast %add3A_221 : i32 to index
        %get3A_223 = arith.constant 32 : index
        %get3A_224 = tpu.vector_load %arg11[%get3A_222, %get3A_223] {strides = array<i32>} : memref<200x64xf32, #tpu.memory_space<vmem>>, vector<1x16xf32>,
        %get3A_225 = vector.shape_cast %get3A_224 : vector<1x16xf32> to vector<16xf32>
        %get3A_226 = arith.index_cast %add3A_221 : i32 to index
        %get3A_227 = arith.constant 32 : index
        %get3A_228 = tpu.vector_load %arg13[%get3A_226, %get3A_227] {strides = array<i32>} : memref<200x64xf32, #tpu.memory_space<vmem>>, vector<1x16xf32>,
        %get3A_229 = vector.shape_cast %get3A_228 : vector<1x16xf32> to vector<16xf32>
        %add3A_230 = arith.addf %get3A_225, %get3A_229 : vector<16xf32>
        %swap3A_231 = arith.index_cast %scan3A_183 : i32 to index
        %swap3A_232 = arith.constant 32 : index
        %swap3A_233 = tpu.vector_load %arg15[%swap3A_231, %swap3A_232] {strides = array<i32>} : memref<25x128xf32, #tpu.memory_space<vmem>>, vector<1x16xf32>,
        %swap3A_234 = vector.shape_cast %swap3A_233 : vector<1x16xf32> to vector<16xf32>
        %swap3A_235 = vector.shape_cast %add3A_230 : vector<16xf32> to vector<1x16xf32>
        tpu.vector_store %arg15[%swap3A_231, %swap3A_232], %swap3A_235 {strides = array<i32>} : memref<25x128xf32, #tpu.memory_space<vmem>>, vector<1x16xf32>,
        %mul3A_236 = arith.constant 8 : i32
        %mul3A_237 = arith.muli %scan3A_183, %mul3A_236 : i32
        %add3A_238 = arith.constant 1 : i32
        %add3A_239 = arith.addi %mul3A_237, %add3A_238 : i32
        %get3A_240 = arith.index_cast %add3A_239 : i32 to index
        %get3A_241 = arith.constant 0 : index
        %get3A_242 = tpu.vector_load %arg11[%get3A_240, %get3A_241] {strides = array<i32>} : memref<200x64xf32, #tpu.memory_space<vmem>>, vector<1x16xf32>,
        %get3A_243 = vector.shape_cast %get3A_242 : vector<1x16xf32> to vector<16xf32>
        %get3A_244 = arith.index_cast %add3A_239 : i32 to index
        %get3A_245 = arith.constant 0 : index
        %get3A_246 = tpu.vector_load %arg13[%get3A_244, %get3A_245] {strides = array<i32>} : memref<200x64xf32, #tpu.memory_space<vmem>>, vector<1x16xf32>,
        %get3A_247 = vector.shape_cast %get3A_246 : vector<1x16xf32> to vector<16xf32>
        %add3A_248 = arith.addf %get3A_243, %get3A_247 : vector<16xf32>
        %swap3A_249 = arith.index_cast %scan3A_183 : i32 to index
        %swap3A_250 = arith.constant 48 : index
        %swap3A_251 = tpu.vector_load %arg15[%swap3A_249, %swap3A_250] {strides = array<i32>} : memref<25x128xf32, #tpu.memory_space<vmem>>, vector<1x16xf32>,
        %swap3A_252 = vector.shape_cast %swap3A_251 : vector<1x16xf32> to vector<16xf32>
        %swap3A_253 = vector.shape_cast %add3A_248 : vector<16xf32> to vector<1x16xf32>
        tpu.vector_store %arg15[%swap3A_249, %swap3A_250], %swap3A_253 {strides = array<i32>} : memref<25x128xf32, #tpu.memory_space<vmem>>, vector<1x16xf32>,
        %mul3A_254 = arith.constant 8 : i32
        %mul3A_255 = arith.muli %scan3A_183, %mul3A_254 : i32
        %add3A_256 = arith.constant 1 : i32
        %add3A_257 = arith.addi %mul3A_255, %add3A_256 : i32
        %get3A_258 = arith.index_cast %add3A_257 : i32 to index
        %get3A_259 = arith.constant 16 : index
        %get3A_260 = tpu.vector_load %arg11[%get3A_258, %get3A_259] {strides = array<i32>} : memref<200x64xf32, #tpu.memory_space<vmem>>, vector<1x16xf32>,
        %get3A_261 = vector.shape_cast %get3A_260 : vector<1x16xf32> to vector<16xf32>
        %get3A_262 = arith.index_cast %add3A_257 : i32 to index
        %get3A_263 = arith.constant 16 : index
        %get3A_264 = tpu.vector_load %arg13[%get3A_262, %get3A_263] {strides = array<i32>} : memref<200x64xf32, #tpu.memory_space<vmem>>, vector<1x16xf32>,
        %get3A_265 = vector.shape_cast %get3A_264 : vector<1x16xf32> to vector<16xf32>
        %add3A_266 = arith.addf %get3A_261, %get3A_265 : vector<16xf32>
        %swap3A_267 = arith.index_cast %scan3A_183 : i32 to index
        %swap3A_268 = arith.constant 64 : index
        %swap3A_269 = tpu.vector_load %arg15[%swap3A_267, %swap3A_268] {strides = array<i32>} : memref<25x128xf32, #tpu.memory_space<vmem>>, vector<1x16xf32>,
        %swap3A_270 = vector.shape_cast %swap3A_269 : vector<1x16xf32> to vector<16xf32>
        %swap3A_271 = vector.shape_cast %add3A_266 : vector<16xf32> to vector<1x16xf32>
        tpu.vector_store %arg15[%swap3A_267, %swap3A_268], %swap3A_271 {strides = array<i32>} : memref<25x128xf32, #tpu.memory_space<vmem>>, vector<1x16xf32>,
        %mul3A_272 = arith.constant 8 : i32
        %mul3A_273 = arith.muli %scan3A_183, %mul3A_272 : i32
        %add3A_274 = arith.constant 1 : i32
        %add3A_275 = arith.addi %mul3A_273, %add3A_274 : i32
        %get3A_276 = arith.index_cast %add3A_275 : i32 to index
        %get3A_277 = arith.constant 32 : index
        %get3A_278 = tpu.vector_load %arg11[%get3A_276, %get3A_277] {strides = array<i32>} : memref<200x64xf32, #tpu.memory_space<vmem>>, vector<1x16xf32>,
        %get3A_279 = vector.shape_cast %get3A_278 : vector<1x16xf32> to vector<16xf32>
        %get3A_280 = arith.index_cast %add3A_275 : i32 to index
        %get3A_281 = arith.constant 32 : index
        %get3A_282 = tpu.vector_load %arg13[%get3A_280, %get3A_281] {strides = array<i32>} : memref<200x64xf32, #tpu.memory_space<vmem>>, vector<1x16xf32>,
        %get3A_283 = vector.shape_cast %get3A_282 : vector<1x16xf32> to vector<16xf32>
        %add3A_284 = arith.addf %get3A_279, %get3A_283 : vector<16xf32>
        %swap3A_285 = arith.index_cast %scan3A_183 : i32 to index
        %swap3A_286 = arith.constant 80 : index
        %swap3A_287 = tpu.vector_load %arg15[%swap3A_285, %swap3A_286] {strides = array<i32>} : memref<25x128xf32, #tpu.memory_space<vmem>>, vector<1x16xf32>,
        %swap3A_288 = vector.shape_cast %swap3A_287 : vector<1x16xf32> to vector<16xf32>
        %swap3A_289 = vector.shape_cast %add3A_284 : vector<16xf32> to vector<1x16xf32>
        tpu.vector_store %arg15[%swap3A_285, %swap3A_286], %swap3A_289 {strides = array<i32>} : memref<25x128xf32, #tpu.memory_space<vmem>>, vector<1x16xf32>,
        %mul3A_290 = arith.constant 8 : i32
        %mul3A_291 = arith.muli %scan3A_183, %mul3A_290 : i32
        %add3A_292 = arith.constant 2 : i32
        %add3A_293 = arith.addi %mul3A_291, %add3A_292 : i32
        %get3A_294 = arith.index_cast %add3A_293 : i32 to index
        %get3A_295 = arith.constant 0 : index
        %get3A_296 = tpu.vector_load %arg11[%get3A_294, %get3A_295] {strides = array<i32>} : memref<200x64xf32, #tpu.memory_space<vmem>>, vector<1x16xf32>,
        %get3A_297 = vector.shape_cast %get3A_296 : vector<1x16xf32> to vector<16xf32>
        %get3A_298 = arith.index_cast %add3A_293 : i32 to index
        %get3A_299 = arith.constant 0 : index
        %get3A_300 = tpu.vector_load %arg13[%get3A_298, %get3A_299] {strides = array<i32>} : memref<200x64xf32, #tpu.memory_space<vmem>>, vector<1x16xf32>,
        %get3A_301 = vector.shape_cast %get3A_300 : vector<1x16xf32> to vector<16xf32>
        %add3A_302 = arith.addf %get3A_297, %get3A_301 : vector<16xf32>
        %swap3A_303 = arith.index_cast %scan3A_183 : i32 to index
        %swap3A_304 = arith.constant 96 : index
        %swap3A_305 = tpu.vector_load %arg15[%swap3A_303, %swap3A_304] {strides = array<i32>} : memref<25x128xf32, #tpu.memory_space<vmem>>, vector<1x16xf32>,
        %swap3A_306 = vector.shape_cast %swap3A_305 : vector<1x16xf32> to vector<16xf32>
        %swap3A_307 = vector.shape_cast %add3A_302 : vector<16xf32> to vector<1x16xf32>
        tpu.vector_store %arg15[%swap3A_303, %swap3A_304], %swap3A_307 {strides = array<i32>} : memref<25x128xf32, #tpu.memory_space<vmem>>, vector<1x16xf32>,
        %mul3A_308 = arith.constant 8 : i32
        %mul3A_309 = arith.muli %scan3A_183, %mul3A_308 : i32
        %add3A_310 = arith.constant 2 : i32
        %add3A_311 = arith.addi %mul3A_309, %add3A_310 : i32
        %get3A_312 = arith.index_cast %add3A_311 : i32 to index
        %get3A_313 = arith.constant 16 : index
        %get3A_314 = tpu.vector_load %arg11[%get3A_312, %get3A_313] {strides = array<i32>} : memref<200x64xf32, #tpu.memory_space<vmem>>, vector<1x16xf32>,
        %get3A_315 = vector.shape_cast %get3A_314 : vector<1x16xf32> to vector<16xf32>
        %get3A_316 = arith.index_cast %add3A_311 : i32 to index
        %get3A_317 = arith.constant 16 : index
        %get3A_318 = tpu.vector_load %arg13[%get3A_316, %get3A_317] {strides = array<i32>} : memref<200x64xf32, #tpu.memory_space<vmem>>, vector<1x16xf32>,
        %get3A_319 = vector.shape_cast %get3A_318 : vector<1x16xf32> to vector<16xf32>
        %add3A_320 = arith.addf %get3A_315, %get3A_319 : vector<16xf32>
        %swap3A_321 = arith.index_cast %scan3A_183 : i32 to index
        %swap3A_322 = arith.constant 112 : index
        %swap3A_323 = tpu.vector_load %arg15[%swap3A_321, %swap3A_322] {strides = array<i32>} : memref<25x128xf32, #tpu.memory_space<vmem>>, vector<1x16xf32>,
        %swap3A_324 = vector.shape_cast %swap3A_323 : vector<1x16xf32> to vector<16xf32>
        %swap3A_325 = vector.shape_cast %add3A_320 : vector<16xf32> to vector<1x16xf32>
        tpu.vector_store %arg15[%swap3A_321, %swap3A_322], %swap3A_325 {strides = array<i32>} : memref<25x128xf32, #tpu.memory_space<vmem>>, vector<1x16xf32>,
        %mul3A_326 = arith.constant 8 : i32
        %mul3A_327 = arith.muli %scan3A_183, %mul3A_326 : i32
        %add3A_328 = arith.constant 2 : i32
        %add3A_329 = arith.addi %mul3A_327, %add3A_328 : i32
        %get3A_330 = arith.index_cast %add3A_329 : i32 to index
        %get3A_331 = arith.constant 32 : index
        %get3A_332 = tpu.vector_load %arg11[%get3A_330, %get3A_331] {strides = array<i32>} : memref<200x64xf32, #tpu.memory_space<vmem>>, vector<1x16xf32>,
        %get3A_333 = vector.shape_cast %get3A_332 : vector<1x16xf32> to vector<16xf32>
        %get3A_334 = arith.index_cast %add3A_329 : i32 to index
        %get3A_335 = arith.constant 32 : index
        %get3A_336 = tpu.vector_load %arg13[%get3A_334, %get3A_335] {strides = array<i32>} : memref<200x64xf32, #tpu.memory_space<vmem>>, vector<1x16xf32>,
        %get3A_337 = vector.shape_cast %get3A_336 : vector<1x16xf32> to vector<16xf32>
        %add3A_338 = arith.addf %get3A_333, %get3A_337 : vector<16xf32>
        %swap3A_339 = arith.index_cast %scan3A_183 : i32 to index
        %swap3A_340 = arith.constant 0 : index
        %swap3A_341 = tpu.vector_load %arg16[%swap3A_339, %swap3A_340] {strides = array<i32>} : memref<25x128xf32, #tpu.memory_space<vmem>>, vector<1x16xf32>,
        %swap3A_342 = vector.shape_cast %swap3A_341 : vector<1x16xf32> to vector<16xf32>
        %swap3A_343 = vector.shape_cast %add3A_338 : vector<16xf32> to vector<1x16xf32>
        tpu.vector_store %arg16[%swap3A_339, %swap3A_340], %swap3A_343 {strides = array<i32>} : memref<25x128xf32, #tpu.memory_space<vmem>>, vector<1x16xf32>,
        %mul3A_344 = arith.constant 8 : i32
        %mul3A_345 = arith.muli %scan3A_183, %mul3A_344 : i32
        %add3A_346 = arith.constant 3 : i32
        %add3A_347 = arith.addi %mul3A_345, %add3A_346 : i32
        %get3A_348 = arith.index_cast %add3A_347 : i32 to index
        %get3A_349 = arith.constant 0 : index
        %get3A_350 = tpu.vector_load %arg11[%get3A_348, %get3A_349] {strides = array<i32>} : memref<200x64xf32, #tpu.memory_space<vmem>>, vector<1x16xf32>,
        %get3A_351 = vector.shape_cast %get3A_350 : vector<1x16xf32> to vector<16xf32>
        %get3A_352 = arith.index_cast %add3A_347 : i32 to index
        %get3A_353 = arith.constant 0 : index
        %get3A_354 = tpu.vector_load %arg13[%get3A_352, %get3A_353] {strides = array<i32>} : memref<200x64xf32, #tpu.memory_space<vmem>>, vector<1x16xf32>,
        %get3A_355 = vector.shape_cast %get3A_354 : vector<1x16xf32> to vector<16xf32>
        %add3A_356 = arith.addf %get3A_351, %get3A_355 : vector<16xf32>
        %swap3A_357 = arith.index_cast %scan3A_183 : i32 to index
        %swap3A_358 = arith.constant 16 : index
        %swap3A_359 = tpu.vector_load %arg16[%swap3A_357, %swap3A_358] {strides = array<i32>} : memref<25x128xf32, #tpu.memory_space<vmem>>, vector<1x16xf32>,
        %swap3A_360 = vector.shape_cast %swap3A_359 : vector<1x16xf32> to vector<16xf32>
        %swap3A_361 = vector.shape_cast %add3A_356 : vector<16xf32> to vector<1x16xf32>
        tpu.vector_store %arg16[%swap3A_357, %swap3A_358], %swap3A_361 {strides = array<i32>} : memref<25x128xf32, #tpu.memory_space<vmem>>, vector<1x16xf32>,
        %mul3A_362 = arith.constant 8 : i32
        %mul3A_363 = arith.muli %scan3A_183, %mul3A_362 : i32
        %add3A_364 = arith.constant 3 : i32
        %add3A_365 = arith.addi %mul3A_363, %add3A_364 : i32
        %get3A_366 = arith.index_cast %add3A_365 : i32 to index
        %get3A_367 = arith.constant 16 : index
        %get3A_368 = tpu.vector_load %arg11[%get3A_366, %get3A_367] {strides = array<i32>} : memref<200x64xf32, #tpu.memory_space<vmem>>, vector<1x16xf32>,
        %get3A_369 = vector.shape_cast %get3A_368 : vector<1x16xf32> to vector<16xf32>
        %get3A_370 = arith.index_cast %add3A_365 : i32 to index
        %get3A_371 = arith.constant 16 : index
        %get3A_372 = tpu.vector_load %arg13[%get3A_370, %get3A_371] {strides = array<i32>} : memref<200x64xf32, #tpu.memory_space<vmem>>, vector<1x16xf32>,
        %get3A_373 = vector.shape_cast %get3A_372 : vector<1x16xf32> to vector<16xf32>
        %add3A_374 = arith.addf %get3A_369, %get3A_373 : vector<16xf32>
        %swap3A_375 = arith.index_cast %scan3A_183 : i32 to index
        %swap3A_376 = arith.constant 32 : index
        %swap3A_377 = tpu.vector_load %arg16[%swap3A_375, %swap3A_376] {strides = array<i32>} : memref<25x128xf32, #tpu.memory_space<vmem>>, vector<1x16xf32>,
        %swap3A_378 = vector.shape_cast %swap3A_377 : vector<1x16xf32> to vector<16xf32>
        %swap3A_379 = vector.shape_cast %add3A_374 : vector<16xf32> to vector<1x16xf32>
        tpu.vector_store %arg16[%swap3A_375, %swap3A_376], %swap3A_379 {strides = array<i32>} : memref<25x128xf32, #tpu.memory_space<vmem>>, vector<1x16xf32>,
        %mul3A_380 = arith.constant 8 : i32
        %mul3A_381 = arith.muli %scan3A_183, %mul3A_380 : i32
        %add3A_382 = arith.constant 3 : i32
        %add3A_383 = arith.addi %mul3A_381, %add3A_382 : i32
        %get3A_384 = arith.index_cast %add3A_383 : i32 to index
        %get3A_385 = arith.constant 32 : index
        %get3A_386 = tpu.vector_load %arg11[%get3A_384, %get3A_385] {strides = array<i32>} : memref<200x64xf32, #tpu.memory_space<vmem>>, vector<1x16xf32>,
        %get3A_387 = vector.shape_cast %get3A_386 : vector<1x16xf32> to vector<16xf32>
        %get3A_388 = arith.index_cast %add3A_383 : i32 to index
        %get3A_389 = arith.constant 32 : index
        %get3A_390 = tpu.vector_load %arg13[%get3A_388, %get3A_389] {strides = array<i32>} : memref<200x64xf32, #tpu.memory_space<vmem>>, vector<1x16xf32>,
        %get3A_391 = vector.shape_cast %get3A_390 : vector<1x16xf32> to vector<16xf32>
        %add3A_392 = arith.addf %get3A_387, %get3A_391 : vector<16xf32>
        %swap3A_393 = arith.index_cast %scan3A_183 : i32 to index
        %swap3A_394 = arith.constant 48 : index
        %swap3A_395 = tpu.vector_load %arg16[%swap3A_393, %swap3A_394] {strides = array<i32>} : memref<25x128xf32, #tpu.memory_space<vmem>>, vector<1x16xf32>,
        %swap3A_396 = vector.shape_cast %swap3A_395 : vector<1x16xf32> to vector<16xf32>
        %swap3A_397 = vector.shape_cast %add3A_392 : vector<16xf32> to vector<1x16xf32>
        tpu.vector_store %arg16[%swap3A_393, %swap3A_394], %swap3A_397 {strides = array<i32>} : memref<25x128xf32, #tpu.memory_space<vmem>>, vector<1x16xf32>,
        %mul3A_398 = arith.constant 8 : i32
        %mul3A_399 = arith.muli %scan3A_183, %mul3A_398 : i32
        %add3A_400 = arith.constant 4 : i32
        %add3A_401 = arith.addi %mul3A_399, %add3A_400 : i32
        %get3A_402 = arith.index_cast %add3A_401 : i32 to index
        %get3A_403 = arith.constant 0 : index
        %get3A_404 = tpu.vector_load %arg11[%get3A_402, %get3A_403] {strides = array<i32>} : memref<200x64xf32, #tpu.memory_space<vmem>>, vector<1x16xf32>,
        %get3A_405 = vector.shape_cast %get3A_404 : vector<1x16xf32> to vector<16xf32>
        %get3A_406 = arith.index_cast %add3A_401 : i32 to index
        %get3A_407 = arith.constant 0 : index
        %get3A_408 = tpu.vector_load %arg13[%get3A_406, %get3A_407] {strides = array<i32>} : memref<200x64xf32, #tpu.memory_space<vmem>>, vector<1x16xf32>,
        %get3A_409 = vector.shape_cast %get3A_408 : vector<1x16xf32> to vector<16xf32>
        %add3A_410 = arith.addf %get3A_405, %get3A_409 : vector<16xf32>
        %swap3A_411 = arith.index_cast %scan3A_183 : i32 to index
        %swap3A_412 = arith.constant 64 : index
        %swap3A_413 = tpu.vector_load %arg16[%swap3A_411, %swap3A_412] {strides = array<i32>} : memref<25x128xf32, #tpu.memory_space<vmem>>, vector<1x16xf32>,
        %swap3A_414 = vector.shape_cast %swap3A_413 : vector<1x16xf32> to vector<16xf32>
        %swap3A_415 = vector.shape_cast %add3A_410 : vector<16xf32> to vector<1x16xf32>
        tpu.vector_store %arg16[%swap3A_411, %swap3A_412], %swap3A_415 {strides = array<i32>} : memref<25x128xf32, #tpu.memory_space<vmem>>, vector<1x16xf32>,
        %mul3A_416 = arith.constant 8 : i32
        %mul3A_417 = arith.muli %scan3A_183, %mul3A_416 : i32
        %add3A_418 = arith.constant 4 : i32
        %add3A_419 = arith.addi %mul3A_417, %add3A_418 : i32
        %get3A_420 = arith.index_cast %add3A_419 : i32 to index
        %get3A_421 = arith.constant 16 : index
        %get3A_422 = tpu.vector_load %arg11[%get3A_420, %get3A_421] {strides = array<i32>} : memref<200x64xf32, #tpu.memory_space<vmem>>, vector<1x16xf32>,
        %get3A_423 = vector.shape_cast %get3A_422 : vector<1x16xf32> to vector<16xf32>
        %get3A_424 = arith.index_cast %add3A_419 : i32 to index
        %get3A_425 = arith.constant 16 : index
        %get3A_426 = tpu.vector_load %arg13[%get3A_424, %get3A_425] {strides = array<i32>} : memref<200x64xf32, #tpu.memory_space<vmem>>, vector<1x16xf32>,
        %get3A_427 = vector.shape_cast %get3A_426 : vector<1x16xf32> to vector<16xf32>
        %add3A_428 = arith.addf %get3A_423, %get3A_427 : vector<16xf32>
        %swap3A_429 = arith.index_cast %scan3A_183 : i32 to index
        %swap3A_430 = arith.constant 80 : index
        %swap3A_431 = tpu.vector_load %arg16[%swap3A_429, %swap3A_430] {strides = array<i32>} : memref<25x128xf32, #tpu.memory_space<vmem>>, vector<1x16xf32>,
        %swap3A_432 = vector.shape_cast %swap3A_431 : vector<1x16xf32> to vector<16xf32>
        %swap3A_433 = vector.shape_cast %add3A_428 : vector<16xf32> to vector<1x16xf32>
        tpu.vector_store %arg16[%swap3A_429, %swap3A_430], %swap3A_433 {strides = array<i32>} : memref<25x128xf32, #tpu.memory_space<vmem>>, vector<1x16xf32>,
        %mul3A_434 = arith.constant 8 : i32
        %mul3A_435 = arith.muli %scan3A_183, %mul3A_434 : i32
        %add3A_436 = arith.constant 4 : i32
        %add3A_437 = arith.addi %mul3A_435, %add3A_436 : i32
        %get3A_438 = arith.index_cast %add3A_437 : i32 to index
        %get3A_439 = arith.constant 32 : index
        %get3A_440 = tpu.vector_load %arg11[%get3A_438, %get3A_439] {strides = array<i32>} : memref<200x64xf32, #tpu.memory_space<vmem>>, vector<1x16xf32>,
        %get3A_441 = vector.shape_cast %get3A_440 : vector<1x16xf32> to vector<16xf32>
        %get3A_442 = arith.index_cast %add3A_437 : i32 to index
        %get3A_443 = arith.constant 32 : index
        %get3A_444 = tpu.vector_load %arg13[%get3A_442, %get3A_443] {strides = array<i32>} : memref<200x64xf32, #tpu.memory_space<vmem>>, vector<1x16xf32>,
        %get3A_445 = vector.shape_cast %get3A_444 : vector<1x16xf32> to vector<16xf32>
        %add3A_446 = arith.addf %get3A_441, %get3A_445 : vector<16xf32>
        %swap3A_447 = arith.index_cast %scan3A_183 : i32 to index
        %swap3A_448 = arith.constant 96 : index
        %swap3A_449 = tpu.vector_load %arg16[%swap3A_447, %swap3A_448] {strides = array<i32>} : memref<25x128xf32, #tpu.memory_space<vmem>>, vector<1x16xf32>,
        %swap3A_450 = vector.shape_cast %swap3A_449 : vector<1x16xf32> to vector<16xf32>
        %swap3A_451 = vector.shape_cast %add3A_446 : vector<16xf32> to vector<1x16xf32>
        tpu.vector_store %arg16[%swap3A_447, %swap3A_448], %swap3A_451 {strides = array<i32>} : memref<25x128xf32, #tpu.memory_space<vmem>>, vector<1x16xf32>,
        %mul3A_452 = arith.constant 8 : i32
        %mul3A_453 = arith.muli %scan3A_183, %mul3A_452 : i32
        %add3A_454 = arith.constant 5 : i32
        %add3A_455 = arith.addi %mul3A_453, %add3A_454 : i32
        %get3A_456 = arith.index_cast %add3A_455 : i32 to index
        %get3A_457 = arith.constant 0 : index
        %get3A_458 = tpu.vector_load %arg11[%get3A_456, %get3A_457] {strides = array<i32>} : memref<200x64xf32, #tpu.memory_space<vmem>>, vector<1x16xf32>,
        %get3A_459 = vector.shape_cast %get3A_458 : vector<1x16xf32> to vector<16xf32>
        %get3A_460 = arith.index_cast %add3A_455 : i32 to index
        %get3A_461 = arith.constant 0 : index
        %get3A_462 = tpu.vector_load %arg13[%get3A_460, %get3A_461] {strides = array<i32>} : memref<200x64xf32, #tpu.memory_space<vmem>>, vector<1x16xf32>,
        %get3A_463 = vector.shape_cast %get3A_462 : vector<1x16xf32> to vector<16xf32>
        %add3A_464 = arith.addf %get3A_459, %get3A_463 : vector<16xf32>
        %swap3A_465 = arith.index_cast %scan3A_183 : i32 to index
        %swap3A_466 = arith.constant 112 : index
        %swap3A_467 = tpu.vector_load %arg16[%swap3A_465, %swap3A_466] {strides = array<i32>} : memref<25x128xf32, #tpu.memory_space<vmem>>, vector<1x16xf32>,
        %swap3A_468 = vector.shape_cast %swap3A_467 : vector<1x16xf32> to vector<16xf32>
        %swap3A_469 = vector.shape_cast %add3A_464 : vector<16xf32> to vector<1x16xf32>
        tpu.vector_store %arg16[%swap3A_465, %swap3A_466], %swap3A_469 {strides = array<i32>} : memref<25x128xf32, #tpu.memory_space<vmem>>, vector<1x16xf32>,
        %mul3A_470 = arith.constant 8 : i32
        %mul3A_471 = arith.muli %scan3A_183, %mul3A_470 : i32
        %add3A_472 = arith.constant 5 : i32
        %add3A_473 = arith.addi %mul3A_471, %add3A_472 : i32
        %get3A_474 = arith.index_cast %add3A_473 : i32 to index
        %get3A_475 = arith.constant 16 : index
        %get3A_476 = tpu.vector_load %arg11[%get3A_474, %get3A_475] {strides = array<i32>} : memref<200x64xf32, #tpu.memory_space<vmem>>, vector<1x16xf32>,
        %get3A_477 = vector.shape_cast %get3A_476 : vector<1x16xf32> to vector<16xf32>
        %get3A_478 = arith.index_cast %add3A_473 : i32 to index
        %get3A_479 = arith.constant 16 : index
        %get3A_480 = tpu.vector_load %arg13[%get3A_478, %get3A_479] {strides = array<i32>} : memref<200x64xf32, #tpu.memory_space<vmem>>, vector<1x16xf32>,
        %get3A_481 = vector.shape_cast %get3A_480 : vector<1x16xf32> to vector<16xf32>
        %add3A_482 = arith.addf %get3A_477, %get3A_481 : vector<16xf32>
        %swap3A_483 = arith.index_cast %scan3A_183 : i32 to index
        %swap3A_484 = arith.constant 0 : index
        %swap3A_485 = tpu.vector_load %arg17[%swap3A_483, %swap3A_484] {strides = array<i32>} : memref<25x128xf32, #tpu.memory_space<vmem>>, vector<1x16xf32>,
        %swap3A_486 = vector.shape_cast %swap3A_485 : vector<1x16xf32> to vector<16xf32>
        %swap3A_487 = vector.shape_cast %add3A_482 : vector<16xf32> to vector<1x16xf32>
        tpu.vector_store %arg17[%swap3A_483, %swap3A_484], %swap3A_487 {strides = array<i32>} : memref<25x128xf32, #tpu.memory_space<vmem>>, vector<1x16xf32>,
        %mul3A_488 = arith.constant 8 : i32
        %mul3A_489 = arith.muli %scan3A_183, %mul3A_488 : i32
        %add3A_490 = arith.constant 5 : i32
        %add3A_491 = arith.addi %mul3A_489, %add3A_490 : i32
        %get3A_492 = arith.index_cast %add3A_491 : i32 to index
        %get3A_493 = arith.constant 32 : index
        %get3A_494 = tpu.vector_load %arg11[%get3A_492, %get3A_493] {strides = array<i32>} : memref<200x64xf32, #tpu.memory_space<vmem>>, vector<1x16xf32>,
        %get3A_495 = vector.shape_cast %get3A_494 : vector<1x16xf32> to vector<16xf32>
        %get3A_496 = arith.index_cast %add3A_491 : i32 to index
        %get3A_497 = arith.constant 32 : index
        %get3A_498 = tpu.vector_load %arg13[%get3A_496, %get3A_497] {strides = array<i32>} : memref<200x64xf32, #tpu.memory_space<vmem>>, vector<1x16xf32>,
        %get3A_499 = vector.shape_cast %get3A_498 : vector<1x16xf32> to vector<16xf32>
        %add3A_500 = arith.addf %get3A_495, %get3A_499 : vector<16xf32>
        %swap3A_501 = arith.index_cast %scan3A_183 : i32 to index
        %swap3A_502 = arith.constant 16 : index
        %swap3A_503 = tpu.vector_load %arg17[%swap3A_501, %swap3A_502] {strides = array<i32>} : memref<25x128xf32, #tpu.memory_space<vmem>>, vector<1x16xf32>,
        %swap3A_504 = vector.shape_cast %swap3A_503 : vector<1x16xf32> to vector<16xf32>
        %swap3A_505 = vector.shape_cast %add3A_500 : vector<16xf32> to vector<1x16xf32>
        tpu.vector_store %arg17[%swap3A_501, %swap3A_502], %swap3A_505 {strides = array<i32>} : memref<25x128xf32, #tpu.memory_space<vmem>>, vector<1x16xf32>,
        %mul3A_506 = arith.constant 8 : i32
        %mul3A_507 = arith.muli %scan3A_183, %mul3A_506 : i32
        %add3A_508 = arith.constant 6 : i32
        %add3A_509 = arith.addi %mul3A_507, %add3A_508 : i32
        %get3A_510 = arith.index_cast %add3A_509 : i32 to index
        %get3A_511 = arith.constant 0 : index
        %get3A_512 = tpu.vector_load %arg11[%get3A_510, %get3A_511] {strides = array<i32>} : memref<200x64xf32, #tpu.memory_space<vmem>>, vector<1x16xf32>,
        %get3A_513 = vector.shape_cast %get3A_512 : vector<1x16xf32> to vector<16xf32>
        %get3A_514 = arith.index_cast %add3A_509 : i32 to index
        %get3A_515 = arith.constant 0 : index
        %get3A_516 = tpu.vector_load %arg13[%get3A_514, %get3A_515] {strides = array<i32>} : memref<200x64xf32, #tpu.memory_space<vmem>>, vector<1x16xf32>,
        %get3A_517 = vector.shape_cast %get3A_516 : vector<1x16xf32> to vector<16xf32>
        %add3A_518 = arith.addf %get3A_513, %get3A_517 : vector<16xf32>
        %swap3A_519 = arith.index_cast %scan3A_183 : i32 to index
        %swap3A_520 = arith.constant 32 : index
        %swap3A_521 = tpu.vector_load %arg17[%swap3A_519, %swap3A_520] {strides = array<i32>} : memref<25x128xf32, #tpu.memory_space<vmem>>, vector<1x16xf32>,
        %swap3A_522 = vector.shape_cast %swap3A_521 : vector<1x16xf32> to vector<16xf32>
        %swap3A_523 = vector.shape_cast %add3A_518 : vector<16xf32> to vector<1x16xf32>
        tpu.vector_store %arg17[%swap3A_519, %swap3A_520], %swap3A_523 {strides = array<i32>} : memref<25x128xf32, #tpu.memory_space<vmem>>, vector<1x16xf32>,
        %mul3A_524 = arith.constant 8 : i32
        %mul3A_525 = arith.muli %scan3A_183, %mul3A_524 : i32
        %add3A_526 = arith.constant 6 : i32
        %add3A_527 = arith.addi %mul3A_525, %add3A_526 : i32
        %get3A_528 = arith.index_cast %add3A_527 : i32 to index
        %get3A_529 = arith.constant 16 : index
        %get3A_530 = tpu.vector_load %arg11[%get3A_528, %get3A_529] {strides = array<i32>} : memref<200x64xf32, #tpu.memory_space<vmem>>, vector<1x16xf32>,
        %get3A_531 = vector.shape_cast %get3A_530 : vector<1x16xf32> to vector<16xf32>
        %get3A_532 = arith.index_cast %add3A_527 : i32 to index
        %get3A_533 = arith.constant 16 : index
        %get3A_534 = tpu.vector_load %arg13[%get3A_532, %get3A_533] {strides = array<i32>} : memref<200x64xf32, #tpu.memory_space<vmem>>, vector<1x16xf32>,
        %get3A_535 = vector.shape_cast %get3A_534 : vector<1x16xf32> to vector<16xf32>
        %add3A_536 = arith.addf %get3A_531, %get3A_535 : vector<16xf32>
        %swap3A_537 = arith.index_cast %scan3A_183 : i32 to index
        %swap3A_538 = arith.constant 48 : index
        %swap3A_539 = tpu.vector_load %arg17[%swap3A_537, %swap3A_538] {strides = array<i32>} : memref<25x128xf32, #tpu.memory_space<vmem>>, vector<1x16xf32>,
        %swap3A_540 = vector.shape_cast %swap3A_539 : vector<1x16xf32> to vector<16xf32>
        %swap3A_541 = vector.shape_cast %add3A_536 : vector<16xf32> to vector<1x16xf32>
        tpu.vector_store %arg17[%swap3A_537, %swap3A_538], %swap3A_541 {strides = array<i32>} : memref<25x128xf32, #tpu.memory_space<vmem>>, vector<1x16xf32>,
        %mul3A_542 = arith.constant 8 : i32
        %mul3A_543 = arith.muli %scan3A_183, %mul3A_542 : i32
        %add3A_544 = arith.constant 6 : i32
        %add3A_545 = arith.addi %mul3A_543, %add3A_544 : i32
        %get3A_546 = arith.index_cast %add3A_545 : i32 to index
        %get3A_547 = arith.constant 32 : index
        %get3A_548 = tpu.vector_load %arg11[%get3A_546, %get3A_547] {strides = array<i32>} : memref<200x64xf32, #tpu.memory_space<vmem>>, vector<1x16xf32>,
        %get3A_549 = vector.shape_cast %get3A_548 : vector<1x16xf32> to vector<16xf32>
        %get3A_550 = arith.index_cast %add3A_545 : i32 to index
        %get3A_551 = arith.constant 32 : index
        %get3A_552 = tpu.vector_load %arg13[%get3A_550, %get3A_551] {strides = array<i32>} : memref<200x64xf32, #tpu.memory_space<vmem>>, vector<1x16xf32>,
        %get3A_553 = vector.shape_cast %get3A_552 : vector<1x16xf32> to vector<16xf32>
        %add3A_554 = arith.addf %get3A_549, %get3A_553 : vector<16xf32>
        %swap3A_555 = arith.index_cast %scan3A_183 : i32 to index
        %swap3A_556 = arith.constant 64 : index
        %swap3A_557 = tpu.vector_load %arg17[%swap3A_555, %swap3A_556] {strides = array<i32>} : memref<25x128xf32, #tpu.memory_space<vmem>>, vector<1x16xf32>,
        %swap3A_558 = vector.shape_cast %swap3A_557 : vector<1x16xf32> to vector<16xf32>
        %swap3A_559 = vector.shape_cast %add3A_554 : vector<16xf32> to vector<1x16xf32>
        tpu.vector_store %arg17[%swap3A_555, %swap3A_556], %swap3A_559 {strides = array<i32>} : memref<25x128xf32, #tpu.memory_space<vmem>>, vector<1x16xf32>,
        %mul3A_560 = arith.constant 8 : i32
        %mul3A_561 = arith.muli %scan3A_183, %mul3A_560 : i32
        %add3A_562 = arith.constant 7 : i32
        %add3A_563 = arith.addi %mul3A_561, %add3A_562 : i32
        %get3A_564 = arith.index_cast %add3A_563 : i32 to index
        %get3A_565 = arith.constant 0 : index
        %get3A_566 = tpu.vector_load %arg11[%get3A_564, %get3A_565] {strides = array<i32>} : memref<200x64xf32, #tpu.memory_space<vmem>>, vector<1x16xf32>,
        %get3A_567 = vector.shape_cast %get3A_566 : vector<1x16xf32> to vector<16xf32>
        %get3A_568 = arith.index_cast %add3A_563 : i32 to index
        %get3A_569 = arith.constant 0 : index
        %get3A_570 = tpu.vector_load %arg13[%get3A_568, %get3A_569] {strides = array<i32>} : memref<200x64xf32, #tpu.memory_space<vmem>>, vector<1x16xf32>,
        %get3A_571 = vector.shape_cast %get3A_570 : vector<1x16xf32> to vector<16xf32>
        %add3A_572 = arith.addf %get3A_567, %get3A_571 : vector<16xf32>
        %swap3A_573 = arith.index_cast %scan3A_183 : i32 to index
        %swap3A_574 = arith.constant 80 : index
        %swap3A_575 = tpu.vector_load %arg17[%swap3A_573, %swap3A_574] {strides = array<i32>} : memref<25x128xf32, #tpu.memory_space<vmem>>, vector<1x16xf32>,
        %swap3A_576 = vector.shape_cast %swap3A_575 : vector<1x16xf32> to vector<16xf32>
        %swap3A_577 = vector.shape_cast %add3A_572 : vector<16xf32> to vector<1x16xf32>
        tpu.vector_store %arg17[%swap3A_573, %swap3A_574], %swap3A_577 {strides = array<i32>} : memref<25x128xf32, #tpu.memory_space<vmem>>, vector<1x16xf32>,
        %mul3A_578 = arith.constant 8 : i32
        %mul3A_579 = arith.muli %scan3A_183, %mul3A_578 : i32
        %add3A_580 = arith.constant 7 : i32
        %add3A_581 = arith.addi %mul3A_579, %add3A_580 : i32
        %get3A_582 = arith.index_cast %add3A_581 : i32 to index
        %get3A_583 = arith.constant 16 : index
        %get3A_584 = tpu.vector_load %arg11[%get3A_582, %get3A_583] {strides = array<i32>} : memref<200x64xf32, #tpu.memory_space<vmem>>, vector<1x16xf32>,
        %get3A_585 = vector.shape_cast %get3A_584 : vector<1x16xf32> to vector<16xf32>
        %get3A_586 = arith.index_cast %add3A_581 : i32 to index
        %get3A_587 = arith.constant 16 : index
        %get3A_588 = tpu.vector_load %arg13[%get3A_586, %get3A_587] {strides = array<i32>} : memref<200x64xf32, #tpu.memory_space<vmem>>, vector<1x16xf32>,
        %get3A_589 = vector.shape_cast %get3A_588 : vector<1x16xf32> to vector<16xf32>
        %add3A_590 = arith.addf %get3A_585, %get3A_589 : vector<16xf32>
        %swap3A_591 = arith.index_cast %scan3A_183 : i32 to index
        %swap3A_592 = arith.constant 96 : index
        %swap3A_593 = tpu.vector_load %arg17[%swap3A_591, %swap3A_592] {strides = array<i32>} : memref<25x128xf32, #tpu.memory_space<vmem>>, vector<1x16xf32>,
        %swap3A_594 = vector.shape_cast %swap3A_593 : vector<1x16xf32> to vector<16xf32>
        %swap3A_595 = vector.shape_cast %add3A_590 : vector<16xf32> to vector<1x16xf32>
        tpu.vector_store %arg17[%swap3A_591, %swap3A_592], %swap3A_595 {strides = array<i32>} : memref<25x128xf32, #tpu.memory_space<vmem>>, vector<1x16xf32>,
        %mul3A_596 = arith.constant 8 : i32
        %mul3A_597 = arith.muli %scan3A_183, %mul3A_596 : i32
        %add3A_598 = arith.constant 7 : i32
        %add3A_599 = arith.addi %mul3A_597, %add3A_598 : i32
        %get3A_600 = arith.index_cast %add3A_599 : i32 to index
        %get3A_601 = arith.constant 32 : index
        %get3A_602 = tpu.vector_load %arg11[%get3A_600, %get3A_601] {strides = array<i32>} : memref<200x64xf32, #tpu.memory_space<vmem>>, vector<1x16xf32>,
        %get3A_603 = vector.shape_cast %get3A_602 : vector<1x16xf32> to vector<16xf32>
        %get3A_604 = arith.index_cast %add3A_599 : i32 to index
        %get3A_605 = arith.constant 32 : index
        %get3A_606 = tpu.vector_load %arg13[%get3A_604, %get3A_605] {strides = array<i32>} : memref<200x64xf32, #tpu.memory_space<vmem>>, vector<1x16xf32>,
        %get3A_607 = vector.shape_cast %get3A_606 : vector<1x16xf32> to vector<16xf32>
        %add3A_608 = arith.addf %get3A_603, %get3A_607 : vector<16xf32>
        %swap3A_609 = arith.index_cast %scan3A_183 : i32 to index
        %swap3A_610 = arith.constant 112 : index
        %swap3A_611 = tpu.vector_load %arg17[%swap3A_609, %swap3A_610] {strides = array<i32>} : memref<25x128xf32, #tpu.memory_space<vmem>>, vector<1x16xf32>,
        %swap3A_612 = vector.shape_cast %swap3A_611 : vector<1x16xf32> to vector<16xf32>
        %swap3A_613 = vector.shape_cast %add3A_608 : vector<16xf32> to vector<1x16xf32>
        tpu.vector_store %arg17[%swap3A_609, %swap3A_610], %swap3A_613 {strides = array<i32>} : memref<25x128xf32, #tpu.memory_space<vmem>>, vector<1x16xf32>,
      }
      %scan3A_81 = arith.constant 25 : i32
      %mul3A_82 = arith.constant 200 : i32
      %mul3A_83 = arith.muli %add3A_65, %mul3A_82 : i32
      %add3A_84 = arith.addi %mul3A_2, %mul3A_83 : i32
      %jit3A = arith.constant 8 : i32
      %div3A = arith.divsi %add3A_84, %jit3A : i32
      %sign3A = arith.constant 0 : i32
      %sign3A_85 = arith.cmpi sgt, %add3A_84, %sign3A : i32
      %sign3A_86 = arith.extui %sign3A_85 : i1 to i32
      %sign3A_87 = arith.constant 0 : i32
      %sign3A_88 = arith.cmpi slt, %add3A_84, %sign3A_87 : i32
      %sign3A_89 = arith.extui %sign3A_88 : i1 to i32
      %sign3A_90 = arith.subi %sign3A_86, %sign3A_89 : i32
      %sign3A_91 = arith.constant 0 : i32
      %sign3A_92 = arith.cmpi sgt, %jit3A, %sign3A_91 : i32
      %sign3A_93 = arith.extui %sign3A_92 : i1 to i32
      %sign3A_94 = arith.constant 0 : i32
      %sign3A_95 = arith.cmpi slt, %jit3A, %sign3A_94 : i32
      %sign3A_96 = arith.extui %sign3A_95 : i1 to i32
      %sign3A_97 = arith.subi %sign3A_93, %sign3A_96 : i32
      %ne3A = arith.cmpi ne, %sign3A_90, %sign3A_97 : i32
      %rem3A = arith.remsi %add3A_84, %jit3A : i32
      %ne3A_98 = arith.constant 0 : i32
      %ne3A_99 = arith.cmpi ne, %rem3A, %ne3A_98 : i32
      %and3A = arith.andi %ne3A, %ne3A_99 : i1
      %sub3A = arith.constant 1 : i32
      %sub3A_100 = arith.subi %div3A, %sub3A : i32
      %select_n3A = arith.select %and3A, %sub3A_100, %div3A : i32
      %dma_start3A_101 = arith.constant 0 : i32
      %dma_start3A_102 = tpu.memref_slice %arg6[%select_n3A, %dma_start3A_101] : memref<40000x128xf32, #tpu.memory_space<hbm>> -> memref<25x128xf32, #tpu.memory_space<hbm>>
      %dma_start3A_103 = arith.constant 0 : i32
      %dma_start3A_104 = tpu.memref_slice %arg6[%select_n3A, %dma_start3A_103] : memref<40000x128xf32, #tpu.memory_space<hbm>> -> memref<25x128xf32, #tpu.memory_space<hbm>>
      tpu.enqueue_dma source(%arg15 : memref<25x128xf32, #tpu.memory_space<vmem>>) target(%dma_start3A_104 : memref<25x128xf32, #tpu.memory_space<hbm>>) target_semaphore(%arg23 : memref<!tpu.dma_semaphore, #tpu.memory_space<semaphore_mem>>)
      %dma_start3A_105 = arith.constant 0 : i32
      %dma_start3A_106 = tpu.memref_slice %arg7[%select_n3A, %dma_start3A_105] : memref<40000x128xf32, #tpu.memory_space<hbm>> -> memref<25x128xf32, #tpu.memory_space<hbm>>
      %dma_start3A_107 = arith.constant 0 : i32
      %dma_start3A_108 = tpu.memref_slice %arg7[%select_n3A, %dma_start3A_107] : memref<40000x128xf32, #tpu.memory_space<hbm>> -> memref<25x128xf32, #tpu.memory_space<hbm>>
      tpu.enqueue_dma source(%arg16 : memref<25x128xf32, #tpu.memory_space<vmem>>) target(%dma_start3A_108 : memref<25x128xf32, #tpu.memory_space<hbm>>) target_semaphore(%arg23 : memref<!tpu.dma_semaphore, #tpu.memory_space<semaphore_mem>>)
      %dma_start3A_109 = arith.constant 0 : i32
      %dma_start3A_110 = tpu.memref_slice %arg8[%select_n3A, %dma_start3A_109] : memref<40000x128xf32, #tpu.memory_space<hbm>> -> memref<25x128xf32, #tpu.memory_space<hbm>>
      %dma_start3A_111 = arith.constant 0 : i32
      %dma_start3A_112 = tpu.memref_slice %arg8[%select_n3A, %dma_start3A_111] : memref<40000x128xf32, #tpu.memory_space<hbm>> -> memref<25x128xf32, #tpu.memory_space<hbm>>
      tpu.enqueue_dma source(%arg17 : memref<25x128xf32, #tpu.memory_space<vmem>>) target(%dma_start3A_112 : memref<25x128xf32, #tpu.memory_space<hbm>>) target_semaphore(%arg23 : memref<!tpu.dma_semaphore, #tpu.memory_space<semaphore_mem>>)
      %add3A_113 = arith.constant 2 : i32
      %add3A_114 = arith.addi %add3A_65, %add3A_113 : i32
      %lt3A = arith.constant 50 : i32
      %lt3A_115 = arith.cmpi slt, %add3A_114, %lt3A : i32
      %convert_element_type3A = arith.extui %lt3A_115 : i1 to i32
      %cond3A = arith.constant 0 : i32
      %cond3A_116 = arith.cmpi ne, %convert_element_type3A, %cond3A : i32
      scf.if %cond3A_116 {
        %dma_wait3A_183 = arith.constant 0 : i32
        %dma_wait3A_184 = arith.constant 0 : i32
        %dma_wait3A_185 = tpu.memref_slice %arg6[%dma_wait3A_183, %dma_wait3A_184] : memref<40000x128xf32, #tpu.memory_space<hbm>> -> memref<25x128xf32, #tpu.memory_space<hbm>>
        %dma_wait3A_186 = arith.constant 0 : i32
        %dma_wait3A_187 = arith.constant 0 : i32
        %dma_wait3A_188 = tpu.memref_slice %arg6[%dma_wait3A_186, %dma_wait3A_187] : memref<40000x128xf32, #tpu.memory_space<hbm>> -> memref<25x128xf32, #tpu.memory_space<hbm>>
        tpu.wait_dma2 semaphore(%arg23 : memref<!tpu.dma_semaphore, #tpu.memory_space<semaphore_mem>>) src(%arg15 : memref<25x128xf32, #tpu.memory_space<vmem>>) dst(%dma_wait3A_188 : memref<25x128xf32, #tpu.memory_space<hbm>>)
        %dma_wait3A_189 = arith.constant 0 : i32
        %dma_wait3A_190 = arith.constant 0 : i32
        %dma_wait3A_191 = tpu.memref_slice %arg7[%dma_wait3A_189, %dma_wait3A_190] : memref<40000x128xf32, #tpu.memory_space<hbm>> -> memref<25x128xf32, #tpu.memory_space<hbm>>
        %dma_wait3A_192 = arith.constant 0 : i32
        %dma_wait3A_193 = arith.constant 0 : i32
        %dma_wait3A_194 = tpu.memref_slice %arg7[%dma_wait3A_192, %dma_wait3A_193] : memref<40000x128xf32, #tpu.memory_space<hbm>> -> memref<25x128xf32, #tpu.memory_space<hbm>>
        tpu.wait_dma2 semaphore(%arg23 : memref<!tpu.dma_semaphore, #tpu.memory_space<semaphore_mem>>) src(%arg16 : memref<25x128xf32, #tpu.memory_space<vmem>>) dst(%dma_wait3A_194 : memref<25x128xf32, #tpu.memory_space<hbm>>)
        %dma_wait3A_195 = arith.constant 0 : i32
        %dma_wait3A_196 = arith.constant 0 : i32
        %dma_wait3A_197 = tpu.memref_slice %arg8[%dma_wait3A_195, %dma_wait3A_196] : memref<40000x128xf32, #tpu.memory_space<hbm>> -> memref<25x128xf32, #tpu.memory_space<hbm>>
        %dma_wait3A_198 = arith.constant 0 : i32
        %dma_wait3A_199 = arith.constant 0 : i32
        %dma_wait3A_200 = tpu.memref_slice %arg8[%dma_wait3A_198, %dma_wait3A_199] : memref<40000x128xf32, #tpu.memory_space<hbm>> -> memref<25x128xf32, #tpu.memory_space<hbm>>
        tpu.wait_dma2 semaphore(%arg23 : memref<!tpu.dma_semaphore, #tpu.memory_space<semaphore_mem>>) src(%arg17 : memref<25x128xf32, #tpu.memory_space<vmem>>) dst(%dma_wait3A_200 : memref<25x128xf32, #tpu.memory_space<hbm>>)
        %add3A_201 = arith.constant 2 : i32
        %add3A_202 = arith.addi %add3A_65, %add3A_201 : i32
        %mul3A_203 = arith.constant 200 : i32
        %mul3A_204 = arith.muli %add3A_202, %mul3A_203 : i32
        %multiple_of3A_205 = tpu.assume_multiple %mul3A_204, 8 : i32
        %dma_start3A_206 = tpu.memref_slice %arg9[%multiple_of3A_205] : memref<10000xi32, #tpu.memory_space<vmem>> -> memref<200xi32, #tpu.memory_space<vmem>>
        %dma_start3A_207 = arith.constant 0 : i32
        %dma_start3A_208 = arith.constant 0 : i32
        %dma_start3A_209 = tpu.memref_slice %arg2[%dma_start3A_207, %dma_start3A_208] : memref<20000x64xf32, #tpu.memory_space<hbm>> -> memref<20000x64xf32, #tpu.memory_space<hbm>>
        tpu.enqueue_indirect_dma source(%dma_start3A_209 : memref<20000x64xf32, #tpu.memory_space<hbm>>) target(%arg11 : memref<200x64xf32, #tpu.memory_space<vmem>>) offsets(%dma_start3A_206 : memref<200xi32, #tpu.memory_space<vmem>>) semaphore(%arg21 : memref<!tpu.dma_semaphore, #tpu.memory_space<semaphore_mem>>)
        %dma_start3A_210 = tpu.memref_slice %arg10[%multiple_of3A_205] : memref<10000xi32, #tpu.memory_space<vmem>> -> memref<200xi32, #tpu.memory_space<vmem>>
        %dma_start3A_211 = arith.constant 0 : i32
        %dma_start3A_212 = arith.constant 0 : i32
        %dma_start3A_213 = tpu.memref_slice %arg3[%dma_start3A_211, %dma_start3A_212] : memref<20000x64xf32, #tpu.memory_space<hbm>> -> memref<20000x64xf32, #tpu.memory_space<hbm>>
        tpu.enqueue_indirect_dma source(%dma_start3A_213 : memref<20000x64xf32, #tpu.memory_space<hbm>>) target(%arg13 : memref<200x64xf32, #tpu.memory_space<vmem>>) offsets(%dma_start3A_210 : memref<200xi32, #tpu.memory_space<vmem>>) semaphore(%arg21 : memref<!tpu.dma_semaphore, #tpu.memory_space<semaphore_mem>>)
      } else {
      }
      %mul3A_117 = arith.constant 2 : i32
      %mul3A_118 = arith.muli %scan3A_61, %mul3A_117 : i32
      %add3A_119 = arith.constant 1 : i32
      %add3A_120 = arith.addi %mul3A_118, %add3A_119 : i32
      %dma_wait3A_121 = arith.constant 0 : i32
      %dma_wait3A_122 = tpu.memref_slice %arg9[%dma_wait3A_121] : memref<10000xi32, #tpu.memory_space<vmem>> -> memref<200xi32, #tpu.memory_space<vmem>>
      %dma_wait3A_123 = arith.constant 0 : i32
      %dma_wait3A_124 = arith.constant 0 : i32
      %dma_wait3A_125 = tpu.memref_slice %arg2[%dma_wait3A_123, %dma_wait3A_124] : memref<20000x64xf32, #tpu.memory_space<hbm>> -> memref<20000x64xf32, #tpu.memory_space<hbm>>
      tpu.wait_indirect_dma semaphore(%arg22 : memref<!tpu.dma_semaphore, #tpu.memory_space<semaphore_mem>>) src(%dma_wait3A_125 : memref<20000x64xf32, #tpu.memory_space<hbm>>) dst(%arg12 : memref<200x64xf32, #tpu.memory_space<vmem>>)
      %dma_wait3A_126 = arith.constant 0 : i32
      %dma_wait3A_127 = tpu.memref_slice %arg9[%dma_wait3A_126] : memref<10000xi32, #tpu.memory_space<vmem>> -> memref<200xi32, #tpu.memory_space<vmem>>
      %dma_wait3A_128 = arith.constant 0 : i32
      %dma_wait3A_129 = arith.constant 0 : i32
      %dma_wait3A_130 = tpu.memref_slice %arg2[%dma_wait3A_128, %dma_wait3A_129] : memref<20000x64xf32, #tpu.memory_space<hbm>> -> memref<20000x64xf32, #tpu.memory_space<hbm>>
      tpu.wait_indirect_dma semaphore(%arg22 : memref<!tpu.dma_semaphore, #tpu.memory_space<semaphore_mem>>) src(%dma_wait3A_130 : memref<20000x64xf32, #tpu.memory_space<hbm>>) dst(%arg12 : memref<200x64xf32, #tpu.memory_space<vmem>>)
      %scan3A_131 = arith.constant 0 : i32
      %scan3A_132 = arith.constant 0 : i32
      %scan3A_133 = arith.constant 25 : i32
      %scan3A_134 = arith.addi %scan3A_132, %scan3A_133 : i32
      %scan3A_135 = arith.constant 1 : i32
      scf.for %scan3A_183 = %scan3A_132 to %scan3A_134 step %scan3A_135  : i32 {
        %mul3A_184 = arith.constant 8 : i32
        %mul3A_185 = arith.muli %scan3A_183, %mul3A_184 : i32
        %add3A_186 = arith.constant 0 : i32
        %add3A_187 = arith.addi %mul3A_185, %add3A_186 : i32
        %get3A = arith.index_cast %add3A_187 : i32 to index
        %get3A_188 = arith.constant 0 : index
        %get3A_189 = tpu.vector_load %arg12[%get3A, %get3A_188] {strides = array<i32>} : memref<200x64xf32, #tpu.memory_space<vmem>>, vector<1x16xf32>,
        %get3A_190 = vector.shape_cast %get3A_189 : vector<1x16xf32> to vector<16xf32>
        %get3A_191 = arith.index_cast %add3A_187 : i32 to index
        %get3A_192 = arith.constant 0 : index
        %get3A_193 = tpu.vector_load %arg14[%get3A_191, %get3A_192] {strides = array<i32>} : memref<200x64xf32, #tpu.memory_space<vmem>>, vector<1x16xf32>,
        %get3A_194 = vector.shape_cast %get3A_193 : vector<1x16xf32> to vector<16xf32>
        %add3A_195 = arith.addf %get3A_190, %get3A_194 : vector<16xf32>
        %swap3A = arith.index_cast %scan3A_183 : i32 to index
        %swap3A_196 = arith.constant 0 : index
        %swap3A_197 = tpu.vector_load %arg18[%swap3A, %swap3A_196] {strides = array<i32>} : memref<25x128xf32, #tpu.memory_space<vmem>>, vector<1x16xf32>,
        %swap3A_198 = vector.shape_cast %swap3A_197 : vector<1x16xf32> to vector<16xf32>
        %swap3A_199 = vector.shape_cast %add3A_195 : vector<16xf32> to vector<1x16xf32>
        tpu.vector_store %arg18[%swap3A, %swap3A_196], %swap3A_199 {strides = array<i32>} : memref<25x128xf32, #tpu.memory_space<vmem>>, vector<1x16xf32>,
        %mul3A_200 = arith.constant 8 : i32
        %mul3A_201 = arith.muli %scan3A_183, %mul3A_200 : i32
        %add3A_202 = arith.constant 0 : i32
        %add3A_203 = arith.addi %mul3A_201, %add3A_202 : i32
        %get3A_204 = arith.index_cast %add3A_203 : i32 to index
        %get3A_205 = arith.constant 16 : index
        %get3A_206 = tpu.vector_load %arg12[%get3A_204, %get3A_205] {strides = array<i32>} : memref<200x64xf32, #tpu.memory_space<vmem>>, vector<1x16xf32>,
        %get3A_207 = vector.shape_cast %get3A_206 : vector<1x16xf32> to vector<16xf32>
        %get3A_208 = arith.index_cast %add3A_203 : i32 to index
        %get3A_209 = arith.constant 16 : index
        %get3A_210 = tpu.vector_load %arg14[%get3A_208, %get3A_209] {strides = array<i32>} : memref<200x64xf32, #tpu.memory_space<vmem>>, vector<1x16xf32>,
        %get3A_211 = vector.shape_cast %get3A_210 : vector<1x16xf32> to vector<16xf32>
        %add3A_212 = arith.addf %get3A_207, %get3A_211 : vector<16xf32>
        %swap3A_213 = arith.index_cast %scan3A_183 : i32 to index
        %swap3A_214 = arith.constant 16 : index
        %swap3A_215 = tpu.vector_load %arg18[%swap3A_213, %swap3A_214] {strides = array<i32>} : memref<25x128xf32, #tpu.memory_space<vmem>>, vector<1x16xf32>,
        %swap3A_216 = vector.shape_cast %swap3A_215 : vector<1x16xf32> to vector<16xf32>
        %swap3A_217 = vector.shape_cast %add3A_212 : vector<16xf32> to vector<1x16xf32>
        tpu.vector_store %arg18[%swap3A_213, %swap3A_214], %swap3A_217 {strides = array<i32>} : memref<25x128xf32, #tpu.memory_space<vmem>>, vector<1x16xf32>,
        %mul3A_218 = arith.constant 8 : i32
        %mul3A_219 = arith.muli %scan3A_183, %mul3A_218 : i32
        %add3A_220 = arith.constant 0 : i32
        %add3A_221 = arith.addi %mul3A_219, %add3A_220 : i32
        %get3A_222 = arith.index_cast %add3A_221 : i32 to index
        %get3A_223 = arith.constant 32 : index
        %get3A_224 = tpu.vector_load %arg12[%get3A_222, %get3A_223] {strides = array<i32>} : memref<200x64xf32, #tpu.memory_space<vmem>>, vector<1x16xf32>,
        %get3A_225 = vector.shape_cast %get3A_224 : vector<1x16xf32> to vector<16xf32>
        %get3A_226 = arith.index_cast %add3A_221 : i32 to index
        %get3A_227 = arith.constant 32 : index
        %get3A_228 = tpu.vector_load %arg14[%get3A_226, %get3A_227] {strides = array<i32>} : memref<200x64xf32, #tpu.memory_space<vmem>>, vector<1x16xf32>,
        %get3A_229 = vector.shape_cast %get3A_228 : vector<1x16xf32> to vector<16xf32>
        %add3A_230 = arith.addf %get3A_225, %get3A_229 : vector<16xf32>
        %swap3A_231 = arith.index_cast %scan3A_183 : i32 to index
        %swap3A_232 = arith.constant 32 : index
        %swap3A_233 = tpu.vector_load %arg18[%swap3A_231, %swap3A_232] {strides = array<i32>} : memref<25x128xf32, #tpu.memory_space<vmem>>, vector<1x16xf32>,
        %swap3A_234 = vector.shape_cast %swap3A_233 : vector<1x16xf32> to vector<16xf32>
        %swap3A_235 = vector.shape_cast %add3A_230 : vector<16xf32> to vector<1x16xf32>
        tpu.vector_store %arg18[%swap3A_231, %swap3A_232], %swap3A_235 {strides = array<i32>} : memref<25x128xf32, #tpu.memory_space<vmem>>, vector<1x16xf32>,
        %mul3A_236 = arith.constant 8 : i32
        %mul3A_237 = arith.muli %scan3A_183, %mul3A_236 : i32
        %add3A_238 = arith.constant 1 : i32
        %add3A_239 = arith.addi %mul3A_237, %add3A_238 : i32
        %get3A_240 = arith.index_cast %add3A_239 : i32 to index
        %get3A_241 = arith.constant 0 : index
        %get3A_242 = tpu.vector_load %arg12[%get3A_240, %get3A_241] {strides = array<i32>} : memref<200x64xf32, #tpu.memory_space<vmem>>, vector<1x16xf32>,
        %get3A_243 = vector.shape_cast %get3A_242 : vector<1x16xf32> to vector<16xf32>
        %get3A_244 = arith.index_cast %add3A_239 : i32 to index
        %get3A_245 = arith.constant 0 : index
        %get3A_246 = tpu.vector_load %arg14[%get3A_244, %get3A_245] {strides = array<i32>} : memref<200x64xf32, #tpu.memory_space<vmem>>, vector<1x16xf32>,
        %get3A_247 = vector.shape_cast %get3A_246 : vector<1x16xf32> to vector<16xf32>
        %add3A_248 = arith.addf %get3A_243, %get3A_247 : vector<16xf32>
        %swap3A_249 = arith.index_cast %scan3A_183 : i32 to index
        %swap3A_250 = arith.constant 48 : index
        %swap3A_251 = tpu.vector_load %arg18[%swap3A_249, %swap3A_250] {strides = array<i32>} : memref<25x128xf32, #tpu.memory_space<vmem>>, vector<1x16xf32>,
        %swap3A_252 = vector.shape_cast %swap3A_251 : vector<1x16xf32> to vector<16xf32>
        %swap3A_253 = vector.shape_cast %add3A_248 : vector<16xf32> to vector<1x16xf32>
        tpu.vector_store %arg18[%swap3A_249, %swap3A_250], %swap3A_253 {strides = array<i32>} : memref<25x128xf32, #tpu.memory_space<vmem>>, vector<1x16xf32>,
        %mul3A_254 = arith.constant 8 : i32
        %mul3A_255 = arith.muli %scan3A_183, %mul3A_254 : i32
        %add3A_256 = arith.constant 1 : i32
        %add3A_257 = arith.addi %mul3A_255, %add3A_256 : i32
        %get3A_258 = arith.index_cast %add3A_257 : i32 to index
        %get3A_259 = arith.constant 16 : index
        %get3A_260 = tpu.vector_load %arg12[%get3A_258, %get3A_259] {strides = array<i32>} : memref<200x64xf32, #tpu.memory_space<vmem>>, vector<1x16xf32>,
        %get3A_261 = vector.shape_cast %get3A_260 : vector<1x16xf32> to vector<16xf32>
        %get3A_262 = arith.index_cast %add3A_257 : i32 to index
        %get3A_263 = arith.constant 16 : index
        %get3A_264 = tpu.vector_load %arg14[%get3A_262, %get3A_263] {strides = array<i32>} : memref<200x64xf32, #tpu.memory_space<vmem>>, vector<1x16xf32>,
        %get3A_265 = vector.shape_cast %get3A_264 : vector<1x16xf32> to vector<16xf32>
        %add3A_266 = arith.addf %get3A_261, %get3A_265 : vector<16xf32>
        %swap3A_267 = arith.index_cast %scan3A_183 : i32 to index
        %swap3A_268 = arith.constant 64 : index
        %swap3A_269 = tpu.vector_load %arg18[%swap3A_267, %swap3A_268] {strides = array<i32>} : memref<25x128xf32, #tpu.memory_space<vmem>>, vector<1x16xf32>,
        %swap3A_270 = vector.shape_cast %swap3A_269 : vector<1x16xf32> to vector<16xf32>
        %swap3A_271 = vector.shape_cast %add3A_266 : vector<16xf32> to vector<1x16xf32>
        tpu.vector_store %arg18[%swap3A_267, %swap3A_268], %swap3A_271 {strides = array<i32>} : memref<25x128xf32, #tpu.memory_space<vmem>>, vector<1x16xf32>,
        %mul3A_272 = arith.constant 8 : i32
        %mul3A_273 = arith.muli %scan3A_183, %mul3A_272 : i32
        %add3A_274 = arith.constant 1 : i32
        %add3A_275 = arith.addi %mul3A_273, %add3A_274 : i32
        %get3A_276 = arith.index_cast %add3A_275 : i32 to index
        %get3A_277 = arith.constant 32 : index
        %get3A_278 = tpu.vector_load %arg12[%get3A_276, %get3A_277] {strides = array<i32>} : memref<200x64xf32, #tpu.memory_space<vmem>>, vector<1x16xf32>,
        %get3A_279 = vector.shape_cast %get3A_278 : vector<1x16xf32> to vector<16xf32>
        %get3A_280 = arith.index_cast %add3A_275 : i32 to index
        %get3A_281 = arith.constant 32 : index
        %get3A_282 = tpu.vector_load %arg14[%get3A_280, %get3A_281] {strides = array<i32>} : memref<200x64xf32, #tpu.memory_space<vmem>>, vector<1x16xf32>,
        %get3A_283 = vector.shape_cast %get3A_282 : vector<1x16xf32> to vector<16xf32>
        %add3A_284 = arith.addf %get3A_279, %get3A_283 : vector<16xf32>
        %swap3A_285 = arith.index_cast %scan3A_183 : i32 to index
        %swap3A_286 = arith.constant 80 : index
        %swap3A_287 = tpu.vector_load %arg18[%swap3A_285, %swap3A_286] {strides = array<i32>} : memref<25x128xf32, #tpu.memory_space<vmem>>, vector<1x16xf32>,
        %swap3A_288 = vector.shape_cast %swap3A_287 : vector<1x16xf32> to vector<16xf32>
        %swap3A_289 = vector.shape_cast %add3A_284 : vector<16xf32> to vector<1x16xf32>
        tpu.vector_store %arg18[%swap3A_285, %swap3A_286], %swap3A_289 {strides = array<i32>} : memref<25x128xf32, #tpu.memory_space<vmem>>, vector<1x16xf32>,
        %mul3A_290 = arith.constant 8 : i32
        %mul3A_291 = arith.muli %scan3A_183, %mul3A_290 : i32
        %add3A_292 = arith.constant 2 : i32
        %add3A_293 = arith.addi %mul3A_291, %add3A_292 : i32
        %get3A_294 = arith.index_cast %add3A_293 : i32 to index
        %get3A_295 = arith.constant 0 : index
        %get3A_296 = tpu.vector_load %arg12[%get3A_294, %get3A_295] {strides = array<i32>} : memref<200x64xf32, #tpu.memory_space<vmem>>, vector<1x16xf32>,
        %get3A_297 = vector.shape_cast %get3A_296 : vector<1x16xf32> to vector<16xf32>
        %get3A_298 = arith.index_cast %add3A_293 : i32 to index
        %get3A_299 = arith.constant 0 : index
        %get3A_300 = tpu.vector_load %arg14[%get3A_298, %get3A_299] {strides = array<i32>} : memref<200x64xf32, #tpu.memory_space<vmem>>, vector<1x16xf32>,
        %get3A_301 = vector.shape_cast %get3A_300 : vector<1x16xf32> to vector<16xf32>
        %add3A_302 = arith.addf %get3A_297, %get3A_301 : vector<16xf32>
        %swap3A_303 = arith.index_cast %scan3A_183 : i32 to index
        %swap3A_304 = arith.constant 96 : index
        %swap3A_305 = tpu.vector_load %arg18[%swap3A_303, %swap3A_304] {strides = array<i32>} : memref<25x128xf32, #tpu.memory_space<vmem>>, vector<1x16xf32>,
        %swap3A_306 = vector.shape_cast %swap3A_305 : vector<1x16xf32> to vector<16xf32>
        %swap3A_307 = vector.shape_cast %add3A_302 : vector<16xf32> to vector<1x16xf32>
        tpu.vector_store %arg18[%swap3A_303, %swap3A_304], %swap3A_307 {strides = array<i32>} : memref<25x128xf32, #tpu.memory_space<vmem>>, vector<1x16xf32>,
        %mul3A_308 = arith.constant 8 : i32
        %mul3A_309 = arith.muli %scan3A_183, %mul3A_308 : i32
        %add3A_310 = arith.constant 2 : i32
        %add3A_311 = arith.addi %mul3A_309, %add3A_310 : i32
        %get3A_312 = arith.index_cast %add3A_311 : i32 to index
        %get3A_313 = arith.constant 16 : index
        %get3A_314 = tpu.vector_load %arg12[%get3A_312, %get3A_313] {strides = array<i32>} : memref<200x64xf32, #tpu.memory_space<vmem>>, vector<1x16xf32>,
        %get3A_315 = vector.shape_cast %get3A_314 : vector<1x16xf32> to vector<16xf32>
        %get3A_316 = arith.index_cast %add3A_311 : i32 to index
        %get3A_317 = arith.constant 16 : index
        %get3A_318 = tpu.vector_load %arg14[%get3A_316, %get3A_317] {strides = array<i32>} : memref<200x64xf32, #tpu.memory_space<vmem>>, vector<1x16xf32>,
        %get3A_319 = vector.shape_cast %get3A_318 : vector<1x16xf32> to vector<16xf32>
        %add3A_320 = arith.addf %get3A_315, %get3A_319 : vector<16xf32>
        %swap3A_321 = arith.index_cast %scan3A_183 : i32 to index
        %swap3A_322 = arith.constant 112 : index
        %swap3A_323 = tpu.vector_load %arg18[%swap3A_321, %swap3A_322] {strides = array<i32>} : memref<25x128xf32, #tpu.memory_space<vmem>>, vector<1x16xf32>,
        %swap3A_324 = vector.shape_cast %swap3A_323 : vector<1x16xf32> to vector<16xf32>
        %swap3A_325 = vector.shape_cast %add3A_320 : vector<16xf32> to vector<1x16xf32>
        tpu.vector_store %arg18[%swap3A_321, %swap3A_322], %swap3A_325 {strides = array<i32>} : memref<25x128xf32, #tpu.memory_space<vmem>>, vector<1x16xf32>,
        %mul3A_326 = arith.constant 8 : i32
        %mul3A_327 = arith.muli %scan3A_183, %mul3A_326 : i32
        %add3A_328 = arith.constant 2 : i32
        %add3A_329 = arith.addi %mul3A_327, %add3A_328 : i32
        %get3A_330 = arith.index_cast %add3A_329 : i32 to index
        %get3A_331 = arith.constant 32 : index
        %get3A_332 = tpu.vector_load %arg12[%get3A_330, %get3A_331] {strides = array<i32>} : memref<200x64xf32, #tpu.memory_space<vmem>>, vector<1x16xf32>,
        %get3A_333 = vector.shape_cast %get3A_332 : vector<1x16xf32> to vector<16xf32>
        %get3A_334 = arith.index_cast %add3A_329 : i32 to index
        %get3A_335 = arith.constant 32 : index
        %get3A_336 = tpu.vector_load %arg14[%get3A_334, %get3A_335] {strides = array<i32>} : memref<200x64xf32, #tpu.memory_space<vmem>>, vector<1x16xf32>,
        %get3A_337 = vector.shape_cast %get3A_336 : vector<1x16xf32> to vector<16xf32>
        %add3A_338 = arith.addf %get3A_333, %get3A_337 : vector<16xf32>
        %swap3A_339 = arith.index_cast %scan3A_183 : i32 to index
        %swap3A_340 = arith.constant 0 : index
        %swap3A_341 = tpu.vector_load %arg19[%swap3A_339, %swap3A_340] {strides = array<i32>} : memref<25x128xf32, #tpu.memory_space<vmem>>, vector<1x16xf32>,
        %swap3A_342 = vector.shape_cast %swap3A_341 : vector<1x16xf32> to vector<16xf32>
        %swap3A_343 = vector.shape_cast %add3A_338 : vector<16xf32> to vector<1x16xf32>
        tpu.vector_store %arg19[%swap3A_339, %swap3A_340], %swap3A_343 {strides = array<i32>} : memref<25x128xf32, #tpu.memory_space<vmem>>, vector<1x16xf32>,
        %mul3A_344 = arith.constant 8 : i32
        %mul3A_345 = arith.muli %scan3A_183, %mul3A_344 : i32
        %add3A_346 = arith.constant 3 : i32
        %add3A_347 = arith.addi %mul3A_345, %add3A_346 : i32
        %get3A_348 = arith.index_cast %add3A_347 : i32 to index
        %get3A_349 = arith.constant 0 : index
        %get3A_350 = tpu.vector_load %arg12[%get3A_348, %get3A_349] {strides = array<i32>} : memref<200x64xf32, #tpu.memory_space<vmem>>, vector<1x16xf32>,
        %get3A_351 = vector.shape_cast %get3A_350 : vector<1x16xf32> to vector<16xf32>
        %get3A_352 = arith.index_cast %add3A_347 : i32 to index
        %get3A_353 = arith.constant 0 : index
        %get3A_354 = tpu.vector_load %arg14[%get3A_352, %get3A_353] {strides = array<i32>} : memref<200x64xf32, #tpu.memory_space<vmem>>, vector<1x16xf32>,
        %get3A_355 = vector.shape_cast %get3A_354 : vector<1x16xf32> to vector<16xf32>
        %add3A_356 = arith.addf %get3A_351, %get3A_355 : vector<16xf32>
        %swap3A_357 = arith.index_cast %scan3A_183 : i32 to index
        %swap3A_358 = arith.constant 16 : index
        %swap3A_359 = tpu.vector_load %arg19[%swap3A_357, %swap3A_358] {strides = array<i32>} : memref<25x128xf32, #tpu.memory_space<vmem>>, vector<1x16xf32>,
        %swap3A_360 = vector.shape_cast %swap3A_359 : vector<1x16xf32> to vector<16xf32>
        %swap3A_361 = vector.shape_cast %add3A_356 : vector<16xf32> to vector<1x16xf32>
        tpu.vector_store %arg19[%swap3A_357, %swap3A_358], %swap3A_361 {strides = array<i32>} : memref<25x128xf32, #tpu.memory_space<vmem>>, vector<1x16xf32>,
        %mul3A_362 = arith.constant 8 : i32
        %mul3A_363 = arith.muli %scan3A_183, %mul3A_362 : i32
        %add3A_364 = arith.constant 3 : i32
        %add3A_365 = arith.addi %mul3A_363, %add3A_364 : i32
        %get3A_366 = arith.index_cast %add3A_365 : i32 to index
        %get3A_367 = arith.constant 16 : index
        %get3A_368 = tpu.vector_load %arg12[%get3A_366, %get3A_367] {strides = array<i32>} : memref<200x64xf32, #tpu.memory_space<vmem>>, vector<1x16xf32>,
        %get3A_369 = vector.shape_cast %get3A_368 : vector<1x16xf32> to vector<16xf32>
        %get3A_370 = arith.index_cast %add3A_365 : i32 to index
        %get3A_371 = arith.constant 16 : index
        %get3A_372 = tpu.vector_load %arg14[%get3A_370, %get3A_371] {strides = array<i32>} : memref<200x64xf32, #tpu.memory_space<vmem>>, vector<1x16xf32>,
        %get3A_373 = vector.shape_cast %get3A_372 : vector<1x16xf32> to vector<16xf32>
        %add3A_374 = arith.addf %get3A_369, %get3A_373 : vector<16xf32>
        %swap3A_375 = arith.index_cast %scan3A_183 : i32 to index
        %swap3A_376 = arith.constant 32 : index
        %swap3A_377 = tpu.vector_load %arg19[%swap3A_375, %swap3A_376] {strides = array<i32>} : memref<25x128xf32, #tpu.memory_space<vmem>>, vector<1x16xf32>,
        %swap3A_378 = vector.shape_cast %swap3A_377 : vector<1x16xf32> to vector<16xf32>
        %swap3A_379 = vector.shape_cast %add3A_374 : vector<16xf32> to vector<1x16xf32>
        tpu.vector_store %arg19[%swap3A_375, %swap3A_376], %swap3A_379 {strides = array<i32>} : memref<25x128xf32, #tpu.memory_space<vmem>>, vector<1x16xf32>,
        %mul3A_380 = arith.constant 8 : i32
        %mul3A_381 = arith.muli %scan3A_183, %mul3A_380 : i32
        %add3A_382 = arith.constant 3 : i32
        %add3A_383 = arith.addi %mul3A_381, %add3A_382 : i32
        %get3A_384 = arith.index_cast %add3A_383 : i32 to index
        %get3A_385 = arith.constant 32 : index
        %get3A_386 = tpu.vector_load %arg12[%get3A_384, %get3A_385] {strides = array<i32>} : memref<200x64xf32, #tpu.memory_space<vmem>>, vector<1x16xf32>,
        %get3A_387 = vector.shape_cast %get3A_386 : vector<1x16xf32> to vector<16xf32>
        %get3A_388 = arith.index_cast %add3A_383 : i32 to index
        %get3A_389 = arith.constant 32 : index
        %get3A_390 = tpu.vector_load %arg14[%get3A_388, %get3A_389] {strides = array<i32>} : memref<200x64xf32, #tpu.memory_space<vmem>>, vector<1x16xf32>,
        %get3A_391 = vector.shape_cast %get3A_390 : vector<1x16xf32> to vector<16xf32>
        %add3A_392 = arith.addf %get3A_387, %get3A_391 : vector<16xf32>
        %swap3A_393 = arith.index_cast %scan3A_183 : i32 to index
        %swap3A_394 = arith.constant 48 : index
        %swap3A_395 = tpu.vector_load %arg19[%swap3A_393, %swap3A_394] {strides = array<i32>} : memref<25x128xf32, #tpu.memory_space<vmem>>, vector<1x16xf32>,
        %swap3A_396 = vector.shape_cast %swap3A_395 : vector<1x16xf32> to vector<16xf32>
        %swap3A_397 = vector.shape_cast %add3A_392 : vector<16xf32> to vector<1x16xf32>
        tpu.vector_store %arg19[%swap3A_393, %swap3A_394], %swap3A_397 {strides = array<i32>} : memref<25x128xf32, #tpu.memory_space<vmem>>, vector<1x16xf32>,
        %mul3A_398 = arith.constant 8 : i32
        %mul3A_399 = arith.muli %scan3A_183, %mul3A_398 : i32
        %add3A_400 = arith.constant 4 : i32
        %add3A_401 = arith.addi %mul3A_399, %add3A_400 : i32
        %get3A_402 = arith.index_cast %add3A_401 : i32 to index
        %get3A_403 = arith.constant 0 : index
        %get3A_404 = tpu.vector_load %arg12[%get3A_402, %get3A_403] {strides = array<i32>} : memref<200x64xf32, #tpu.memory_space<vmem>>, vector<1x16xf32>,
        %get3A_405 = vector.shape_cast %get3A_404 : vector<1x16xf32> to vector<16xf32>
        %get3A_406 = arith.index_cast %add3A_401 : i32 to index
        %get3A_407 = arith.constant 0 : index
        %get3A_408 = tpu.vector_load %arg14[%get3A_406, %get3A_407] {strides = array<i32>} : memref<200x64xf32, #tpu.memory_space<vmem>>, vector<1x16xf32>,
        %get3A_409 = vector.shape_cast %get3A_408 : vector<1x16xf32> to vector<16xf32>
        %add3A_410 = arith.addf %get3A_405, %get3A_409 : vector<16xf32>
        %swap3A_411 = arith.index_cast %scan3A_183 : i32 to index
        %swap3A_412 = arith.constant 64 : index
        %swap3A_413 = tpu.vector_load %arg19[%swap3A_411, %swap3A_412] {strides = array<i32>} : memref<25x128xf32, #tpu.memory_space<vmem>>, vector<1x16xf32>,
        %swap3A_414 = vector.shape_cast %swap3A_413 : vector<1x16xf32> to vector<16xf32>
        %swap3A_415 = vector.shape_cast %add3A_410 : vector<16xf32> to vector<1x16xf32>
        tpu.vector_store %arg19[%swap3A_411, %swap3A_412], %swap3A_415 {strides = array<i32>} : memref<25x128xf32, #tpu.memory_space<vmem>>, vector<1x16xf32>,
        %mul3A_416 = arith.constant 8 : i32
        %mul3A_417 = arith.muli %scan3A_183, %mul3A_416 : i32
        %add3A_418 = arith.constant 4 : i32
        %add3A_419 = arith.addi %mul3A_417, %add3A_418 : i32
        %get3A_420 = arith.index_cast %add3A_419 : i32 to index
        %get3A_421 = arith.constant 16 : index
        %get3A_422 = tpu.vector_load %arg12[%get3A_420, %get3A_421] {strides = array<i32>} : memref<200x64xf32, #tpu.memory_space<vmem>>, vector<1x16xf32>,
        %get3A_423 = vector.shape_cast %get3A_422 : vector<1x16xf32> to vector<16xf32>
        %get3A_424 = arith.index_cast %add3A_419 : i32 to index
        %get3A_425 = arith.constant 16 : index
        %get3A_426 = tpu.vector_load %arg14[%get3A_424, %get3A_425] {strides = array<i32>} : memref<200x64xf32, #tpu.memory_space<vmem>>, vector<1x16xf32>,
        %get3A_427 = vector.shape_cast %get3A_426 : vector<1x16xf32> to vector<16xf32>
        %add3A_428 = arith.addf %get3A_423, %get3A_427 : vector<16xf32>
        %swap3A_429 = arith.index_cast %scan3A_183 : i32 to index
        %swap3A_430 = arith.constant 80 : index
        %swap3A_431 = tpu.vector_load %arg19[%swap3A_429, %swap3A_430] {strides = array<i32>} : memref<25x128xf32, #tpu.memory_space<vmem>>, vector<1x16xf32>,
        %swap3A_432 = vector.shape_cast %swap3A_431 : vector<1x16xf32> to vector<16xf32>
        %swap3A_433 = vector.shape_cast %add3A_428 : vector<16xf32> to vector<1x16xf32>
        tpu.vector_store %arg19[%swap3A_429, %swap3A_430], %swap3A_433 {strides = array<i32>} : memref<25x128xf32, #tpu.memory_space<vmem>>, vector<1x16xf32>,
        %mul3A_434 = arith.constant 8 : i32
        %mul3A_435 = arith.muli %scan3A_183, %mul3A_434 : i32
        %add3A_436 = arith.constant 4 : i32
        %add3A_437 = arith.addi %mul3A_435, %add3A_436 : i32
        %get3A_438 = arith.index_cast %add3A_437 : i32 to index
        %get3A_439 = arith.constant 32 : index
        %get3A_440 = tpu.vector_load %arg12[%get3A_438, %get3A_439] {strides = array<i32>} : memref<200x64xf32, #tpu.memory_space<vmem>>, vector<1x16xf32>,
        %get3A_441 = vector.shape_cast %get3A_440 : vector<1x16xf32> to vector<16xf32>
        %get3A_442 = arith.index_cast %add3A_437 : i32 to index
        %get3A_443 = arith.constant 32 : index
        %get3A_444 = tpu.vector_load %arg14[%get3A_442, %get3A_443] {strides = array<i32>} : memref<200x64xf32, #tpu.memory_space<vmem>>, vector<1x16xf32>,
        %get3A_445 = vector.shape_cast %get3A_444 : vector<1x16xf32> to vector<16xf32>
        %add3A_446 = arith.addf %get3A_441, %get3A_445 : vector<16xf32>
        %swap3A_447 = arith.index_cast %scan3A_183 : i32 to index
        %swap3A_448 = arith.constant 96 : index
        %swap3A_449 = tpu.vector_load %arg19[%swap3A_447, %swap3A_448] {strides = array<i32>} : memref<25x128xf32, #tpu.memory_space<vmem>>, vector<1x16xf32>,
        %swap3A_450 = vector.shape_cast %swap3A_449 : vector<1x16xf32> to vector<16xf32>
        %swap3A_451 = vector.shape_cast %add3A_446 : vector<16xf32> to vector<1x16xf32>
        tpu.vector_store %arg19[%swap3A_447, %swap3A_448], %swap3A_451 {strides = array<i32>} : memref<25x128xf32, #tpu.memory_space<vmem>>, vector<1x16xf32>,
        %mul3A_452 = arith.constant 8 : i32
        %mul3A_453 = arith.muli %scan3A_183, %mul3A_452 : i32
        %add3A_454 = arith.constant 5 : i32
        %add3A_455 = arith.addi %mul3A_453, %add3A_454 : i32
        %get3A_456 = arith.index_cast %add3A_455 : i32 to index
        %get3A_457 = arith.constant 0 : index
        %get3A_458 = tpu.vector_load %arg12[%get3A_456, %get3A_457] {strides = array<i32>} : memref<200x64xf32, #tpu.memory_space<vmem>>, vector<1x16xf32>,
        %get3A_459 = vector.shape_cast %get3A_458 : vector<1x16xf32> to vector<16xf32>
        %get3A_460 = arith.index_cast %add3A_455 : i32 to index
        %get3A_461 = arith.constant 0 : index
        %get3A_462 = tpu.vector_load %arg14[%get3A_460, %get3A_461] {strides = array<i32>} : memref<200x64xf32, #tpu.memory_space<vmem>>, vector<1x16xf32>,
        %get3A_463 = vector.shape_cast %get3A_462 : vector<1x16xf32> to vector<16xf32>
        %add3A_464 = arith.addf %get3A_459, %get3A_463 : vector<16xf32>
        %swap3A_465 = arith.index_cast %scan3A_183 : i32 to index
        %swap3A_466 = arith.constant 112 : index
        %swap3A_467 = tpu.vector_load %arg19[%swap3A_465, %swap3A_466] {strides = array<i32>} : memref<25x128xf32, #tpu.memory_space<vmem>>, vector<1x16xf32>,
        %swap3A_468 = vector.shape_cast %swap3A_467 : vector<1x16xf32> to vector<16xf32>
        %swap3A_469 = vector.shape_cast %add3A_464 : vector<16xf32> to vector<1x16xf32>
        tpu.vector_store %arg19[%swap3A_465, %swap3A_466], %swap3A_469 {strides = array<i32>} : memref<25x128xf32, #tpu.memory_space<vmem>>, vector<1x16xf32>,
        %mul3A_470 = arith.constant 8 : i32
        %mul3A_471 = arith.muli %scan3A_183, %mul3A_470 : i32
        %add3A_472 = arith.constant 5 : i32
        %add3A_473 = arith.addi %mul3A_471, %add3A_472 : i32
        %get3A_474 = arith.index_cast %add3A_473 : i32 to index
        %get3A_475 = arith.constant 16 : index
        %get3A_476 = tpu.vector_load %arg12[%get3A_474, %get3A_475] {strides = array<i32>} : memref<200x64xf32, #tpu.memory_space<vmem>>, vector<1x16xf32>,
        %get3A_477 = vector.shape_cast %get3A_476 : vector<1x16xf32> to vector<16xf32>
        %get3A_478 = arith.index_cast %add3A_473 : i32 to index
        %get3A_479 = arith.constant 16 : index
        %get3A_480 = tpu.vector_load %arg14[%get3A_478, %get3A_479] {strides = array<i32>} : memref<200x64xf32, #tpu.memory_space<vmem>>, vector<1x16xf32>,
        %get3A_481 = vector.shape_cast %get3A_480 : vector<1x16xf32> to vector<16xf32>
        %add3A_482 = arith.addf %get3A_477, %get3A_481 : vector<16xf32>
        %swap3A_483 = arith.index_cast %scan3A_183 : i32 to index
        %swap3A_484 = arith.constant 0 : index
        %swap3A_485 = tpu.vector_load %arg20[%swap3A_483, %swap3A_484] {strides = array<i32>} : memref<25x128xf32, #tpu.memory_space<vmem>>, vector<1x16xf32>,
        %swap3A_486 = vector.shape_cast %swap3A_485 : vector<1x16xf32> to vector<16xf32>
        %swap3A_487 = vector.shape_cast %add3A_482 : vector<16xf32> to vector<1x16xf32>
        tpu.vector_store %arg20[%swap3A_483, %swap3A_484], %swap3A_487 {strides = array<i32>} : memref<25x128xf32, #tpu.memory_space<vmem>>, vector<1x16xf32>,
        %mul3A_488 = arith.constant 8 : i32
        %mul3A_489 = arith.muli %scan3A_183, %mul3A_488 : i32
        %add3A_490 = arith.constant 5 : i32
        %add3A_491 = arith.addi %mul3A_489, %add3A_490 : i32
        %get3A_492 = arith.index_cast %add3A_491 : i32 to index
        %get3A_493 = arith.constant 32 : index
        %get3A_494 = tpu.vector_load %arg12[%get3A_492, %get3A_493] {strides = array<i32>} : memref<200x64xf32, #tpu.memory_space<vmem>>, vector<1x16xf32>,
        %get3A_495 = vector.shape_cast %get3A_494 : vector<1x16xf32> to vector<16xf32>
        %get3A_496 = arith.index_cast %add3A_491 : i32 to index
        %get3A_497 = arith.constant 32 : index
        %get3A_498 = tpu.vector_load %arg14[%get3A_496, %get3A_497] {strides = array<i32>} : memref<200x64xf32, #tpu.memory_space<vmem>>, vector<1x16xf32>,
        %get3A_499 = vector.shape_cast %get3A_498 : vector<1x16xf32> to vector<16xf32>
        %add3A_500 = arith.addf %get3A_495, %get3A_499 : vector<16xf32>
        %swap3A_501 = arith.index_cast %scan3A_183 : i32 to index
        %swap3A_502 = arith.constant 16 : index
        %swap3A_503 = tpu.vector_load %arg20[%swap3A_501, %swap3A_502] {strides = array<i32>} : memref<25x128xf32, #tpu.memory_space<vmem>>, vector<1x16xf32>,
        %swap3A_504 = vector.shape_cast %swap3A_503 : vector<1x16xf32> to vector<16xf32>
        %swap3A_505 = vector.shape_cast %add3A_500 : vector<16xf32> to vector<1x16xf32>
        tpu.vector_store %arg20[%swap3A_501, %swap3A_502], %swap3A_505 {strides = array<i32>} : memref<25x128xf32, #tpu.memory_space<vmem>>, vector<1x16xf32>,
        %mul3A_506 = arith.constant 8 : i32
        %mul3A_507 = arith.muli %scan3A_183, %mul3A_506 : i32
        %add3A_508 = arith.constant 6 : i32
        %add3A_509 = arith.addi %mul3A_507, %add3A_508 : i32
        %get3A_510 = arith.index_cast %add3A_509 : i32 to index
        %get3A_511 = arith.constant 0 : index
        %get3A_512 = tpu.vector_load %arg12[%get3A_510, %get3A_511] {strides = array<i32>} : memref<200x64xf32, #tpu.memory_space<vmem>>, vector<1x16xf32>,
        %get3A_513 = vector.shape_cast %get3A_512 : vector<1x16xf32> to vector<16xf32>
        %get3A_514 = arith.index_cast %add3A_509 : i32 to index
        %get3A_515 = arith.constant 0 : index
        %get3A_516 = tpu.vector_load %arg14[%get3A_514, %get3A_515] {strides = array<i32>} : memref<200x64xf32, #tpu.memory_space<vmem>>, vector<1x16xf32>,
        %get3A_517 = vector.shape_cast %get3A_516 : vector<1x16xf32> to vector<16xf32>
        %add3A_518 = arith.addf %get3A_513, %get3A_517 : vector<16xf32>
        %swap3A_519 = arith.index_cast %scan3A_183 : i32 to index
        %swap3A_520 = arith.constant 32 : index
        %swap3A_521 = tpu.vector_load %arg20[%swap3A_519, %swap3A_520] {strides = array<i32>} : memref<25x128xf32, #tpu.memory_space<vmem>>, vector<1x16xf32>,
        %swap3A_522 = vector.shape_cast %swap3A_521 : vector<1x16xf32> to vector<16xf32>
        %swap3A_523 = vector.shape_cast %add3A_518 : vector<16xf32> to vector<1x16xf32>
        tpu.vector_store %arg20[%swap3A_519, %swap3A_520], %swap3A_523 {strides = array<i32>} : memref<25x128xf32, #tpu.memory_space<vmem>>, vector<1x16xf32>,
        %mul3A_524 = arith.constant 8 : i32
        %mul3A_525 = arith.muli %scan3A_183, %mul3A_524 : i32
        %add3A_526 = arith.constant 6 : i32
        %add3A_527 = arith.addi %mul3A_525, %add3A_526 : i32
        %get3A_528 = arith.index_cast %add3A_527 : i32 to index
        %get3A_529 = arith.constant 16 : index
        %get3A_530 = tpu.vector_load %arg12[%get3A_528, %get3A_529] {strides = array<i32>} : memref<200x64xf32, #tpu.memory_space<vmem>>, vector<1x16xf32>,
        %get3A_531 = vector.shape_cast %get3A_530 : vector<1x16xf32> to vector<16xf32>
        %get3A_532 = arith.index_cast %add3A_527 : i32 to index
        %get3A_533 = arith.constant 16 : index
        %get3A_534 = tpu.vector_load %arg14[%get3A_532, %get3A_533] {strides = array<i32>} : memref<200x64xf32, #tpu.memory_space<vmem>>, vector<1x16xf32>,
        %get3A_535 = vector.shape_cast %get3A_534 : vector<1x16xf32> to vector<16xf32>
        %add3A_536 = arith.addf %get3A_531, %get3A_535 : vector<16xf32>
        %swap3A_537 = arith.index_cast %scan3A_183 : i32 to index
        %swap3A_538 = arith.constant 48 : index
        %swap3A_539 = tpu.vector_load %arg20[%swap3A_537, %swap3A_538] {strides = array<i32>} : memref<25x128xf32, #tpu.memory_space<vmem>>, vector<1x16xf32>,
        %swap3A_540 = vector.shape_cast %swap3A_539 : vector<1x16xf32> to vector<16xf32>
        %swap3A_541 = vector.shape_cast %add3A_536 : vector<16xf32> to vector<1x16xf32>
        tpu.vector_store %arg20[%swap3A_537, %swap3A_538], %swap3A_541 {strides = array<i32>} : memref<25x128xf32, #tpu.memory_space<vmem>>, vector<1x16xf32>,
        %mul3A_542 = arith.constant 8 : i32
        %mul3A_543 = arith.muli %scan3A_183, %mul3A_542 : i32
        %add3A_544 = arith.constant 6 : i32
        %add3A_545 = arith.addi %mul3A_543, %add3A_544 : i32
        %get3A_546 = arith.index_cast %add3A_545 : i32 to index
        %get3A_547 = arith.constant 32 : index
        %get3A_548 = tpu.vector_load %arg12[%get3A_546, %get3A_547] {strides = array<i32>} : memref<200x64xf32, #tpu.memory_space<vmem>>, vector<1x16xf32>,
        %get3A_549 = vector.shape_cast %get3A_548 : vector<1x16xf32> to vector<16xf32>
        %get3A_550 = arith.index_cast %add3A_545 : i32 to index
        %get3A_551 = arith.constant 32 : index
        %get3A_552 = tpu.vector_load %arg14[%get3A_550, %get3A_551] {strides = array<i32>} : memref<200x64xf32, #tpu.memory_space<vmem>>, vector<1x16xf32>,
        %get3A_553 = vector.shape_cast %get3A_552 : vector<1x16xf32> to vector<16xf32>
        %add3A_554 = arith.addf %get3A_549, %get3A_553 : vector<16xf32>
        %swap3A_555 = arith.index_cast %scan3A_183 : i32 to index
        %swap3A_556 = arith.constant 64 : index
        %swap3A_557 = tpu.vector_load %arg20[%swap3A_555, %swap3A_556] {strides = array<i32>} : memref<25x128xf32, #tpu.memory_space<vmem>>, vector<1x16xf32>,
        %swap3A_558 = vector.shape_cast %swap3A_557 : vector<1x16xf32> to vector<16xf32>
        %swap3A_559 = vector.shape_cast %add3A_554 : vector<16xf32> to vector<1x16xf32>
        tpu.vector_store %arg20[%swap3A_555, %swap3A_556], %swap3A_559 {strides = array<i32>} : memref<25x128xf32, #tpu.memory_space<vmem>>, vector<1x16xf32>,
        %mul3A_560 = arith.constant 8 : i32
        %mul3A_561 = arith.muli %scan3A_183, %mul3A_560 : i32
        %add3A_562 = arith.constant 7 : i32
        %add3A_563 = arith.addi %mul3A_561, %add3A_562 : i32
        %get3A_564 = arith.index_cast %add3A_563 : i32 to index
        %get3A_565 = arith.constant 0 : index
        %get3A_566 = tpu.vector_load %arg12[%get3A_564, %get3A_565] {strides = array<i32>} : memref<200x64xf32, #tpu.memory_space<vmem>>, vector<1x16xf32>,
        %get3A_567 = vector.shape_cast %get3A_566 : vector<1x16xf32> to vector<16xf32>
        %get3A_568 = arith.index_cast %add3A_563 : i32 to index
        %get3A_569 = arith.constant 0 : index
        %get3A_570 = tpu.vector_load %arg14[%get3A_568, %get3A_569] {strides = array<i32>} : memref<200x64xf32, #tpu.memory_space<vmem>>, vector<1x16xf32>,
        %get3A_571 = vector.shape_cast %get3A_570 : vector<1x16xf32> to vector<16xf32>
        %add3A_572 = arith.addf %get3A_567, %get3A_571 : vector<16xf32>
        %swap3A_573 = arith.index_cast %scan3A_183 : i32 to index
        %swap3A_574 = arith.constant 80 : index
        %swap3A_575 = tpu.vector_load %arg20[%swap3A_573, %swap3A_574] {strides = array<i32>} : memref<25x128xf32, #tpu.memory_space<vmem>>, vector<1x16xf32>,
        %swap3A_576 = vector.shape_cast %swap3A_575 : vector<1x16xf32> to vector<16xf32>
        %swap3A_577 = vector.shape_cast %add3A_572 : vector<16xf32> to vector<1x16xf32>
        tpu.vector_store %arg20[%swap3A_573, %swap3A_574], %swap3A_577 {strides = array<i32>} : memref<25x128xf32, #tpu.memory_space<vmem>>, vector<1x16xf32>,
        %mul3A_578 = arith.constant 8 : i32
        %mul3A_579 = arith.muli %scan3A_183, %mul3A_578 : i32
        %add3A_580 = arith.constant 7 : i32
        %add3A_581 = arith.addi %mul3A_579, %add3A_580 : i32
        %get3A_582 = arith.index_cast %add3A_581 : i32 to index
        %get3A_583 = arith.constant 16 : index
        %get3A_584 = tpu.vector_load %arg12[%get3A_582, %get3A_583] {strides = array<i32>} : memref<200x64xf32, #tpu.memory_space<vmem>>, vector<1x16xf32>,
        %get3A_585 = vector.shape_cast %get3A_584 : vector<1x16xf32> to vector<16xf32>
        %get3A_586 = arith.index_cast %add3A_581 : i32 to index
        %get3A_587 = arith.constant 16 : index
        %get3A_588 = tpu.vector_load %arg14[%get3A_586, %get3A_587] {strides = array<i32>} : memref<200x64xf32, #tpu.memory_space<vmem>>, vector<1x16xf32>,
        %get3A_589 = vector.shape_cast %get3A_588 : vector<1x16xf32> to vector<16xf32>
        %add3A_590 = arith.addf %get3A_585, %get3A_589 : vector<16xf32>
        %swap3A_591 = arith.index_cast %scan3A_183 : i32 to index
        %swap3A_592 = arith.constant 96 : index
        %swap3A_593 = tpu.vector_load %arg20[%swap3A_591, %swap3A_592] {strides = array<i32>} : memref<25x128xf32, #tpu.memory_space<vmem>>, vector<1x16xf32>,
        %swap3A_594 = vector.shape_cast %swap3A_593 : vector<1x16xf32> to vector<16xf32>
        %swap3A_595 = vector.shape_cast %add3A_590 : vector<16xf32> to vector<1x16xf32>
        tpu.vector_store %arg20[%swap3A_591, %swap3A_592], %swap3A_595 {strides = array<i32>} : memref<25x128xf32, #tpu.memory_space<vmem>>, vector<1x16xf32>,
        %mul3A_596 = arith.constant 8 : i32
        %mul3A_597 = arith.muli %scan3A_183, %mul3A_596 : i32
        %add3A_598 = arith.constant 7 : i32
        %add3A_599 = arith.addi %mul3A_597, %add3A_598 : i32
        %get3A_600 = arith.index_cast %add3A_599 : i32 to index
        %get3A_601 = arith.constant 32 : index
        %get3A_602 = tpu.vector_load %arg12[%get3A_600, %get3A_601] {strides = array<i32>} : memref<200x64xf32, #tpu.memory_space<vmem>>, vector<1x16xf32>,
        %get3A_603 = vector.shape_cast %get3A_602 : vector<1x16xf32> to vector<16xf32>
        %get3A_604 = arith.index_cast %add3A_599 : i32 to index
        %get3A_605 = arith.constant 32 : index
        %get3A_606 = tpu.vector_load %arg14[%get3A_604, %get3A_605] {strides = array<i32>} : memref<200x64xf32, #tpu.memory_space<vmem>>, vector<1x16xf32>,
        %get3A_607 = vector.shape_cast %get3A_606 : vector<1x16xf32> to vector<16xf32>
        %add3A_608 = arith.addf %get3A_603, %get3A_607 : vector<16xf32>
        %swap3A_609 = arith.index_cast %scan3A_183 : i32 to index
        %swap3A_610 = arith.constant 112 : index
        %swap3A_611 = tpu.vector_load %arg20[%swap3A_609, %swap3A_610] {strides = array<i32>} : memref<25x128xf32, #tpu.memory_space<vmem>>, vector<1x16xf32>,
        %swap3A_612 = vector.shape_cast %swap3A_611 : vector<1x16xf32> to vector<16xf32>
        %swap3A_613 = vector.shape_cast %add3A_608 : vector<16xf32> to vector<1x16xf32>
        tpu.vector_store %arg20[%swap3A_609, %swap3A_610], %swap3A_613 {strides = array<i32>} : memref<25x128xf32, #tpu.memory_space<vmem>>, vector<1x16xf32>,
      }
      %scan3A_136 = arith.constant 25 : i32
      %mul3A_137 = arith.constant 200 : i32
      %mul3A_138 = arith.muli %add3A_120, %mul3A_137 : i32
      %add3A_139 = arith.addi %mul3A_2, %mul3A_138 : i32
      %jit3A_140 = arith.constant 8 : i32
      %div3A_141 = arith.divsi %add3A_139, %jit3A_140 : i32
      %sign3A_142 = arith.constant 0 : i32
      %sign3A_143 = arith.cmpi sgt, %add3A_139, %sign3A_142 : i32
      %sign3A_144 = arith.extui %sign3A_143 : i1 to i32
      %sign3A_145 = arith.constant 0 : i32
      %sign3A_146 = arith.cmpi slt, %add3A_139, %sign3A_145 : i32
      %sign3A_147 = arith.extui %sign3A_146 : i1 to i32
      %sign3A_148 = arith.subi %sign3A_144, %sign3A_147 : i32
      %sign3A_149 = arith.constant 0 : i32
      %sign3A_150 = arith.cmpi sgt, %jit3A_140, %sign3A_149 : i32
      %sign3A_151 = arith.extui %sign3A_150 : i1 to i32
      %sign3A_152 = arith.constant 0 : i32
      %sign3A_153 = arith.cmpi slt, %jit3A_140, %sign3A_152 : i32
      %sign3A_154 = arith.extui %sign3A_153 : i1 to i32
      %sign3A_155 = arith.subi %sign3A_151, %sign3A_154 : i32
      %ne3A_156 = arith.cmpi ne, %sign3A_148, %sign3A_155 : i32
      %rem3A_157 = arith.remsi %add3A_139, %jit3A_140 : i32
      %ne3A_158 = arith.constant 0 : i32
      %ne3A_159 = arith.cmpi ne, %rem3A_157, %ne3A_158 : i32
      %and3A_160 = arith.andi %ne3A_156, %ne3A_159 : i1
      %sub3A_161 = arith.constant 1 : i32
      %sub3A_162 = arith.subi %div3A_141, %sub3A_161 : i32
      %select_n3A_163 = arith.select %and3A_160, %sub3A_162, %div3A_141 : i32
      %dma_start3A_164 = arith.constant 0 : i32
      %dma_start3A_165 = tpu.memref_slice %arg6[%select_n3A_163, %dma_start3A_164] : memref<40000x128xf32, #tpu.memory_space<hbm>> -> memref<25x128xf32, #tpu.memory_space<hbm>>
      %dma_start3A_166 = arith.constant 0 : i32
      %dma_start3A_167 = tpu.memref_slice %arg6[%select_n3A_163, %dma_start3A_166] : memref<40000x128xf32, #tpu.memory_space<hbm>> -> memref<25x128xf32, #tpu.memory_space<hbm>>
      tpu.enqueue_dma source(%arg18 : memref<25x128xf32, #tpu.memory_space<vmem>>) target(%dma_start3A_167 : memref<25x128xf32, #tpu.memory_space<hbm>>) target_semaphore(%arg24 : memref<!tpu.dma_semaphore, #tpu.memory_space<semaphore_mem>>)
      %dma_start3A_168 = arith.constant 0 : i32
      %dma_start3A_169 = tpu.memref_slice %arg7[%select_n3A_163, %dma_start3A_168] : memref<40000x128xf32, #tpu.memory_space<hbm>> -> memref<25x128xf32, #tpu.memory_space<hbm>>
      %dma_start3A_170 = arith.constant 0 : i32
      %dma_start3A_171 = tpu.memref_slice %arg7[%select_n3A_163, %dma_start3A_170] : memref<40000x128xf32, #tpu.memory_space<hbm>> -> memref<25x128xf32, #tpu.memory_space<hbm>>
      tpu.enqueue_dma source(%arg19 : memref<25x128xf32, #tpu.memory_space<vmem>>) target(%dma_start3A_171 : memref<25x128xf32, #tpu.memory_space<hbm>>) target_semaphore(%arg24 : memref<!tpu.dma_semaphore, #tpu.memory_space<semaphore_mem>>)
      %dma_start3A_172 = arith.constant 0 : i32
      %dma_start3A_173 = tpu.memref_slice %arg8[%select_n3A_163, %dma_start3A_172] : memref<40000x128xf32, #tpu.memory_space<hbm>> -> memref<25x128xf32, #tpu.memory_space<hbm>>
      %dma_start3A_174 = arith.constant 0 : i32
      %dma_start3A_175 = tpu.memref_slice %arg8[%select_n3A_163, %dma_start3A_174] : memref<40000x128xf32, #tpu.memory_space<hbm>> -> memref<25x128xf32, #tpu.memory_space<hbm>>
      tpu.enqueue_dma source(%arg20 : memref<25x128xf32, #tpu.memory_space<vmem>>) target(%dma_start3A_175 : memref<25x128xf32, #tpu.memory_space<hbm>>) target_semaphore(%arg24 : memref<!tpu.dma_semaphore, #tpu.memory_space<semaphore_mem>>)
      %add3A_176 = arith.constant 2 : i32
      %add3A_177 = arith.addi %add3A_120, %add3A_176 : i32
      %lt3A_178 = arith.constant 50 : i32
      %lt3A_179 = arith.cmpi slt, %add3A_177, %lt3A_178 : i32
      %convert_element_type3A_180 = arith.extui %lt3A_179 : i1 to i32
      %cond3A_181 = arith.constant 0 : i32
      %cond3A_182 = arith.cmpi ne, %convert_element_type3A_180, %cond3A_181 : i32
      scf.if %cond3A_182 {
        %dma_wait3A_183 = arith.constant 0 : i32
        %dma_wait3A_184 = arith.constant 0 : i32
        %dma_wait3A_185 = tpu.memref_slice %arg6[%dma_wait3A_183, %dma_wait3A_184] : memref<40000x128xf32, #tpu.memory_space<hbm>> -> memref<25x128xf32, #tpu.memory_space<hbm>>
        %dma_wait3A_186 = arith.constant 0 : i32
        %dma_wait3A_187 = arith.constant 0 : i32
        %dma_wait3A_188 = tpu.memref_slice %arg6[%dma_wait3A_186, %dma_wait3A_187] : memref<40000x128xf32, #tpu.memory_space<hbm>> -> memref<25x128xf32, #tpu.memory_space<hbm>>
        tpu.wait_dma2 semaphore(%arg24 : memref<!tpu.dma_semaphore, #tpu.memory_space<semaphore_mem>>) src(%arg18 : memref<25x128xf32, #tpu.memory_space<vmem>>) dst(%dma_wait3A_188 : memref<25x128xf32, #tpu.memory_space<hbm>>)
        %dma_wait3A_189 = arith.constant 0 : i32
        %dma_wait3A_190 = arith.constant 0 : i32
        %dma_wait3A_191 = tpu.memref_slice %arg7[%dma_wait3A_189, %dma_wait3A_190] : memref<40000x128xf32, #tpu.memory_space<hbm>> -> memref<25x128xf32, #tpu.memory_space<hbm>>
        %dma_wait3A_192 = arith.constant 0 : i32
        %dma_wait3A_193 = arith.constant 0 : i32
        %dma_wait3A_194 = tpu.memref_slice %arg7[%dma_wait3A_192, %dma_wait3A_193] : memref<40000x128xf32, #tpu.memory_space<hbm>> -> memref<25x128xf32, #tpu.memory_space<hbm>>
        tpu.wait_dma2 semaphore(%arg24 : memref<!tpu.dma_semaphore, #tpu.memory_space<semaphore_mem>>) src(%arg19 : memref<25x128xf32, #tpu.memory_space<vmem>>) dst(%dma_wait3A_194 : memref<25x128xf32, #tpu.memory_space<hbm>>)
        %dma_wait3A_195 = arith.constant 0 : i32
        %dma_wait3A_196 = arith.constant 0 : i32
        %dma_wait3A_197 = tpu.memref_slice %arg8[%dma_wait3A_195, %dma_wait3A_196] : memref<40000x128xf32, #tpu.memory_space<hbm>> -> memref<25x128xf32, #tpu.memory_space<hbm>>
        %dma_wait3A_198 = arith.constant 0 : i32
        %dma_wait3A_199 = arith.constant 0 : i32
        %dma_wait3A_200 = tpu.memref_slice %arg8[%dma_wait3A_198, %dma_wait3A_199] : memref<40000x128xf32, #tpu.memory_space<hbm>> -> memref<25x128xf32, #tpu.memory_space<hbm>>
        tpu.wait_dma2 semaphore(%arg24 : memref<!tpu.dma_semaphore, #tpu.memory_space<semaphore_mem>>) src(%arg20 : memref<25x128xf32, #tpu.memory_space<vmem>>) dst(%dma_wait3A_200 : memref<25x128xf32, #tpu.memory_space<hbm>>)
        %add3A_201 = arith.constant 2 : i32
        %add3A_202 = arith.addi %add3A_120, %add3A_201 : i32
        %mul3A_203 = arith.constant 200 : i32
        %mul3A_204 = arith.muli %add3A_202, %mul3A_203 : i32
        %multiple_of3A_205 = tpu.assume_multiple %mul3A_204, 8 : i32
        %dma_start3A_206 = tpu.memref_slice %arg9[%multiple_of3A_205] : memref<10000xi32, #tpu.memory_space<vmem>> -> memref<200xi32, #tpu.memory_space<vmem>>
        %dma_start3A_207 = arith.constant 0 : i32
        %dma_start3A_208 = arith.constant 0 : i32
        %dma_start3A_209 = tpu.memref_slice %arg2[%dma_start3A_207, %dma_start3A_208] : memref<20000x64xf32, #tpu.memory_space<hbm>> -> memref<20000x64xf32, #tpu.memory_space<hbm>>
        tpu.enqueue_indirect_dma source(%dma_start3A_209 : memref<20000x64xf32, #tpu.memory_space<hbm>>) target(%arg12 : memref<200x64xf32, #tpu.memory_space<vmem>>) offsets(%dma_start3A_206 : memref<200xi32, #tpu.memory_space<vmem>>) semaphore(%arg22 : memref<!tpu.dma_semaphore, #tpu.memory_space<semaphore_mem>>)
        %dma_start3A_210 = tpu.memref_slice %arg10[%multiple_of3A_205] : memref<10000xi32, #tpu.memory_space<vmem>> -> memref<200xi32, #tpu.memory_space<vmem>>
        %dma_start3A_211 = arith.constant 0 : i32
        %dma_start3A_212 = arith.constant 0 : i32
        %dma_start3A_213 = tpu.memref_slice %arg3[%dma_start3A_211, %dma_start3A_212] : memref<20000x64xf32, #tpu.memory_space<hbm>> -> memref<20000x64xf32, #tpu.memory_space<hbm>>
        tpu.enqueue_indirect_dma source(%dma_start3A_213 : memref<20000x64xf32, #tpu.memory_space<hbm>>) target(%arg14 : memref<200x64xf32, #tpu.memory_space<vmem>>) offsets(%dma_start3A_210 : memref<200xi32, #tpu.memory_space<vmem>>) semaphore(%arg22 : memref<!tpu.dma_semaphore, #tpu.memory_space<semaphore_mem>>)
      } else {
      }
    }
    %scan3A_25 = arith.constant 25 : i32
    %dma_wait3A = arith.constant 0 : i32
    %dma_wait3A_26 = arith.constant 0 : i32
    %dma_wait3A_27 = tpu.memref_slice %arg6[%dma_wait3A, %dma_wait3A_26] : memref<40000x128xf32, #tpu.memory_space<hbm>> -> memref<25x128xf32, #tpu.memory_space<hbm>>
    %dma_wait3A_28 = arith.constant 0 : i32
    %dma_wait3A_29 = arith.constant 0 : i32
    %dma_wait3A_30 = tpu.memref_slice %arg6[%dma_wait3A_28, %dma_wait3A_29] : memref<40000x128xf32, #tpu.memory_space<hbm>> -> memref<25x128xf32, #tpu.memory_space<hbm>>
    tpu.wait_dma2 semaphore(%arg23 : memref<!tpu.dma_semaphore, #tpu.memory_space<semaphore_mem>>) src(%arg15 : memref<25x128xf32, #tpu.memory_space<vmem>>) dst(%dma_wait3A_30 : memref<25x128xf32, #tpu.memory_space<hbm>>)
    %dma_wait3A_31 = arith.constant 0 : i32
    %dma_wait3A_32 = arith.constant 0 : i32
    %dma_wait3A_33 = tpu.memref_slice %arg7[%dma_wait3A_31, %dma_wait3A_32] : memref<40000x128xf32, #tpu.memory_space<hbm>> -> memref<25x128xf32, #tpu.memory_space<hbm>>
    %dma_wait3A_34 = arith.constant 0 : i32
    %dma_wait3A_35 = arith.constant 0 : i32
    %dma_wait3A_36 = tpu.memref_slice %arg7[%dma_wait3A_34, %dma_wait3A_35] : memref<40000x128xf32, #tpu.memory_space<hbm>> -> memref<25x128xf32, #tpu.memory_space<hbm>>
    tpu.wait_dma2 semaphore(%arg23 : memref<!tpu.dma_semaphore, #tpu.memory_space<semaphore_mem>>) src(%arg16 : memref<25x128xf32, #tpu.memory_space<vmem>>) dst(%dma_wait3A_36 : memref<25x128xf32, #tpu.memory_space<hbm>>)
    %dma_wait3A_37 = arith.constant 0 : i32
    %dma_wait3A_38 = arith.constant 0 : i32
    %dma_wait3A_39 = tpu.memref_slice %arg8[%dma_wait3A_37, %dma_wait3A_38] : memref<40000x128xf32, #tpu.memory_space<hbm>> -> memref<25x128xf32, #tpu.memory_space<hbm>>
    %dma_wait3A_40 = arith.constant 0 : i32
    %dma_wait3A_41 = arith.constant 0 : i32
    %dma_wait3A_42 = tpu.memref_slice %arg8[%dma_wait3A_40, %dma_wait3A_41] : memref<40000x128xf32, #tpu.memory_space<hbm>> -> memref<25x128xf32, #tpu.memory_space<hbm>>
    tpu.wait_dma2 semaphore(%arg23 : memref<!tpu.dma_semaphore, #tpu.memory_space<semaphore_mem>>) src(%arg17 : memref<25x128xf32, #tpu.memory_space<vmem>>) dst(%dma_wait3A_42 : memref<25x128xf32, #tpu.memory_space<hbm>>)
    %dma_wait3A_43 = arith.constant 0 : i32
    %dma_wait3A_44 = arith.constant 0 : i32
    %dma_wait3A_45 = tpu.memref_slice %arg6[%dma_wait3A_43, %dma_wait3A_44] : memref<40000x128xf32, #tpu.memory_space<hbm>> -> memref<25x128xf32, #tpu.memory_space<hbm>>
    %dma_wait3A_46 = arith.constant 0 : i32
    %dma_wait3A_47 = arith.constant 0 : i32
    %dma_wait3A_48 = tpu.memref_slice %arg6[%dma_wait3A_46, %dma_wait3A_47] : memref<40000x128xf32, #tpu.memory_space<hbm>> -> memref<25x128xf32, #tpu.memory_space<hbm>>
    tpu.wait_dma2 semaphore(%arg24 : memref<!tpu.dma_semaphore, #tpu.memory_space<semaphore_mem>>) src(%arg18 : memref<25x128xf32, #tpu.memory_space<vmem>>) dst(%dma_wait3A_48 : memref<25x128xf32, #tpu.memory_space<hbm>>)
    %dma_wait3A_49 = arith.constant 0 : i32
    %dma_wait3A_50 = arith.constant 0 : i32
    %dma_wait3A_51 = tpu.memref_slice %arg7[%dma_wait3A_49, %dma_wait3A_50] : memref<40000x128xf32, #tpu.memory_space<hbm>> -> memref<25x128xf32, #tpu.memory_space<hbm>>
    %dma_wait3A_52 = arith.constant 0 : i32
    %dma_wait3A_53 = arith.constant 0 : i32
    %dma_wait3A_54 = tpu.memref_slice %arg7[%dma_wait3A_52, %dma_wait3A_53] : memref<40000x128xf32, #tpu.memory_space<hbm>> -> memref<25x128xf32, #tpu.memory_space<hbm>>
    tpu.wait_dma2 semaphore(%arg24 : memref<!tpu.dma_semaphore, #tpu.memory_space<semaphore_mem>>) src(%arg19 : memref<25x128xf32, #tpu.memory_space<vmem>>) dst(%dma_wait3A_54 : memref<25x128xf32, #tpu.memory_space<hbm>>)
    %dma_wait3A_55 = arith.constant 0 : i32
    %dma_wait3A_56 = arith.constant 0 : i32
    %dma_wait3A_57 = tpu.memref_slice %arg8[%dma_wait3A_55, %dma_wait3A_56] : memref<40000x128xf32, #tpu.memory_space<hbm>> -> memref<25x128xf32, #tpu.memory_space<hbm>>
    %dma_wait3A_58 = arith.constant 0 : i32
    %dma_wait3A_59 = arith.constant 0 : i32
    %dma_wait3A_60 = tpu.memref_slice %arg8[%dma_wait3A_58, %dma_wait3A_59] : memref<40000x128xf32, #tpu.memory_space<hbm>> -> memref<25x128xf32, #tpu.memory_space<hbm>>
    tpu.wait_dma2 semaphore(%arg24 : memref<!tpu.dma_semaphore, #tpu.memory_space<semaphore_mem>>) src(%arg20 : memref<25x128xf32, #tpu.memory_space<vmem>>) dst(%dma_wait3A_60 : memref<25x128xf32, #tpu.memory_space<hbm>>)
    return
  }
}

#map = affine_map<(d0, d1) -> (0, 0)>
#map1 = affine_map<(d0, d1) -> (0)>
module attributes {stable_mosaic.version = 14 : i64} {
  func.func @k(%arg0: i32, %arg1: i32, %arg2: memref<20000x64xf32, #tpu.memory_space<hbm>>, %arg3: memref<20000x64xf32, #tpu.memory_space<hbm>>, %arg4: memref<320000xi32, #tpu.memory_space<hbm>>, %arg5: memref<320000xi32, #tpu.memory_space<hbm>>, %arg6: memref<40000x128xf32, #tpu.memory_space<hbm>>, %arg7: memref<40000x128xf32, #tpu.memory_space<hbm>>, %arg8: memref<40000x128xf32, #tpu.memory_space<hbm>>, %arg9: memref<10000xi32, #tpu.memory_space<vmem>>, %arg10: memref<10000xi32, #tpu.memory_space<vmem>>, %arg11: memref<200x64xf32, #tpu.memory_space<vmem>>, %arg12: memref<200x64xf32, #tpu.memory_space<vmem>>, %arg13: memref<200x64xf32, #tpu.memory_space<vmem>>, %arg14: memref<200x64xf32, #tpu.memory_space<vmem>>, %arg15: memref<25x128xf32, #tpu.memory_space<vmem>>, %arg16: memref<25x128xf32, #tpu.memory_space<vmem>>, %arg17: memref<25x128xf32, #tpu.memory_space<vmem>>, %arg18: memref<25x128xf32, #tpu.memory_space<vmem>>, %arg19: memref<25x128xf32, #tpu.memory_space<vmem>>, %arg20: memref<25x128xf32, #tpu.memory_space<vmem>>, %arg21: memref<!tpu.dma_semaphore, #tpu.memory_space<semaphore_mem>>, %arg22: memref<!tpu.dma_semaphore, #tpu.memory_space<semaphore_mem>>, %arg23: memref<!tpu.dma_semaphore, #tpu.memory_space<semaphore_mem>>, %arg24: memref<!tpu.dma_semaphore, #tpu.memory_space<semaphore_mem>>) attributes {dimension_semantics = [#tpu.dimension_semantics<core_parallel>, #tpu.dimension_semantics<subcore_parallel>], iteration_bounds = array<i64: 2, 16>, scalar_prefetch = 0 : i64, scratch_operands = 16 : i64, tpu.core_type = #tpu.core_type<sc_vector_subcore>, window_params = [{transform_indices = #map}, {transform_indices = #map}, {transform_indices = #map1}, {transform_indices = #map1}, {transform_indices = #map}, {transform_indices = #map}, {transform_indices = #map}]} {
    %mul3A = arith.constant 2 : i32
    %mul3A_0 = arith.muli %arg1, %mul3A : i32
    %add3A = arith.addi %mul3A_0, %arg0 : i32
    %mul3A_1 = arith.constant 10000 : i32
    %mul3A_2 = arith.muli %add3A, %mul3A_1 : i32
    "tpu.region"() ({
      %run_scoped3A = tpu.sem_alloc : memref<!tpu.dma_semaphore, #tpu.memory_space<semaphore_mem>>
      %dma_start3A_61 = tpu.memref_slice %arg4[%mul3A_2] : memref<320000xi32, #tpu.memory_space<hbm>> -> memref<10000xi32, #tpu.memory_space<hbm>>
      %dma_start3A_62 = tpu.memref_slice %arg4[%mul3A_2] : memref<320000xi32, #tpu.memory_space<hbm>> -> memref<10000xi32, #tpu.memory_space<hbm>>
      tpu.enqueue_dma source(%dma_start3A_62 : memref<10000xi32, #tpu.memory_space<hbm>>) target(%arg9 : memref<10000xi32, #tpu.memory_space<vmem>>) target_semaphore(%run_scoped3A : memref<!tpu.dma_semaphore, #tpu.memory_space<semaphore_mem>>)
      %dma_wait3A_63 = tpu.memref_slice %arg4[%mul3A_2] : memref<320000xi32, #tpu.memory_space<hbm>> -> memref<10000xi32, #tpu.memory_space<hbm>>
      %dma_wait3A_64 = tpu.memref_slice %arg4[%mul3A_2] : memref<320000xi32, #tpu.memory_space<hbm>> -> memref<10000xi32, #tpu.memory_space<hbm>>
      tpu.wait_dma2 semaphore(%run_scoped3A : memref<!tpu.dma_semaphore, #tpu.memory_space<semaphore_mem>>) src(%dma_wait3A_64 : memref<10000xi32, #tpu.memory_space<hbm>>) dst(%arg9 : memref<10000xi32, #tpu.memory_space<vmem>>)
      tpu.yield
    }) : () -> ()
    "tpu.region"() ({
      %run_scoped3A = tpu.sem_alloc : memref<!tpu.dma_semaphore, #tpu.memory_space<semaphore_mem>>
      %dma_start3A_61 = tpu.memref_slice %arg5[%mul3A_2] : memref<320000xi32, #tpu.memory_space<hbm>> -> memref<10000xi32, #tpu.memory_space<hbm>>
      %dma_start3A_62 = tpu.memref_slice %arg5[%mul3A_2] : memref<320000xi32, #tpu.memory_space<hbm>> -> memref<10000xi32, #tpu.memory_space<hbm>>
      tpu.enqueue_dma source(%dma_start3A_62 : memref<10000xi32, #tpu.memory_space<hbm>>) target(%arg10 : memref<10000xi32, #tpu.memory_space<vmem>>) target_semaphore(%run_scoped3A : memref<!tpu.dma_semaphore, #tpu.memory_space<semaphore_mem>>)
      %dma_wait3A_63 = tpu.memref_slice %arg5[%mul3A_2] : memref<320000xi32, #tpu.memory_space<hbm>> -> memref<10000xi32, #tpu.memory_space<hbm>>
      %dma_wait3A_64 = tpu.memref_slice %arg5[%mul3A_2] : memref<320000xi32, #tpu.memory_space<hbm>> -> memref<10000xi32, #tpu.memory_space<hbm>>
      tpu.wait_dma2 semaphore(%run_scoped3A : memref<!tpu.dma_semaphore, #tpu.memory_space<semaphore_mem>>) src(%dma_wait3A_64 : memref<10000xi32, #tpu.memory_space<hbm>>) dst(%arg10 : memref<10000xi32, #tpu.memory_space<vmem>>)
      tpu.yield
    }) : () -> ()
    %multiple_of3A = arith.constant 0 : i32
    %multiple_of3A_3 = tpu.assume_multiple %multiple_of3A, 8 : i32
    %dma_start3A = tpu.memref_slice %arg9[%multiple_of3A_3] : memref<10000xi32, #tpu.memory_space<vmem>> -> memref<200xi32, #tpu.memory_space<vmem>>
    %dma_start3A_4 = arith.constant 0 : i32
    %dma_start3A_5 = arith.constant 0 : i32
    %dma_start3A_6 = tpu.memref_slice %arg2[%dma_start3A_4, %dma_start3A_5] : memref<20000x64xf32, #tpu.memory_space<hbm>> -> memref<20000x64xf32, #tpu.memory_space<hbm>>
    tpu.enqueue_indirect_dma source(%dma_start3A_6 : memref<20000x64xf32, #tpu.memory_space<hbm>>) target(%arg11 : memref<200x64xf32, #tpu.memory_space<vmem>>) offsets(%dma_start3A : memref<200xi32, #tpu.memory_space<vmem>>) semaphore(%arg21 : memref<!tpu.dma_semaphore, #tpu.memory_space<semaphore_mem>>)
    %dma_start3A_7 = tpu.memref_slice %arg10[%multiple_of3A_3] : memref<10000xi32, #tpu.memory_space<vmem>> -> memref<200xi32, #tpu.memory_space<vmem>>
    %dma_start3A_8 = arith.constant 0 : i32
    %dma_start3A_9 = arith.constant 0 : i32
    %dma_start3A_10 = tpu.memref_slice %arg3[%dma_start3A_8, %dma_start3A_9] : memref<20000x64xf32, #tpu.memory_space<hbm>> -> memref<20000x64xf32, #tpu.memory_space<hbm>>
    tpu.enqueue_indirect_dma source(%dma_start3A_10 : memref<20000x64xf32, #tpu.memory_space<hbm>>) target(%arg13 : memref<200x64xf32, #tpu.memory_space<vmem>>) offsets(%dma_start3A_7 : memref<200xi32, #tpu.memory_space<vmem>>) semaphore(%arg21 : memref<!tpu.dma_semaphore, #tpu.memory_space<semaphore_mem>>)
    %multiple_of3A_11 = arith.constant 200 : i32
    %multiple_of3A_12 = tpu.assume_multiple %multiple_of3A_11, 8 : i32
    %dma_start3A_13 = tpu.memref_slice %arg9[%multiple_of3A_12] : memref<10000xi32, #tpu.memory_space<vmem>> -> memref<200xi32, #tpu.memory_space<vmem>>
    %dma_start3A_14 = arith.constant 0 : i32
    %dma_start3A_15 = arith.constant 0 : i32
    %dma_start3A_16 = tpu.memref_slice %arg2[%dma_start3A_14, %dma_start3A_15] : memref<20000x64xf32, #tpu.memory_space<hbm>> -> memref<20000x64xf32, #tpu.memory_space<hbm>>
    tpu.enqueue_indirect_dma source(%dma_start3A_16 : memref<20000x64xf32, #tpu.memory_space<hbm>>) target(%arg12 : memref<200x64xf32, #tpu.memory_space<vmem>>) offsets(%dma_start3A_13 : memref<200xi32, #tpu.memory_space<vmem>>) semaphore(%arg22 : memref<!tpu.dma_semaphore, #tpu.memory_space<semaphore_mem>>)
    %dma_start3A_17 = tpu.memref_slice %arg10[%multiple_of3A_12] : memref<10000xi32, #tpu.memory_space<vmem>> -> memref<200xi32, #tpu.memory_space<vmem>>
    %dma_start3A_18 = arith.constant 0 : i32
    %dma_start3A_19 = arith.constant 0 : i32
    %dma_start3A_20 = tpu.memref_slice %arg3[%dma_start3A_18, %dma_start3A_19] : memref<20000x64xf32, #tpu.memory_space<hbm>> -> memref<20000x64xf32, #tpu.memory_space<hbm>>
    tpu.enqueue_indirect_dma source(%dma_start3A_20 : memref<20000x64xf32, #tpu.memory_space<hbm>>) target(%arg14 : memref<200x64xf32, #tpu.memory_space<vmem>>) offsets(%dma_start3A_17 : memref<200xi32, #tpu.memory_space<vmem>>) semaphore(%arg22 : memref<!tpu.dma_semaphore, #tpu.memory_space<semaphore_mem>>)
    %scan3A = arith.constant 0 : i32
    %scan3A_21 = arith.constant 0 : i32
    %scan3A_22 = arith.constant 25 : i32
    %scan3A_23 = arith.addi %scan3A_21, %scan3A_22 : i32
    %scan3A_24 = arith.constant 1 : i32
    scf.for %scan3A_61 = %scan3A_21 to %scan3A_23 step %scan3A_24  : i32 {
      %mul3A_62 = arith.constant 2 : i32
      %mul3A_63 = arith.muli %scan3A_61, %mul3A_62 : i32
      %add3A_64 = arith.constant 0 : i32
      %add3A_65 = arith.addi %mul3A_63, %add3A_64 : i32
      %dma_wait3A_66 = arith.constant 0 : i32
      %dma_wait3A_67 = tpu.memref_slice %arg9[%dma_wait3A_66] : memref<10000xi32, #tpu.memory_space<vmem>> -> memref<200xi32, #tpu.memory_space<vmem>>
      %dma_wait3A_68 = arith.constant 0 : i32
      %dma_wait3A_69 = arith.constant 0 : i32
      %dma_wait3A_70 = tpu.memref_slice %arg2[%dma_wait3A_68, %dma_wait3A_69] : memref<20000x64xf32, #tpu.memory_space<hbm>> -> memref<20000x64xf32, #tpu.memory_space<hbm>>
      tpu.wait_indirect_dma semaphore(%arg21 : memref<!tpu.dma_semaphore, #tpu.memory_space<semaphore_mem>>) src(%dma_wait3A_70 : memref<20000x64xf32, #tpu.memory_space<hbm>>) dst(%arg11 : memref<200x64xf32, #tpu.memory_space<vmem>>)
      %dma_wait3A_71 = arith.constant 0 : i32
      %dma_wait3A_72 = tpu.memref_slice %arg9[%dma_wait3A_71] : memref<10000xi32, #tpu.memory_space<vmem>> -> memref<200xi32, #tpu.memory_space<vmem>>
      %dma_wait3A_73 = arith.constant 0 : i32
      %dma_wait3A_74 = arith.constant 0 : i32
      %dma_wait3A_75 = tpu.memref_slice %arg2[%dma_wait3A_73, %dma_wait3A_74] : memref<20000x64xf32, #tpu.memory_space<hbm>> -> memref<20000x64xf32, #tpu.memory_space<hbm>>
      tpu.wait_indirect_dma semaphore(%arg21 : memref<!tpu.dma_semaphore, #tpu.memory_space<semaphore_mem>>) src(%dma_wait3A_75 : memref<20000x64xf32, #tpu.memory_space<hbm>>) dst(%arg11 : memref<200x64xf32, #tpu.memory_space<vmem>>)
      %scan3A_76 = arith.constant 0 : i32
      %scan3A_77 = arith.constant 0 : i32
      %scan3A_78 = arith.constant 25 : i32
      %scan3A_79 = arith.addi %scan3A_77, %scan3A_78 : i32
      %scan3A_80 = arith.constant 1 : i32
      scf.for %scan3A_183 = %scan3A_77 to %scan3A_79 step %scan3A_80  : i32 {
        %mul3A_184 = arith.constant 8 : i32
        %mul3A_185 = arith.muli %scan3A_183, %mul3A_184 : i32
        %add3A_186 = arith.constant 0 : i32
        %add3A_187 = arith.addi %mul3A_185, %add3A_186 : i32
        %get3A = arith.index_cast %add3A_187 : i32 to index
        %get3A_188 = arith.constant 0 : index
        %get3A_189 = tpu.vector_load %arg11[%get3A, %get3A_188] {strides = array<i32>} : memref<200x64xf32, #tpu.memory_space<vmem>>, vector<1x16xf32>,
        %get3A_190 = vector.shape_cast %get3A_189 : vector<1x16xf32> to vector<16xf32>
        %get3A_191 = arith.index_cast %add3A_187 : i32 to index
        %get3A_192 = arith.constant 0 : index
        %get3A_193 = tpu.vector_load %arg13[%get3A_191, %get3A_192] {strides = array<i32>} : memref<200x64xf32, #tpu.memory_space<vmem>>, vector<1x16xf32>,
        %get3A_194 = vector.shape_cast %get3A_193 : vector<1x16xf32> to vector<16xf32>
        %add3A_195 = arith.addf %get3A_190, %get3A_194 : vector<16xf32>
        %swap3A = arith.index_cast %scan3A_183 : i32 to index
        %swap3A_196 = arith.constant 0 : index
        %swap3A_197 = tpu.vector_load %arg15[%swap3A, %swap3A_196] {strides = array<i32>} : memref<25x128xf32, #tpu.memory_space<vmem>>, vector<1x16xf32>,
        %swap3A_198 = vector.shape_cast %swap3A_197 : vector<1x16xf32> to vector<16xf32>
        %swap3A_199 = vector.shape_cast %add3A_195 : vector<16xf32> to vector<1x16xf32>
        tpu.vector_store %arg15[%swap3A, %swap3A_196], %swap3A_199 {strides = array<i32>} : memref<25x128xf32, #tpu.memory_space<vmem>>, vector<1x16xf32>,
        %mul3A_200 = arith.constant 8 : i32
        %mul3A_201 = arith.muli %scan3A_183, %mul3A_200 : i32
        %add3A_202 = arith.constant 0 : i32
        %add3A_203 = arith.addi %mul3A_201, %add3A_202 : i32
        %get3A_204 = arith.index_cast %add3A_203 : i32 to index
        %get3A_205 = arith.constant 16 : index
        %get3A_206 = tpu.vector_load %arg11[%get3A_204, %get3A_205] {strides = array<i32>} : memref<200x64xf32, #tpu.memory_space<vmem>>, vector<1x16xf32>,
        %get3A_207 = vector.shape_cast %get3A_206 : vector<1x16xf32> to vector<16xf32>
        %get3A_208 = arith.index_cast %add3A_203 : i32 to index
        %get3A_209 = arith.constant 16 : index
        %get3A_210 = tpu.vector_load %arg13[%get3A_208, %get3A_209] {strides = array<i32>} : memref<200x64xf32, #tpu.memory_space<vmem>>, vector<1x16xf32>,
        %get3A_211 = vector.shape_cast %get3A_210 : vector<1x16xf32> to vector<16xf32>
        %add3A_212 = arith.addf %get3A_207, %get3A_211 : vector<16xf32>
        %swap3A_213 = arith.index_cast %scan3A_183 : i32 to index
        %swap3A_214 = arith.constant 16 : index
        %swap3A_215 = tpu.vector_load %arg15[%swap3A_213, %swap3A_214] {strides = array<i32>} : memref<25x128xf32, #tpu.memory_space<vmem>>, vector<1x16xf32>,
        %swap3A_216 = vector.shape_cast %swap3A_215 : vector<1x16xf32> to vector<16xf32>
        %swap3A_217 = vector.shape_cast %add3A_212 : vector<16xf32> to vector<1x16xf32>
        tpu.vector_store %arg15[%swap3A_213, %swap3A_214], %swap3A_217 {strides = array<i32>} : memref<25x128xf32, #tpu.memory_space<vmem>>, vector<1x16xf32>,
        %mul3A_218 = arith.constant 8 : i32
        %mul3A_219 = arith.muli %scan3A_183, %mul3A_218 : i32
        %add3A_220 = arith.constant 0 : i32
        %add3A_221 = arith.addi %mul3A_219, %add3A_220 : i32
        %get3A_222 = arith.index_cast %add3A_221 : i32 to index
        %get3A_223 = arith.constant 32 : index
        %get3A_224 = tpu.vector_load %arg11[%get3A_222, %get3A_223] {strides = array<i32>} : memref<200x64xf32, #tpu.memory_space<vmem>>, vector<1x16xf32>,
        %get3A_225 = vector.shape_cast %get3A_224 : vector<1x16xf32> to vector<16xf32>
        %get3A_226 = arith.index_cast %add3A_221 : i32 to index
        %get3A_227 = arith.constant 32 : index
        %get3A_228 = tpu.vector_load %arg13[%get3A_226, %get3A_227] {strides = array<i32>} : memref<200x64xf32, #tpu.memory_space<vmem>>, vector<1x16xf32>,
        %get3A_229 = vector.shape_cast %get3A_228 : vector<1x16xf32> to vector<16xf32>
        %add3A_230 = arith.addf %get3A_225, %get3A_229 : vector<16xf32>
        %swap3A_231 = arith.index_cast %scan3A_183 : i32 to index
        %swap3A_232 = arith.constant 32 : index
        %swap3A_233 = tpu.vector_load %arg15[%swap3A_231, %swap3A_232] {strides = array<i32>} : memref<25x128xf32, #tpu.memory_space<vmem>>, vector<1x16xf32>,
        %swap3A_234 = vector.shape_cast %swap3A_233 : vector<1x16xf32> to vector<16xf32>
        %swap3A_235 = vector.shape_cast %add3A_230 : vector<16xf32> to vector<1x16xf32>
        tpu.vector_store %arg15[%swap3A_231, %swap3A_232], %swap3A_235 {strides = array<i32>} : memref<25x128xf32, #tpu.memory_space<vmem>>, vector<1x16xf32>,
        %mul3A_236 = arith.constant 8 : i32
        %mul3A_237 = arith.muli %scan3A_183, %mul3A_236 : i32
        %add3A_238 = arith.constant 1 : i32
        %add3A_239 = arith.addi %mul3A_237, %add3A_238 : i32
        %get3A_240 = arith.index_cast %add3A_239 : i32 to index
        %get3A_241 = arith.constant 0 : index
        %get3A_242 = tpu.vector_load %arg11[%get3A_240, %get3A_241] {strides = array<i32>} : memref<200x64xf32, #tpu.memory_space<vmem>>, vector<1x16xf32>,
        %get3A_243 = vector.shape_cast %get3A_242 : vector<1x16xf32> to vector<16xf32>
        %get3A_244 = arith.index_cast %add3A_239 : i32 to index
        %get3A_245 = arith.constant 0 : index
        %get3A_246 = tpu.vector_load %arg13[%get3A_244, %get3A_245] {strides = array<i32>} : memref<200x64xf32, #tpu.memory_space<vmem>>, vector<1x16xf32>,
        %get3A_247 = vector.shape_cast %get3A_246 : vector<1x16xf32> to vector<16xf32>
        %add3A_248 = arith.addf %get3A_243, %get3A_247 : vector<16xf32>
        %swap3A_249 = arith.index_cast %scan3A_183 : i32 to index
        %swap3A_250 = arith.constant 48 : index
        %swap3A_251 = tpu.vector_load %arg15[%swap3A_249, %swap3A_250] {strides = array<i32>} : memref<25x128xf32, #tpu.memory_space<vmem>>, vector<1x16xf32>,
        %swap3A_252 = vector.shape_cast %swap3A_251 : vector<1x16xf32> to vector<16xf32>
        %swap3A_253 = vector.shape_cast %add3A_248 : vector<16xf32> to vector<1x16xf32>
        tpu.vector_store %arg15[%swap3A_249, %swap3A_250], %swap3A_253 {strides = array<i32>} : memref<25x128xf32, #tpu.memory_space<vmem>>, vector<1x16xf32>,
        %mul3A_254 = arith.constant 8 : i32
        %mul3A_255 = arith.muli %scan3A_183, %mul3A_254 : i32
        %add3A_256 = arith.constant 1 : i32
        %add3A_257 = arith.addi %mul3A_255, %add3A_256 : i32
        %get3A_258 = arith.index_cast %add3A_257 : i32 to index
        %get3A_259 = arith.constant 16 : index
        %get3A_260 = tpu.vector_load %arg11[%get3A_258, %get3A_259] {strides = array<i32>} : memref<200x64xf32, #tpu.memory_space<vmem>>, vector<1x16xf32>,
        %get3A_261 = vector.shape_cast %get3A_260 : vector<1x16xf32> to vector<16xf32>
        %get3A_262 = arith.index_cast %add3A_257 : i32 to index
        %get3A_263 = arith.constant 16 : index
        %get3A_264 = tpu.vector_load %arg13[%get3A_262, %get3A_263] {strides = array<i32>} : memref<200x64xf32, #tpu.memory_space<vmem>>, vector<1x16xf32>,
        %get3A_265 = vector.shape_cast %get3A_264 : vector<1x16xf32> to vector<16xf32>
        %add3A_266 = arith.addf %get3A_261, %get3A_265 : vector<16xf32>
        %swap3A_267 = arith.index_cast %scan3A_183 : i32 to index
        %swap3A_268 = arith.constant 64 : index
        %swap3A_269 = tpu.vector_load %arg15[%swap3A_267, %swap3A_268] {strides = array<i32>} : memref<25x128xf32, #tpu.memory_space<vmem>>, vector<1x16xf32>,
        %swap3A_270 = vector.shape_cast %swap3A_269 : vector<1x16xf32> to vector<16xf32>
        %swap3A_271 = vector.shape_cast %add3A_266 : vector<16xf32> to vector<1x16xf32>
        tpu.vector_store %arg15[%swap3A_267, %swap3A_268], %swap3A_271 {strides = array<i32>} : memref<25x128xf32, #tpu.memory_space<vmem>>, vector<1x16xf32>,
        %mul3A_272 = arith.constant 8 : i32
        %mul3A_273 = arith.muli %scan3A_183, %mul3A_272 : i32
        %add3A_274 = arith.constant 1 : i32
        %add3A_275 = arith.addi %mul3A_273, %add3A_274 : i32
        %get3A_276 = arith.index_cast %add3A_275 : i32 to index
        %get3A_277 = arith.constant 32 : index
        %get3A_278 = tpu.vector_load %arg11[%get3A_276, %get3A_277] {strides = array<i32>} : memref<200x64xf32, #tpu.memory_space<vmem>>, vector<1x16xf32>,
        %get3A_279 = vector.shape_cast %get3A_278 : vector<1x16xf32> to vector<16xf32>
        %get3A_280 = arith.index_cast %add3A_275 : i32 to index
        %get3A_281 = arith.constant 32 : index
        %get3A_282 = tpu.vector_load %arg13[%get3A_280, %get3A_281] {strides = array<i32>} : memref<200x64xf32, #tpu.memory_space<vmem>>, vector<1x16xf32>,
        %get3A_283 = vector.shape_cast %get3A_282 : vector<1x16xf32> to vector<16xf32>
        %add3A_284 = arith.addf %get3A_279, %get3A_283 : vector<16xf32>
        %swap3A_285 = arith.index_cast %scan3A_183 : i32 to index
        %swap3A_286 = arith.constant 80 : index
        %swap3A_287 = tpu.vector_load %arg15[%swap3A_285, %swap3A_286] {strides = array<i32>} : memref<25x128xf32, #tpu.memory_space<vmem>>, vector<1x16xf32>,
        %swap3A_288 = vector.shape_cast %swap3A_287 : vector<1x16xf32> to vector<16xf32>
        %swap3A_289 = vector.shape_cast %add3A_284 : vector<16xf32> to vector<1x16xf32>
        tpu.vector_store %arg15[%swap3A_285, %swap3A_286], %swap3A_289 {strides = array<i32>} : memref<25x128xf32, #tpu.memory_space<vmem>>, vector<1x16xf32>,
        %mul3A_290 = arith.constant 8 : i32
        %mul3A_291 = arith.muli %scan3A_183, %mul3A_290 : i32
        %add3A_292 = arith.constant 2 : i32
        %add3A_293 = arith.addi %mul3A_291, %add3A_292 : i32
        %get3A_294 = arith.index_cast %add3A_293 : i32 to index
        %get3A_295 = arith.constant 0 : index
        %get3A_296 = tpu.vector_load %arg11[%get3A_294, %get3A_295] {strides = array<i32>} : memref<200x64xf32, #tpu.memory_space<vmem>>, vector<1x16xf32>,
        %get3A_297 = vector.shape_cast %get3A_296 : vector<1x16xf32> to vector<16xf32>
        %get3A_298 = arith.index_cast %add3A_293 : i32 to index
        %get3A_299 = arith.constant 0 : index
        %get3A_300 = tpu.vector_load %arg13[%get3A_298, %get3A_299] {strides = array<i32>} : memref<200x64xf32, #tpu.memory_space<vmem>>, vector<1x16xf32>,
        %get3A_301 = vector.shape_cast %get3A_300 : vector<1x16xf32> to vector<16xf32>
        %add3A_302 = arith.addf %get3A_297, %get3A_301 : vector<16xf32>
        %swap3A_303 = arith.index_cast %scan3A_183 : i32 to index
        %swap3A_304 = arith.constant 96 : index
        %swap3A_305 = tpu.vector_load %arg15[%swap3A_303, %swap3A_304] {strides = array<i32>} : memref<25x128xf32, #tpu.memory_space<vmem>>, vector<1x16xf32>,
        %swap3A_306 = vector.shape_cast %swap3A_305 : vector<1x16xf32> to vector<16xf32>
        %swap3A_307 = vector.shape_cast %add3A_302 : vector<16xf32> to vector<1x16xf32>
        tpu.vector_store %arg15[%swap3A_303, %swap3A_304], %swap3A_307 {strides = array<i32>} : memref<25x128xf32, #tpu.memory_space<vmem>>, vector<1x16xf32>,
        %mul3A_308 = arith.constant 8 : i32
        %mul3A_309 = arith.muli %scan3A_183, %mul3A_308 : i32
        %add3A_310 = arith.constant 2 : i32
        %add3A_311 = arith.addi %mul3A_309, %add3A_310 : i32
        %get3A_312 = arith.index_cast %add3A_311 : i32 to index
        %get3A_313 = arith.constant 16 : index
        %get3A_314 = tpu.vector_load %arg11[%get3A_312, %get3A_313] {strides = array<i32>} : memref<200x64xf32, #tpu.memory_space<vmem>>, vector<1x16xf32>,
        %get3A_315 = vector.shape_cast %get3A_314 : vector<1x16xf32> to vector<16xf32>
        %get3A_316 = arith.index_cast %add3A_311 : i32 to index
        %get3A_317 = arith.constant 16 : index
        %get3A_318 = tpu.vector_load %arg13[%get3A_316, %get3A_317] {strides = array<i32>} : memref<200x64xf32, #tpu.memory_space<vmem>>, vector<1x16xf32>,
        %get3A_319 = vector.shape_cast %get3A_318 : vector<1x16xf32> to vector<16xf32>
        %add3A_320 = arith.addf %get3A_315, %get3A_319 : vector<16xf32>
        %swap3A_321 = arith.index_cast %scan3A_183 : i32 to index
        %swap3A_322 = arith.constant 112 : index
        %swap3A_323 = tpu.vector_load %arg15[%swap3A_321, %swap3A_322] {strides = array<i32>} : memref<25x128xf32, #tpu.memory_space<vmem>>, vector<1x16xf32>,
        %swap3A_324 = vector.shape_cast %swap3A_323 : vector<1x16xf32> to vector<16xf32>
        %swap3A_325 = vector.shape_cast %add3A_320 : vector<16xf32> to vector<1x16xf32>
        tpu.vector_store %arg15[%swap3A_321, %swap3A_322], %swap3A_325 {strides = array<i32>} : memref<25x128xf32, #tpu.memory_space<vmem>>, vector<1x16xf32>,
        %mul3A_326 = arith.constant 8 : i32
        %mul3A_327 = arith.muli %scan3A_183, %mul3A_326 : i32
        %add3A_328 = arith.constant 2 : i32
        %add3A_329 = arith.addi %mul3A_327, %add3A_328 : i32
        %get3A_330 = arith.index_cast %add3A_329 : i32 to index
        %get3A_331 = arith.constant 32 : index
        %get3A_332 = tpu.vector_load %arg11[%get3A_330, %get3A_331] {strides = array<i32>} : memref<200x64xf32, #tpu.memory_space<vmem>>, vector<1x16xf32>,
        %get3A_333 = vector.shape_cast %get3A_332 : vector<1x16xf32> to vector<16xf32>
        %get3A_334 = arith.index_cast %add3A_329 : i32 to index
        %get3A_335 = arith.constant 32 : index
        %get3A_336 = tpu.vector_load %arg13[%get3A_334, %get3A_335] {strides = array<i32>} : memref<200x64xf32, #tpu.memory_space<vmem>>, vector<1x16xf32>,
        %get3A_337 = vector.shape_cast %get3A_336 : vector<1x16xf32> to vector<16xf32>
        %add3A_338 = arith.addf %get3A_333, %get3A_337 : vector<16xf32>
        %swap3A_339 = arith.index_cast %scan3A_183 : i32 to index
        %swap3A_340 = arith.constant 0 : index
        %swap3A_341 = tpu.vector_load %arg16[%swap3A_339, %swap3A_340] {strides = array<i32>} : memref<25x128xf32, #tpu.memory_space<vmem>>, vector<1x16xf32>,
        %swap3A_342 = vector.shape_cast %swap3A_341 : vector<1x16xf32> to vector<16xf32>
        %swap3A_343 = vector.shape_cast %add3A_338 : vector<16xf32> to vector<1x16xf32>
        tpu.vector_store %arg16[%swap3A_339, %swap3A_340], %swap3A_343 {strides = array<i32>} : memref<25x128xf32, #tpu.memory_space<vmem>>, vector<1x16xf32>,
        %mul3A_344 = arith.constant 8 : i32
        %mul3A_345 = arith.muli %scan3A_183, %mul3A_344 : i32
        %add3A_346 = arith.constant 3 : i32
        %add3A_347 = arith.addi %mul3A_345, %add3A_346 : i32
        %get3A_348 = arith.index_cast %add3A_347 : i32 to index
        %get3A_349 = arith.constant 0 : index
        %get3A_350 = tpu.vector_load %arg11[%get3A_348, %get3A_349] {strides = array<i32>} : memref<200x64xf32, #tpu.memory_space<vmem>>, vector<1x16xf32>,
        %get3A_351 = vector.shape_cast %get3A_350 : vector<1x16xf32> to vector<16xf32>
        %get3A_352 = arith.index_cast %add3A_347 : i32 to index
        %get3A_353 = arith.constant 0 : index
        %get3A_354 = tpu.vector_load %arg13[%get3A_352, %get3A_353] {strides = array<i32>} : memref<200x64xf32, #tpu.memory_space<vmem>>, vector<1x16xf32>,
        %get3A_355 = vector.shape_cast %get3A_354 : vector<1x16xf32> to vector<16xf32>
        %add3A_356 = arith.addf %get3A_351, %get3A_355 : vector<16xf32>
        %swap3A_357 = arith.index_cast %scan3A_183 : i32 to index
        %swap3A_358 = arith.constant 16 : index
        %swap3A_359 = tpu.vector_load %arg16[%swap3A_357, %swap3A_358] {strides = array<i32>} : memref<25x128xf32, #tpu.memory_space<vmem>>, vector<1x16xf32>,
        %swap3A_360 = vector.shape_cast %swap3A_359 : vector<1x16xf32> to vector<16xf32>
        %swap3A_361 = vector.shape_cast %add3A_356 : vector<16xf32> to vector<1x16xf32>
        tpu.vector_store %arg16[%swap3A_357, %swap3A_358], %swap3A_361 {strides = array<i32>} : memref<25x128xf32, #tpu.memory_space<vmem>>, vector<1x16xf32>,
        %mul3A_362 = arith.constant 8 : i32
        %mul3A_363 = arith.muli %scan3A_183, %mul3A_362 : i32
        %add3A_364 = arith.constant 3 : i32
        %add3A_365 = arith.addi %mul3A_363, %add3A_364 : i32
        %get3A_366 = arith.index_cast %add3A_365 : i32 to index
        %get3A_367 = arith.constant 16 : index
        %get3A_368 = tpu.vector_load %arg11[%get3A_366, %get3A_367] {strides = array<i32>} : memref<200x64xf32, #tpu.memory_space<vmem>>, vector<1x16xf32>,
        %get3A_369 = vector.shape_cast %get3A_368 : vector<1x16xf32> to vector<16xf32>
        %get3A_370 = arith.index_cast %add3A_365 : i32 to index
        %get3A_371 = arith.constant 16 : index
        %get3A_372 = tpu.vector_load %arg13[%get3A_370, %get3A_371] {strides = array<i32>} : memref<200x64xf32, #tpu.memory_space<vmem>>, vector<1x16xf32>,
        %get3A_373 = vector.shape_cast %get3A_372 : vector<1x16xf32> to vector<16xf32>
        %add3A_374 = arith.addf %get3A_369, %get3A_373 : vector<16xf32>
        %swap3A_375 = arith.index_cast %scan3A_183 : i32 to index
        %swap3A_376 = arith.constant 32 : index
        %swap3A_377 = tpu.vector_load %arg16[%swap3A_375, %swap3A_376] {strides = array<i32>} : memref<25x128xf32, #tpu.memory_space<vmem>>, vector<1x16xf32>,
        %swap3A_378 = vector.shape_cast %swap3A_377 : vector<1x16xf32> to vector<16xf32>
        %swap3A_379 = vector.shape_cast %add3A_374 : vector<16xf32> to vector<1x16xf32>
        tpu.vector_store %arg16[%swap3A_375, %swap3A_376], %swap3A_379 {strides = array<i32>} : memref<25x128xf32, #tpu.memory_space<vmem>>, vector<1x16xf32>,
        %mul3A_380 = arith.constant 8 : i32
        %mul3A_381 = arith.muli %scan3A_183, %mul3A_380 : i32
        %add3A_382 = arith.constant 3 : i32
        %add3A_383 = arith.addi %mul3A_381, %add3A_382 : i32
        %get3A_384 = arith.index_cast %add3A_383 : i32 to index
        %get3A_385 = arith.constant 32 : index
        %get3A_386 = tpu.vector_load %arg11[%get3A_384, %get3A_385] {strides = array<i32>} : memref<200x64xf32, #tpu.memory_space<vmem>>, vector<1x16xf32>,
        %get3A_387 = vector.shape_cast %get3A_386 : vector<1x16xf32> to vector<16xf32>
        %get3A_388 = arith.index_cast %add3A_383 : i32 to index
        %get3A_389 = arith.constant 32 : index
        %get3A_390 = tpu.vector_load %arg13[%get3A_388, %get3A_389] {strides = array<i32>} : memref<200x64xf32, #tpu.memory_space<vmem>>, vector<1x16xf32>,
        %get3A_391 = vector.shape_cast %get3A_390 : vector<1x16xf32> to vector<16xf32>
        %add3A_392 = arith.addf %get3A_387, %get3A_391 : vector<16xf32>
        %swap3A_393 = arith.index_cast %scan3A_183 : i32 to index
        %swap3A_394 = arith.constant 48 : index
        %swap3A_395 = tpu.vector_load %arg16[%swap3A_393, %swap3A_394] {strides = array<i32>} : memref<25x128xf32, #tpu.memory_space<vmem>>, vector<1x16xf32>,
        %swap3A_396 = vector.shape_cast %swap3A_395 : vector<1x16xf32> to vector<16xf32>
        %swap3A_397 = vector.shape_cast %add3A_392 : vector<16xf32> to vector<1x16xf32>
        tpu.vector_store %arg16[%swap3A_393, %swap3A_394], %swap3A_397 {strides = array<i32>} : memref<25x128xf32, #tpu.memory_space<vmem>>, vector<1x16xf32>,
        %mul3A_398 = arith.constant 8 : i32
        %mul3A_399 = arith.muli %scan3A_183, %mul3A_398 : i32
        %add3A_400 = arith.constant 4 : i32
        %add3A_401 = arith.addi %mul3A_399, %add3A_400 : i32
        %get3A_402 = arith.index_cast %add3A_401 : i32 to index
        %get3A_403 = arith.constant 0 : index
        %get3A_404 = tpu.vector_load %arg11[%get3A_402, %get3A_403] {strides = array<i32>} : memref<200x64xf32, #tpu.memory_space<vmem>>, vector<1x16xf32>,
        %get3A_405 = vector.shape_cast %get3A_404 : vector<1x16xf32> to vector<16xf32>
        %get3A_406 = arith.index_cast %add3A_401 : i32 to index
        %get3A_407 = arith.constant 0 : index
        %get3A_408 = tpu.vector_load %arg13[%get3A_406, %get3A_407] {strides = array<i32>} : memref<200x64xf32, #tpu.memory_space<vmem>>, vector<1x16xf32>,
        %get3A_409 = vector.shape_cast %get3A_408 : vector<1x16xf32> to vector<16xf32>
        %add3A_410 = arith.addf %get3A_405, %get3A_409 : vector<16xf32>
        %swap3A_411 = arith.index_cast %scan3A_183 : i32 to index
        %swap3A_412 = arith.constant 64 : index
        %swap3A_413 = tpu.vector_load %arg16[%swap3A_411, %swap3A_412] {strides = array<i32>} : memref<25x128xf32, #tpu.memory_space<vmem>>, vector<1x16xf32>,
        %swap3A_414 = vector.shape_cast %swap3A_413 : vector<1x16xf32> to vector<16xf32>
        %swap3A_415 = vector.shape_cast %add3A_410 : vector<16xf32> to vector<1x16xf32>
        tpu.vector_store %arg16[%swap3A_411, %swap3A_412], %swap3A_415 {strides = array<i32>} : memref<25x128xf32, #tpu.memory_space<vmem>>, vector<1x16xf32>,
        %mul3A_416 = arith.constant 8 : i32
        %mul3A_417 = arith.muli %scan3A_183, %mul3A_416 : i32
        %add3A_418 = arith.constant 4 : i32
        %add3A_419 = arith.addi %mul3A_417, %add3A_418 : i32
        %get3A_420 = arith.index_cast %add3A_419 : i32 to index
        %get3A_421 = arith.constant 16 : index
        %get3A_422 = tpu.vector_load %arg11[%get3A_420, %get3A_421] {strides = array<i32>} : memref<200x64xf32, #tpu.memory_space<vmem>>, vector<1x16xf32>,
        %get3A_423 = vector.shape_cast %get3A_422 : vector<1x16xf32> to vector<16xf32>
        %get3A_424 = arith.index_cast %add3A_419 : i32 to index
        %get3A_425 = arith.constant 16 : index
        %get3A_426 = tpu.vector_load %arg13[%get3A_424, %get3A_425] {strides = array<i32>} : memref<200x64xf32, #tpu.memory_space<vmem>>, vector<1x16xf32>,
        %get3A_427 = vector.shape_cast %get3A_426 : vector<1x16xf32> to vector<16xf32>
        %add3A_428 = arith.addf %get3A_423, %get3A_427 : vector<16xf32>
        %swap3A_429 = arith.index_cast %scan3A_183 : i32 to index
        %swap3A_430 = arith.constant 80 : index
        %swap3A_431 = tpu.vector_load %arg16[%swap3A_429, %swap3A_430] {strides = array<i32>} : memref<25x128xf32, #tpu.memory_space<vmem>>, vector<1x16xf32>,
        %swap3A_432 = vector.shape_cast %swap3A_431 : vector<1x16xf32> to vector<16xf32>
        %swap3A_433 = vector.shape_cast %add3A_428 : vector<16xf32> to vector<1x16xf32>
        tpu.vector_store %arg16[%swap3A_429, %swap3A_430], %swap3A_433 {strides = array<i32>} : memref<25x128xf32, #tpu.memory_space<vmem>>, vector<1x16xf32>,
        %mul3A_434 = arith.constant 8 : i32
        %mul3A_435 = arith.muli %scan3A_183, %mul3A_434 : i32
        %add3A_436 = arith.constant 4 : i32
        %add3A_437 = arith.addi %mul3A_435, %add3A_436 : i32
        %get3A_438 = arith.index_cast %add3A_437 : i32 to index
        %get3A_439 = arith.constant 32 : index
        %get3A_440 = tpu.vector_load %arg11[%get3A_438, %get3A_439] {strides = array<i32>} : memref<200x64xf32, #tpu.memory_space<vmem>>, vector<1x16xf32>,
        %get3A_441 = vector.shape_cast %get3A_440 : vector<1x16xf32> to vector<16xf32>
        %get3A_442 = arith.index_cast %add3A_437 : i32 to index
        %get3A_443 = arith.constant 32 : index
        %get3A_444 = tpu.vector_load %arg13[%get3A_442, %get3A_443] {strides = array<i32>} : memref<200x64xf32, #tpu.memory_space<vmem>>, vector<1x16xf32>,
        %get3A_445 = vector.shape_cast %get3A_444 : vector<1x16xf32> to vector<16xf32>
        %add3A_446 = arith.addf %get3A_441, %get3A_445 : vector<16xf32>
        %swap3A_447 = arith.index_cast %scan3A_183 : i32 to index
        %swap3A_448 = arith.constant 96 : index
        %swap3A_449 = tpu.vector_load %arg16[%swap3A_447, %swap3A_448] {strides = array<i32>} : memref<25x128xf32, #tpu.memory_space<vmem>>, vector<1x16xf32>,
        %swap3A_450 = vector.shape_cast %swap3A_449 : vector<1x16xf32> to vector<16xf32>
        %swap3A_451 = vector.shape_cast %add3A_446 : vector<16xf32> to vector<1x16xf32>
        tpu.vector_store %arg16[%swap3A_447, %swap3A_448], %swap3A_451 {strides = array<i32>} : memref<25x128xf32, #tpu.memory_space<vmem>>, vector<1x16xf32>,
        %mul3A_452 = arith.constant 8 : i32
        %mul3A_453 = arith.muli %scan3A_183, %mul3A_452 : i32
        %add3A_454 = arith.constant 5 : i32
        %add3A_455 = arith.addi %mul3A_453, %add3A_454 : i32
        %get3A_456 = arith.index_cast %add3A_455 : i32 to index
        %get3A_457 = arith.constant 0 : index
        %get3A_458 = tpu.vector_load %arg11[%get3A_456, %get3A_457] {strides = array<i32>} : memref<200x64xf32, #tpu.memory_space<vmem>>, vector<1x16xf32>,
        %get3A_459 = vector.shape_cast %get3A_458 : vector<1x16xf32> to vector<16xf32>
        %get3A_460 = arith.index_cast %add3A_455 : i32 to index
        %get3A_461 = arith.constant 0 : index
        %get3A_462 = tpu.vector_load %arg13[%get3A_460, %get3A_461] {strides = array<i32>} : memref<200x64xf32, #tpu.memory_space<vmem>>, vector<1x16xf32>,
        %get3A_463 = vector.shape_cast %get3A_462 : vector<1x16xf32> to vector<16xf32>
        %add3A_464 = arith.addf %get3A_459, %get3A_463 : vector<16xf32>
        %swap3A_465 = arith.index_cast %scan3A_183 : i32 to index
        %swap3A_466 = arith.constant 112 : index
        %swap3A_467 = tpu.vector_load %arg16[%swap3A_465, %swap3A_466] {strides = array<i32>} : memref<25x128xf32, #tpu.memory_space<vmem>>, vector<1x16xf32>,
        %swap3A_468 = vector.shape_cast %swap3A_467 : vector<1x16xf32> to vector<16xf32>
        %swap3A_469 = vector.shape_cast %add3A_464 : vector<16xf32> to vector<1x16xf32>
        tpu.vector_store %arg16[%swap3A_465, %swap3A_466], %swap3A_469 {strides = array<i32>} : memref<25x128xf32, #tpu.memory_space<vmem>>, vector<1x16xf32>,
        %mul3A_470 = arith.constant 8 : i32
        %mul3A_471 = arith.muli %scan3A_183, %mul3A_470 : i32
        %add3A_472 = arith.constant 5 : i32
        %add3A_473 = arith.addi %mul3A_471, %add3A_472 : i32
        %get3A_474 = arith.index_cast %add3A_473 : i32 to index
        %get3A_475 = arith.constant 16 : index
        %get3A_476 = tpu.vector_load %arg11[%get3A_474, %get3A_475] {strides = array<i32>} : memref<200x64xf32, #tpu.memory_space<vmem>>, vector<1x16xf32>,
        %get3A_477 = vector.shape_cast %get3A_476 : vector<1x16xf32> to vector<16xf32>
        %get3A_478 = arith.index_cast %add3A_473 : i32 to index
        %get3A_479 = arith.constant 16 : index
        %get3A_480 = tpu.vector_load %arg13[%get3A_478, %get3A_479] {strides = array<i32>} : memref<200x64xf32, #tpu.memory_space<vmem>>, vector<1x16xf32>,
        %get3A_481 = vector.shape_cast %get3A_480 : vector<1x16xf32> to vector<16xf32>
        %add3A_482 = arith.addf %get3A_477, %get3A_481 : vector<16xf32>
        %swap3A_483 = arith.index_cast %scan3A_183 : i32 to index
        %swap3A_484 = arith.constant 0 : index
        %swap3A_485 = tpu.vector_load %arg17[%swap3A_483, %swap3A_484] {strides = array<i32>} : memref<25x128xf32, #tpu.memory_space<vmem>>, vector<1x16xf32>,
        %swap3A_486 = vector.shape_cast %swap3A_485 : vector<1x16xf32> to vector<16xf32>
        %swap3A_487 = vector.shape_cast %add3A_482 : vector<16xf32> to vector<1x16xf32>
        tpu.vector_store %arg17[%swap3A_483, %swap3A_484], %swap3A_487 {strides = array<i32>} : memref<25x128xf32, #tpu.memory_space<vmem>>, vector<1x16xf32>,
        %mul3A_488 = arith.constant 8 : i32
        %mul3A_489 = arith.muli %scan3A_183, %mul3A_488 : i32
        %add3A_490 = arith.constant 5 : i32
        %add3A_491 = arith.addi %mul3A_489, %add3A_490 : i32
        %get3A_492 = arith.index_cast %add3A_491 : i32 to index
        %get3A_493 = arith.constant 32 : index
        %get3A_494 = tpu.vector_load %arg11[%get3A_492, %get3A_493] {strides = array<i32>} : memref<200x64xf32, #tpu.memory_space<vmem>>, vector<1x16xf32>,
        %get3A_495 = vector.shape_cast %get3A_494 : vector<1x16xf32> to vector<16xf32>
        %get3A_496 = arith.index_cast %add3A_491 : i32 to index
        %get3A_497 = arith.constant 32 : index
        %get3A_498 = tpu.vector_load %arg13[%get3A_496, %get3A_497] {strides = array<i32>} : memref<200x64xf32, #tpu.memory_space<vmem>>, vector<1x16xf32>,
        %get3A_499 = vector.shape_cast %get3A_498 : vector<1x16xf32> to vector<16xf32>
        %add3A_500 = arith.addf %get3A_495, %get3A_499 : vector<16xf32>
        %swap3A_501 = arith.index_cast %scan3A_183 : i32 to index
        %swap3A_502 = arith.constant 16 : index
        %swap3A_503 = tpu.vector_load %arg17[%swap3A_501, %swap3A_502] {strides = array<i32>} : memref<25x128xf32, #tpu.memory_space<vmem>>, vector<1x16xf32>,
        %swap3A_504 = vector.shape_cast %swap3A_503 : vector<1x16xf32> to vector<16xf32>
        %swap3A_505 = vector.shape_cast %add3A_500 : vector<16xf32> to vector<1x16xf32>
        tpu.vector_store %arg17[%swap3A_501, %swap3A_502], %swap3A_505 {strides = array<i32>} : memref<25x128xf32, #tpu.memory_space<vmem>>, vector<1x16xf32>,
        %mul3A_506 = arith.constant 8 : i32
        %mul3A_507 = arith.muli %scan3A_183, %mul3A_506 : i32
        %add3A_508 = arith.constant 6 : i32
        %add3A_509 = arith.addi %mul3A_507, %add3A_508 : i32
        %get3A_510 = arith.index_cast %add3A_509 : i32 to index
        %get3A_511 = arith.constant 0 : index
        %get3A_512 = tpu.vector_load %arg11[%get3A_510, %get3A_511] {strides = array<i32>} : memref<200x64xf32, #tpu.memory_space<vmem>>, vector<1x16xf32>,
        %get3A_513 = vector.shape_cast %get3A_512 : vector<1x16xf32> to vector<16xf32>
        %get3A_514 = arith.index_cast %add3A_509 : i32 to index
        %get3A_515 = arith.constant 0 : index
        %get3A_516 = tpu.vector_load %arg13[%get3A_514, %get3A_515] {strides = array<i32>} : memref<200x64xf32, #tpu.memory_space<vmem>>, vector<1x16xf32>,
        %get3A_517 = vector.shape_cast %get3A_516 : vector<1x16xf32> to vector<16xf32>
        %add3A_518 = arith.addf %get3A_513, %get3A_517 : vector<16xf32>
        %swap3A_519 = arith.index_cast %scan3A_183 : i32 to index
        %swap3A_520 = arith.constant 32 : index
        %swap3A_521 = tpu.vector_load %arg17[%swap3A_519, %swap3A_520] {strides = array<i32>} : memref<25x128xf32, #tpu.memory_space<vmem>>, vector<1x16xf32>,
        %swap3A_522 = vector.shape_cast %swap3A_521 : vector<1x16xf32> to vector<16xf32>
        %swap3A_523 = vector.shape_cast %add3A_518 : vector<16xf32> to vector<1x16xf32>
        tpu.vector_store %arg17[%swap3A_519, %swap3A_520], %swap3A_523 {strides = array<i32>} : memref<25x128xf32, #tpu.memory_space<vmem>>, vector<1x16xf32>,
        %mul3A_524 = arith.constant 8 : i32
        %mul3A_525 = arith.muli %scan3A_183, %mul3A_524 : i32
        %add3A_526 = arith.constant 6 : i32
        %add3A_527 = arith.addi %mul3A_525, %add3A_526 : i32
        %get3A_528 = arith.index_cast %add3A_527 : i32 to index
        %get3A_529 = arith.constant 16 : index
        %get3A_530 = tpu.vector_load %arg11[%get3A_528, %get3A_529] {strides = array<i32>} : memref<200x64xf32, #tpu.memory_space<vmem>>, vector<1x16xf32>,
        %get3A_531 = vector.shape_cast %get3A_530 : vector<1x16xf32> to vector<16xf32>
        %get3A_532 = arith.index_cast %add3A_527 : i32 to index
        %get3A_533 = arith.constant 16 : index
        %get3A_534 = tpu.vector_load %arg13[%get3A_532, %get3A_533] {strides = array<i32>} : memref<200x64xf32, #tpu.memory_space<vmem>>, vector<1x16xf32>,
        %get3A_535 = vector.shape_cast %get3A_534 : vector<1x16xf32> to vector<16xf32>
        %add3A_536 = arith.addf %get3A_531, %get3A_535 : vector<16xf32>
        %swap3A_537 = arith.index_cast %scan3A_183 : i32 to index
        %swap3A_538 = arith.constant 48 : index
        %swap3A_539 = tpu.vector_load %arg17[%swap3A_537, %swap3A_538] {strides = array<i32>} : memref<25x128xf32, #tpu.memory_space<vmem>>, vector<1x16xf32>,
        %swap3A_540 = vector.shape_cast %swap3A_539 : vector<1x16xf32> to vector<16xf32>
        %swap3A_541 = vector.shape_cast %add3A_536 : vector<16xf32> to vector<1x16xf32>
        tpu.vector_store %arg17[%swap3A_537, %swap3A_538], %swap3A_541 {strides = array<i32>} : memref<25x128xf32, #tpu.memory_space<vmem>>, vector<1x16xf32>,
        %mul3A_542 = arith.constant 8 : i32
        %mul3A_543 = arith.muli %scan3A_183, %mul3A_542 : i32
        %add3A_544 = arith.constant 6 : i32
        %add3A_545 = arith.addi %mul3A_543, %add3A_544 : i32
        %get3A_546 = arith.index_cast %add3A_545 : i32 to index
        %get3A_547 = arith.constant 32 : index
        %get3A_548 = tpu.vector_load %arg11[%get3A_546, %get3A_547] {strides = array<i32>} : memref<200x64xf32, #tpu.memory_space<vmem>>, vector<1x16xf32>,
        %get3A_549 = vector.shape_cast %get3A_548 : vector<1x16xf32> to vector<16xf32>
        %get3A_550 = arith.index_cast %add3A_545 : i32 to index
        %get3A_551 = arith.constant 32 : index
        %get3A_552 = tpu.vector_load %arg13[%get3A_550, %get3A_551] {strides = array<i32>} : memref<200x64xf32, #tpu.memory_space<vmem>>, vector<1x16xf32>,
        %get3A_553 = vector.shape_cast %get3A_552 : vector<1x16xf32> to vector<16xf32>
        %add3A_554 = arith.addf %get3A_549, %get3A_553 : vector<16xf32>
        %swap3A_555 = arith.index_cast %scan3A_183 : i32 to index
        %swap3A_556 = arith.constant 64 : index
        %swap3A_557 = tpu.vector_load %arg17[%swap3A_555, %swap3A_556] {strides = array<i32>} : memref<25x128xf32, #tpu.memory_space<vmem>>, vector<1x16xf32>,
        %swap3A_558 = vector.shape_cast %swap3A_557 : vector<1x16xf32> to vector<16xf32>
        %swap3A_559 = vector.shape_cast %add3A_554 : vector<16xf32> to vector<1x16xf32>
        tpu.vector_store %arg17[%swap3A_555, %swap3A_556], %swap3A_559 {strides = array<i32>} : memref<25x128xf32, #tpu.memory_space<vmem>>, vector<1x16xf32>,
        %mul3A_560 = arith.constant 8 : i32
        %mul3A_561 = arith.muli %scan3A_183, %mul3A_560 : i32
        %add3A_562 = arith.constant 7 : i32
        %add3A_563 = arith.addi %mul3A_561, %add3A_562 : i32
        %get3A_564 = arith.index_cast %add3A_563 : i32 to index
        %get3A_565 = arith.constant 0 : index
        %get3A_566 = tpu.vector_load %arg11[%get3A_564, %get3A_565] {strides = array<i32>} : memref<200x64xf32, #tpu.memory_space<vmem>>, vector<1x16xf32>,
        %get3A_567 = vector.shape_cast %get3A_566 : vector<1x16xf32> to vector<16xf32>
        %get3A_568 = arith.index_cast %add3A_563 : i32 to index
        %get3A_569 = arith.constant 0 : index
        %get3A_570 = tpu.vector_load %arg13[%get3A_568, %get3A_569] {strides = array<i32>} : memref<200x64xf32, #tpu.memory_space<vmem>>, vector<1x16xf32>,
        %get3A_571 = vector.shape_cast %get3A_570 : vector<1x16xf32> to vector<16xf32>
        %add3A_572 = arith.addf %get3A_567, %get3A_571 : vector<16xf32>
        %swap3A_573 = arith.index_cast %scan3A_183 : i32 to index
        %swap3A_574 = arith.constant 80 : index
        %swap3A_575 = tpu.vector_load %arg17[%swap3A_573, %swap3A_574] {strides = array<i32>} : memref<25x128xf32, #tpu.memory_space<vmem>>, vector<1x16xf32>,
        %swap3A_576 = vector.shape_cast %swap3A_575 : vector<1x16xf32> to vector<16xf32>
        %swap3A_577 = vector.shape_cast %add3A_572 : vector<16xf32> to vector<1x16xf32>
        tpu.vector_store %arg17[%swap3A_573, %swap3A_574], %swap3A_577 {strides = array<i32>} : memref<25x128xf32, #tpu.memory_space<vmem>>, vector<1x16xf32>,
        %mul3A_578 = arith.constant 8 : i32
        %mul3A_579 = arith.muli %scan3A_183, %mul3A_578 : i32
        %add3A_580 = arith.constant 7 : i32
        %add3A_581 = arith.addi %mul3A_579, %add3A_580 : i32
        %get3A_582 = arith.index_cast %add3A_581 : i32 to index
        %get3A_583 = arith.constant 16 : index
        %get3A_584 = tpu.vector_load %arg11[%get3A_582, %get3A_583] {strides = array<i32>} : memref<200x64xf32, #tpu.memory_space<vmem>>, vector<1x16xf32>,
        %get3A_585 = vector.shape_cast %get3A_584 : vector<1x16xf32> to vector<16xf32>
        %get3A_586 = arith.index_cast %add3A_581 : i32 to index
        %get3A_587 = arith.constant 16 : index
        %get3A_588 = tpu.vector_load %arg13[%get3A_586, %get3A_587] {strides = array<i32>} : memref<200x64xf32, #tpu.memory_space<vmem>>, vector<1x16xf32>,
        %get3A_589 = vector.shape_cast %get3A_588 : vector<1x16xf32> to vector<16xf32>
        %add3A_590 = arith.addf %get3A_585, %get3A_589 : vector<16xf32>
        %swap3A_591 = arith.index_cast %scan3A_183 : i32 to index
        %swap3A_592 = arith.constant 96 : index
        %swap3A_593 = tpu.vector_load %arg17[%swap3A_591, %swap3A_592] {strides = array<i32>} : memref<25x128xf32, #tpu.memory_space<vmem>>, vector<1x16xf32>,
        %swap3A_594 = vector.shape_cast %swap3A_593 : vector<1x16xf32> to vector<16xf32>
        %swap3A_595 = vector.shape_cast %add3A_590 : vector<16xf32> to vector<1x16xf32>
        tpu.vector_store %arg17[%swap3A_591, %swap3A_592], %swap3A_595 {strides = array<i32>} : memref<25x128xf32, #tpu.memory_space<vmem>>, vector<1x16xf32>,
        %mul3A_596 = arith.constant 8 : i32
        %mul3A_597 = arith.muli %scan3A_183, %mul3A_596 : i32
        %add3A_598 = arith.constant 7 : i32
        %add3A_599 = arith.addi %mul3A_597, %add3A_598 : i32
        %get3A_600 = arith.index_cast %add3A_599 : i32 to index
        %get3A_601 = arith.constant 32 : index
        %get3A_602 = tpu.vector_load %arg11[%get3A_600, %get3A_601] {strides = array<i32>} : memref<200x64xf32, #tpu.memory_space<vmem>>, vector<1x16xf32>,
        %get3A_603 = vector.shape_cast %get3A_602 : vector<1x16xf32> to vector<16xf32>
        %get3A_604 = arith.index_cast %add3A_599 : i32 to index
        %get3A_605 = arith.constant 32 : index
        %get3A_606 = tpu.vector_load %arg13[%get3A_604, %get3A_605] {strides = array<i32>} : memref<200x64xf32, #tpu.memory_space<vmem>>, vector<1x16xf32>,
        %get3A_607 = vector.shape_cast %get3A_606 : vector<1x16xf32> to vector<16xf32>
        %add3A_608 = arith.addf %get3A_603, %get3A_607 : vector<16xf32>
        %swap3A_609 = arith.index_cast %scan3A_183 : i32 to index
        %swap3A_610 = arith.constant 112 : index
        %swap3A_611 = tpu.vector_load %arg17[%swap3A_609, %swap3A_610] {strides = array<i32>} : memref<25x128xf32, #tpu.memory_space<vmem>>, vector<1x16xf32>,
        %swap3A_612 = vector.shape_cast %swap3A_611 : vector<1x16xf32> to vector<16xf32>
        %swap3A_613 = vector.shape_cast %add3A_608 : vector<16xf32> to vector<1x16xf32>
        tpu.vector_store %arg17[%swap3A_609, %swap3A_610], %swap3A_613 {strides = array<i32>} : memref<25x128xf32, #tpu.memory_space<vmem>>, vector<1x16xf32>,
      }
      %scan3A_81 = arith.constant 25 : i32
      %mul3A_82 = arith.constant 200 : i32
      %mul3A_83 = arith.muli %add3A_65, %mul3A_82 : i32
      %add3A_84 = arith.addi %mul3A_2, %mul3A_83 : i32
      %jit3A = arith.constant 8 : i32
      %div3A = arith.divsi %add3A_84, %jit3A : i32
      %sign3A = arith.constant 0 : i32
      %sign3A_85 = arith.cmpi sgt, %add3A_84, %sign3A : i32
      %sign3A_86 = arith.extui %sign3A_85 : i1 to i32
      %sign3A_87 = arith.constant 0 : i32
      %sign3A_88 = arith.cmpi slt, %add3A_84, %sign3A_87 : i32
      %sign3A_89 = arith.extui %sign3A_88 : i1 to i32
      %sign3A_90 = arith.subi %sign3A_86, %sign3A_89 : i32
      %sign3A_91 = arith.constant 0 : i32
      %sign3A_92 = arith.cmpi sgt, %jit3A, %sign3A_91 : i32
      %sign3A_93 = arith.extui %sign3A_92 : i1 to i32
      %sign3A_94 = arith.constant 0 : i32
      %sign3A_95 = arith.cmpi slt, %jit3A, %sign3A_94 : i32
      %sign3A_96 = arith.extui %sign3A_95 : i1 to i32
      %sign3A_97 = arith.subi %sign3A_93, %sign3A_96 : i32
      %ne3A = arith.cmpi ne, %sign3A_90, %sign3A_97 : i32
      %rem3A = arith.remsi %add3A_84, %jit3A : i32
      %ne3A_98 = arith.constant 0 : i32
      %ne3A_99 = arith.cmpi ne, %rem3A, %ne3A_98 : i32
      %and3A = arith.andi %ne3A, %ne3A_99 : i1
      %sub3A = arith.constant 1 : i32
      %sub3A_100 = arith.subi %div3A, %sub3A : i32
      %select_n3A = arith.select %and3A, %sub3A_100, %div3A : i32
      %dma_start3A_101 = arith.constant 0 : i32
      %dma_start3A_102 = tpu.memref_slice %arg6[%select_n3A, %dma_start3A_101] : memref<40000x128xf32, #tpu.memory_space<hbm>> -> memref<25x128xf32, #tpu.memory_space<hbm>>
      %dma_start3A_103 = arith.constant 0 : i32
      %dma_start3A_104 = tpu.memref_slice %arg6[%select_n3A, %dma_start3A_103] : memref<40000x128xf32, #tpu.memory_space<hbm>> -> memref<25x128xf32, #tpu.memory_space<hbm>>
      tpu.enqueue_dma source(%arg15 : memref<25x128xf32, #tpu.memory_space<vmem>>) target(%dma_start3A_104 : memref<25x128xf32, #tpu.memory_space<hbm>>) target_semaphore(%arg23 : memref<!tpu.dma_semaphore, #tpu.memory_space<semaphore_mem>>)
      %dma_start3A_105 = arith.constant 0 : i32
      %dma_start3A_106 = tpu.memref_slice %arg7[%select_n3A, %dma_start3A_105] : memref<40000x128xf32, #tpu.memory_space<hbm>> -> memref<25x128xf32, #tpu.memory_space<hbm>>
      %dma_start3A_107 = arith.constant 0 : i32
      %dma_start3A_108 = tpu.memref_slice %arg7[%select_n3A, %dma_start3A_107] : memref<40000x128xf32, #tpu.memory_space<hbm>> -> memref<25x128xf32, #tpu.memory_space<hbm>>
      tpu.enqueue_dma source(%arg16 : memref<25x128xf32, #tpu.memory_space<vmem>>) target(%dma_start3A_108 : memref<25x128xf32, #tpu.memory_space<hbm>>) target_semaphore(%arg23 : memref<!tpu.dma_semaphore, #tpu.memory_space<semaphore_mem>>)
      %dma_start3A_109 = arith.constant 0 : i32
      %dma_start3A_110 = tpu.memref_slice %arg8[%select_n3A, %dma_start3A_109] : memref<40000x128xf32, #tpu.memory_space<hbm>> -> memref<25x128xf32, #tpu.memory_space<hbm>>
      %dma_start3A_111 = arith.constant 0 : i32
      %dma_start3A_112 = tpu.memref_slice %arg8[%select_n3A, %dma_start3A_111] : memref<40000x128xf32, #tpu.memory_space<hbm>> -> memref<25x128xf32, #tpu.memory_space<hbm>>
      tpu.enqueue_dma source(%arg17 : memref<25x128xf32, #tpu.memory_space<vmem>>) target(%dma_start3A_112 : memref<25x128xf32, #tpu.memory_space<hbm>>) target_semaphore(%arg23 : memref<!tpu.dma_semaphore, #tpu.memory_space<semaphore_mem>>)
      %add3A_113 = arith.constant 2 : i32
      %add3A_114 = arith.addi %add3A_65, %add3A_113 : i32
      %lt3A = arith.constant 50 : i32
      %lt3A_115 = arith.cmpi slt, %add3A_114, %lt3A : i32
      %convert_element_type3A = arith.extui %lt3A_115 : i1 to i32
      %cond3A = arith.constant 0 : i32
      %cond3A_116 = arith.cmpi ne, %convert_element_type3A, %cond3A : i32
      scf.if %cond3A_116 {
        %dma_wait3A_183 = arith.constant 0 : i32
        %dma_wait3A_184 = arith.constant 0 : i32
        %dma_wait3A_185 = tpu.memref_slice %arg6[%dma_wait3A_183, %dma_wait3A_184] : memref<40000x128xf32, #tpu.memory_space<hbm>> -> memref<25x128xf32, #tpu.memory_space<hbm>>
        %dma_wait3A_186 = arith.constant 0 : i32
        %dma_wait3A_187 = arith.constant 0 : i32
        %dma_wait3A_188 = tpu.memref_slice %arg6[%dma_wait3A_186, %dma_wait3A_187] : memref<40000x128xf32, #tpu.memory_space<hbm>> -> memref<25x128xf32, #tpu.memory_space<hbm>>
        tpu.wait_dma2 semaphore(%arg23 : memref<!tpu.dma_semaphore, #tpu.memory_space<semaphore_mem>>) src(%arg15 : memref<25x128xf32, #tpu.memory_space<vmem>>) dst(%dma_wait3A_188 : memref<25x128xf32, #tpu.memory_space<hbm>>)
        %dma_wait3A_189 = arith.constant 0 : i32
        %dma_wait3A_190 = arith.constant 0 : i32
        %dma_wait3A_191 = tpu.memref_slice %arg7[%dma_wait3A_189, %dma_wait3A_190] : memref<40000x128xf32, #tpu.memory_space<hbm>> -> memref<25x128xf32, #tpu.memory_space<hbm>>
        %dma_wait3A_192 = arith.constant 0 : i32
        %dma_wait3A_193 = arith.constant 0 : i32
        %dma_wait3A_194 = tpu.memref_slice %arg7[%dma_wait3A_192, %dma_wait3A_193] : memref<40000x128xf32, #tpu.memory_space<hbm>> -> memref<25x128xf32, #tpu.memory_space<hbm>>
        tpu.wait_dma2 semaphore(%arg23 : memref<!tpu.dma_semaphore, #tpu.memory_space<semaphore_mem>>) src(%arg16 : memref<25x128xf32, #tpu.memory_space<vmem>>) dst(%dma_wait3A_194 : memref<25x128xf32, #tpu.memory_space<hbm>>)
        %dma_wait3A_195 = arith.constant 0 : i32
        %dma_wait3A_196 = arith.constant 0 : i32
        %dma_wait3A_197 = tpu.memref_slice %arg8[%dma_wait3A_195, %dma_wait3A_196] : memref<40000x128xf32, #tpu.memory_space<hbm>> -> memref<25x128xf32, #tpu.memory_space<hbm>>
        %dma_wait3A_198 = arith.constant 0 : i32
        %dma_wait3A_199 = arith.constant 0 : i32
        %dma_wait3A_200 = tpu.memref_slice %arg8[%dma_wait3A_198, %dma_wait3A_199] : memref<40000x128xf32, #tpu.memory_space<hbm>> -> memref<25x128xf32, #tpu.memory_space<hbm>>
        tpu.wait_dma2 semaphore(%arg23 : memref<!tpu.dma_semaphore, #tpu.memory_space<semaphore_mem>>) src(%arg17 : memref<25x128xf32, #tpu.memory_space<vmem>>) dst(%dma_wait3A_200 : memref<25x128xf32, #tpu.memory_space<hbm>>)
        %add3A_201 = arith.constant 2 : i32
        %add3A_202 = arith.addi %add3A_65, %add3A_201 : i32
        %mul3A_203 = arith.constant 200 : i32
        %mul3A_204 = arith.muli %add3A_202, %mul3A_203 : i32
        %multiple_of3A_205 = tpu.assume_multiple %mul3A_204, 8 : i32
        %dma_start3A_206 = tpu.memref_slice %arg9[%multiple_of3A_205] : memref<10000xi32, #tpu.memory_space<vmem>> -> memref<200xi32, #tpu.memory_space<vmem>>
        %dma_start3A_207 = arith.constant 0 : i32
        %dma_start3A_208 = arith.constant 0 : i32
        %dma_start3A_209 = tpu.memref_slice %arg2[%dma_start3A_207, %dma_start3A_208] : memref<20000x64xf32, #tpu.memory_space<hbm>> -> memref<20000x64xf32, #tpu.memory_space<hbm>>
        tpu.enqueue_indirect_dma source(%dma_start3A_209 : memref<20000x64xf32, #tpu.memory_space<hbm>>) target(%arg11 : memref<200x64xf32, #tpu.memory_space<vmem>>) offsets(%dma_start3A_206 : memref<200xi32, #tpu.memory_space<vmem>>) semaphore(%arg21 : memref<!tpu.dma_semaphore, #tpu.memory_space<semaphore_mem>>)
        %dma_start3A_210 = tpu.memref_slice %arg10[%multiple_of3A_205] : memref<10000xi32, #tpu.memory_space<vmem>> -> memref<200xi32, #tpu.memory_space<vmem>>
        %dma_start3A_211 = arith.constant 0 : i32
        %dma_start3A_212 = arith.constant 0 : i32
        %dma_start3A_213 = tpu.memref_slice %arg3[%dma_start3A_211, %dma_start3A_212] : memref<20000x64xf32, #tpu.memory_space<hbm>> -> memref<20000x64xf32, #tpu.memory_space<hbm>>
        tpu.enqueue_indirect_dma source(%dma_start3A_213 : memref<20000x64xf32, #tpu.memory_space<hbm>>) target(%arg13 : memref<200x64xf32, #tpu.memory_space<vmem>>) offsets(%dma_start3A_210 : memref<200xi32, #tpu.memory_space<vmem>>) semaphore(%arg21 : memref<!tpu.dma_semaphore, #tpu.memory_space<semaphore_mem>>)
      } else {
      }
      %mul3A_117 = arith.constant 2 : i32
      %mul3A_118 = arith.muli %scan3A_61, %mul3A_117 : i32
      %add3A_119 = arith.constant 1 : i32
      %add3A_120 = arith.addi %mul3A_118, %add3A_119 : i32
      %dma_wait3A_121 = arith.constant 0 : i32
      %dma_wait3A_122 = tpu.memref_slice %arg9[%dma_wait3A_121] : memref<10000xi32, #tpu.memory_space<vmem>> -> memref<200xi32, #tpu.memory_space<vmem>>
      %dma_wait3A_123 = arith.constant 0 : i32
      %dma_wait3A_124 = arith.constant 0 : i32
      %dma_wait3A_125 = tpu.memref_slice %arg2[%dma_wait3A_123, %dma_wait3A_124] : memref<20000x64xf32, #tpu.memory_space<hbm>> -> memref<20000x64xf32, #tpu.memory_space<hbm>>
      tpu.wait_indirect_dma semaphore(%arg22 : memref<!tpu.dma_semaphore, #tpu.memory_space<semaphore_mem>>) src(%dma_wait3A_125 : memref<20000x64xf32, #tpu.memory_space<hbm>>) dst(%arg12 : memref<200x64xf32, #tpu.memory_space<vmem>>)
      %dma_wait3A_126 = arith.constant 0 : i32
      %dma_wait3A_127 = tpu.memref_slice %arg9[%dma_wait3A_126] : memref<10000xi32, #tpu.memory_space<vmem>> -> memref<200xi32, #tpu.memory_space<vmem>>
      %dma_wait3A_128 = arith.constant 0 : i32
      %dma_wait3A_129 = arith.constant 0 : i32
      %dma_wait3A_130 = tpu.memref_slice %arg2[%dma_wait3A_128, %dma_wait3A_129] : memref<20000x64xf32, #tpu.memory_space<hbm>> -> memref<20000x64xf32, #tpu.memory_space<hbm>>
      tpu.wait_indirect_dma semaphore(%arg22 : memref<!tpu.dma_semaphore, #tpu.memory_space<semaphore_mem>>) src(%dma_wait3A_130 : memref<20000x64xf32, #tpu.memory_space<hbm>>) dst(%arg12 : memref<200x64xf32, #tpu.memory_space<vmem>>)
      %scan3A_131 = arith.constant 0 : i32
      %scan3A_132 = arith.constant 0 : i32
      %scan3A_133 = arith.constant 25 : i32
      %scan3A_134 = arith.addi %scan3A_132, %scan3A_133 : i32
      %scan3A_135 = arith.constant 1 : i32
      scf.for %scan3A_183 = %scan3A_132 to %scan3A_134 step %scan3A_135  : i32 {
        %mul3A_184 = arith.constant 8 : i32
        %mul3A_185 = arith.muli %scan3A_183, %mul3A_184 : i32
        %add3A_186 = arith.constant 0 : i32
        %add3A_187 = arith.addi %mul3A_185, %add3A_186 : i32
        %get3A = arith.index_cast %add3A_187 : i32 to index
        %get3A_188 = arith.constant 0 : index
        %get3A_189 = tpu.vector_load %arg12[%get3A, %get3A_188] {strides = array<i32>} : memref<200x64xf32, #tpu.memory_space<vmem>>, vector<1x16xf32>,
        %get3A_190 = vector.shape_cast %get3A_189 : vector<1x16xf32> to vector<16xf32>
        %get3A_191 = arith.index_cast %add3A_187 : i32 to index
        %get3A_192 = arith.constant 0 : index
        %get3A_193 = tpu.vector_load %arg14[%get3A_191, %get3A_192] {strides = array<i32>} : memref<200x64xf32, #tpu.memory_space<vmem>>, vector<1x16xf32>,
        %get3A_194 = vector.shape_cast %get3A_193 : vector<1x16xf32> to vector<16xf32>
        %add3A_195 = arith.addf %get3A_190, %get3A_194 : vector<16xf32>
        %swap3A = arith.index_cast %scan3A_183 : i32 to index
        %swap3A_196 = arith.constant 0 : index
        %swap3A_197 = tpu.vector_load %arg18[%swap3A, %swap3A_196] {strides = array<i32>} : memref<25x128xf32, #tpu.memory_space<vmem>>, vector<1x16xf32>,
        %swap3A_198 = vector.shape_cast %swap3A_197 : vector<1x16xf32> to vector<16xf32>
        %swap3A_199 = vector.shape_cast %add3A_195 : vector<16xf32> to vector<1x16xf32>
        tpu.vector_store %arg18[%swap3A, %swap3A_196], %swap3A_199 {strides = array<i32>} : memref<25x128xf32, #tpu.memory_space<vmem>>, vector<1x16xf32>,
        %mul3A_200 = arith.constant 8 : i32
        %mul3A_201 = arith.muli %scan3A_183, %mul3A_200 : i32
        %add3A_202 = arith.constant 0 : i32
        %add3A_203 = arith.addi %mul3A_201, %add3A_202 : i32
        %get3A_204 = arith.index_cast %add3A_203 : i32 to index
        %get3A_205 = arith.constant 16 : index
        %get3A_206 = tpu.vector_load %arg12[%get3A_204, %get3A_205] {strides = array<i32>} : memref<200x64xf32, #tpu.memory_space<vmem>>, vector<1x16xf32>,
        %get3A_207 = vector.shape_cast %get3A_206 : vector<1x16xf32> to vector<16xf32>
        %get3A_208 = arith.index_cast %add3A_203 : i32 to index
        %get3A_209 = arith.constant 16 : index
        %get3A_210 = tpu.vector_load %arg14[%get3A_208, %get3A_209] {strides = array<i32>} : memref<200x64xf32, #tpu.memory_space<vmem>>, vector<1x16xf32>,
        %get3A_211 = vector.shape_cast %get3A_210 : vector<1x16xf32> to vector<16xf32>
        %add3A_212 = arith.addf %get3A_207, %get3A_211 : vector<16xf32>
        %swap3A_213 = arith.index_cast %scan3A_183 : i32 to index
        %swap3A_214 = arith.constant 16 : index
        %swap3A_215 = tpu.vector_load %arg18[%swap3A_213, %swap3A_214] {strides = array<i32>} : memref<25x128xf32, #tpu.memory_space<vmem>>, vector<1x16xf32>,
        %swap3A_216 = vector.shape_cast %swap3A_215 : vector<1x16xf32> to vector<16xf32>
        %swap3A_217 = vector.shape_cast %add3A_212 : vector<16xf32> to vector<1x16xf32>
        tpu.vector_store %arg18[%swap3A_213, %swap3A_214], %swap3A_217 {strides = array<i32>} : memref<25x128xf32, #tpu.memory_space<vmem>>, vector<1x16xf32>,
        %mul3A_218 = arith.constant 8 : i32
        %mul3A_219 = arith.muli %scan3A_183, %mul3A_218 : i32
        %add3A_220 = arith.constant 0 : i32
        %add3A_221 = arith.addi %mul3A_219, %add3A_220 : i32
        %get3A_222 = arith.index_cast %add3A_221 : i32 to index
        %get3A_223 = arith.constant 32 : index
        %get3A_224 = tpu.vector_load %arg12[%get3A_222, %get3A_223] {strides = array<i32>} : memref<200x64xf32, #tpu.memory_space<vmem>>, vector<1x16xf32>,
        %get3A_225 = vector.shape_cast %get3A_224 : vector<1x16xf32> to vector<16xf32>
        %get3A_226 = arith.index_cast %add3A_221 : i32 to index
        %get3A_227 = arith.constant 32 : index
        %get3A_228 = tpu.vector_load %arg14[%get3A_226, %get3A_227] {strides = array<i32>} : memref<200x64xf32, #tpu.memory_space<vmem>>, vector<1x16xf32>,
        %get3A_229 = vector.shape_cast %get3A_228 : vector<1x16xf32> to vector<16xf32>
        %add3A_230 = arith.addf %get3A_225, %get3A_229 : vector<16xf32>
        %swap3A_231 = arith.index_cast %scan3A_183 : i32 to index
        %swap3A_232 = arith.constant 32 : index
        %swap3A_233 = tpu.vector_load %arg18[%swap3A_231, %swap3A_232] {strides = array<i32>} : memref<25x128xf32, #tpu.memory_space<vmem>>, vector<1x16xf32>,
        %swap3A_234 = vector.shape_cast %swap3A_233 : vector<1x16xf32> to vector<16xf32>
        %swap3A_235 = vector.shape_cast %add3A_230 : vector<16xf32> to vector<1x16xf32>
        tpu.vector_store %arg18[%swap3A_231, %swap3A_232], %swap3A_235 {strides = array<i32>} : memref<25x128xf32, #tpu.memory_space<vmem>>, vector<1x16xf32>,
        %mul3A_236 = arith.constant 8 : i32
        %mul3A_237 = arith.muli %scan3A_183, %mul3A_236 : i32
        %add3A_238 = arith.constant 1 : i32
        %add3A_239 = arith.addi %mul3A_237, %add3A_238 : i32
        %get3A_240 = arith.index_cast %add3A_239 : i32 to index
        %get3A_241 = arith.constant 0 : index
        %get3A_242 = tpu.vector_load %arg12[%get3A_240, %get3A_241] {strides = array<i32>} : memref<200x64xf32, #tpu.memory_space<vmem>>, vector<1x16xf32>,
        %get3A_243 = vector.shape_cast %get3A_242 : vector<1x16xf32> to vector<16xf32>
        %get3A_244 = arith.index_cast %add3A_239 : i32 to index
        %get3A_245 = arith.constant 0 : index
        %get3A_246 = tpu.vector_load %arg14[%get3A_244, %get3A_245] {strides = array<i32>} : memref<200x64xf32, #tpu.memory_space<vmem>>, vector<1x16xf32>,
        %get3A_247 = vector.shape_cast %get3A_246 : vector<1x16xf32> to vector<16xf32>
        %add3A_248 = arith.addf %get3A_243, %get3A_247 : vector<16xf32>
        %swap3A_249 = arith.index_cast %scan3A_183 : i32 to index
        %swap3A_250 = arith.constant 48 : index
        %swap3A_251 = tpu.vector_load %arg18[%swap3A_249, %swap3A_250] {strides = array<i32>} : memref<25x128xf32, #tpu.memory_space<vmem>>, vector<1x16xf32>,
        %swap3A_252 = vector.shape_cast %swap3A_251 : vector<1x16xf32> to vector<16xf32>
        %swap3A_253 = vector.shape_cast %add3A_248 : vector<16xf32> to vector<1x16xf32>
        tpu.vector_store %arg18[%swap3A_249, %swap3A_250], %swap3A_253 {strides = array<i32>} : memref<25x128xf32, #tpu.memory_space<vmem>>, vector<1x16xf32>,
        %mul3A_254 = arith.constant 8 : i32
        %mul3A_255 = arith.muli %scan3A_183, %mul3A_254 : i32
        %add3A_256 = arith.constant 1 : i32
        %add3A_257 = arith.addi %mul3A_255, %add3A_256 : i32
        %get3A_258 = arith.index_cast %add3A_257 : i32 to index
        %get3A_259 = arith.constant 16 : index
        %get3A_260 = tpu.vector_load %arg12[%get3A_258, %get3A_259] {strides = array<i32>} : memref<200x64xf32, #tpu.memory_space<vmem>>, vector<1x16xf32>,
        %get3A_261 = vector.shape_cast %get3A_260 : vector<1x16xf32> to vector<16xf32>
        %get3A_262 = arith.index_cast %add3A_257 : i32 to index
        %get3A_263 = arith.constant 16 : index
        %get3A_264 = tpu.vector_load %arg14[%get3A_262, %get3A_263] {strides = array<i32>} : memref<200x64xf32, #tpu.memory_space<vmem>>, vector<1x16xf32>,
        %get3A_265 = vector.shape_cast %get3A_264 : vector<1x16xf32> to vector<16xf32>
        %add3A_266 = arith.addf %get3A_261, %get3A_265 : vector<16xf32>
        %swap3A_267 = arith.index_cast %scan3A_183 : i32 to index
        %swap3A_268 = arith.constant 64 : index
        %swap3A_269 = tpu.vector_load %arg18[%swap3A_267, %swap3A_268] {strides = array<i32>} : memref<25x128xf32, #tpu.memory_space<vmem>>, vector<1x16xf32>,
        %swap3A_270 = vector.shape_cast %swap3A_269 : vector<1x16xf32> to vector<16xf32>
        %swap3A_271 = vector.shape_cast %add3A_266 : vector<16xf32> to vector<1x16xf32>
        tpu.vector_store %arg18[%swap3A_267, %swap3A_268], %swap3A_271 {strides = array<i32>} : memref<25x128xf32, #tpu.memory_space<vmem>>, vector<1x16xf32>,
        %mul3A_272 = arith.constant 8 : i32
        %mul3A_273 = arith.muli %scan3A_183, %mul3A_272 : i32
        %add3A_274 = arith.constant 1 : i32
        %add3A_275 = arith.addi %mul3A_273, %add3A_274 : i32
        %get3A_276 = arith.index_cast %add3A_275 : i32 to index
        %get3A_277 = arith.constant 32 : index
        %get3A_278 = tpu.vector_load %arg12[%get3A_276, %get3A_277] {strides = array<i32>} : memref<200x64xf32, #tpu.memory_space<vmem>>, vector<1x16xf32>,
        %get3A_279 = vector.shape_cast %get3A_278 : vector<1x16xf32> to vector<16xf32>
        %get3A_280 = arith.index_cast %add3A_275 : i32 to index
        %get3A_281 = arith.constant 32 : index
        %get3A_282 = tpu.vector_load %arg14[%get3A_280, %get3A_281] {strides = array<i32>} : memref<200x64xf32, #tpu.memory_space<vmem>>, vector<1x16xf32>,
        %get3A_283 = vector.shape_cast %get3A_282 : vector<1x16xf32> to vector<16xf32>
        %add3A_284 = arith.addf %get3A_279, %get3A_283 : vector<16xf32>
        %swap3A_285 = arith.index_cast %scan3A_183 : i32 to index
        %swap3A_286 = arith.constant 80 : index
        %swap3A_287 = tpu.vector_load %arg18[%swap3A_285, %swap3A_286] {strides = array<i32>} : memref<25x128xf32, #tpu.memory_space<vmem>>, vector<1x16xf32>,
        %swap3A_288 = vector.shape_cast %swap3A_287 : vector<1x16xf32> to vector<16xf32>
        %swap3A_289 = vector.shape_cast %add3A_284 : vector<16xf32> to vector<1x16xf32>
        tpu.vector_store %arg18[%swap3A_285, %swap3A_286], %swap3A_289 {strides = array<i32>} : memref<25x128xf32, #tpu.memory_space<vmem>>, vector<1x16xf32>,
        %mul3A_290 = arith.constant 8 : i32
        %mul3A_291 = arith.muli %scan3A_183, %mul3A_290 : i32
        %add3A_292 = arith.constant 2 : i32
        %add3A_293 = arith.addi %mul3A_291, %add3A_292 : i32
        %get3A_294 = arith.index_cast %add3A_293 : i32 to index
        %get3A_295 = arith.constant 0 : index
        %get3A_296 = tpu.vector_load %arg12[%get3A_294, %get3A_295] {strides = array<i32>} : memref<200x64xf32, #tpu.memory_space<vmem>>, vector<1x16xf32>,
        %get3A_297 = vector.shape_cast %get3A_296 : vector<1x16xf32> to vector<16xf32>
        %get3A_298 = arith.index_cast %add3A_293 : i32 to index
        %get3A_299 = arith.constant 0 : index
        %get3A_300 = tpu.vector_load %arg14[%get3A_298, %get3A_299] {strides = array<i32>} : memref<200x64xf32, #tpu.memory_space<vmem>>, vector<1x16xf32>,
        %get3A_301 = vector.shape_cast %get3A_300 : vector<1x16xf32> to vector<16xf32>
        %add3A_302 = arith.addf %get3A_297, %get3A_301 : vector<16xf32>
        %swap3A_303 = arith.index_cast %scan3A_183 : i32 to index
        %swap3A_304 = arith.constant 96 : index
        %swap3A_305 = tpu.vector_load %arg18[%swap3A_303, %swap3A_304] {strides = array<i32>} : memref<25x128xf32, #tpu.memory_space<vmem>>, vector<1x16xf32>,
        %swap3A_306 = vector.shape_cast %swap3A_305 : vector<1x16xf32> to vector<16xf32>
        %swap3A_307 = vector.shape_cast %add3A_302 : vector<16xf32> to vector<1x16xf32>
        tpu.vector_store %arg18[%swap3A_303, %swap3A_304], %swap3A_307 {strides = array<i32>} : memref<25x128xf32, #tpu.memory_space<vmem>>, vector<1x16xf32>,
        %mul3A_308 = arith.constant 8 : i32
        %mul3A_309 = arith.muli %scan3A_183, %mul3A_308 : i32
        %add3A_310 = arith.constant 2 : i32
        %add3A_311 = arith.addi %mul3A_309, %add3A_310 : i32
        %get3A_312 = arith.index_cast %add3A_311 : i32 to index
        %get3A_313 = arith.constant 16 : index
        %get3A_314 = tpu.vector_load %arg12[%get3A_312, %get3A_313] {strides = array<i32>} : memref<200x64xf32, #tpu.memory_space<vmem>>, vector<1x16xf32>,
        %get3A_315 = vector.shape_cast %get3A_314 : vector<1x16xf32> to vector<16xf32>
        %get3A_316 = arith.index_cast %add3A_311 : i32 to index
        %get3A_317 = arith.constant 16 : index
        %get3A_318 = tpu.vector_load %arg14[%get3A_316, %get3A_317] {strides = array<i32>} : memref<200x64xf32, #tpu.memory_space<vmem>>, vector<1x16xf32>,
        %get3A_319 = vector.shape_cast %get3A_318 : vector<1x16xf32> to vector<16xf32>
        %add3A_320 = arith.addf %get3A_315, %get3A_319 : vector<16xf32>
        %swap3A_321 = arith.index_cast %scan3A_183 : i32 to index
        %swap3A_322 = arith.constant 112 : index
        %swap3A_323 = tpu.vector_load %arg18[%swap3A_321, %swap3A_322] {strides = array<i32>} : memref<25x128xf32, #tpu.memory_space<vmem>>, vector<1x16xf32>,
        %swap3A_324 = vector.shape_cast %swap3A_323 : vector<1x16xf32> to vector<16xf32>
        %swap3A_325 = vector.shape_cast %add3A_320 : vector<16xf32> to vector<1x16xf32>
        tpu.vector_store %arg18[%swap3A_321, %swap3A_322], %swap3A_325 {strides = array<i32>} : memref<25x128xf32, #tpu.memory_space<vmem>>, vector<1x16xf32>,
        %mul3A_326 = arith.constant 8 : i32
        %mul3A_327 = arith.muli %scan3A_183, %mul3A_326 : i32
        %add3A_328 = arith.constant 2 : i32
        %add3A_329 = arith.addi %mul3A_327, %add3A_328 : i32
        %get3A_330 = arith.index_cast %add3A_329 : i32 to index
        %get3A_331 = arith.constant 32 : index
        %get3A_332 = tpu.vector_load %arg12[%get3A_330, %get3A_331] {strides = array<i32>} : memref<200x64xf32, #tpu.memory_space<vmem>>, vector<1x16xf32>,
        %get3A_333 = vector.shape_cast %get3A_332 : vector<1x16xf32> to vector<16xf32>
        %get3A_334 = arith.index_cast %add3A_329 : i32 to index
        %get3A_335 = arith.constant 32 : index
        %get3A_336 = tpu.vector_load %arg14[%get3A_334, %get3A_335] {strides = array<i32>} : memref<200x64xf32, #tpu.memory_space<vmem>>, vector<1x16xf32>,
        %get3A_337 = vector.shape_cast %get3A_336 : vector<1x16xf32> to vector<16xf32>
        %add3A_338 = arith.addf %get3A_333, %get3A_337 : vector<16xf32>
        %swap3A_339 = arith.index_cast %scan3A_183 : i32 to index
        %swap3A_340 = arith.constant 0 : index
        %swap3A_341 = tpu.vector_load %arg19[%swap3A_339, %swap3A_340] {strides = array<i32>} : memref<25x128xf32, #tpu.memory_space<vmem>>, vector<1x16xf32>,
        %swap3A_342 = vector.shape_cast %swap3A_341 : vector<1x16xf32> to vector<16xf32>
        %swap3A_343 = vector.shape_cast %add3A_338 : vector<16xf32> to vector<1x16xf32>
        tpu.vector_store %arg19[%swap3A_339, %swap3A_340], %swap3A_343 {strides = array<i32>} : memref<25x128xf32, #tpu.memory_space<vmem>>, vector<1x16xf32>,
        %mul3A_344 = arith.constant 8 : i32
        %mul3A_345 = arith.muli %scan3A_183, %mul3A_344 : i32
        %add3A_346 = arith.constant 3 : i32
        %add3A_347 = arith.addi %mul3A_345, %add3A_346 : i32
        %get3A_348 = arith.index_cast %add3A_347 : i32 to index
        %get3A_349 = arith.constant 0 : index
        %get3A_350 = tpu.vector_load %arg12[%get3A_348, %get3A_349] {strides = array<i32>} : memref<200x64xf32, #tpu.memory_space<vmem>>, vector<1x16xf32>,
        %get3A_351 = vector.shape_cast %get3A_350 : vector<1x16xf32> to vector<16xf32>
        %get3A_352 = arith.index_cast %add3A_347 : i32 to index
        %get3A_353 = arith.constant 0 : index
        %get3A_354 = tpu.vector_load %arg14[%get3A_352, %get3A_353] {strides = array<i32>} : memref<200x64xf32, #tpu.memory_space<vmem>>, vector<1x16xf32>,
        %get3A_355 = vector.shape_cast %get3A_354 : vector<1x16xf32> to vector<16xf32>
        %add3A_356 = arith.addf %get3A_351, %get3A_355 : vector<16xf32>
        %swap3A_357 = arith.index_cast %scan3A_183 : i32 to index
        %swap3A_358 = arith.constant 16 : index
        %swap3A_359 = tpu.vector_load %arg19[%swap3A_357, %swap3A_358] {strides = array<i32>} : memref<25x128xf32, #tpu.memory_space<vmem>>, vector<1x16xf32>,
        %swap3A_360 = vector.shape_cast %swap3A_359 : vector<1x16xf32> to vector<16xf32>
        %swap3A_361 = vector.shape_cast %add3A_356 : vector<16xf32> to vector<1x16xf32>
        tpu.vector_store %arg19[%swap3A_357, %swap3A_358], %swap3A_361 {strides = array<i32>} : memref<25x128xf32, #tpu.memory_space<vmem>>, vector<1x16xf32>,
        %mul3A_362 = arith.constant 8 : i32
        %mul3A_363 = arith.muli %scan3A_183, %mul3A_362 : i32
        %add3A_364 = arith.constant 3 : i32
        %add3A_365 = arith.addi %mul3A_363, %add3A_364 : i32
        %get3A_366 = arith.index_cast %add3A_365 : i32 to index
        %get3A_367 = arith.constant 16 : index
        %get3A_368 = tpu.vector_load %arg12[%get3A_366, %get3A_367] {strides = array<i32>} : memref<200x64xf32, #tpu.memory_space<vmem>>, vector<1x16xf32>,
        %get3A_369 = vector.shape_cast %get3A_368 : vector<1x16xf32> to vector<16xf32>
        %get3A_370 = arith.index_cast %add3A_365 : i32 to index
        %get3A_371 = arith.constant 16 : index
        %get3A_372 = tpu.vector_load %arg14[%get3A_370, %get3A_371] {strides = array<i32>} : memref<200x64xf32, #tpu.memory_space<vmem>>, vector<1x16xf32>,
        %get3A_373 = vector.shape_cast %get3A_372 : vector<1x16xf32> to vector<16xf32>
        %add3A_374 = arith.addf %get3A_369, %get3A_373 : vector<16xf32>
        %swap3A_375 = arith.index_cast %scan3A_183 : i32 to index
        %swap3A_376 = arith.constant 32 : index
        %swap3A_377 = tpu.vector_load %arg19[%swap3A_375, %swap3A_376] {strides = array<i32>} : memref<25x128xf32, #tpu.memory_space<vmem>>, vector<1x16xf32>,
        %swap3A_378 = vector.shape_cast %swap3A_377 : vector<1x16xf32> to vector<16xf32>
        %swap3A_379 = vector.shape_cast %add3A_374 : vector<16xf32> to vector<1x16xf32>
        tpu.vector_store %arg19[%swap3A_375, %swap3A_376], %swap3A_379 {strides = array<i32>} : memref<25x128xf32, #tpu.memory_space<vmem>>, vector<1x16xf32>,
        %mul3A_380 = arith.constant 8 : i32
        %mul3A_381 = arith.muli %scan3A_183, %mul3A_380 : i32
        %add3A_382 = arith.constant 3 : i32
        %add3A_383 = arith.addi %mul3A_381, %add3A_382 : i32
        %get3A_384 = arith.index_cast %add3A_383 : i32 to index
        %get3A_385 = arith.constant 32 : index
        %get3A_386 = tpu.vector_load %arg12[%get3A_384, %get3A_385] {strides = array<i32>} : memref<200x64xf32, #tpu.memory_space<vmem>>, vector<1x16xf32>,
        %get3A_387 = vector.shape_cast %get3A_386 : vector<1x16xf32> to vector<16xf32>
        %get3A_388 = arith.index_cast %add3A_383 : i32 to index
        %get3A_389 = arith.constant 32 : index
        %get3A_390 = tpu.vector_load %arg14[%get3A_388, %get3A_389] {strides = array<i32>} : memref<200x64xf32, #tpu.memory_space<vmem>>, vector<1x16xf32>,
        %get3A_391 = vector.shape_cast %get3A_390 : vector<1x16xf32> to vector<16xf32>
        %add3A_392 = arith.addf %get3A_387, %get3A_391 : vector<16xf32>
        %swap3A_393 = arith.index_cast %scan3A_183 : i32 to index
        %swap3A_394 = arith.constant 48 : index
        %swap3A_395 = tpu.vector_load %arg19[%swap3A_393, %swap3A_394] {strides = array<i32>} : memref<25x128xf32, #tpu.memory_space<vmem>>, vector<1x16xf32>,
        %swap3A_396 = vector.shape_cast %swap3A_395 : vector<1x16xf32> to vector<16xf32>
        %swap3A_397 = vector.shape_cast %add3A_392 : vector<16xf32> to vector<1x16xf32>
        tpu.vector_store %arg19[%swap3A_393, %swap3A_394], %swap3A_397 {strides = array<i32>} : memref<25x128xf32, #tpu.memory_space<vmem>>, vector<1x16xf32>,
        %mul3A_398 = arith.constant 8 : i32
        %mul3A_399 = arith.muli %scan3A_183, %mul3A_398 : i32
        %add3A_400 = arith.constant 4 : i32
        %add3A_401 = arith.addi %mul3A_399, %add3A_400 : i32
        %get3A_402 = arith.index_cast %add3A_401 : i32 to index
        %get3A_403 = arith.constant 0 : index
        %get3A_404 = tpu.vector_load %arg12[%get3A_402, %get3A_403] {strides = array<i32>} : memref<200x64xf32, #tpu.memory_space<vmem>>, vector<1x16xf32>,
        %get3A_405 = vector.shape_cast %get3A_404 : vector<1x16xf32> to vector<16xf32>
        %get3A_406 = arith.index_cast %add3A_401 : i32 to index
        %get3A_407 = arith.constant 0 : index
        %get3A_408 = tpu.vector_load %arg14[%get3A_406, %get3A_407] {strides = array<i32>} : memref<200x64xf32, #tpu.memory_space<vmem>>, vector<1x16xf32>,
        %get3A_409 = vector.shape_cast %get3A_408 : vector<1x16xf32> to vector<16xf32>
        %add3A_410 = arith.addf %get3A_405, %get3A_409 : vector<16xf32>
        %swap3A_411 = arith.index_cast %scan3A_183 : i32 to index
        %swap3A_412 = arith.constant 64 : index
        %swap3A_413 = tpu.vector_load %arg19[%swap3A_411, %swap3A_412] {strides = array<i32>} : memref<25x128xf32, #tpu.memory_space<vmem>>, vector<1x16xf32>,
        %swap3A_414 = vector.shape_cast %swap3A_413 : vector<1x16xf32> to vector<16xf32>
        %swap3A_415 = vector.shape_cast %add3A_410 : vector<16xf32> to vector<1x16xf32>
        tpu.vector_store %arg19[%swap3A_411, %swap3A_412], %swap3A_415 {strides = array<i32>} : memref<25x128xf32, #tpu.memory_space<vmem>>, vector<1x16xf32>,
        %mul3A_416 = arith.constant 8 : i32
        %mul3A_417 = arith.muli %scan3A_183, %mul3A_416 : i32
        %add3A_418 = arith.constant 4 : i32
        %add3A_419 = arith.addi %mul3A_417, %add3A_418 : i32
        %get3A_420 = arith.index_cast %add3A_419 : i32 to index
        %get3A_421 = arith.constant 16 : index
        %get3A_422 = tpu.vector_load %arg12[%get3A_420, %get3A_421] {strides = array<i32>} : memref<200x64xf32, #tpu.memory_space<vmem>>, vector<1x16xf32>,
        %get3A_423 = vector.shape_cast %get3A_422 : vector<1x16xf32> to vector<16xf32>
        %get3A_424 = arith.index_cast %add3A_419 : i32 to index
        %get3A_425 = arith.constant 16 : index
        %get3A_426 = tpu.vector_load %arg14[%get3A_424, %get3A_425] {strides = array<i32>} : memref<200x64xf32, #tpu.memory_space<vmem>>, vector<1x16xf32>,
        %get3A_427 = vector.shape_cast %get3A_426 : vector<1x16xf32> to vector<16xf32>
        %add3A_428 = arith.addf %get3A_423, %get3A_427 : vector<16xf32>
        %swap3A_429 = arith.index_cast %scan3A_183 : i32 to index
        %swap3A_430 = arith.constant 80 : index
        %swap3A_431 = tpu.vector_load %arg19[%swap3A_429, %swap3A_430] {strides = array<i32>} : memref<25x128xf32, #tpu.memory_space<vmem>>, vector<1x16xf32>,
        %swap3A_432 = vector.shape_cast %swap3A_431 : vector<1x16xf32> to vector<16xf32>
        %swap3A_433 = vector.shape_cast %add3A_428 : vector<16xf32> to vector<1x16xf32>
        tpu.vector_store %arg19[%swap3A_429, %swap3A_430], %swap3A_433 {strides = array<i32>} : memref<25x128xf32, #tpu.memory_space<vmem>>, vector<1x16xf32>,
        %mul3A_434 = arith.constant 8 : i32
        %mul3A_435 = arith.muli %scan3A_183, %mul3A_434 : i32
        %add3A_436 = arith.constant 4 : i32
        %add3A_437 = arith.addi %mul3A_435, %add3A_436 : i32
        %get3A_438 = arith.index_cast %add3A_437 : i32 to index
        %get3A_439 = arith.constant 32 : index
        %get3A_440 = tpu.vector_load %arg12[%get3A_438, %get3A_439] {strides = array<i32>} : memref<200x64xf32, #tpu.memory_space<vmem>>, vector<1x16xf32>,
        %get3A_441 = vector.shape_cast %get3A_440 : vector<1x16xf32> to vector<16xf32>
        %get3A_442 = arith.index_cast %add3A_437 : i32 to index
        %get3A_443 = arith.constant 32 : index
        %get3A_444 = tpu.vector_load %arg14[%get3A_442, %get3A_443] {strides = array<i32>} : memref<200x64xf32, #tpu.memory_space<vmem>>, vector<1x16xf32>,
        %get3A_445 = vector.shape_cast %get3A_444 : vector<1x16xf32> to vector<16xf32>
        %add3A_446 = arith.addf %get3A_441, %get3A_445 : vector<16xf32>
        %swap3A_447 = arith.index_cast %scan3A_183 : i32 to index
        %swap3A_448 = arith.constant 96 : index
        %swap3A_449 = tpu.vector_load %arg19[%swap3A_447, %swap3A_448] {strides = array<i32>} : memref<25x128xf32, #tpu.memory_space<vmem>>, vector<1x16xf32>,
        %swap3A_450 = vector.shape_cast %swap3A_449 : vector<1x16xf32> to vector<16xf32>
        %swap3A_451 = vector.shape_cast %add3A_446 : vector<16xf32> to vector<1x16xf32>
        tpu.vector_store %arg19[%swap3A_447, %swap3A_448], %swap3A_451 {strides = array<i32>} : memref<25x128xf32, #tpu.memory_space<vmem>>, vector<1x16xf32>,
        %mul3A_452 = arith.constant 8 : i32
        %mul3A_453 = arith.muli %scan3A_183, %mul3A_452 : i32
        %add3A_454 = arith.constant 5 : i32
        %add3A_455 = arith.addi %mul3A_453, %add3A_454 : i32
        %get3A_456 = arith.index_cast %add3A_455 : i32 to index
        %get3A_457 = arith.constant 0 : index
        %get3A_458 = tpu.vector_load %arg12[%get3A_456, %get3A_457] {strides = array<i32>} : memref<200x64xf32, #tpu.memory_space<vmem>>, vector<1x16xf32>,
        %get3A_459 = vector.shape_cast %get3A_458 : vector<1x16xf32> to vector<16xf32>
        %get3A_460 = arith.index_cast %add3A_455 : i32 to index
        %get3A_461 = arith.constant 0 : index
        %get3A_462 = tpu.vector_load %arg14[%get3A_460, %get3A_461] {strides = array<i32>} : memref<200x64xf32, #tpu.memory_space<vmem>>, vector<1x16xf32>,
        %get3A_463 = vector.shape_cast %get3A_462 : vector<1x16xf32> to vector<16xf32>
        %add3A_464 = arith.addf %get3A_459, %get3A_463 : vector<16xf32>
        %swap3A_465 = arith.index_cast %scan3A_183 : i32 to index
        %swap3A_466 = arith.constant 112 : index
        %swap3A_467 = tpu.vector_load %arg19[%swap3A_465, %swap3A_466] {strides = array<i32>} : memref<25x128xf32, #tpu.memory_space<vmem>>, vector<1x16xf32>,
        %swap3A_468 = vector.shape_cast %swap3A_467 : vector<1x16xf32> to vector<16xf32>
        %swap3A_469 = vector.shape_cast %add3A_464 : vector<16xf32> to vector<1x16xf32>
        tpu.vector_store %arg19[%swap3A_465, %swap3A_466], %swap3A_469 {strides = array<i32>} : memref<25x128xf32, #tpu.memory_space<vmem>>, vector<1x16xf32>,
        %mul3A_470 = arith.constant 8 : i32
        %mul3A_471 = arith.muli %scan3A_183, %mul3A_470 : i32
        %add3A_472 = arith.constant 5 : i32
        %add3A_473 = arith.addi %mul3A_471, %add3A_472 : i32
        %get3A_474 = arith.index_cast %add3A_473 : i32 to index
        %get3A_475 = arith.constant 16 : index
        %get3A_476 = tpu.vector_load %arg12[%get3A_474, %get3A_475] {strides = array<i32>} : memref<200x64xf32, #tpu.memory_space<vmem>>, vector<1x16xf32>,
        %get3A_477 = vector.shape_cast %get3A_476 : vector<1x16xf32> to vector<16xf32>
        %get3A_478 = arith.index_cast %add3A_473 : i32 to index
        %get3A_479 = arith.constant 16 : index
        %get3A_480 = tpu.vector_load %arg14[%get3A_478, %get3A_479] {strides = array<i32>} : memref<200x64xf32, #tpu.memory_space<vmem>>, vector<1x16xf32>,
        %get3A_481 = vector.shape_cast %get3A_480 : vector<1x16xf32> to vector<16xf32>
        %add3A_482 = arith.addf %get3A_477, %get3A_481 : vector<16xf32>
        %swap3A_483 = arith.index_cast %scan3A_183 : i32 to index
        %swap3A_484 = arith.constant 0 : index
        %swap3A_485 = tpu.vector_load %arg20[%swap3A_483, %swap3A_484] {strides = array<i32>} : memref<25x128xf32, #tpu.memory_space<vmem>>, vector<1x16xf32>,
        %swap3A_486 = vector.shape_cast %swap3A_485 : vector<1x16xf32> to vector<16xf32>
        %swap3A_487 = vector.shape_cast %add3A_482 : vector<16xf32> to vector<1x16xf32>
        tpu.vector_store %arg20[%swap3A_483, %swap3A_484], %swap3A_487 {strides = array<i32>} : memref<25x128xf32, #tpu.memory_space<vmem>>, vector<1x16xf32>,
        %mul3A_488 = arith.constant 8 : i32
        %mul3A_489 = arith.muli %scan3A_183, %mul3A_488 : i32
        %add3A_490 = arith.constant 5 : i32
        %add3A_491 = arith.addi %mul3A_489, %add3A_490 : i32
        %get3A_492 = arith.index_cast %add3A_491 : i32 to index
        %get3A_493 = arith.constant 32 : index
        %get3A_494 = tpu.vector_load %arg12[%get3A_492, %get3A_493] {strides = array<i32>} : memref<200x64xf32, #tpu.memory_space<vmem>>, vector<1x16xf32>,
        %get3A_495 = vector.shape_cast %get3A_494 : vector<1x16xf32> to vector<16xf32>
        %get3A_496 = arith.index_cast %add3A_491 : i32 to index
        %get3A_497 = arith.constant 32 : index
        %get3A_498 = tpu.vector_load %arg14[%get3A_496, %get3A_497] {strides = array<i32>} : memref<200x64xf32, #tpu.memory_space<vmem>>, vector<1x16xf32>,
        %get3A_499 = vector.shape_cast %get3A_498 : vector<1x16xf32> to vector<16xf32>
        %add3A_500 = arith.addf %get3A_495, %get3A_499 : vector<16xf32>
        %swap3A_501 = arith.index_cast %scan3A_183 : i32 to index
        %swap3A_502 = arith.constant 16 : index
        %swap3A_503 = tpu.vector_load %arg20[%swap3A_501, %swap3A_502] {strides = array<i32>} : memref<25x128xf32, #tpu.memory_space<vmem>>, vector<1x16xf32>,
        %swap3A_504 = vector.shape_cast %swap3A_503 : vector<1x16xf32> to vector<16xf32>
        %swap3A_505 = vector.shape_cast %add3A_500 : vector<16xf32> to vector<1x16xf32>
        tpu.vector_store %arg20[%swap3A_501, %swap3A_502], %swap3A_505 {strides = array<i32>} : memref<25x128xf32, #tpu.memory_space<vmem>>, vector<1x16xf32>,
        %mul3A_506 = arith.constant 8 : i32
        %mul3A_507 = arith.muli %scan3A_183, %mul3A_506 : i32
        %add3A_508 = arith.constant 6 : i32
        %add3A_509 = arith.addi %mul3A_507, %add3A_508 : i32
        %get3A_510 = arith.index_cast %add3A_509 : i32 to index
        %get3A_511 = arith.constant 0 : index
        %get3A_512 = tpu.vector_load %arg12[%get3A_510, %get3A_511] {strides = array<i32>} : memref<200x64xf32, #tpu.memory_space<vmem>>, vector<1x16xf32>,
        %get3A_513 = vector.shape_cast %get3A_512 : vector<1x16xf32> to vector<16xf32>
        %get3A_514 = arith.index_cast %add3A_509 : i32 to index
        %get3A_515 = arith.constant 0 : index
        %get3A_516 = tpu.vector_load %arg14[%get3A_514, %get3A_515] {strides = array<i32>} : memref<200x64xf32, #tpu.memory_space<vmem>>, vector<1x16xf32>,
        %get3A_517 = vector.shape_cast %get3A_516 : vector<1x16xf32> to vector<16xf32>
        %add3A_518 = arith.addf %get3A_513, %get3A_517 : vector<16xf32>
        %swap3A_519 = arith.index_cast %scan3A_183 : i32 to index
        %swap3A_520 = arith.constant 32 : index
        %swap3A_521 = tpu.vector_load %arg20[%swap3A_519, %swap3A_520] {strides = array<i32>} : memref<25x128xf32, #tpu.memory_space<vmem>>, vector<1x16xf32>,
        %swap3A_522 = vector.shape_cast %swap3A_521 : vector<1x16xf32> to vector<16xf32>
        %swap3A_523 = vector.shape_cast %add3A_518 : vector<16xf32> to vector<1x16xf32>
        tpu.vector_store %arg20[%swap3A_519, %swap3A_520], %swap3A_523 {strides = array<i32>} : memref<25x128xf32, #tpu.memory_space<vmem>>, vector<1x16xf32>,
        %mul3A_524 = arith.constant 8 : i32
        %mul3A_525 = arith.muli %scan3A_183, %mul3A_524 : i32
        %add3A_526 = arith.constant 6 : i32
        %add3A_527 = arith.addi %mul3A_525, %add3A_526 : i32
        %get3A_528 = arith.index_cast %add3A_527 : i32 to index
        %get3A_529 = arith.constant 16 : index
        %get3A_530 = tpu.vector_load %arg12[%get3A_528, %get3A_529] {strides = array<i32>} : memref<200x64xf32, #tpu.memory_space<vmem>>, vector<1x16xf32>,
        %get3A_531 = vector.shape_cast %get3A_530 : vector<1x16xf32> to vector<16xf32>
        %get3A_532 = arith.index_cast %add3A_527 : i32 to index
        %get3A_533 = arith.constant 16 : index
        %get3A_534 = tpu.vector_load %arg14[%get3A_532, %get3A_533] {strides = array<i32>} : memref<200x64xf32, #tpu.memory_space<vmem>>, vector<1x16xf32>,
        %get3A_535 = vector.shape_cast %get3A_534 : vector<1x16xf32> to vector<16xf32>
        %add3A_536 = arith.addf %get3A_531, %get3A_535 : vector<16xf32>
        %swap3A_537 = arith.index_cast %scan3A_183 : i32 to index
        %swap3A_538 = arith.constant 48 : index
        %swap3A_539 = tpu.vector_load %arg20[%swap3A_537, %swap3A_538] {strides = array<i32>} : memref<25x128xf32, #tpu.memory_space<vmem>>, vector<1x16xf32>,
        %swap3A_540 = vector.shape_cast %swap3A_539 : vector<1x16xf32> to vector<16xf32>
        %swap3A_541 = vector.shape_cast %add3A_536 : vector<16xf32> to vector<1x16xf32>
        tpu.vector_store %arg20[%swap3A_537, %swap3A_538], %swap3A_541 {strides = array<i32>} : memref<25x128xf32, #tpu.memory_space<vmem>>, vector<1x16xf32>,
        %mul3A_542 = arith.constant 8 : i32
        %mul3A_543 = arith.muli %scan3A_183, %mul3A_542 : i32
        %add3A_544 = arith.constant 6 : i32
        %add3A_545 = arith.addi %mul3A_543, %add3A_544 : i32
        %get3A_546 = arith.index_cast %add3A_545 : i32 to index
        %get3A_547 = arith.constant 32 : index
        %get3A_548 = tpu.vector_load %arg12[%get3A_546, %get3A_547] {strides = array<i32>} : memref<200x64xf32, #tpu.memory_space<vmem>>, vector<1x16xf32>,
        %get3A_549 = vector.shape_cast %get3A_548 : vector<1x16xf32> to vector<16xf32>
        %get3A_550 = arith.index_cast %add3A_545 : i32 to index
        %get3A_551 = arith.constant 32 : index
        %get3A_552 = tpu.vector_load %arg14[%get3A_550, %get3A_551] {strides = array<i32>} : memref<200x64xf32, #tpu.memory_space<vmem>>, vector<1x16xf32>,
        %get3A_553 = vector.shape_cast %get3A_552 : vector<1x16xf32> to vector<16xf32>
        %add3A_554 = arith.addf %get3A_549, %get3A_553 : vector<16xf32>
        %swap3A_555 = arith.index_cast %scan3A_183 : i32 to index
        %swap3A_556 = arith.constant 64 : index
        %swap3A_557 = tpu.vector_load %arg20[%swap3A_555, %swap3A_556] {strides = array<i32>} : memref<25x128xf32, #tpu.memory_space<vmem>>, vector<1x16xf32>,
        %swap3A_558 = vector.shape_cast %swap3A_557 : vector<1x16xf32> to vector<16xf32>
        %swap3A_559 = vector.shape_cast %add3A_554 : vector<16xf32> to vector<1x16xf32>
        tpu.vector_store %arg20[%swap3A_555, %swap3A_556], %swap3A_559 {strides = array<i32>} : memref<25x128xf32, #tpu.memory_space<vmem>>, vector<1x16xf32>,
        %mul3A_560 = arith.constant 8 : i32
        %mul3A_561 = arith.muli %scan3A_183, %mul3A_560 : i32
        %add3A_562 = arith.constant 7 : i32
        %add3A_563 = arith.addi %mul3A_561, %add3A_562 : i32
        %get3A_564 = arith.index_cast %add3A_563 : i32 to index
        %get3A_565 = arith.constant 0 : index
        %get3A_566 = tpu.vector_load %arg12[%get3A_564, %get3A_565] {strides = array<i32>} : memref<200x64xf32, #tpu.memory_space<vmem>>, vector<1x16xf32>,
        %get3A_567 = vector.shape_cast %get3A_566 : vector<1x16xf32> to vector<16xf32>
        %get3A_568 = arith.index_cast %add3A_563 : i32 to index
        %get3A_569 = arith.constant 0 : index
        %get3A_570 = tpu.vector_load %arg14[%get3A_568, %get3A_569] {strides = array<i32>} : memref<200x64xf32, #tpu.memory_space<vmem>>, vector<1x16xf32>,
        %get3A_571 = vector.shape_cast %get3A_570 : vector<1x16xf32> to vector<16xf32>
        %add3A_572 = arith.addf %get3A_567, %get3A_571 : vector<16xf32>
        %swap3A_573 = arith.index_cast %scan3A_183 : i32 to index
        %swap3A_574 = arith.constant 80 : index
        %swap3A_575 = tpu.vector_load %arg20[%swap3A_573, %swap3A_574] {strides = array<i32>} : memref<25x128xf32, #tpu.memory_space<vmem>>, vector<1x16xf32>,
        %swap3A_576 = vector.shape_cast %swap3A_575 : vector<1x16xf32> to vector<16xf32>
        %swap3A_577 = vector.shape_cast %add3A_572 : vector<16xf32> to vector<1x16xf32>
        tpu.vector_store %arg20[%swap3A_573, %swap3A_574], %swap3A_577 {strides = array<i32>} : memref<25x128xf32, #tpu.memory_space<vmem>>, vector<1x16xf32>,
        %mul3A_578 = arith.constant 8 : i32
        %mul3A_579 = arith.muli %scan3A_183, %mul3A_578 : i32
        %add3A_580 = arith.constant 7 : i32
        %add3A_581 = arith.addi %mul3A_579, %add3A_580 : i32
        %get3A_582 = arith.index_cast %add3A_581 : i32 to index
        %get3A_583 = arith.constant 16 : index
        %get3A_584 = tpu.vector_load %arg12[%get3A_582, %get3A_583] {strides = array<i32>} : memref<200x64xf32, #tpu.memory_space<vmem>>, vector<1x16xf32>,
        %get3A_585 = vector.shape_cast %get3A_584 : vector<1x16xf32> to vector<16xf32>
        %get3A_586 = arith.index_cast %add3A_581 : i32 to index
        %get3A_587 = arith.constant 16 : index
        %get3A_588 = tpu.vector_load %arg14[%get3A_586, %get3A_587] {strides = array<i32>} : memref<200x64xf32, #tpu.memory_space<vmem>>, vector<1x16xf32>,
        %get3A_589 = vector.shape_cast %get3A_588 : vector<1x16xf32> to vector<16xf32>
        %add3A_590 = arith.addf %get3A_585, %get3A_589 : vector<16xf32>
        %swap3A_591 = arith.index_cast %scan3A_183 : i32 to index
        %swap3A_592 = arith.constant 96 : index
        %swap3A_593 = tpu.vector_load %arg20[%swap3A_591, %swap3A_592] {strides = array<i32>} : memref<25x128xf32, #tpu.memory_space<vmem>>, vector<1x16xf32>,
        %swap3A_594 = vector.shape_cast %swap3A_593 : vector<1x16xf32> to vector<16xf32>
        %swap3A_595 = vector.shape_cast %add3A_590 : vector<16xf32> to vector<1x16xf32>
        tpu.vector_store %arg20[%swap3A_591, %swap3A_592], %swap3A_595 {strides = array<i32>} : memref<25x128xf32, #tpu.memory_space<vmem>>, vector<1x16xf32>,
        %mul3A_596 = arith.constant 8 : i32
        %mul3A_597 = arith.muli %scan3A_183, %mul3A_596 : i32
        %add3A_598 = arith.constant 7 : i32
        %add3A_599 = arith.addi %mul3A_597, %add3A_598 : i32
        %get3A_600 = arith.index_cast %add3A_599 : i32 to index
        %get3A_601 = arith.constant 32 : index
        %get3A_602 = tpu.vector_load %arg12[%get3A_600, %get3A_601] {strides = array<i32>} : memref<200x64xf32, #tpu.memory_space<vmem>>, vector<1x16xf32>,
        %get3A_603 = vector.shape_cast %get3A_602 : vector<1x16xf32> to vector<16xf32>
        %get3A_604 = arith.index_cast %add3A_599 : i32 to index
        %get3A_605 = arith.constant 32 : index
        %get3A_606 = tpu.vector_load %arg14[%get3A_604, %get3A_605] {strides = array<i32>} : memref<200x64xf32, #tpu.memory_space<vmem>>, vector<1x16xf32>,
        %get3A_607 = vector.shape_cast %get3A_606 : vector<1x16xf32> to vector<16xf32>
        %add3A_608 = arith.addf %get3A_603, %get3A_607 : vector<16xf32>
        %swap3A_609 = arith.index_cast %scan3A_183 : i32 to index
        %swap3A_610 = arith.constant 112 : index
        %swap3A_611 = tpu.vector_load %arg20[%swap3A_609, %swap3A_610] {strides = array<i32>} : memref<25x128xf32, #tpu.memory_space<vmem>>, vector<1x16xf32>,
        %swap3A_612 = vector.shape_cast %swap3A_611 : vector<1x16xf32> to vector<16xf32>
        %swap3A_613 = vector.shape_cast %add3A_608 : vector<16xf32> to vector<1x16xf32>
        tpu.vector_store %arg20[%swap3A_609, %swap3A_610], %swap3A_613 {strides = array<i32>} : memref<25x128xf32, #tpu.memory_space<vmem>>, vector<1x16xf32>,
      }
      %scan3A_136 = arith.constant 25 : i32
      %mul3A_137 = arith.constant 200 : i32
      %mul3A_138 = arith.muli %add3A_120, %mul3A_137 : i32
      %add3A_139 = arith.addi %mul3A_2, %mul3A_138 : i32
      %jit3A_140 = arith.constant 8 : i32
      %div3A_141 = arith.divsi %add3A_139, %jit3A_140 : i32
      %sign3A_142 = arith.constant 0 : i32
      %sign3A_143 = arith.cmpi sgt, %add3A_139, %sign3A_142 : i32
      %sign3A_144 = arith.extui %sign3A_143 : i1 to i32
      %sign3A_145 = arith.constant 0 : i32
      %sign3A_146 = arith.cmpi slt, %add3A_139, %sign3A_145 : i32
      %sign3A_147 = arith.extui %sign3A_146 : i1 to i32
      %sign3A_148 = arith.subi %sign3A_144, %sign3A_147 : i32
      %sign3A_149 = arith.constant 0 : i32
      %sign3A_150 = arith.cmpi sgt, %jit3A_140, %sign3A_149 : i32
      %sign3A_151 = arith.extui %sign3A_150 : i1 to i32
      %sign3A_152 = arith.constant 0 : i32
      %sign3A_153 = arith.cmpi slt, %jit3A_140, %sign3A_152 : i32
      %sign3A_154 = arith.extui %sign3A_153 : i1 to i32
      %sign3A_155 = arith.subi %sign3A_151, %sign3A_154 : i32
      %ne3A_156 = arith.cmpi ne, %sign3A_148, %sign3A_155 : i32
      %rem3A_157 = arith.remsi %add3A_139, %jit3A_140 : i32
      %ne3A_158 = arith.constant 0 : i32
      %ne3A_159 = arith.cmpi ne, %rem3A_157, %ne3A_158 : i32
      %and3A_160 = arith.andi %ne3A_156, %ne3A_159 : i1
      %sub3A_161 = arith.constant 1 : i32
      %sub3A_162 = arith.subi %div3A_141, %sub3A_161 : i32
      %select_n3A_163 = arith.select %and3A_160, %sub3A_162, %div3A_141 : i32
      %dma_start3A_164 = arith.constant 0 : i32
      %dma_start3A_165 = tpu.memref_slice %arg6[%select_n3A_163, %dma_start3A_164] : memref<40000x128xf32, #tpu.memory_space<hbm>> -> memref<25x128xf32, #tpu.memory_space<hbm>>
      %dma_start3A_166 = arith.constant 0 : i32
      %dma_start3A_167 = tpu.memref_slice %arg6[%select_n3A_163, %dma_start3A_166] : memref<40000x128xf32, #tpu.memory_space<hbm>> -> memref<25x128xf32, #tpu.memory_space<hbm>>
      tpu.enqueue_dma source(%arg18 : memref<25x128xf32, #tpu.memory_space<vmem>>) target(%dma_start3A_167 : memref<25x128xf32, #tpu.memory_space<hbm>>) target_semaphore(%arg24 : memref<!tpu.dma_semaphore, #tpu.memory_space<semaphore_mem>>)
      %dma_start3A_168 = arith.constant 0 : i32
      %dma_start3A_169 = tpu.memref_slice %arg7[%select_n3A_163, %dma_start3A_168] : memref<40000x128xf32, #tpu.memory_space<hbm>> -> memref<25x128xf32, #tpu.memory_space<hbm>>
      %dma_start3A_170 = arith.constant 0 : i32
      %dma_start3A_171 = tpu.memref_slice %arg7[%select_n3A_163, %dma_start3A_170] : memref<40000x128xf32, #tpu.memory_space<hbm>> -> memref<25x128xf32, #tpu.memory_space<hbm>>
      tpu.enqueue_dma source(%arg19 : memref<25x128xf32, #tpu.memory_space<vmem>>) target(%dma_start3A_171 : memref<25x128xf32, #tpu.memory_space<hbm>>) target_semaphore(%arg24 : memref<!tpu.dma_semaphore, #tpu.memory_space<semaphore_mem>>)
      %dma_start3A_172 = arith.constant 0 : i32
      %dma_start3A_173 = tpu.memref_slice %arg8[%select_n3A_163, %dma_start3A_172] : memref<40000x128xf32, #tpu.memory_space<hbm>> -> memref<25x128xf32, #tpu.memory_space<hbm>>
      %dma_start3A_174 = arith.constant 0 : i32
      %dma_start3A_175 = tpu.memref_slice %arg8[%select_n3A_163, %dma_start3A_174] : memref<40000x128xf32, #tpu.memory_space<hbm>> -> memref<25x128xf32, #tpu.memory_space<hbm>>
      tpu.enqueue_dma source(%arg20 : memref<25x128xf32, #tpu.memory_space<vmem>>) target(%dma_start3A_175 : memref<25x128xf32, #tpu.memory_space<hbm>>) target_semaphore(%arg24 : memref<!tpu.dma_semaphore, #tpu.memory_space<semaphore_mem>>)
      %add3A_176 = arith.constant 2 : i32
      %add3A_177 = arith.addi %add3A_120, %add3A_176 : i32
      %lt3A_178 = arith.constant 50 : i32
      %lt3A_179 = arith.cmpi slt, %add3A_177, %lt3A_178 : i32
      %convert_element_type3A_180 = arith.extui %lt3A_179 : i1 to i32
      %cond3A_181 = arith.constant 0 : i32
      %cond3A_182 = arith.cmpi ne, %convert_element_type3A_180, %cond3A_181 : i32
      scf.if %cond3A_182 {
        %dma_wait3A_183 = arith.constant 0 : i32
        %dma_wait3A_184 = arith.constant 0 : i32
        %dma_wait3A_185 = tpu.memref_slice %arg6[%dma_wait3A_183, %dma_wait3A_184] : memref<40000x128xf32, #tpu.memory_space<hbm>> -> memref<25x128xf32, #tpu.memory_space<hbm>>
        %dma_wait3A_186 = arith.constant 0 : i32
        %dma_wait3A_187 = arith.constant 0 : i32
        %dma_wait3A_188 = tpu.memref_slice %arg6[%dma_wait3A_186, %dma_wait3A_187] : memref<40000x128xf32, #tpu.memory_space<hbm>> -> memref<25x128xf32, #tpu.memory_space<hbm>>
        tpu.wait_dma2 semaphore(%arg24 : memref<!tpu.dma_semaphore, #tpu.memory_space<semaphore_mem>>) src(%arg18 : memref<25x128xf32, #tpu.memory_space<vmem>>) dst(%dma_wait3A_188 : memref<25x128xf32, #tpu.memory_space<hbm>>)
        %dma_wait3A_189 = arith.constant 0 : i32
        %dma_wait3A_190 = arith.constant 0 : i32
        %dma_wait3A_191 = tpu.memref_slice %arg7[%dma_wait3A_189, %dma_wait3A_190] : memref<40000x128xf32, #tpu.memory_space<hbm>> -> memref<25x128xf32, #tpu.memory_space<hbm>>
        %dma_wait3A_192 = arith.constant 0 : i32
        %dma_wait3A_193 = arith.constant 0 : i32
        %dma_wait3A_194 = tpu.memref_slice %arg7[%dma_wait3A_192, %dma_wait3A_193] : memref<40000x128xf32, #tpu.memory_space<hbm>> -> memref<25x128xf32, #tpu.memory_space<hbm>>
        tpu.wait_dma2 semaphore(%arg24 : memref<!tpu.dma_semaphore, #tpu.memory_space<semaphore_mem>>) src(%arg19 : memref<25x128xf32, #tpu.memory_space<vmem>>) dst(%dma_wait3A_194 : memref<25x128xf32, #tpu.memory_space<hbm>>)
        %dma_wait3A_195 = arith.constant 0 : i32
        %dma_wait3A_196 = arith.constant 0 : i32
        %dma_wait3A_197 = tpu.memref_slice %arg8[%dma_wait3A_195, %dma_wait3A_196] : memref<40000x128xf32, #tpu.memory_space<hbm>> -> memref<25x128xf32, #tpu.memory_space<hbm>>
        %dma_wait3A_198 = arith.constant 0 : i32
        %dma_wait3A_199 = arith.constant 0 : i32
        %dma_wait3A_200 = tpu.memref_slice %arg8[%dma_wait3A_198, %dma_wait3A_199] : memref<40000x128xf32, #tpu.memory_space<hbm>> -> memref<25x128xf32, #tpu.memory_space<hbm>>
        tpu.wait_dma2 semaphore(%arg24 : memref<!tpu.dma_semaphore, #tpu.memory_space<semaphore_mem>>) src(%arg20 : memref<25x128xf32, #tpu.memory_space<vmem>>) dst(%dma_wait3A_200 : memref<25x128xf32, #tpu.memory_space<hbm>>)
        %add3A_201 = arith.constant 2 : i32
        %add3A_202 = arith.addi %add3A_120, %add3A_201 : i32
        %mul3A_203 = arith.constant 200 : i32
        %mul3A_204 = arith.muli %add3A_202, %mul3A_203 : i32
        %multiple_of3A_205 = tpu.assume_multiple %mul3A_204, 8 : i32
        %dma_start3A_206 = tpu.memref_slice %arg9[%multiple_of3A_205] : memref<10000xi32, #tpu.memory_space<vmem>> -> memref<200xi32, #tpu.memory_space<vmem>>
        %dma_start3A_207 = arith.constant 0 : i32
        %dma_start3A_208 = arith.constant 0 : i32
        %dma_start3A_209 = tpu.memref_slice %arg2[%dma_start3A_207, %dma_start3A_208] : memref<20000x64xf32, #tpu.memory_space<hbm>> -> memref<20000x64xf32, #tpu.memory_space<hbm>>
        tpu.enqueue_indirect_dma source(%dma_start3A_209 : memref<20000x64xf32, #tpu.memory_space<hbm>>) target(%arg12 : memref<200x64xf32, #tpu.memory_space<vmem>>) offsets(%dma_start3A_206 : memref<200xi32, #tpu.memory_space<vmem>>) semaphore(%arg22 : memref<!tpu.dma_semaphore, #tpu.memory_space<semaphore_mem>>)
        %dma_start3A_210 = tpu.memref_slice %arg10[%multiple_of3A_205] : memref<10000xi32, #tpu.memory_space<vmem>> -> memref<200xi32, #tpu.memory_space<vmem>>
        %dma_start3A_211 = arith.constant 0 : i32
        %dma_start3A_212 = arith.constant 0 : i32
        %dma_start3A_213 = tpu.memref_slice %arg3[%dma_start3A_211, %dma_start3A_212] : memref<20000x64xf32, #tpu.memory_space<hbm>> -> memref<20000x64xf32, #tpu.memory_space<hbm>>
        tpu.enqueue_indirect_dma source(%dma_start3A_213 : memref<20000x64xf32, #tpu.memory_space<hbm>>) target(%arg14 : memref<200x64xf32, #tpu.memory_space<vmem>>) offsets(%dma_start3A_210 : memref<200xi32, #tpu.memory_space<vmem>>) semaphore(%arg22 : memref<!tpu.dma_semaphore, #tpu.memory_space<semaphore_mem>>)
      } else {
      }
    }
    %scan3A_25 = arith.constant 25 : i32
    %dma_wait3A = arith.constant 0 : i32
    %dma_wait3A_26 = arith.constant 0 : i32
    %dma_wait3A_27 = tpu.memref_slice %arg6[%dma_wait3A, %dma_wait3A_26] : memref<40000x128xf32, #tpu.memory_space<hbm>> -> memref<25x128xf32, #tpu.memory_space<hbm>>
    %dma_wait3A_28 = arith.constant 0 : i32
    %dma_wait3A_29 = arith.constant 0 : i32
    %dma_wait3A_30 = tpu.memref_slice %arg6[%dma_wait3A_28, %dma_wait3A_29] : memref<40000x128xf32, #tpu.memory_space<hbm>> -> memref<25x128xf32, #tpu.memory_space<hbm>>
    tpu.wait_dma2 semaphore(%arg23 : memref<!tpu.dma_semaphore, #tpu.memory_space<semaphore_mem>>) src(%arg15 : memref<25x128xf32, #tpu.memory_space<vmem>>) dst(%dma_wait3A_30 : memref<25x128xf32, #tpu.memory_space<hbm>>)
    %dma_wait3A_31 = arith.constant 0 : i32
    %dma_wait3A_32 = arith.constant 0 : i32
    %dma_wait3A_33 = tpu.memref_slice %arg7[%dma_wait3A_31, %dma_wait3A_32] : memref<40000x128xf32, #tpu.memory_space<hbm>> -> memref<25x128xf32, #tpu.memory_space<hbm>>
    %dma_wait3A_34 = arith.constant 0 : i32
    %dma_wait3A_35 = arith.constant 0 : i32
    %dma_wait3A_36 = tpu.memref_slice %arg7[%dma_wait3A_34, %dma_wait3A_35] : memref<40000x128xf32, #tpu.memory_space<hbm>> -> memref<25x128xf32, #tpu.memory_space<hbm>>
    tpu.wait_dma2 semaphore(%arg23 : memref<!tpu.dma_semaphore, #tpu.memory_space<semaphore_mem>>) src(%arg16 : memref<25x128xf32, #tpu.memory_space<vmem>>) dst(%dma_wait3A_36 : memref<25x128xf32, #tpu.memory_space<hbm>>)
    %dma_wait3A_37 = arith.constant 0 : i32
    %dma_wait3A_38 = arith.constant 0 : i32
    %dma_wait3A_39 = tpu.memref_slice %arg8[%dma_wait3A_37, %dma_wait3A_38] : memref<40000x128xf32, #tpu.memory_space<hbm>> -> memref<25x128xf32, #tpu.memory_space<hbm>>
    %dma_wait3A_40 = arith.constant 0 : i32
    %dma_wait3A_41 = arith.constant 0 : i32
    %dma_wait3A_42 = tpu.memref_slice %arg8[%dma_wait3A_40, %dma_wait3A_41] : memref<40000x128xf32, #tpu.memory_space<hbm>> -> memref<25x128xf32, #tpu.memory_space<hbm>>
    tpu.wait_dma2 semaphore(%arg23 : memref<!tpu.dma_semaphore, #tpu.memory_space<semaphore_mem>>) src(%arg17 : memref<25x128xf32, #tpu.memory_space<vmem>>) dst(%dma_wait3A_42 : memref<25x128xf32, #tpu.memory_space<hbm>>)
    %dma_wait3A_43 = arith.constant 0 : i32
    %dma_wait3A_44 = arith.constant 0 : i32
    %dma_wait3A_45 = tpu.memref_slice %arg6[%dma_wait3A_43, %dma_wait3A_44] : memref<40000x128xf32, #tpu.memory_space<hbm>> -> memref<25x128xf32, #tpu.memory_space<hbm>>
    %dma_wait3A_46 = arith.constant 0 : i32
    %dma_wait3A_47 = arith.constant 0 : i32
    %dma_wait3A_48 = tpu.memref_slice %arg6[%dma_wait3A_46, %dma_wait3A_47] : memref<40000x128xf32, #tpu.memory_space<hbm>> -> memref<25x128xf32, #tpu.memory_space<hbm>>
    tpu.wait_dma2 semaphore(%arg24 : memref<!tpu.dma_semaphore, #tpu.memory_space<semaphore_mem>>) src(%arg18 : memref<25x128xf32, #tpu.memory_space<vmem>>) dst(%dma_wait3A_48 : memref<25x128xf32, #tpu.memory_space<hbm>>)
    %dma_wait3A_49 = arith.constant 0 : i32
    %dma_wait3A_50 = arith.constant 0 : i32
    %dma_wait3A_51 = tpu.memref_slice %arg7[%dma_wait3A_49, %dma_wait3A_50] : memref<40000x128xf32, #tpu.memory_space<hbm>> -> memref<25x128xf32, #tpu.memory_space<hbm>>
    %dma_wait3A_52 = arith.constant 0 : i32
    %dma_wait3A_53 = arith.constant 0 : i32
    %dma_wait3A_54 = tpu.memref_slice %arg7[%dma_wait3A_52, %dma_wait3A_53] : memref<40000x128xf32, #tpu.memory_space<hbm>> -> memref<25x128xf32, #tpu.memory_space<hbm>>
    tpu.wait_dma2 semaphore(%arg24 : memref<!tpu.dma_semaphore, #tpu.memory_space<semaphore_mem>>) src(%arg19 : memref<25x128xf32, #tpu.memory_space<vmem>>) dst(%dma_wait3A_54 : memref<25x128xf32, #tpu.memory_space<hbm>>)
    %dma_wait3A_55 = arith.constant 0 : i32
    %dma_wait3A_56 = arith.constant 0 : i32
    %dma_wait3A_57 = tpu.memref_slice %arg8[%dma_wait3A_55, %dma_wait3A_56] : memref<40000x128xf32, #tpu.memory_space<hbm>> -> memref<25x128xf32, #tpu.memory_space<hbm>>
    %dma_wait3A_58 = arith.constant 0 : i32
    %dma_wait3A_59 = arith.constant 0 : i32
    %dma_wait3A_60 = tpu.memref_slice %arg8[%dma_wait3A_58, %dma_wait3A_59] : memref<40000x128xf32, #tpu.memory_space<hbm>> -> memref<25x128xf32, #tpu.memory_space<hbm>>
    tpu.wait_dma2 semaphore(%arg24 : memref<!tpu.dma_semaphore, #tpu.memory_space<semaphore_mem>>) src(%arg20 : memref<25x128xf32, #tpu.memory_space<vmem>>) dst(%dma_wait3A_60 : memref<25x128xf32, #tpu.memory_space<hbm>>)
    return
  }
}

#map = affine_map<(d0, d1) -> (0, 0)>
#map1 = affine_map<(d0, d1) -> (0, 0, 0)>
module attributes {stable_mosaic.version = 14 : i64} {
  func.func @k(%arg0: i32, %arg1: i32, %arg2: memref<320000x16xf32, #tpu.memory_space<hbm>>, %arg3: memref<3200x100xi32, #tpu.memory_space<hbm>>, %arg4: memref<2x10000x16xf32, #tpu.memory_space<hbm>>, %arg5: memref<100x100xi32, #tpu.memory_space<vmem>>, %arg6: memref<625x16xf32, #tpu.memory_space<vmem>>, %arg7: memref<10000x16xf32, #tpu.memory_space<vmem_shared>>, %arg8: memref<100x16xf32, #tpu.memory_space<vmem>>, %arg9: memref<100x16xf32, #tpu.memory_space<vmem>>, %arg10: memref<!tpu.dma_semaphore, #tpu.memory_space<semaphore_mem>>, %arg11: memref<!tpu.dma_semaphore, #tpu.memory_space<semaphore_mem>>) attributes {dimension_semantics = [#tpu.dimension_semantics<core_parallel>, #tpu.dimension_semantics<subcore_parallel>], iteration_bounds = array<i64: 2, 16>, scalar_prefetch = 0 : i64, scratch_operands = 7 : i64, tpu.core_type = #tpu.core_type<sc_vector_subcore>, window_params = [{transform_indices = #map}, {transform_indices = #map}, {transform_indices = #map1}]} {
    %mul3A = arith.constant 2 : i32
    %mul3A_0 = arith.muli %arg1, %mul3A : i32
    %add3A = arith.addi %mul3A_0, %arg0 : i32
    %mul3A_1 = arith.constant 10000 : i32
    %mul3A_2 = arith.muli %add3A, %mul3A_1 : i32
    %mul3A_3 = arith.constant 100 : i32
    %mul3A_4 = arith.muli %add3A, %mul3A_3 : i32
    "tpu.region"() ({
      %run_scoped3A = tpu.sem_alloc : memref<!tpu.dma_semaphore, #tpu.memory_space<semaphore_mem>>
      %dma_start3A_34 = arith.constant 0 : i32
      %dma_start3A_35 = tpu.memref_slice %arg3[%mul3A_4, %dma_start3A_34] : memref<3200x100xi32, #tpu.memory_space<hbm>> -> memref<100x100xi32, #tpu.memory_space<hbm>>
      %dma_start3A_36 = arith.constant 0 : i32
      %dma_start3A_37 = tpu.memref_slice %arg3[%mul3A_4, %dma_start3A_36] : memref<3200x100xi32, #tpu.memory_space<hbm>> -> memref<100x100xi32, #tpu.memory_space<hbm>>
      tpu.enqueue_dma source(%dma_start3A_37 : memref<100x100xi32, #tpu.memory_space<hbm>>) target(%arg5 : memref<100x100xi32, #tpu.memory_space<vmem>>) target_semaphore(%run_scoped3A : memref<!tpu.dma_semaphore, #tpu.memory_space<semaphore_mem>>)
      %dma_wait3A = arith.constant 0 : i32
      %dma_wait3A_38 = tpu.memref_slice %arg3[%mul3A_4, %dma_wait3A] : memref<3200x100xi32, #tpu.memory_space<hbm>> -> memref<100x100xi32, #tpu.memory_space<hbm>>
      %dma_wait3A_39 = arith.constant 0 : i32
      %dma_wait3A_40 = tpu.memref_slice %arg3[%mul3A_4, %dma_wait3A_39] : memref<3200x100xi32, #tpu.memory_space<hbm>> -> memref<100x100xi32, #tpu.memory_space<hbm>>
      tpu.wait_dma2 semaphore(%run_scoped3A : memref<!tpu.dma_semaphore, #tpu.memory_space<semaphore_mem>>) src(%dma_wait3A_40 : memref<100x100xi32, #tpu.memory_space<hbm>>) dst(%arg5 : memref<100x100xi32, #tpu.memory_space<vmem>>)
      tpu.yield
    }) : () -> ()
    %scan3A = arith.constant 0 : i32
    %scan3A_5 = arith.constant 0 : i32
    %scan3A_6 = arith.constant 625 : i32
    %scan3A_7 = arith.addi %scan3A_5, %scan3A_6 : i32
    %scan3A_8 = arith.constant 1 : i32
    scf.for %scan3A_34 = %scan3A_5 to %scan3A_7 step %scan3A_8  : i32 {
      %broadcast_in_dim3A = arith.constant 0.000000e+00 : f32
      %broadcast_in_dim3A_35 = vector.broadcast %broadcast_in_dim3A : f32 to vector<16xf32>
      %swap3A = arith.index_cast %scan3A_34 : i32 to index
      %swap3A_36 = arith.constant 0 : index
      %swap3A_37 = tpu.vector_load %arg6[%swap3A, %swap3A_36] {strides = array<i32>} : memref<625x16xf32, #tpu.memory_space<vmem>>, vector<1x16xf32>,
      %swap3A_38 = vector.shape_cast %swap3A_37 : vector<1x16xf32> to vector<16xf32>
      %swap3A_39 = vector.shape_cast %broadcast_in_dim3A_35 : vector<16xf32> to vector<1x16xf32>
      tpu.vector_store %arg6[%swap3A, %swap3A_36], %swap3A_39 {strides = array<i32>} : memref<625x16xf32, #tpu.memory_space<vmem>>, vector<1x16xf32>,
    }
    %scan3A_9 = arith.constant 625 : i32
    %mul3A_10 = arith.constant 625 : i32
    %mul3A_11 = arith.muli %arg1, %mul3A_10 : i32
    "tpu.region"() ({
      %run_scoped3A = tpu.sem_alloc : memref<!tpu.dma_semaphore, #tpu.memory_space<semaphore_mem>>
      %dma_start3A_34 = arith.constant 0 : i32
      %dma_start3A_35 = tpu.memref_slice %arg7[%mul3A_11, %dma_start3A_34] : memref<10000x16xf32, #tpu.memory_space<vmem_shared>> -> memref<625x16xf32, #tpu.memory_space<vmem_shared>>
      %dma_start3A_36 = arith.constant 0 : i32
      %dma_start3A_37 = tpu.memref_slice %arg7[%mul3A_11, %dma_start3A_36] : memref<10000x16xf32, #tpu.memory_space<vmem_shared>> -> memref<625x16xf32, #tpu.memory_space<vmem_shared>>
      tpu.enqueue_dma source(%arg6 : memref<625x16xf32, #tpu.memory_space<vmem>>) target(%dma_start3A_37 : memref<625x16xf32, #tpu.memory_space<vmem_shared>>) target_semaphore(%run_scoped3A : memref<!tpu.dma_semaphore, #tpu.memory_space<semaphore_mem>>)
      %dma_wait3A = arith.constant 0 : i32
      %dma_wait3A_38 = tpu.memref_slice %arg7[%mul3A_11, %dma_wait3A] : memref<10000x16xf32, #tpu.memory_space<vmem_shared>> -> memref<625x16xf32, #tpu.memory_space<vmem_shared>>
      %dma_wait3A_39 = arith.constant 0 : i32
      %dma_wait3A_40 = tpu.memref_slice %arg7[%mul3A_11, %dma_wait3A_39] : memref<10000x16xf32, #tpu.memory_space<vmem_shared>> -> memref<625x16xf32, #tpu.memory_space<vmem_shared>>
      tpu.wait_dma2 semaphore(%run_scoped3A : memref<!tpu.dma_semaphore, #tpu.memory_space<semaphore_mem>>) src(%arg6 : memref<625x16xf32, #tpu.memory_space<vmem>>) dst(%dma_wait3A_40 : memref<625x16xf32, #tpu.memory_space<vmem_shared>>)
      tpu.yield
    }) : () -> ()
    %barrier3A = arith.constant 0 : index
    tpu.barrier barrier_id(%barrier3A)
    %add3A_12 = arith.constant 0 : i32
    %add3A_13 = arith.addi %mul3A_2, %add3A_12 : i32
    %dma_start3A = arith.constant 0 : i32
    %dma_start3A_14 = tpu.memref_slice %arg2[%add3A_13, %dma_start3A] : memref<320000x16xf32, #tpu.memory_space<hbm>> -> memref<100x16xf32, #tpu.memory_space<hbm>>
    %dma_start3A_15 = arith.constant 0 : i32
    %dma_start3A_16 = tpu.memref_slice %arg2[%add3A_13, %dma_start3A_15] : memref<320000x16xf32, #tpu.memory_space<hbm>> -> memref<100x16xf32, #tpu.memory_space<hbm>>
    tpu.enqueue_dma source(%dma_start3A_16 : memref<100x16xf32, #tpu.memory_space<hbm>>) target(%arg8 : memref<100x16xf32, #tpu.memory_space<vmem>>) target_semaphore(%arg10 : memref<!tpu.dma_semaphore, #tpu.memory_space<semaphore_mem>>)
    %add3A_17 = arith.constant 100 : i32
    %add3A_18 = arith.addi %mul3A_2, %add3A_17 : i32
    %dma_start3A_19 = arith.constant 0 : i32
    %dma_start3A_20 = tpu.memref_slice %arg2[%add3A_18, %dma_start3A_19] : memref<320000x16xf32, #tpu.memory_space<hbm>> -> memref<100x16xf32, #tpu.memory_space<hbm>>
    %dma_start3A_21 = arith.constant 0 : i32
    %dma_start3A_22 = tpu.memref_slice %arg2[%add3A_18, %dma_start3A_21] : memref<320000x16xf32, #tpu.memory_space<hbm>> -> memref<100x16xf32, #tpu.memory_space<hbm>>
    tpu.enqueue_dma source(%dma_start3A_22 : memref<100x16xf32, #tpu.memory_space<hbm>>) target(%arg9 : memref<100x16xf32, #tpu.memory_space<vmem>>) target_semaphore(%arg11 : memref<!tpu.dma_semaphore, #tpu.memory_space<semaphore_mem>>)
    %scan3A_23 = arith.constant 0 : i32
    %scan3A_24 = arith.constant 0 : i32
    %scan3A_25 = arith.constant 50 : i32
    %scan3A_26 = arith.addi %scan3A_24, %scan3A_25 : i32
    %scan3A_27 = arith.constant 1 : i32
    scf.for %scan3A_34 = %scan3A_24 to %scan3A_26 step %scan3A_27  : i32 {
      %mul3A_35 = arith.constant 2 : i32
      %mul3A_36 = arith.muli %scan3A_34, %mul3A_35 : i32
      %add3A_37 = arith.constant 0 : i32
      %add3A_38 = arith.addi %mul3A_36, %add3A_37 : i32
      %dma_wait3A = arith.constant 0 : i32
      %dma_wait3A_39 = arith.constant 0 : i32
      %dma_wait3A_40 = tpu.memref_slice %arg2[%dma_wait3A, %dma_wait3A_39] : memref<320000x16xf32, #tpu.memory_space<hbm>> -> memref<100x16xf32, #tpu.memory_space<hbm>>
      %dma_wait3A_41 = arith.constant 0 : i32
      %dma_wait3A_42 = arith.constant 0 : i32
      %dma_wait3A_43 = tpu.memref_slice %arg2[%dma_wait3A_41, %dma_wait3A_42] : memref<320000x16xf32, #tpu.memory_space<hbm>> -> memref<100x16xf32, #tpu.memory_space<hbm>>
      tpu.wait_dma2 semaphore(%arg10 : memref<!tpu.dma_semaphore, #tpu.memory_space<semaphore_mem>>) src(%dma_wait3A_43 : memref<100x16xf32, #tpu.memory_space<hbm>>) dst(%arg8 : memref<100x16xf32, #tpu.memory_space<vmem>>)
      "tpu.region"() ({
        %run_scoped3A = tpu.sem_alloc : memref<!tpu.dma_semaphore, #tpu.memory_space<semaphore_mem>>
        %dma_start3A_65 = arith.constant 0 : i32
        %dma_start3A_66 = tpu.memref_slice %arg5[%add3A_38, %dma_start3A_65] : memref<100x100xi32, #tpu.memory_space<vmem>> -> memref<1x100xi32, #tpu.memory_space<vmem>>
        %dma_start3A_67 = tpu.memref_squeeze %dma_start3A_66 : memref<1x100xi32, #tpu.memory_space<vmem>> -> memref<100xi32, #tpu.memory_space<vmem>>
        %dma_start3A_68 = arith.constant 0 : i32
        %dma_start3A_69 = arith.constant 0 : i32
        %dma_start3A_70 = tpu.memref_slice %arg7[%dma_start3A_68, %dma_start3A_69] : memref<10000x16xf32, #tpu.memory_space<vmem_shared>> -> memref<10000x16xf32, #tpu.memory_space<vmem_shared>>
        tpu.enqueue_indirect_dma source(%arg8 : memref<100x16xf32, #tpu.memory_space<vmem>>) target(%dma_start3A_70 : memref<10000x16xf32, #tpu.memory_space<vmem_shared>>) offsets(%dma_start3A_67 : memref<100xi32, #tpu.memory_space<vmem>>) semaphore(%run_scoped3A : memref<!tpu.dma_semaphore, #tpu.memory_space<semaphore_mem>>) {add = true}
        %dma_wait3A_71 = arith.constant 0 : i32
        %dma_wait3A_72 = tpu.memref_slice %arg5[%add3A_38, %dma_wait3A_71] : memref<100x100xi32, #tpu.memory_space<vmem>> -> memref<1x100xi32, #tpu.memory_space<vmem>>
        %dma_wait3A_73 = tpu.memref_squeeze %dma_wait3A_72 : memref<1x100xi32, #tpu.memory_space<vmem>> -> memref<100xi32, #tpu.memory_space<vmem>>
        %dma_wait3A_74 = arith.constant 0 : i32
        %dma_wait3A_75 = arith.constant 0 : i32
        %dma_wait3A_76 = tpu.memref_slice %arg7[%dma_wait3A_74, %dma_wait3A_75] : memref<10000x16xf32, #tpu.memory_space<vmem_shared>> -> memref<10000x16xf32, #tpu.memory_space<vmem_shared>>
        tpu.wait_indirect_dma semaphore(%run_scoped3A : memref<!tpu.dma_semaphore, #tpu.memory_space<semaphore_mem>>) src(%arg8 : memref<100x16xf32, #tpu.memory_space<vmem>>) dst(%dma_wait3A_76 : memref<10000x16xf32, #tpu.memory_space<vmem_shared>>)
        tpu.yield
      }) : () -> ()
      %add3A_44 = arith.constant 2 : i32
      %add3A_45 = arith.addi %add3A_38, %add3A_44 : i32
      %lt3A = arith.constant 100 : i32
      %lt3A_46 = arith.cmpi slt, %add3A_45, %lt3A : i32
      %convert_element_type3A = arith.extui %lt3A_46 : i1 to i32
      %cond3A = arith.constant 0 : i32
      %cond3A_47 = arith.cmpi ne, %convert_element_type3A, %cond3A : i32
      scf.if %cond3A_47 {
        %add3A_65 = arith.constant 2 : i32
        %add3A_66 = arith.addi %add3A_38, %add3A_65 : i32
        %mul3A_67 = arith.constant 100 : i32
        %mul3A_68 = arith.muli %add3A_66, %mul3A_67 : i32
        %add3A_69 = arith.addi %mul3A_2, %mul3A_68 : i32
        %dma_start3A_70 = arith.constant 0 : i32
        %dma_start3A_71 = tpu.memref_slice %arg2[%add3A_69, %dma_start3A_70] : memref<320000x16xf32, #tpu.memory_space<hbm>> -> memref<100x16xf32, #tpu.memory_space<hbm>>
        %dma_start3A_72 = arith.constant 0 : i32
        %dma_start3A_73 = tpu.memref_slice %arg2[%add3A_69, %dma_start3A_72] : memref<320000x16xf32, #tpu.memory_space<hbm>> -> memref<100x16xf32, #tpu.memory_space<hbm>>
        tpu.enqueue_dma source(%dma_start3A_73 : memref<100x16xf32, #tpu.memory_space<hbm>>) target(%arg8 : memref<100x16xf32, #tpu.memory_space<vmem>>) target_semaphore(%arg10 : memref<!tpu.dma_semaphore, #tpu.memory_space<semaphore_mem>>)
      } else {
      }
      %mul3A_48 = arith.constant 2 : i32
      %mul3A_49 = arith.muli %scan3A_34, %mul3A_48 : i32
      %add3A_50 = arith.constant 1 : i32
      %add3A_51 = arith.addi %mul3A_49, %add3A_50 : i32
      %dma_wait3A_52 = arith.constant 0 : i32
      %dma_wait3A_53 = arith.constant 0 : i32
      %dma_wait3A_54 = tpu.memref_slice %arg2[%dma_wait3A_52, %dma_wait3A_53] : memref<320000x16xf32, #tpu.memory_space<hbm>> -> memref<100x16xf32, #tpu.memory_space<hbm>>
      %dma_wait3A_55 = arith.constant 0 : i32
      %dma_wait3A_56 = arith.constant 0 : i32
      %dma_wait3A_57 = tpu.memref_slice %arg2[%dma_wait3A_55, %dma_wait3A_56] : memref<320000x16xf32, #tpu.memory_space<hbm>> -> memref<100x16xf32, #tpu.memory_space<hbm>>
      tpu.wait_dma2 semaphore(%arg11 : memref<!tpu.dma_semaphore, #tpu.memory_space<semaphore_mem>>) src(%dma_wait3A_57 : memref<100x16xf32, #tpu.memory_space<hbm>>) dst(%arg9 : memref<100x16xf32, #tpu.memory_space<vmem>>)
      "tpu.region"() ({
        %run_scoped3A = tpu.sem_alloc : memref<!tpu.dma_semaphore, #tpu.memory_space<semaphore_mem>>
        %dma_start3A_65 = arith.constant 0 : i32
        %dma_start3A_66 = tpu.memref_slice %arg5[%add3A_51, %dma_start3A_65] : memref<100x100xi32, #tpu.memory_space<vmem>> -> memref<1x100xi32, #tpu.memory_space<vmem>>
        %dma_start3A_67 = tpu.memref_squeeze %dma_start3A_66 : memref<1x100xi32, #tpu.memory_space<vmem>> -> memref<100xi32, #tpu.memory_space<vmem>>
        %dma_start3A_68 = arith.constant 0 : i32
        %dma_start3A_69 = arith.constant 0 : i32
        %dma_start3A_70 = tpu.memref_slice %arg7[%dma_start3A_68, %dma_start3A_69] : memref<10000x16xf32, #tpu.memory_space<vmem_shared>> -> memref<10000x16xf32, #tpu.memory_space<vmem_shared>>
        tpu.enqueue_indirect_dma source(%arg9 : memref<100x16xf32, #tpu.memory_space<vmem>>) target(%dma_start3A_70 : memref<10000x16xf32, #tpu.memory_space<vmem_shared>>) offsets(%dma_start3A_67 : memref<100xi32, #tpu.memory_space<vmem>>) semaphore(%run_scoped3A : memref<!tpu.dma_semaphore, #tpu.memory_space<semaphore_mem>>) {add = true}
        %dma_wait3A_71 = arith.constant 0 : i32
        %dma_wait3A_72 = tpu.memref_slice %arg5[%add3A_51, %dma_wait3A_71] : memref<100x100xi32, #tpu.memory_space<vmem>> -> memref<1x100xi32, #tpu.memory_space<vmem>>
        %dma_wait3A_73 = tpu.memref_squeeze %dma_wait3A_72 : memref<1x100xi32, #tpu.memory_space<vmem>> -> memref<100xi32, #tpu.memory_space<vmem>>
        %dma_wait3A_74 = arith.constant 0 : i32
        %dma_wait3A_75 = arith.constant 0 : i32
        %dma_wait3A_76 = tpu.memref_slice %arg7[%dma_wait3A_74, %dma_wait3A_75] : memref<10000x16xf32, #tpu.memory_space<vmem_shared>> -> memref<10000x16xf32, #tpu.memory_space<vmem_shared>>
        tpu.wait_indirect_dma semaphore(%run_scoped3A : memref<!tpu.dma_semaphore, #tpu.memory_space<semaphore_mem>>) src(%arg9 : memref<100x16xf32, #tpu.memory_space<vmem>>) dst(%dma_wait3A_76 : memref<10000x16xf32, #tpu.memory_space<vmem_shared>>)
        tpu.yield
      }) : () -> ()
      %add3A_58 = arith.constant 2 : i32
      %add3A_59 = arith.addi %add3A_51, %add3A_58 : i32
      %lt3A_60 = arith.constant 100 : i32
      %lt3A_61 = arith.cmpi slt, %add3A_59, %lt3A_60 : i32
      %convert_element_type3A_62 = arith.extui %lt3A_61 : i1 to i32
      %cond3A_63 = arith.constant 0 : i32
      %cond3A_64 = arith.cmpi ne, %convert_element_type3A_62, %cond3A_63 : i32
      scf.if %cond3A_64 {
        %add3A_65 = arith.constant 2 : i32
        %add3A_66 = arith.addi %add3A_51, %add3A_65 : i32
        %mul3A_67 = arith.constant 100 : i32
        %mul3A_68 = arith.muli %add3A_66, %mul3A_67 : i32
        %add3A_69 = arith.addi %mul3A_2, %mul3A_68 : i32
        %dma_start3A_70 = arith.constant 0 : i32
        %dma_start3A_71 = tpu.memref_slice %arg2[%add3A_69, %dma_start3A_70] : memref<320000x16xf32, #tpu.memory_space<hbm>> -> memref<100x16xf32, #tpu.memory_space<hbm>>
        %dma_start3A_72 = arith.constant 0 : i32
        %dma_start3A_73 = tpu.memref_slice %arg2[%add3A_69, %dma_start3A_72] : memref<320000x16xf32, #tpu.memory_space<hbm>> -> memref<100x16xf32, #tpu.memory_space<hbm>>
        tpu.enqueue_dma source(%dma_start3A_73 : memref<100x16xf32, #tpu.memory_space<hbm>>) target(%arg9 : memref<100x16xf32, #tpu.memory_space<vmem>>) target_semaphore(%arg11 : memref<!tpu.dma_semaphore, #tpu.memory_space<semaphore_mem>>)
      } else {
      }
    }
    %scan3A_28 = arith.constant 50 : i32
    %barrier3A_29 = arith.constant 0 : index
    tpu.barrier barrier_id(%barrier3A_29)
    %mul3A_30 = arith.constant 625 : i32
    %mul3A_31 = arith.muli %arg1, %mul3A_30 : i32
    "tpu.region"() ({
      %run_scoped3A = tpu.sem_alloc : memref<!tpu.dma_semaphore, #tpu.memory_space<semaphore_mem>>
      %dma_start3A_34 = arith.constant 0 : i32
      %dma_start3A_35 = tpu.memref_slice %arg7[%mul3A_31, %dma_start3A_34] : memref<10000x16xf32, #tpu.memory_space<vmem_shared>> -> memref<625x16xf32, #tpu.memory_space<vmem_shared>>
      %dma_start3A_36 = arith.constant 0 : i32
      %dma_start3A_37 = tpu.memref_slice %arg7[%mul3A_31, %dma_start3A_36] : memref<10000x16xf32, #tpu.memory_space<vmem_shared>> -> memref<625x16xf32, #tpu.memory_space<vmem_shared>>
      tpu.enqueue_dma source(%dma_start3A_37 : memref<625x16xf32, #tpu.memory_space<vmem_shared>>) target(%arg6 : memref<625x16xf32, #tpu.memory_space<vmem>>) target_semaphore(%run_scoped3A : memref<!tpu.dma_semaphore, #tpu.memory_space<semaphore_mem>>)
      %dma_wait3A = arith.constant 0 : i32
      %dma_wait3A_38 = tpu.memref_slice %arg7[%mul3A_31, %dma_wait3A] : memref<10000x16xf32, #tpu.memory_space<vmem_shared>> -> memref<625x16xf32, #tpu.memory_space<vmem_shared>>
      %dma_wait3A_39 = arith.constant 0 : i32
      %dma_wait3A_40 = tpu.memref_slice %arg7[%mul3A_31, %dma_wait3A_39] : memref<10000x16xf32, #tpu.memory_space<vmem_shared>> -> memref<625x16xf32, #tpu.memory_space<vmem_shared>>
      tpu.wait_dma2 semaphore(%run_scoped3A : memref<!tpu.dma_semaphore, #tpu.memory_space<semaphore_mem>>) src(%dma_wait3A_40 : memref<625x16xf32, #tpu.memory_space<vmem_shared>>) dst(%arg6 : memref<625x16xf32, #tpu.memory_space<vmem>>)
      tpu.yield
    }) : () -> ()
    %mul3A_32 = arith.constant 625 : i32
    %mul3A_33 = arith.muli %arg1, %mul3A_32 : i32
    "tpu.region"() ({
      %run_scoped3A = tpu.sem_alloc : memref<!tpu.dma_semaphore, #tpu.memory_space<semaphore_mem>>
      %dma_start3A_34 = arith.constant 0 : i32
      %dma_start3A_35 = tpu.memref_slice %arg4[%arg0, %mul3A_33, %dma_start3A_34] : memref<2x10000x16xf32, #tpu.memory_space<hbm>> -> memref<1x625x16xf32, #tpu.memory_space<hbm>>
      %dma_start3A_36 = tpu.memref_squeeze %dma_start3A_35 : memref<1x625x16xf32, #tpu.memory_space<hbm>> -> memref<625x16xf32, #tpu.memory_space<hbm>>
      %dma_start3A_37 = arith.constant 0 : i32
      %dma_start3A_38 = tpu.memref_slice %arg4[%arg0, %mul3A_33, %dma_start3A_37] : memref<2x10000x16xf32, #tpu.memory_space<hbm>> -> memref<1x625x16xf32, #tpu.memory_space<hbm>>
      %dma_start3A_39 = tpu.memref_squeeze %dma_start3A_38 : memref<1x625x16xf32, #tpu.memory_space<hbm>> -> memref<625x16xf32, #tpu.memory_space<hbm>>
      tpu.enqueue_dma source(%arg6 : memref<625x16xf32, #tpu.memory_space<vmem>>) target(%dma_start3A_39 : memref<625x16xf32, #tpu.memory_space<hbm>>) target_semaphore(%run_scoped3A : memref<!tpu.dma_semaphore, #tpu.memory_space<semaphore_mem>>)
      %dma_wait3A = arith.constant 0 : i32
      %dma_wait3A_40 = tpu.memref_slice %arg4[%arg0, %mul3A_33, %dma_wait3A] : memref<2x10000x16xf32, #tpu.memory_space<hbm>> -> memref<1x625x16xf32, #tpu.memory_space<hbm>>
      %dma_wait3A_41 = tpu.memref_squeeze %dma_wait3A_40 : memref<1x625x16xf32, #tpu.memory_space<hbm>> -> memref<625x16xf32, #tpu.memory_space<hbm>>
      %dma_wait3A_42 = arith.constant 0 : i32
      %dma_wait3A_43 = tpu.memref_slice %arg4[%arg0, %mul3A_33, %dma_wait3A_42] : memref<2x10000x16xf32, #tpu.memory_space<hbm>> -> memref<1x625x16xf32, #tpu.memory_space<hbm>>
      %dma_wait3A_44 = tpu.memref_squeeze %dma_wait3A_43 : memref<1x625x16xf32, #tpu.memory_space<hbm>> -> memref<625x16xf32, #tpu.memory_space<hbm>>
      tpu.wait_dma2 semaphore(%run_scoped3A : memref<!tpu.dma_semaphore, #tpu.memory_space<semaphore_mem>>) src(%arg6 : memref<625x16xf32, #tpu.memory_space<vmem>>) dst(%dma_wait3A_44 : memref<625x16xf32, #tpu.memory_space<hbm>>)
      tpu.yield
    }) : () -> ()
    return
  }
}

module attributes {stable_mosaic.version = 14 : i64} {
  func.func @_node_prep_body(%arg0: memref<10000x128xf32, #tpu.memory_space<vmem>>, %arg1: memref<1x128xf32, #tpu.memory_space<vmem>>, %arg2: memref<1x128xf32, #tpu.memory_space<vmem>>, %arg3: memref<128x128xf32, #tpu.memory_space<vmem>>, %arg4: memref<128x128xf32, #tpu.memory_space<vmem>>, %arg5: memref<128x40xf32, #tpu.memory_space<vmem>>, %arg6: memref<1x40xf32, #tpu.memory_space<vmem>>, %arg7: memref<10000x128xf32, #tpu.memory_space<vmem>>, %arg8: memref<10000x128xf32, #tpu.memory_space<vmem>>, %arg9: memref<10000x40xf32, #tpu.memory_space<vmem>>) attributes {dimension_semantics = [], scalar_prefetch = 0 : i64, scratch_operands = 0 : i64, tpu.core_type = #tpu.core_type<tc>} {
    %get3A = arith.constant 0 : index
    %get3A_0 = arith.constant 0 : index
    %get3A_1 = vector.load %arg0[%get3A, %get3A_0] : memref<10000x128xf32, #tpu.memory_space<vmem>>, vector<10000x128xf32>
    %reduce_sum3A = arith.constant dense<0.000000e+00> : vector<128xf32>
    %reduce_sum3A_2 = vector.multi_reduction <add>, %get3A_1, %reduce_sum3A [0] : vector<10000x128xf32> to vector<128xf32>
    %broadcast_in_dim3A = vector.shape_cast %reduce_sum3A_2 : vector<128xf32> to vector<1x128xf32>
    %div3A = arith.constant 1.000000e+04 : f32
    %div3A_3 = vector.broadcast %div3A : f32 to vector<1x128xf32>
    %div3A_4 = arith.divf %broadcast_in_dim3A, %div3A_3 : vector<1x128xf32>
    %sub3A = vector.broadcast %div3A_4 : vector<1x128xf32> to vector<10000x128xf32>
    %sub3A_5 = arith.subf %get3A_1, %sub3A : vector<10000x128xf32>
    %mul3A = arith.mulf %sub3A_5, %sub3A_5 : vector<10000x128xf32>
    %reduce_sum3A_6 = arith.constant dense<0.000000e+00> : vector<128xf32>
    %reduce_sum3A_7 = vector.multi_reduction <add>, %mul3A, %reduce_sum3A_6 [0] : vector<10000x128xf32> to vector<128xf32>
    %broadcast_in_dim3A_8 = vector.shape_cast %reduce_sum3A_7 : vector<128xf32> to vector<1x128xf32>
    %div3A_9 = arith.constant 1.000000e+04 : f32
    %div3A_10 = vector.broadcast %div3A_9 : f32 to vector<1x128xf32>
    %div3A_11 = arith.divf %broadcast_in_dim3A_8, %div3A_10 : vector<1x128xf32>
    %get3A_12 = arith.constant 0 : index
    %get3A_13 = arith.constant 0 : index
    %get3A_14 = vector.load %arg1[%get3A_12, %get3A_13] : memref<1x128xf32, #tpu.memory_space<vmem>>, vector<1x128xf32>
    %mul3A_15 = vector.broadcast %get3A_14 : vector<1x128xf32> to vector<10000x128xf32>
    %mul3A_16 = arith.mulf %mul3A_15, %sub3A_5 : vector<10000x128xf32>
    %add3A = arith.constant 9.99999974E-6 : f32
    %add3A_17 = vector.broadcast %add3A : f32 to vector<1x128xf32>
    %add3A_18 = arith.addf %div3A_11, %add3A_17 : vector<1x128xf32>
    %sqrt3A = math.sqrt %add3A_18 : vector<1x128xf32>
    %div3A_19 = vector.broadcast %sqrt3A : vector<1x128xf32> to vector<10000x128xf32>
    %div3A_20 = arith.divf %mul3A_16, %div3A_19 : vector<10000x128xf32>
    %get3A_21 = arith.constant 0 : index
    %get3A_22 = arith.constant 0 : index
    %get3A_23 = vector.load %arg2[%get3A_21, %get3A_22] : memref<1x128xf32, #tpu.memory_space<vmem>>, vector<1x128xf32>
    %add3A_24 = vector.broadcast %get3A_23 : vector<1x128xf32> to vector<10000x128xf32>
    %add3A_25 = arith.addf %div3A_20, %add3A_24 : vector<10000x128xf32>
    %max3A = arith.constant 0.000000e+00 : f32
    %max3A_26 = vector.broadcast %max3A : f32 to vector<10000x128xf32>
    %max3A_27 = arith.maximumf %add3A_25, %max3A_26 : vector<10000x128xf32>
    %get3A_28 = arith.constant 0 : index
    %get3A_29 = arith.constant 0 : index
    %get3A_30 = vector.load %arg3[%get3A_28, %get3A_29] : memref<128x128xf32, #tpu.memory_space<vmem>>, vector<128x128xf32>
    %dot_general3A = arith.constant dense<0.000000e+00> : vector<10000x128xf32>
    %dot_general3A_31 = tpu.matmul %max3A_27, %get3A_30, %dot_general3A {dimension_numbers = #tpu.dot_dimension_numbers<[1], [0], [0], [1], [0, 0, 1, 1], [], []>, transpose_lhs_hint = false} : vector<10000x128xf32>, vector<128x128xf32>, vector<10000x128xf32> -> vector<10000x128xf32>
    %swap3A = arith.constant 0 : index
    %swap3A_32 = arith.constant 0 : index
    %swap3A_33 = vector.load %arg7[%swap3A, %swap3A_32] : memref<10000x128xf32, #tpu.memory_space<vmem>>, vector<10000x128xf32>
    tpu.vector_store %arg7[%swap3A, %swap3A_32], %dot_general3A_31 {strides = array<i32>} : memref<10000x128xf32, #tpu.memory_space<vmem>>, vector<10000x128xf32>,
    %get3A_34 = arith.constant 0 : index
    %get3A_35 = arith.constant 0 : index
    %get3A_36 = vector.load %arg4[%get3A_34, %get3A_35] : memref<128x128xf32, #tpu.memory_space<vmem>>, vector<128x128xf32>
    %dot_general3A_37 = arith.constant dense<0.000000e+00> : vector<10000x128xf32>
    %dot_general3A_38 = tpu.matmul %max3A_27, %get3A_36, %dot_general3A_37 {dimension_numbers = #tpu.dot_dimension_numbers<[1], [0], [0], [1], [0, 0, 1, 1], [], []>, transpose_lhs_hint = false} : vector<10000x128xf32>, vector<128x128xf32>, vector<10000x128xf32> -> vector<10000x128xf32>
    %swap3A_39 = arith.constant 0 : index
    %swap3A_40 = arith.constant 0 : index
    %swap3A_41 = vector.load %arg8[%swap3A_39, %swap3A_40] : memref<10000x128xf32, #tpu.memory_space<vmem>>, vector<10000x128xf32>
    tpu.vector_store %arg8[%swap3A_39, %swap3A_40], %dot_general3A_38 {strides = array<i32>} : memref<10000x128xf32, #tpu.memory_space<vmem>>, vector<10000x128xf32>,
    %get3A_42 = arith.constant 0 : index
    %get3A_43 = arith.constant 0 : index
    %get3A_44 = vector.load %arg5[%get3A_42, %get3A_43] : memref<128x40xf32, #tpu.memory_space<vmem>>, vector<128x40xf32>
    %dot_general3A_45 = arith.constant dense<0.000000e+00> : vector<10000x40xf32>
    %dot_general3A_46 = tpu.matmul %max3A_27, %get3A_44, %dot_general3A_45 {dimension_numbers = #tpu.dot_dimension_numbers<[1], [0], [0], [1], [0, 0, 1, 1], [], []>, transpose_lhs_hint = false} : vector<10000x128xf32>, vector<128x40xf32>, vector<10000x40xf32> -> vector<10000x40xf32>
    %get3A_47 = arith.constant 0 : index
    %get3A_48 = arith.constant 0 : index
    %get3A_49 = vector.load %arg6[%get3A_47, %get3A_48] : memref<1x40xf32, #tpu.memory_space<vmem>>, vector<1x40xf32>
    %add3A_50 = vector.broadcast %get3A_49 : vector<1x40xf32> to vector<10000x40xf32>
    %add3A_51 = arith.addf %dot_general3A_46, %add3A_50 : vector<10000x40xf32>
    %swap3A_52 = arith.constant 0 : index
    %swap3A_53 = arith.constant 0 : index
    %swap3A_54 = vector.load %arg9[%swap3A_52, %swap3A_53] : memref<10000x40xf32, #tpu.memory_space<vmem>>, vector<10000x40xf32>
    tpu.vector_store %arg9[%swap3A_52, %swap3A_53], %add3A_51 {strides = array<i32>} : memref<10000x40xf32, #tpu.memory_space<vmem>>, vector<10000x40xf32>,
    return
  }
}

module attributes {stable_mosaic.version = 14 : i64} {
  func.func @_colstats_body(%arg0: memref<40000x128xf32, #tpu.memory_space<vmem>>, %arg1: memref<2x128xf32, #tpu.memory_space<vmem>>) attributes {dimension_semantics = [], scalar_prefetch = 0 : i64, scratch_operands = 0 : i64, tpu.core_type = #tpu.core_type<tc>} {
    %get3A = arith.constant 0 : index
    %get3A_0 = arith.constant 0 : index
    %get3A_1 = vector.load %arg0[%get3A, %get3A_0] : memref<40000x128xf32, #tpu.memory_space<vmem>>, vector<40000x128xf32>
    %reduce_sum3A = arith.constant dense<0.000000e+00> : vector<128xf32>
    %reduce_sum3A_2 = vector.multi_reduction <add>, %get3A_1, %reduce_sum3A [0] : vector<40000x128xf32> to vector<128xf32>
    %broadcast_in_dim3A = vector.shape_cast %reduce_sum3A_2 : vector<128xf32> to vector<1x128xf32>
    %mul3A = arith.mulf %get3A_1, %get3A_1 : vector<40000x128xf32>
    %reduce_sum3A_3 = arith.constant dense<0.000000e+00> : vector<128xf32>
    %reduce_sum3A_4 = vector.multi_reduction <add>, %mul3A, %reduce_sum3A_3 [0] : vector<40000x128xf32> to vector<128xf32>
    %broadcast_in_dim3A_5 = vector.shape_cast %reduce_sum3A_4 : vector<128xf32> to vector<1x128xf32>
    %iota3A = tpu.iota {dimensions = array<i32: 0>} : vector<128x128xi32>
    %iota3A_6 = tpu.iota {dimensions = array<i32: 1>} : vector<128x128xi32>
    %jit3A = arith.constant 16 : i32
    %eq3A = arith.constant 0 : i32
    %eq3A_7 = arith.cmpi eq, %jit3A, %eq3A : i32
    %jit3A_8 = arith.constant 1 : i32
    %select_n3A = arith.select %eq3A_7, %jit3A_8, %jit3A : i32
    %rem3A = vector.broadcast %select_n3A : i32 to vector<128x128xi32>
    %rem3A_9 = arith.remsi %iota3A, %rem3A : vector<128x128xi32>
    %ne3A = arith.constant 0 : i32
    %ne3A_10 = vector.broadcast %ne3A : i32 to vector<128x128xi32>
    %ne3A_11 = arith.cmpi ne, %rem3A_9, %ne3A_10 : vector<128x128xi32>
    %lt3A = arith.constant 0 : i32
    %lt3A_12 = vector.broadcast %lt3A : i32 to vector<128x128xi32>
    %lt3A_13 = arith.cmpi slt, %rem3A_9, %lt3A_12 : vector<128x128xi32>
    %lt3A_14 = arith.constant 0 : i32
    %lt3A_15 = arith.cmpi slt, %select_n3A, %lt3A_14 : i32
    %ne3A_16 = vector.broadcast %lt3A_15 : i1 to vector<128x128xi1>
    %ne3A_17 = vector.broadcast %ne3A_16 : vector<128x128xi1> to vector<128x128xi1>
    %ne3A_18 = arith.xori %lt3A_13, %ne3A_17 : vector<128x128xi1>
    %and3A = arith.andi %ne3A_18, %ne3A_11 : vector<128x128xi1>
    %add3A = vector.broadcast %select_n3A : i32 to vector<128x128xi32>
    %add3A_19 = arith.addi %rem3A_9, %add3A : vector<128x128xi32>
    %select_n3A_20 = arith.select %and3A, %add3A_19, %rem3A_9 : vector<128x128xi1>, vector<128x128xi32>
    %jit3A_21 = arith.constant 16 : i32
    %eq3A_22 = arith.constant 0 : i32
    %eq3A_23 = arith.cmpi eq, %jit3A_21, %eq3A_22 : i32
    %jit3A_24 = arith.constant 1 : i32
    %select_n3A_25 = arith.select %eq3A_23, %jit3A_24, %jit3A_21 : i32
    %rem3A_26 = vector.broadcast %select_n3A_25 : i32 to vector<128x128xi32>
    %rem3A_27 = arith.remsi %iota3A_6, %rem3A_26 : vector<128x128xi32>
    %ne3A_28 = arith.constant 0 : i32
    %ne3A_29 = vector.broadcast %ne3A_28 : i32 to vector<128x128xi32>
    %ne3A_30 = arith.cmpi ne, %rem3A_27, %ne3A_29 : vector<128x128xi32>
    %lt3A_31 = arith.constant 0 : i32
    %lt3A_32 = vector.broadcast %lt3A_31 : i32 to vector<128x128xi32>
    %lt3A_33 = arith.cmpi slt, %rem3A_27, %lt3A_32 : vector<128x128xi32>
    %lt3A_34 = arith.constant 0 : i32
    %lt3A_35 = arith.cmpi slt, %select_n3A_25, %lt3A_34 : i32
    %ne3A_36 = vector.broadcast %lt3A_35 : i1 to vector<128x128xi1>
    %ne3A_37 = vector.broadcast %ne3A_36 : vector<128x128xi1> to vector<128x128xi1>
    %ne3A_38 = arith.xori %lt3A_33, %ne3A_37 : vector<128x128xi1>
    %and3A_39 = arith.andi %ne3A_38, %ne3A_30 : vector<128x128xi1>
    %add3A_40 = vector.broadcast %select_n3A_25 : i32 to vector<128x128xi32>
    %add3A_41 = arith.addi %rem3A_27, %add3A_40 : vector<128x128xi32>
    %select_n3A_42 = arith.select %and3A_39, %add3A_41, %rem3A_27 : vector<128x128xi1>, vector<128x128xi32>
    %eq3A_43 = arith.cmpi eq, %select_n3A_20, %select_n3A_42 : vector<128x128xi32>
    %jit3A_44 = arith.constant 1.000000e+00 : f32
    %jit3A_45 = arith.constant 0.000000e+00 : f32
    %broadcast_in_dim3A_46 = vector.broadcast %jit3A_44 : f32 to vector<128x128xf32>
    %broadcast_in_dim3A_47 = vector.broadcast %jit3A_45 : f32 to vector<128x128xf32>
    %select_n3A_48 = arith.select %eq3A_43, %broadcast_in_dim3A_46, %broadcast_in_dim3A_47 : vector<128x128xi1>, vector<128x128xf32>
    %dot_general3A = arith.constant dense<0.000000e+00> : vector<1x128xf32>
    %dot_general3A_49 = tpu.matmul %broadcast_in_dim3A, %select_n3A_48, %dot_general3A {dimension_numbers = #tpu.dot_dimension_numbers<[1], [0], [0], [1], [0, 0, 1, 1], [], []>, transpose_lhs_hint = false} : vector<1x128xf32>, vector<128x128xf32>, vector<1x128xf32> -> vector<1x128xf32>
    %dot_general3A_50 = arith.constant dense<0.000000e+00> : vector<1x128xf32>
    %dot_general3A_51 = tpu.matmul %broadcast_in_dim3A_5, %select_n3A_48, %dot_general3A_50 {dimension_numbers = #tpu.dot_dimension_numbers<[1], [0], [0], [1], [0, 0, 1, 1], [], []>, transpose_lhs_hint = false} : vector<1x128xf32>, vector<128x128xf32>, vector<1x128xf32> -> vector<1x128xf32>
    %mul3A_52 = arith.constant 3.125000e-06 : f32
    %mul3A_53 = vector.broadcast %mul3A_52 : f32 to vector<1x128xf32>
    %mul3A_54 = arith.mulf %dot_general3A_49, %mul3A_53 : vector<1x128xf32>
    %mul3A_55 = arith.constant 3.125000e-06 : f32
    %mul3A_56 = vector.broadcast %mul3A_55 : f32 to vector<1x128xf32>
    %mul3A_57 = arith.mulf %dot_general3A_51, %mul3A_56 : vector<1x128xf32>
    %mul3A_58 = arith.mulf %mul3A_54, %mul3A_54 : vector<1x128xf32>
    %sub3A = arith.subf %mul3A_57, %mul3A_58 : vector<1x128xf32>
    %concatenate3A = tpu.concatenate %mul3A_54, %sub3A in 0 : vector<1x128xf32>, vector<1x128xf32> -> vector<2x128xf32>
    %swap3A = arith.constant 0 : index
    %swap3A_59 = arith.constant 0 : index
    %swap3A_60 = vector.load %arg1[%swap3A, %swap3A_59] : memref<2x128xf32, #tpu.memory_space<vmem>>, vector<2x128xf32>
    tpu.vector_store %arg1[%swap3A, %swap3A_59], %concatenate3A {strides = array<i32>} : memref<2x128xf32, #tpu.memory_space<vmem>>, vector<2x128xf32>,
    return
  }
}

module attributes {stable_mosaic.version = 14 : i64} {
  func.func @_edge_body_mid(%arg0: i32, %arg1: memref<1000x128xf32, #tpu.memory_space<vmem>>, %arg2: memref<1000x128xf32, #tpu.memory_space<vmem>>, %arg3: memref<1000x128xf32, #tpu.memory_space<vmem>>, %arg4: memref<1000x128xf32, #tpu.memory_space<vmem>>, %arg5: memref<2x128xf32, #tpu.memory_space<vmem>>, %arg6: memref<1x128xf32, #tpu.memory_space<vmem>>, %arg7: memref<1x128xf32, #tpu.memory_space<vmem>>, %arg8: memref<128x384xf32, #tpu.memory_space<vmem>>, %arg9: memref<1x384xf32, #tpu.memory_space<vmem>>, %arg10: memref<384x128xf32, #tpu.memory_space<vmem>>, %arg11: memref<1x128xf32, #tpu.memory_space<vmem>>, %arg12: memref<1000x128xf32, #tpu.memory_space<vmem>>) attributes {dimension_semantics = [#tpu.dimension_semantics<arbitrary>], iteration_bounds = array<i64: 40>, scalar_prefetch = 0 : i64, scratch_operands = 0 : i64, tpu.core_type = #tpu.core_type<tc>, window_params = [{transform_indices = @transform_0, window_bounds = array<i64: 1000, 128>}, {transform_indices = @transform_1, window_bounds = array<i64: 1000, 128>}, {transform_indices = @transform_2, window_bounds = array<i64: 1000, 128>}, {transform_indices = @transform_3, window_bounds = array<i64: 1000, 128>}, {pipeline_mode = #tpu.pipeline_mode<synchronous>, transform_indices = @transform_4, window_bounds = array<i64: 2, 128>}, {pipeline_mode = #tpu.pipeline_mode<synchronous>, transform_indices = @transform_5, window_bounds = array<i64: 1, 128>}, {pipeline_mode = #tpu.pipeline_mode<synchronous>, transform_indices = @transform_6, window_bounds = array<i64: 1, 128>}, {pipeline_mode = #tpu.pipeline_mode<synchronous>, transform_indices = @transform_7, window_bounds = array<i64: 128, 384>}, {pipeline_mode = #tpu.pipeline_mode<synchronous>, transform_indices = @transform_8, window_bounds = array<i64: 1, 384>}, {pipeline_mode = #tpu.pipeline_mode<synchronous>, transform_indices = @transform_9, window_bounds = array<i64: 384, 128>}, {pipeline_mode = #tpu.pipeline_mode<synchronous>, transform_indices = @transform_10, window_bounds = array<i64: 1, 128>}, {transform_indices = @transform_11, window_bounds = array<i64: 1000, 128>}]} {
    %get3A = arith.constant 0 : index
    %get3A_0 = arith.constant 0 : index
    %get3A_1 = vector.load %arg5[%get3A, %get3A_0] : memref<2x128xf32, #tpu.memory_space<vmem>>, vector<1x128xf32>
    %get3A_2 = arith.constant 1 : index
    %get3A_3 = arith.constant 0 : index
    %get3A_4 = vector.load %arg5[%get3A_2, %get3A_3] : memref<2x128xf32, #tpu.memory_space<vmem>>, vector<1x128xf32>
    %get3A_5 = arith.constant 0 : index
    %get3A_6 = arith.constant 0 : index
    %get3A_7 = vector.load %arg6[%get3A_5, %get3A_6] : memref<1x128xf32, #tpu.memory_space<vmem>>, vector<1x128xf32>
    %get3A_8 = arith.constant 0 : index
    %get3A_9 = arith.constant 0 : index
    %get3A_10 = vector.load %arg4[%get3A_8, %get3A_9] : memref<1000x128xf32, #tpu.memory_space<vmem>>, vector<1000x128xf32>
    %sub3A = vector.broadcast %get3A_1 : vector<1x128xf32> to vector<1000x128xf32>
    %sub3A_11 = arith.subf %get3A_10, %sub3A : vector<1000x128xf32>
    %mul3A = vector.broadcast %get3A_7 : vector<1x128xf32> to vector<1000x128xf32>
    %mul3A_12 = arith.mulf %mul3A, %sub3A_11 : vector<1000x128xf32>
    %add3A = arith.constant 9.99999974E-6 : f32
    %add3A_13 = vector.broadcast %add3A : f32 to vector<1x128xf32>
    %add3A_14 = arith.addf %get3A_4, %add3A_13 : vector<1x128xf32>
    %sqrt3A = math.sqrt %add3A_14 : vector<1x128xf32>
    %div3A = vector.broadcast %sqrt3A : vector<1x128xf32> to vector<1000x128xf32>
    %div3A_15 = arith.divf %mul3A_12, %div3A : vector<1000x128xf32>
    %get3A_16 = arith.constant 0 : index
    %get3A_17 = arith.constant 0 : index
    %get3A_18 = vector.load %arg7[%get3A_16, %get3A_17] : memref<1x128xf32, #tpu.memory_space<vmem>>, vector<1x128xf32>
    %add3A_19 = vector.broadcast %get3A_18 : vector<1x128xf32> to vector<1000x128xf32>
    %add3A_20 = arith.addf %div3A_15, %add3A_19 : vector<1000x128xf32>
    %max3A = arith.constant 0.000000e+00 : f32
    %max3A_21 = vector.broadcast %max3A : f32 to vector<1000x128xf32>
    %max3A_22 = arith.maximumf %add3A_20, %max3A_21 : vector<1000x128xf32>
    %get3A_23 = arith.constant 0 : index
    %get3A_24 = arith.constant 0 : index
    %get3A_25 = vector.load %arg8[%get3A_23, %get3A_24] : memref<128x384xf32, #tpu.memory_space<vmem>>, vector<128x384xf32>
    %dot_general3A = arith.constant dense<0.000000e+00> : vector<1000x384xf32>
    %dot_general3A_26 = tpu.matmul %max3A_22, %get3A_25, %dot_general3A {dimension_numbers = #tpu.dot_dimension_numbers<[1], [0], [0], [1], [0, 0, 1, 1], [], []>, transpose_lhs_hint = false} : vector<1000x128xf32>, vector<128x384xf32>, vector<1000x384xf32> -> vector<1000x384xf32>
    %get3A_27 = arith.constant 0 : index
    %get3A_28 = arith.constant 0 : index
    %get3A_29 = vector.load %arg9[%get3A_27, %get3A_28] : memref<1x384xf32, #tpu.memory_space<vmem>>, vector<1x384xf32>
    %add3A_30 = vector.broadcast %get3A_29 : vector<1x384xf32> to vector<1000x384xf32>
    %add3A_31 = arith.addf %dot_general3A_26, %add3A_30 : vector<1000x384xf32>
    %get3A_32 = arith.constant 0 : index
    %get3A_33 = arith.constant 0 : index
    %get3A_34 = vector.load %arg11[%get3A_32, %get3A_33] : memref<1x128xf32, #tpu.memory_space<vmem>>, vector<1x128xf32>
    %get3A_35 = arith.constant 0 : index
    %get3A_36 = arith.constant 0 : index
    %get3A_37 = vector.load %arg1[%get3A_35, %get3A_36] : memref<1000x128xf32, #tpu.memory_space<vmem>>, vector<1000x128xf32>
    %slice3A = vector.extract_strided_slice %add3A_31 {offsets = [0, 0], sizes = [1000, 128], strides = [1, 1]} : vector<1000x384xf32> to vector<1000x128xf32>
    %add3A_38 = arith.addf %get3A_37, %slice3A : vector<1000x128xf32>
    %max3A_39 = arith.constant 0.000000e+00 : f32
    %max3A_40 = vector.broadcast %max3A_39 : f32 to vector<1000x128xf32>
    %max3A_41 = arith.maximumf %add3A_38, %max3A_40 : vector<1000x128xf32>
    %get3A_42 = arith.constant 0 : index
    %get3A_43 = arith.constant 0 : index
    %get3A_44 = vector.load %arg10[%get3A_42, %get3A_43] : memref<384x128xf32, #tpu.memory_space<vmem>>, vector<384x128xf32>
    %slice3A_45 = vector.extract_strided_slice %get3A_44 {offsets = [0, 0], sizes = [128, 128], strides = [1, 1]} : vector<384x128xf32> to vector<128x128xf32>
    %dot_general3A_46 = arith.constant dense<0.000000e+00> : vector<1000x128xf32>
    %dot_general3A_47 = tpu.matmul %max3A_41, %slice3A_45, %dot_general3A_46 {dimension_numbers = #tpu.dot_dimension_numbers<[1], [0], [0], [1], [0, 0, 1, 1], [], []>, transpose_lhs_hint = false} : vector<1000x128xf32>, vector<128x128xf32>, vector<1000x128xf32> -> vector<1000x128xf32>
    %add3A_48 = vector.broadcast %get3A_34 : vector<1x128xf32> to vector<1000x128xf32>
    %add3A_49 = arith.addf %add3A_48, %dot_general3A_47 : vector<1000x128xf32>
    %get3A_50 = arith.constant 0 : index
    %get3A_51 = arith.constant 0 : index
    %get3A_52 = vector.load %arg2[%get3A_50, %get3A_51] : memref<1000x128xf32, #tpu.memory_space<vmem>>, vector<1000x128xf32>
    %slice3A_53 = vector.extract_strided_slice %add3A_31 {offsets = [0, 128], sizes = [1000, 128], strides = [1, 1]} : vector<1000x384xf32> to vector<1000x128xf32>
    %add3A_54 = arith.addf %get3A_52, %slice3A_53 : vector<1000x128xf32>
    %max3A_55 = arith.constant 0.000000e+00 : f32
    %max3A_56 = vector.broadcast %max3A_55 : f32 to vector<1000x128xf32>
    %max3A_57 = arith.maximumf %add3A_54, %max3A_56 : vector<1000x128xf32>
    %get3A_58 = arith.constant 0 : index
    %get3A_59 = arith.constant 0 : index
    %get3A_60 = vector.load %arg10[%get3A_58, %get3A_59] : memref<384x128xf32, #tpu.memory_space<vmem>>, vector<384x128xf32>
    %slice3A_61 = vector.extract_strided_slice %get3A_60 {offsets = [128, 0], sizes = [128, 128], strides = [1, 1]} : vector<384x128xf32> to vector<128x128xf32>
    %dot_general3A_62 = arith.constant dense<0.000000e+00> : vector<1000x128xf32>
    %dot_general3A_63 = tpu.matmul %max3A_57, %slice3A_61, %dot_general3A_62 {dimension_numbers = #tpu.dot_dimension_numbers<[1], [0], [0], [1], [0, 0, 1, 1], [], []>, transpose_lhs_hint = false} : vector<1000x128xf32>, vector<128x128xf32>, vector<1000x128xf32> -> vector<1000x128xf32>
    %add3A_64 = arith.addf %add3A_49, %dot_general3A_63 : vector<1000x128xf32>
    %get3A_65 = arith.constant 0 : index
    %get3A_66 = arith.constant 0 : index
    %get3A_67 = vector.load %arg3[%get3A_65, %get3A_66] : memref<1000x128xf32, #tpu.memory_space<vmem>>, vector<1000x128xf32>
    %slice3A_68 = vector.extract_strided_slice %add3A_31 {offsets = [0, 256], sizes = [1000, 128], strides = [1, 1]} : vector<1000x384xf32> to vector<1000x128xf32>
    %add3A_69 = arith.addf %get3A_67, %slice3A_68 : vector<1000x128xf32>
    %max3A_70 = arith.constant 0.000000e+00 : f32
    %max3A_71 = vector.broadcast %max3A_70 : f32 to vector<1000x128xf32>
    %max3A_72 = arith.maximumf %add3A_69, %max3A_71 : vector<1000x128xf32>
    %get3A_73 = arith.constant 0 : index
    %get3A_74 = arith.constant 0 : index
    %get3A_75 = vector.load %arg10[%get3A_73, %get3A_74] : memref<384x128xf32, #tpu.memory_space<vmem>>, vector<384x128xf32>
    %slice3A_76 = vector.extract_strided_slice %get3A_75 {offsets = [256, 0], sizes = [128, 128], strides = [1, 1]} : vector<384x128xf32> to vector<128x128xf32>
    %dot_general3A_77 = arith.constant dense<0.000000e+00> : vector<1000x128xf32>
    %dot_general3A_78 = tpu.matmul %max3A_72, %slice3A_76, %dot_general3A_77 {dimension_numbers = #tpu.dot_dimension_numbers<[1], [0], [0], [1], [0, 0, 1, 1], [], []>, transpose_lhs_hint = false} : vector<1000x128xf32>, vector<128x128xf32>, vector<1000x128xf32> -> vector<1000x128xf32>
    %add3A_79 = arith.addf %add3A_64, %dot_general3A_78 : vector<1000x128xf32>
    %swap3A = arith.constant 0 : index
    %swap3A_80 = arith.constant 0 : index
    %swap3A_81 = vector.load %arg12[%swap3A, %swap3A_80] : memref<1000x128xf32, #tpu.memory_space<vmem>>, vector<1000x128xf32>
    tpu.vector_store %arg12[%swap3A, %swap3A_80], %add3A_79 {strides = array<i32>} : memref<1000x128xf32, #tpu.memory_space<vmem>>, vector<1000x128xf32>,
    return
  }
  func.func @transform_0(%arg0: i32) -> (i32, i32) {
    %c0_i32 = arith.constant 0 : i32
    %c0_i32_0 = arith.constant 0 : i32
    return %arg0, %c0_i32 : i32, i32
  }
  func.func @transform_1(%arg0: i32) -> (i32, i32) {
    %c0_i32 = arith.constant 0 : i32
    %c0_i32_0 = arith.constant 0 : i32
    return %arg0, %c0_i32 : i32, i32
  }
  func.func @transform_2(%arg0: i32) -> (i32, i32) {
    %c0_i32 = arith.constant 0 : i32
    %c0_i32_0 = arith.constant 0 : i32
    return %arg0, %c0_i32 : i32, i32
  }
  func.func @transform_3(%arg0: i32) -> (i32, i32) {
    %c0_i32 = arith.constant 0 : i32
    %c0_i32_0 = arith.constant 0 : i32
    return %arg0, %c0_i32 : i32, i32
  }
  func.func @transform_4(%arg0: i32) -> (i32, i32) {
    %c0_i32 = arith.constant 0 : i32
    %c0_i32_0 = arith.constant 0 : i32
    %c0_i32_1 = arith.constant 0 : i32
    return %c0_i32, %c0_i32_0 : i32, i32
  }
  func.func @transform_5(%arg0: i32) -> (i32, i32) {
    %c0_i32 = arith.constant 0 : i32
    %c0_i32_0 = arith.constant 0 : i32
    %c0_i32_1 = arith.constant 0 : i32
    return %c0_i32, %c0_i32_0 : i32, i32
  }
  func.func @transform_6(%arg0: i32) -> (i32, i32) {
    %c0_i32 = arith.constant 0 : i32
    %c0_i32_0 = arith.constant 0 : i32
    %c0_i32_1 = arith.constant 0 : i32
    return %c0_i32, %c0_i32_0 : i32, i32
  }
  func.func @transform_7(%arg0: i32) -> (i32, i32) {
    %c0_i32 = arith.constant 0 : i32
    %c0_i32_0 = arith.constant 0 : i32
    %c0_i32_1 = arith.constant 0 : i32
    return %c0_i32, %c0_i32_0 : i32, i32
  }
  func.func @transform_8(%arg0: i32) -> (i32, i32) {
    %c0_i32 = arith.constant 0 : i32
    %c0_i32_0 = arith.constant 0 : i32
    %c0_i32_1 = arith.constant 0 : i32
    return %c0_i32, %c0_i32_0 : i32, i32
  }
  func.func @transform_9(%arg0: i32) -> (i32, i32) {
    %c0_i32 = arith.constant 0 : i32
    %c0_i32_0 = arith.constant 0 : i32
    %c0_i32_1 = arith.constant 0 : i32
    return %c0_i32, %c0_i32_0 : i32, i32
  }
  func.func @transform_10(%arg0: i32) -> (i32, i32) {
    %c0_i32 = arith.constant 0 : i32
    %c0_i32_0 = arith.constant 0 : i32
    %c0_i32_1 = arith.constant 0 : i32
    return %c0_i32, %c0_i32_0 : i32, i32
  }
  func.func @transform_11(%arg0: i32) -> (i32, i32) {
    %c0_i32 = arith.constant 0 : i32
    %c0_i32_0 = arith.constant 0 : i32
    return %arg0, %c0_i32 : i32, i32
  }
}

module attributes {stable_mosaic.version = 14 : i64} {
  func.func @_node_body_mid(%arg0: memref<10000x40xf32, #tpu.memory_space<vmem>>, %arg1: memref<2x10000x16xf32, #tpu.memory_space<vmem>>, %arg2: memref<16x40xf32, #tpu.memory_space<vmem>>, %arg3: memref<40x128xf32, #tpu.memory_space<vmem>>, %arg4: memref<1x128xf32, #tpu.memory_space<vmem>>, %arg5: memref<10000x128xf32, #tpu.memory_space<vmem>>) attributes {dimension_semantics = [], scalar_prefetch = 0 : i64, scratch_operands = 0 : i64, tpu.core_type = #tpu.core_type<tc>} {
    %get3A = arith.constant 0 : index
    %get3A_0 = arith.constant 0 : index
    %get3A_1 = arith.constant 0 : index
    %get3A_2 = vector.load %arg1[%get3A, %get3A_0, %get3A_1] : memref<2x10000x16xf32, #tpu.memory_space<vmem>>, vector<1x10000x16xf32>
    %get3A_3 = vector.shape_cast %get3A_2 : vector<1x10000x16xf32> to vector<10000x16xf32>
    %get3A_4 = arith.constant 1 : index
    %get3A_5 = arith.constant 0 : index
    %get3A_6 = arith.constant 0 : index
    %get3A_7 = vector.load %arg1[%get3A_4, %get3A_5, %get3A_6] : memref<2x10000x16xf32, #tpu.memory_space<vmem>>, vector<1x10000x16xf32>
    %get3A_8 = vector.shape_cast %get3A_7 : vector<1x10000x16xf32> to vector<10000x16xf32>
    %add3A = arith.addf %get3A_3, %get3A_8 : vector<10000x16xf32>
    %get3A_9 = arith.constant 0 : index
    %get3A_10 = arith.constant 0 : index
    %get3A_11 = vector.load %arg0[%get3A_9, %get3A_10] : memref<10000x40xf32, #tpu.memory_space<vmem>>, vector<10000x40xf32>
    %get3A_12 = arith.constant 0 : index
    %get3A_13 = arith.constant 0 : index
    %get3A_14 = vector.load %arg2[%get3A_12, %get3A_13] : memref<16x40xf32, #tpu.memory_space<vmem>>, vector<16x40xf32>
    %dot_general3A = arith.constant dense<0.000000e+00> : vector<10000x40xf32>
    %dot_general3A_15 = tpu.matmul %add3A, %get3A_14, %dot_general3A {dimension_numbers = #tpu.dot_dimension_numbers<[1], [0], [0], [1], [0, 0, 1, 1], [], []>, transpose_lhs_hint = false} : vector<10000x16xf32>, vector<16x40xf32>, vector<10000x40xf32> -> vector<10000x40xf32>
    %add3A_16 = arith.addf %get3A_11, %dot_general3A_15 : vector<10000x40xf32>
    %max3A = arith.constant 0.000000e+00 : f32
    %max3A_17 = vector.broadcast %max3A : f32 to vector<10000x40xf32>
    %max3A_18 = arith.maximumf %add3A_16, %max3A_17 : vector<10000x40xf32>
    %get3A_19 = arith.constant 0 : index
    %get3A_20 = arith.constant 0 : index
    %get3A_21 = vector.load %arg3[%get3A_19, %get3A_20] : memref<40x128xf32, #tpu.memory_space<vmem>>, vector<40x128xf32>
    %dot_general3A_22 = arith.constant dense<0.000000e+00> : vector<10000x128xf32>
    %dot_general3A_23 = tpu.matmul %max3A_18, %get3A_21, %dot_general3A_22 {dimension_numbers = #tpu.dot_dimension_numbers<[1], [0], [0], [1], [0, 0, 1, 1], [], []>, transpose_lhs_hint = false} : vector<10000x40xf32>, vector<40x128xf32>, vector<10000x128xf32> -> vector<10000x128xf32>
    %get3A_24 = arith.constant 0 : index
    %get3A_25 = arith.constant 0 : index
    %get3A_26 = vector.load %arg4[%get3A_24, %get3A_25] : memref<1x128xf32, #tpu.memory_space<vmem>>, vector<1x128xf32>
    %add3A_27 = vector.broadcast %get3A_26 : vector<1x128xf32> to vector<10000x128xf32>
    %add3A_28 = arith.addf %dot_general3A_23, %add3A_27 : vector<10000x128xf32>
    %swap3A = arith.constant 0 : index
    %swap3A_29 = arith.constant 0 : index
    %swap3A_30 = vector.load %arg5[%swap3A, %swap3A_29] : memref<10000x128xf32, #tpu.memory_space<vmem>>, vector<10000x128xf32>
    tpu.vector_store %arg5[%swap3A, %swap3A_29], %add3A_28 {strides = array<i32>} : memref<10000x128xf32, #tpu.memory_space<vmem>>, vector<10000x128xf32>,
    return
  }
}

module attributes {stable_mosaic.version = 14 : i64} {
  func.func @_edge_body_fin(%arg0: i32, %arg1: memref<1000x128xf32, #tpu.memory_space<vmem>>, %arg2: memref<1000x128xf32, #tpu.memory_space<vmem>>, %arg3: memref<1000x128xf32, #tpu.memory_space<vmem>>, %arg4: memref<1000x128xf32, #tpu.memory_space<vmem>>, %arg5: memref<2x128xf32, #tpu.memory_space<vmem>>, %arg6: memref<1x128xf32, #tpu.memory_space<vmem>>, %arg7: memref<1x128xf32, #tpu.memory_space<vmem>>, %arg8: memref<128x384xf32, #tpu.memory_space<vmem>>, %arg9: memref<1x384xf32, #tpu.memory_space<vmem>>, %arg10: memref<384x128xf32, #tpu.memory_space<vmem>>, %arg11: memref<1x128xf32, #tpu.memory_space<vmem>>, %arg12: memref<1000x128xf32, #tpu.memory_space<vmem>>, %arg13: memref<1000x128xf32, #tpu.memory_space<vmem>>, %arg14: memref<1000x128xf32, #tpu.memory_space<vmem>>) attributes {dimension_semantics = [#tpu.dimension_semantics<arbitrary>], iteration_bounds = array<i64: 40>, scalar_prefetch = 0 : i64, scratch_operands = 0 : i64, tpu.core_type = #tpu.core_type<tc>, window_params = [{transform_indices = @transform_0, window_bounds = array<i64: 1000, 128>}, {transform_indices = @transform_1, window_bounds = array<i64: 1000, 128>}, {transform_indices = @transform_2, window_bounds = array<i64: 1000, 128>}, {transform_indices = @transform_3, window_bounds = array<i64: 1000, 128>}, {pipeline_mode = #tpu.pipeline_mode<synchronous>, transform_indices = @transform_4, window_bounds = array<i64: 2, 128>}, {pipeline_mode = #tpu.pipeline_mode<synchronous>, transform_indices = @transform_5, window_bounds = array<i64: 1, 128>}, {pipeline_mode = #tpu.pipeline_mode<synchronous>, transform_indices = @transform_6, window_bounds = array<i64: 1, 128>}, {pipeline_mode = #tpu.pipeline_mode<synchronous>, transform_indices = @transform_7, window_bounds = array<i64: 128, 384>}, {pipeline_mode = #tpu.pipeline_mode<synchronous>, transform_indices = @transform_8, window_bounds = array<i64: 1, 384>}, {pipeline_mode = #tpu.pipeline_mode<synchronous>, transform_indices = @transform_9, window_bounds = array<i64: 384, 128>}, {pipeline_mode = #tpu.pipeline_mode<synchronous>, transform_indices = @transform_10, window_bounds = array<i64: 1, 128>}, {transform_indices = @transform_11, window_bounds = array<i64: 1000, 128>}, {transform_indices = @transform_12, window_bounds = array<i64: 1000, 128>}, {transform_indices = @transform_13, window_bounds = array<i64: 1000, 128>}]} {
    %get3A = arith.constant 0 : index
    %get3A_0 = arith.constant 0 : index
    %get3A_1 = vector.load %arg5[%get3A, %get3A_0] : memref<2x128xf32, #tpu.memory_space<vmem>>, vector<1x128xf32>
    %get3A_2 = arith.constant 1 : index
    %get3A_3 = arith.constant 0 : index
    %get3A_4 = vector.load %arg5[%get3A_2, %get3A_3] : memref<2x128xf32, #tpu.memory_space<vmem>>, vector<1x128xf32>
    %get3A_5 = arith.constant 0 : index
    %get3A_6 = arith.constant 0 : index
    %get3A_7 = vector.load %arg6[%get3A_5, %get3A_6] : memref<1x128xf32, #tpu.memory_space<vmem>>, vector<1x128xf32>
    %get3A_8 = arith.constant 0 : index
    %get3A_9 = arith.constant 0 : index
    %get3A_10 = vector.load %arg4[%get3A_8, %get3A_9] : memref<1000x128xf32, #tpu.memory_space<vmem>>, vector<1000x128xf32>
    %sub3A = vector.broadcast %get3A_1 : vector<1x128xf32> to vector<1000x128xf32>
    %sub3A_11 = arith.subf %get3A_10, %sub3A : vector<1000x128xf32>
    %mul3A = vector.broadcast %get3A_7 : vector<1x128xf32> to vector<1000x128xf32>
    %mul3A_12 = arith.mulf %mul3A, %sub3A_11 : vector<1000x128xf32>
    %add3A = arith.constant 9.99999974E-6 : f32
    %add3A_13 = vector.broadcast %add3A : f32 to vector<1x128xf32>
    %add3A_14 = arith.addf %get3A_4, %add3A_13 : vector<1x128xf32>
    %sqrt3A = math.sqrt %add3A_14 : vector<1x128xf32>
    %div3A = vector.broadcast %sqrt3A : vector<1x128xf32> to vector<1000x128xf32>
    %div3A_15 = arith.divf %mul3A_12, %div3A : vector<1000x128xf32>
    %get3A_16 = arith.constant 0 : index
    %get3A_17 = arith.constant 0 : index
    %get3A_18 = vector.load %arg7[%get3A_16, %get3A_17] : memref<1x128xf32, #tpu.memory_space<vmem>>, vector<1x128xf32>
    %add3A_19 = vector.broadcast %get3A_18 : vector<1x128xf32> to vector<1000x128xf32>
    %add3A_20 = arith.addf %div3A_15, %add3A_19 : vector<1000x128xf32>
    %max3A = arith.constant 0.000000e+00 : f32
    %max3A_21 = vector.broadcast %max3A : f32 to vector<1000x128xf32>
    %max3A_22 = arith.maximumf %add3A_20, %max3A_21 : vector<1000x128xf32>
    %get3A_23 = arith.constant 0 : index
    %get3A_24 = arith.constant 0 : index
    %get3A_25 = vector.load %arg8[%get3A_23, %get3A_24] : memref<128x384xf32, #tpu.memory_space<vmem>>, vector<128x384xf32>
    %dot_general3A = arith.constant dense<0.000000e+00> : vector<1000x384xf32>
    %dot_general3A_26 = tpu.matmul %max3A_22, %get3A_25, %dot_general3A {dimension_numbers = #tpu.dot_dimension_numbers<[1], [0], [0], [1], [0, 0, 1, 1], [], []>, transpose_lhs_hint = false} : vector<1000x128xf32>, vector<128x384xf32>, vector<1000x384xf32> -> vector<1000x384xf32>
    %get3A_27 = arith.constant 0 : index
    %get3A_28 = arith.constant 0 : index
    %get3A_29 = vector.load %arg9[%get3A_27, %get3A_28] : memref<1x384xf32, #tpu.memory_space<vmem>>, vector<1x384xf32>
    %add3A_30 = vector.broadcast %get3A_29 : vector<1x384xf32> to vector<1000x384xf32>
    %add3A_31 = arith.addf %dot_general3A_26, %add3A_30 : vector<1000x384xf32>
    %get3A_32 = arith.constant 0 : index
    %get3A_33 = arith.constant 0 : index
    %get3A_34 = vector.load %arg11[%get3A_32, %get3A_33] : memref<1x128xf32, #tpu.memory_space<vmem>>, vector<1x128xf32>
    %get3A_35 = arith.constant 0 : index
    %get3A_36 = arith.constant 0 : index
    %get3A_37 = vector.load %arg1[%get3A_35, %get3A_36] : memref<1000x128xf32, #tpu.memory_space<vmem>>, vector<1000x128xf32>
    %slice3A = vector.extract_strided_slice %add3A_31 {offsets = [0, 0], sizes = [1000, 128], strides = [1, 1]} : vector<1000x384xf32> to vector<1000x128xf32>
    %add3A_38 = arith.addf %get3A_37, %slice3A : vector<1000x128xf32>
    %max3A_39 = arith.constant 0.000000e+00 : f32
    %max3A_40 = vector.broadcast %max3A_39 : f32 to vector<1000x128xf32>
    %max3A_41 = arith.maximumf %add3A_38, %max3A_40 : vector<1000x128xf32>
    %get3A_42 = arith.constant 0 : index
    %get3A_43 = arith.constant 0 : index
    %get3A_44 = vector.load %arg10[%get3A_42, %get3A_43] : memref<384x128xf32, #tpu.memory_space<vmem>>, vector<384x128xf32>
    %slice3A_45 = vector.extract_strided_slice %get3A_44 {offsets = [0, 0], sizes = [128, 128], strides = [1, 1]} : vector<384x128xf32> to vector<128x128xf32>
    %dot_general3A_46 = arith.constant dense<0.000000e+00> : vector<1000x128xf32>
    %dot_general3A_47 = tpu.matmul %max3A_41, %slice3A_45, %dot_general3A_46 {dimension_numbers = #tpu.dot_dimension_numbers<[1], [0], [0], [1], [0, 0, 1, 1], [], []>, transpose_lhs_hint = false} : vector<1000x128xf32>, vector<128x128xf32>, vector<1000x128xf32> -> vector<1000x128xf32>
    %add3A_48 = vector.broadcast %get3A_34 : vector<1x128xf32> to vector<1000x128xf32>
    %add3A_49 = arith.addf %add3A_48, %dot_general3A_47 : vector<1000x128xf32>
    %get3A_50 = arith.constant 0 : index
    %get3A_51 = arith.constant 0 : index
    %get3A_52 = vector.load %arg2[%get3A_50, %get3A_51] : memref<1000x128xf32, #tpu.memory_space<vmem>>, vector<1000x128xf32>
    %slice3A_53 = vector.extract_strided_slice %add3A_31 {offsets = [0, 128], sizes = [1000, 128], strides = [1, 1]} : vector<1000x384xf32> to vector<1000x128xf32>
    %add3A_54 = arith.addf %get3A_52, %slice3A_53 : vector<1000x128xf32>
    %max3A_55 = arith.constant 0.000000e+00 : f32
    %max3A_56 = vector.broadcast %max3A_55 : f32 to vector<1000x128xf32>
    %max3A_57 = arith.maximumf %add3A_54, %max3A_56 : vector<1000x128xf32>
    %get3A_58 = arith.constant 0 : index
    %get3A_59 = arith.constant 0 : index
    %get3A_60 = vector.load %arg10[%get3A_58, %get3A_59] : memref<384x128xf32, #tpu.memory_space<vmem>>, vector<384x128xf32>
    %slice3A_61 = vector.extract_strided_slice %get3A_60 {offsets = [128, 0], sizes = [128, 128], strides = [1, 1]} : vector<384x128xf32> to vector<128x128xf32>
    %dot_general3A_62 = arith.constant dense<0.000000e+00> : vector<1000x128xf32>
    %dot_general3A_63 = tpu.matmul %max3A_57, %slice3A_61, %dot_general3A_62 {dimension_numbers = #tpu.dot_dimension_numbers<[1], [0], [0], [1], [0, 0, 1, 1], [], []>, transpose_lhs_hint = false} : vector<1000x128xf32>, vector<128x128xf32>, vector<1000x128xf32> -> vector<1000x128xf32>
    %add3A_64 = arith.addf %add3A_49, %dot_general3A_63 : vector<1000x128xf32>
    %get3A_65 = arith.constant 0 : index
    %get3A_66 = arith.constant 0 : index
    %get3A_67 = vector.load %arg3[%get3A_65, %get3A_66] : memref<1000x128xf32, #tpu.memory_space<vmem>>, vector<1000x128xf32>
    %slice3A_68 = vector.extract_strided_slice %add3A_31 {offsets = [0, 256], sizes = [1000, 128], strides = [1, 1]} : vector<1000x384xf32> to vector<1000x128xf32>
    %add3A_69 = arith.addf %get3A_67, %slice3A_68 : vector<1000x128xf32>
    %max3A_70 = arith.constant 0.000000e+00 : f32
    %max3A_71 = vector.broadcast %max3A_70 : f32 to vector<1000x128xf32>
    %max3A_72 = arith.maximumf %add3A_69, %max3A_71 : vector<1000x128xf32>
    %get3A_73 = arith.constant 0 : index
    %get3A_74 = arith.constant 0 : index
    %get3A_75 = vector.load %arg10[%get3A_73, %get3A_74] : memref<384x128xf32, #tpu.memory_space<vmem>>, vector<384x128xf32>
    %slice3A_76 = vector.extract_strided_slice %get3A_75 {offsets = [256, 0], sizes = [128, 128], strides = [1, 1]} : vector<384x128xf32> to vector<128x128xf32>
    %dot_general3A_77 = arith.constant dense<0.000000e+00> : vector<1000x128xf32>
    %dot_general3A_78 = tpu.matmul %max3A_72, %slice3A_76, %dot_general3A_77 {dimension_numbers = #tpu.dot_dimension_numbers<[1], [0], [0], [1], [0, 0, 1, 1], [], []>, transpose_lhs_hint = false} : vector<1000x128xf32>, vector<128x128xf32>, vector<1000x128xf32> -> vector<1000x128xf32>
    %add3A_79 = arith.addf %add3A_64, %dot_general3A_78 : vector<1000x128xf32>
    %swap3A = arith.constant 0 : index
    %swap3A_80 = arith.constant 0 : index
    %swap3A_81 = vector.load %arg13[%swap3A, %swap3A_80] : memref<1000x128xf32, #tpu.memory_space<vmem>>, vector<1000x128xf32>
    tpu.vector_store %arg13[%swap3A, %swap3A_80], %add3A_79 {strides = array<i32>} : memref<1000x128xf32, #tpu.memory_space<vmem>>, vector<1000x128xf32>,
    %get3A_82 = arith.constant 0 : index
    %get3A_83 = arith.constant 0 : index
    %get3A_84 = vector.load %arg12[%get3A_82, %get3A_83] : memref<1000x128xf32, #tpu.memory_space<vmem>>, vector<1000x128xf32>
    %mul3A_85 = arith.constant 5.000000e-01 : f32
    %mul3A_86 = vector.broadcast %mul3A_85 : f32 to vector<1000x128xf32>
    %mul3A_87 = arith.mulf %mul3A_86, %get3A_84 : vector<1000x128xf32>
    %mul3A_88 = arith.constant 5.000000e-01 : f32
    %mul3A_89 = vector.broadcast %mul3A_88 : f32 to vector<1000x128xf32>
    %mul3A_90 = arith.mulf %mul3A_89, %add3A_79 : vector<1000x128xf32>
    %add3A_91 = arith.addf %mul3A_87, %mul3A_90 : vector<1000x128xf32>
    %swap3A_92 = arith.constant 0 : index
    %swap3A_93 = arith.constant 0 : index
    %swap3A_94 = vector.load %arg14[%swap3A_92, %swap3A_93] : memref<1000x128xf32, #tpu.memory_space<vmem>>, vector<1000x128xf32>
    tpu.vector_store %arg14[%swap3A_92, %swap3A_93], %add3A_91 {strides = array<i32>} : memref<1000x128xf32, #tpu.memory_space<vmem>>, vector<1000x128xf32>,
    return
  }
  func.func @transform_0(%arg0: i32) -> (i32, i32) {
    %c0_i32 = arith.constant 0 : i32
    %c0_i32_0 = arith.constant 0 : i32
    return %arg0, %c0_i32 : i32, i32
  }
  func.func @transform_1(%arg0: i32) -> (i32, i32) {
    %c0_i32 = arith.constant 0 : i32
    %c0_i32_0 = arith.constant 0 : i32
    return %arg0, %c0_i32 : i32, i32
  }
  func.func @transform_2(%arg0: i32) -> (i32, i32) {
    %c0_i32 = arith.constant 0 : i32
    %c0_i32_0 = arith.constant 0 : i32
    return %arg0, %c0_i32 : i32, i32
  }
  func.func @transform_3(%arg0: i32) -> (i32, i32) {
    %c0_i32 = arith.constant 0 : i32
    %c0_i32_0 = arith.constant 0 : i32
    return %arg0, %c0_i32 : i32, i32
  }
  func.func @transform_4(%arg0: i32) -> (i32, i32) {
    %c0_i32 = arith.constant 0 : i32
    %c0_i32_0 = arith.constant 0 : i32
    %c0_i32_1 = arith.constant 0 : i32
    return %c0_i32, %c0_i32_0 : i32, i32
  }
  func.func @transform_5(%arg0: i32) -> (i32, i32) {
    %c0_i32 = arith.constant 0 : i32
    %c0_i32_0 = arith.constant 0 : i32
    %c0_i32_1 = arith.constant 0 : i32
    return %c0_i32, %c0_i32_0 : i32, i32
  }
  func.func @transform_6(%arg0: i32) -> (i32, i32) {
    %c0_i32 = arith.constant 0 : i32
    %c0_i32_0 = arith.constant 0 : i32
    %c0_i32_1 = arith.constant 0 : i32
    return %c0_i32, %c0_i32_0 : i32, i32
  }
  func.func @transform_7(%arg0: i32) -> (i32, i32) {
    %c0_i32 = arith.constant 0 : i32
    %c0_i32_0 = arith.constant 0 : i32
    %c0_i32_1 = arith.constant 0 : i32
    return %c0_i32, %c0_i32_0 : i32, i32
  }
  func.func @transform_8(%arg0: i32) -> (i32, i32) {
    %c0_i32 = arith.constant 0 : i32
    %c0_i32_0 = arith.constant 0 : i32
    %c0_i32_1 = arith.constant 0 : i32
    return %c0_i32, %c0_i32_0 : i32, i32
  }
  func.func @transform_9(%arg0: i32) -> (i32, i32) {
    %c0_i32 = arith.constant 0 : i32
    %c0_i32_0 = arith.constant 0 : i32
    %c0_i32_1 = arith.constant 0 : i32
    return %c0_i32, %c0_i32_0 : i32, i32
  }
  func.func @transform_10(%arg0: i32) -> (i32, i32) {
    %c0_i32 = arith.constant 0 : i32
    %c0_i32_0 = arith.constant 0 : i32
    %c0_i32_1 = arith.constant 0 : i32
    return %c0_i32, %c0_i32_0 : i32, i32
  }
  func.func @transform_11(%arg0: i32) -> (i32, i32) {
    %c0_i32 = arith.constant 0 : i32
    %c0_i32_0 = arith.constant 0 : i32
    return %arg0, %c0_i32 : i32, i32
  }
  func.func @transform_12(%arg0: i32) -> (i32, i32) {
    %c0_i32 = arith.constant 0 : i32
    %c0_i32_0 = arith.constant 0 : i32
    return %arg0, %c0_i32 : i32, i32
  }
  func.func @transform_13(%arg0: i32) -> (i32, i32) {
    %c0_i32 = arith.constant 0 : i32
    %c0_i32_0 = arith.constant 0 : i32
    return %arg0, %c0_i32 : i32, i32
  }
}

module attributes {stable_mosaic.version = 14 : i64} {
  func.func @_node_body_fin(%arg0: memref<10000x40xf32, #tpu.memory_space<vmem>>, %arg1: memref<2x10000x16xf32, #tpu.memory_space<vmem>>, %arg2: memref<16x40xf32, #tpu.memory_space<vmem>>, %arg3: memref<40x128xf32, #tpu.memory_space<vmem>>, %arg4: memref<1x128xf32, #tpu.memory_space<vmem>>, %arg5: memref<10000x128xf32, #tpu.memory_space<vmem>>, %arg6: memref<10000x128xf32, #tpu.memory_space<vmem>>) attributes {dimension_semantics = [], scalar_prefetch = 0 : i64, scratch_operands = 0 : i64, tpu.core_type = #tpu.core_type<tc>} {
    %get3A = arith.constant 0 : index
    %get3A_0 = arith.constant 0 : index
    %get3A_1 = arith.constant 0 : index
    %get3A_2 = vector.load %arg1[%get3A, %get3A_0, %get3A_1] : memref<2x10000x16xf32, #tpu.memory_space<vmem>>, vector<1x10000x16xf32>
    %get3A_3 = vector.shape_cast %get3A_2 : vector<1x10000x16xf32> to vector<10000x16xf32>
    %get3A_4 = arith.constant 1 : index
    %get3A_5 = arith.constant 0 : index
    %get3A_6 = arith.constant 0 : index
    %get3A_7 = vector.load %arg1[%get3A_4, %get3A_5, %get3A_6] : memref<2x10000x16xf32, #tpu.memory_space<vmem>>, vector<1x10000x16xf32>
    %get3A_8 = vector.shape_cast %get3A_7 : vector<1x10000x16xf32> to vector<10000x16xf32>
    %add3A = arith.addf %get3A_3, %get3A_8 : vector<10000x16xf32>
    %get3A_9 = arith.constant 0 : index
    %get3A_10 = arith.constant 0 : index
    %get3A_11 = vector.load %arg0[%get3A_9, %get3A_10] : memref<10000x40xf32, #tpu.memory_space<vmem>>, vector<10000x40xf32>
    %get3A_12 = arith.constant 0 : index
    %get3A_13 = arith.constant 0 : index
    %get3A_14 = vector.load %arg2[%get3A_12, %get3A_13] : memref<16x40xf32, #tpu.memory_space<vmem>>, vector<16x40xf32>
    %dot_general3A = arith.constant dense<0.000000e+00> : vector<10000x40xf32>
    %dot_general3A_15 = tpu.matmul %add3A, %get3A_14, %dot_general3A {dimension_numbers = #tpu.dot_dimension_numbers<[1], [0], [0], [1], [0, 0, 1, 1], [], []>, transpose_lhs_hint = false} : vector<10000x16xf32>, vector<16x40xf32>, vector<10000x40xf32> -> vector<10000x40xf32>
    %add3A_16 = arith.addf %get3A_11, %dot_general3A_15 : vector<10000x40xf32>
    %max3A = arith.constant 0.000000e+00 : f32
    %max3A_17 = vector.broadcast %max3A : f32 to vector<10000x40xf32>
    %max3A_18 = arith.maximumf %add3A_16, %max3A_17 : vector<10000x40xf32>
    %get3A_19 = arith.constant 0 : index
    %get3A_20 = arith.constant 0 : index
    %get3A_21 = vector.load %arg3[%get3A_19, %get3A_20] : memref<40x128xf32, #tpu.memory_space<vmem>>, vector<40x128xf32>
    %dot_general3A_22 = arith.constant dense<0.000000e+00> : vector<10000x128xf32>
    %dot_general3A_23 = tpu.matmul %max3A_18, %get3A_21, %dot_general3A_22 {dimension_numbers = #tpu.dot_dimension_numbers<[1], [0], [0], [1], [0, 0, 1, 1], [], []>, transpose_lhs_hint = false} : vector<10000x40xf32>, vector<40x128xf32>, vector<10000x128xf32> -> vector<10000x128xf32>
    %get3A_24 = arith.constant 0 : index
    %get3A_25 = arith.constant 0 : index
    %get3A_26 = vector.load %arg4[%get3A_24, %get3A_25] : memref<1x128xf32, #tpu.memory_space<vmem>>, vector<1x128xf32>
    %add3A_27 = vector.broadcast %get3A_26 : vector<1x128xf32> to vector<10000x128xf32>
    %add3A_28 = arith.addf %dot_general3A_23, %add3A_27 : vector<10000x128xf32>
    %get3A_29 = arith.constant 0 : index
    %get3A_30 = arith.constant 0 : index
    %get3A_31 = vector.load %arg5[%get3A_29, %get3A_30] : memref<10000x128xf32, #tpu.memory_space<vmem>>, vector<10000x128xf32>
    %mul3A = arith.constant 5.000000e-01 : f32
    %mul3A_32 = vector.broadcast %mul3A : f32 to vector<10000x128xf32>
    %mul3A_33 = arith.mulf %mul3A_32, %get3A_31 : vector<10000x128xf32>
    %mul3A_34 = arith.constant 5.000000e-01 : f32
    %mul3A_35 = vector.broadcast %mul3A_34 : f32 to vector<10000x128xf32>
    %mul3A_36 = arith.mulf %mul3A_35, %add3A_28 : vector<10000x128xf32>
    %add3A_37 = arith.addf %mul3A_33, %mul3A_36 : vector<10000x128xf32>
    %swap3A = arith.constant 0 : index
    %swap3A_38 = arith.constant 0 : index
    %swap3A_39 = vector.load %arg6[%swap3A, %swap3A_38] : memref<10000x128xf32, #tpu.memory_space<vmem>>, vector<10000x128xf32>
    tpu.vector_store %arg6[%swap3A, %swap3A_38], %add3A_37 {strides = array<i32>} : memref<10000x128xf32, #tpu.memory_space<vmem>>, vector<10000x128xf32>,
    return
  }
}

</mosaic_0001>

<sc_bundles>
// kernel: kernel.14.cloned.1.call-start
scs
__scs_entry_jumppad:
0x0: {  	(pc) =	sbr.rel $0x88, $3  }
0x1: {  	(tag) =	ssettag $0x0;
	lr =	simm.s32 $0x1  }
0x2: {  	[smem:$0x3F86] =	sst lr;
	_ =	strace $0xD0000000  }
0x3: {  	_ = 	snop  }
0x4: {  	_ = 	snop  }
0x5: {  	_ = 	snop  }
0x6: {  	_ = 	snop  }
0x7: {  	_ = 	snop  }
__scs_overlays_trampoline_lowered:
0x8: {  	[smem:$0x3F95] =	sst s0  }
0x9: {  	[smem:$0x3F96] =	sst s1  }
0xa: {  	[smem:$0x3F97] =	sst s2  }
0xb: {  	[smem:$0x3F98] =	sst s3  }
0xc: {  	[smem:$0x3F99] =	sst s4  }
0xd: {  	[smem:$0x3F9A] =	sst s5  }
0xe: {  	[smem:$0x3F9B] =	sst s6  }
0xf: {  	[smem:$0x3F9C] =	sst s7  }
0x10: {  	[smem:$0x3F9D] =	sst s8  }
0x11: {  	[smem:$0x3F9E] =	sst s9;
	s0 =	simm.s32 @!p0 $0x0  }
0x12: {  	s1 =	sld [smem:$0x3F84];
	s0 =	simm.s32 @p0 $0x1  }
0x13: {  	[smem:$0x3F9F] =	sst s0;
	s0 =	simm.s32 @!p1 $0x0  }
0x14: {  	s2 =	sld [smem:$0x3F83];
	s0 =	simm.s32 @p1 $0x1  }
0x15: {  	[smem:$0x3FA0] =	sst s0;
	s0 =	simm.s32 @!p2 $0x0  }
0x16: {  	s3 =	sld [smem:$0x3FDB];
	s0 =	simm.s32 @p2 $0x1  }
0x17: {  	s4 =	simm.s32 $0x1BF5;
	[smem:$0x3FA2] =	sst s0  }
0x18: {  	s0 =	sld [smem:$0x3F85];
	_ =	swait.ge [sflag:s4], $0x0  }
0x19: {  	s7 =	sld [smem:$0x3F86]  }
0x1a: {  	s8 =	sadd.s32 $0xFFFFE003, lr  }
0x1b: {  	s9 =	sadd.s32 $0xFFFFFEF7, lr;
	s5 =	simm.s32 $0xFFFFFFFF;
	p2 =	slt.u32 s8, $0xFFFFF086  }
0x1c: {  	p1 =	slt.u32 s9, $0xF7A;
	s5 =	simm.s32 @!p2 $0x0  }
0x1d: {  	s5 =	simm.s32 @p1 $0x1;
	p0 =	seq.s32 s7, s2  }
0x1e: {  	s7 =	smul.u32 @!p0 $0xF7A, s2;
	p2 =	seq.s32 @!p0 s5, $0x0  }
0x1f: {  	s9 =	smul.u32 $0xF7A, s1;
	s8 =	simm.s32 @!p0 $0x1BF5;
	p2 =	por !p2, p0  }
0x20: {  	[sflag:s8] =	ssyncset.s32 @!p0 $0xFFFFF086;
	s6 =	sadd.s32 @!p0 s3, s7;
	s7 =	simm.s32 @!p0 $0x108  }
0x21: {  	s3 =	sadd.s32 s3, s9;
	s6 =	sadd.s32 @!p0 $0x88, s6;
	s7 =	simm.s32 @p2 $0x1082  }
0x22: {  	[simem:s7], [sflag:s8] =	dma.local @!p0 [hbm:s6], $0xF7A  }
0x23: {  	s9 =	sor.u32 $0xD0000000, s2;
	s6 =	simm.s32 $0x108;
	_ =	swait.ge @!p0 [sflag:s8], $0x0  }
0x24: {  	s3 =	sadd.s32 $0x88, s3;
	s6 =	simm.s32 @!p1 $0x1082;
	[sflag:s4] =	ssyncset.s32 $0xFFFFF086  }
0x25: {  	[simem:s6], [sflag:s4] =	dma.local [hbm:s3], $0xF7A  }
0x26: {  	[smem:$0x3F86] =	sst s1;
	(tag) =	ssettag s2;
	_ =	strace s9  }
0x27: {  	s1 =	sld [smem:$0x3F96]  }
0x28: {  	s2 =	sld [smem:$0x3F97]  }
0x29: {  	s4 =	sld [smem:$0x3F99]  }
0x2a: {  	p0 =	seq.s32 s5, $0x0;
	s5 =	sld [smem:$0x3F9A]  }
0x2b: {  	s6 =	sld [smem:$0x3F9B]  }
0x2c: {  	s7 =	sld [smem:$0x3F9C]  }
0x2d: {  	s3 =	simm.s32 $0x108;
	s8 =	sld [smem:$0x3F9D]  }
0x2e: {  	s3 =	simm.s32 @!p0 $0x1082;
	s9 =	sld [smem:$0x3F9E]  }
0x2f: {  	lr =	sadd.s32 s0, s3;
	s0 =	sld [smem:$0x3F95]  }
0x30: {  	s3 =	sld [smem:$0x3F98]  }
0x31: {  	[smem:$0x3FA1] =	sst s10  }
0x32: {  	s10 =	sld [smem:$0x3F9F];
	_ =	sdelay $0x3  }
0x33: {  	p0 =	seq.s32 s10, $0x1;
	s10 =	sld [smem:$0x3FA1];
	_ =	sdelay $0x3  }
0x34: {  	[smem:$0x3FA1] =	sst s10  }
0x35: {  	s10 =	sld [smem:$0x3FA0];
	_ =	sdelay $0x3  }
0x36: {  	p1 =	seq.s32 s10, $0x1;
	s10 =	sld [smem:$0x3FA1];
	_ =	sdelay $0x3  }
0x37: {  	[smem:$0x3FA1] =	sst s10  }
0x38: {  	s10 =	sld [smem:$0x3FA2]  }
0x39: {  	_ = 	snop;
	(pc) =	sbr.ind lr, $3  }
0x3a: {  	_ = 	snop  }
0x3b: {  	_ = 	snop  }
0x3c: {  	p2 =	seq.s32 s10, $0x1;
	s10 =	sld [smem:$0x3FA1]  }
0x3d: {  	_ =	shalt  }
0x3e: {  	_ =	shalt  }
0x3f: {  	_ =	shalt  }
0x40: {  	_ =	shalt  }
0x41: {  	_ =	shalt  }
0x42: {  	_ =	shalt  }
0x43: {  	_ =	shalt  }
0x44: {  	_ =	shalt  }
0x45: {  	_ =	shalt  }
0x46: {  	_ =	shalt  }
0x47: {  	_ =	shalt  }
0x48: {  	_ =	shalt  }
0x49: {  	_ =	shalt  }
0x4a: {  	_ =	shalt  }
0x4b: {  	_ =	shalt  }
0x4c: {  	_ =	shalt  }
0x4d: {  	_ =	shalt  }
0x4e: {  	_ =	shalt  }
0x4f: {  	_ =	shalt  }
0x50: {  	_ =	shalt  }
0x51: {  	_ =	shalt  }
0x52: {  	_ =	shalt  }
0x53: {  	_ =	shalt  }
0x54: {  	_ =	shalt  }
0x55: {  	_ =	shalt  }
0x56: {  	_ =	shalt  }
0x57: {  	_ =	shalt  }
0x58: {  	_ =	shalt  }
0x59: {  	_ =	shalt  }
0x5a: {  	_ =	shalt  }
0x5b: {  	_ =	shalt  }
0x5c: {  	_ =	shalt  }
0x5d: {  	_ =	shalt  }
0x5e: {  	_ =	shalt  }
0x5f: {  	_ =	shalt  }
0x60: {  	_ =	shalt  }
0x61: {  	_ =	shalt  }
0x62: {  	_ =	shalt  }
0x63: {  	_ =	shalt  }
0x64: {  	_ =	shalt  }
0x65: {  	_ =	shalt  }
0x66: {  	_ =	shalt  }
0x67: {  	_ =	shalt  }
0x68: {  	_ =	shalt  }
0x69: {  	_ =	shalt  }
0x6a: {  	_ =	shalt  }
0x6b: {  	_ =	shalt  }
0x6c: {  	_ =	shalt  }
0x6d: {  	_ =	shalt  }
0x6e: {  	_ =	shalt  }
0x6f: {  	_ =	shalt  }
0x70: {  	_ =	shalt  }
0x71: {  	_ =	shalt  }
0x72: {  	_ =	shalt  }
0x73: {  	_ =	shalt  }
0x74: {  	_ =	shalt  }
0x75: {  	_ =	shalt  }
0x76: {  	_ =	shalt  }
0x77: {  	_ =	shalt  }
0x78: {  	_ =	shalt  }
0x79: {  	_ =	shalt  }
0x7a: {  	_ =	shalt  }
0x7b: {  	_ =	shalt  }
0x7c: {  	_ =	shalt  }
0x7d: {  	_ =	shalt  }
0x7e: {  	_ =	shalt  }
0x7f: {  	_ =	shalt  }
0x80: {  	_ =	shalt  }
0x81: {  	_ =	shalt  }
0x82: {  	_ =	shalt  }
0x83: {  	_ =	shalt  }
0x84: {  	_ =	shalt  }
0x85: {  	_ =	shalt  }
0x86: {  	_ =	shalt  }
0x87: {  	_ =	shalt  }
.Lfunc_end0:
.L_simem_size_0:
called_computation_lowered:
.L_overlay_start_0:
0x88: {  	s2 =	sld [smem:$0x3FD9]  }
0x89: {  	s3 =	sld [smem:$0x3FFE];
	_ =	sdelay $0x1  }
0x8a: {  	s1 =	srdreg.scid  }
0x8b: {  	s0 =	sand.u32 $0x1, s1  }
0x8c: {  	s16 =	sshll.u32 s0, $0xA;
	s2 =	sadd.s32 s3, s2  }
0x8d: {  	s2 =	sadd.s32 s2, s16  }
0x8e: {  	[smem:$0x3FAD] =	sst s2  }
0x8f: {  	_ = 	snop  }
0x90: {  	(tm) =	ssettm $0x1  }
0x91: {  	s17 =	sld [smem:$0x3FFB];
	_ =	sdelay $0x3  }
0x92: {  	_ =	strace s17  }
0x93: {  	s2 =	sld [smem:$0x3FFC];
	_ =	sdelay $0x3  }
0x94: {  	_ =	strace s2  }
0x95: {  	s2 =	sld [smem:$0x3FFD];
	_ =	sdelay $0x3  }
0x96: {  	_ =	strace s2  }
0x97: {  	_ =	strace $0x8FFFFFFF  }
0x98: {  	s18 =	sld [smem:$0x3FDB];
	_ =	sdelay $0x1  }
0x99: {  	s19 =	simm.s32 $_scs_section_size  }
0x9a: {  	s4 =	simm.s32 $_size__tile_overlayer_lowered;
	s5 =	simm.s32 $_tile_overlayer_lowered  }
0x9b: {  	s22 =	simm.s32 $0x1BFF;
	s21 =	sshll.u32 s5, $0x1;
	s2 =	sadd.s32 s19, s18  }
0x9c: {  	s6 =	simm.s32 $0x0;
	s20 =	sshll.u32 s4, $0x1;
	s4 =	sadd.s32 s21, s2  }
0x9d: {  	[timem:s6], [sflag:s22] =	dma.local [hbm:s4], s20  }
0x9e: {  	_ =	swait.ge [sflag:s22], s20  }
0x9f: {  	s3 =	ssub.s32 $0x0, s20;
	[sflag:s22] =	ssyncset.done $0x0  }
0xa0: {  	[sflag:s22] =	ssyncadd.s32 s3;
	_ =	sdelay $0x1  }
0xa1: {  	s23 =	simm.s32 $0x1B8B  }
0xa2: {  	_ =	swait.ge [sflag:s23], $0x1  }
0xa3: {  	[sflag:s23] =	ssyncset.done $0x0  }
0xa4: {  	s25 =	simm.s32 $0x1B8E;
	s24 =	sld [smem:$0x3FFE];
	[sflag:s23] =	ssyncadd.s32 $0xFFFFFFFF  }
0xa5: {  	s26 =	simm.s32 $execute0_lowered;
	[smem:$0x3FD2] =	sst s25  }
0xa6: {  	s4 =	sshll.u32 s26, $0x1;
	_ =	strace $0x80000046;
	[dreg:$0x1] =	wrdreg $0xFFFFFFFF  }
0xa7: {  	s28 =	simm.s32 $_size_execute0_lowered;
	s2 =	sadd.s32 s2, s4;
	[dreg:$0x0] =	wrdreg $0x0  }
0xa8: {  	s4 =	sshll.u32 s28, $0x1;
	[dreg:$0x2] =	wrdreg s2  }
0xa9: {  	[dreg:$0x3] =	wrdreg s4  }
0xaa: {  	[dreg:$0x4] =	wrdreg $0xC0  }
0xab: {  	_ =	task [dreg:s6], $0x5FFFF  }
0xac: {  	[dreg:$0x1] =	wrdreg $0xFFFFFFFF  }
0xad: {  	[dreg:$0x0] =	wrdreg $0x60  }
0xae: {  	[dreg:$0x2] =	wrdreg s24  }
0xaf: {  	[dreg:$0x3] =	wrdreg $0x9  }
0xb0: {  	_ =	task.clear_ibuf [dreg:s6], $0x4FFFF;
	_ =	strace $0x90000046  }
0xb1: {  	s29 =	simm.s32 $0x9;
	_ =	strace $0x80000048  }
0xb2: {  	_ =	swait.ge [sflag:s29], $0x1  }
0xb3: {  	[sflag:s29] =	ssyncadd.s32 $0xFFFFFFFF  }
0xb4: {  	_ =	strace $0x90000048  }
0xb5: {  	_ =	sfence  }
0xb6: {  	s30 =	sld [smem:$0x0];
	_ =	sdelay $0x2  }
0xb7: {  	s31 =	sshll.u32 s1, $0xD;
	s1 =	sshrl.u32 s1, $0x2  }
0xb8: {  	s3 =	sand.u32 $0x4000, s31;
	s1 =	sadd.s32 s1, s30  }
0xb9: {  	s0 =	sor.u32 s3, s0;
	s1 =	sshll.u32 s1, $0x11  }
0xba: {  	s0 =	sor.u32 s1, s0  }
0xbb: {  	s0 =	sadd.s32 $0x8F2B, s0  }
0xbc: {  	[sflag:s0] =	ssyncadd.remote.s32 $0x1  }
0xbd: {  	_ =	sfence.sel $0xFFFF  }
0xbe: {  	[dreg:$0x0] =	wrdreg $0xFFFFFFFF;
	(pc) =	sbr.abs _section_cstart, $3  }
0xbf: {  	[dreg:$0x1] =	wrdreg $0xFFFFFFFF  }
0xc0: {  	_ =	task.clear_ibuf [dreg:s6], $0x2FFFF;
	_ =	strace $0x9FFFFFFF  }
0xc1: {  	(tm) =	ssettm $0x7FFFFFFF  }
tec
execute0_lowered:
.L_overlay_start_1:
0x0: {  	(tag) =	ssettag $0x1  }
0x1: {  	s0 =	srdreg.scid  }
0x2: {  	s2 =	stileid.u32;
	s1 =	rddreg [dreg:$0x0]  }
0x3: {  	s15 =	simm.s32 $0xC8;
	s18 =	simm.s32 $0x8020;
	s20 =	simm.s32 $0xE420  }
0x4: {  	s21 =	simm.s32 $0x1;
	s22 =	simm.s32 $0x11620;
	s23 =	simm.s32 $0x122A0  }
0x5: {  	s28 =	simm.s32 $0x14820;
	s29 =	simm.s32 $0x154A0;
	s30 =	simm.s32 $0x3  }
0x6: {  	s31 =	simm.s32 $0x4;
	s0 =	sand.u32 $0x1, s0;
	s3 =	sshll.u32 s2, $0x1  }
0x7: {  	s2 =	simm.s32 $0x0;
	s4 =	sadd.s32 $0x1FA00, s1;
	s5 =	sadd.s32 $0x46C00, s1  }
0x8: {  	s7 =	sadd.s32 $0x10A200, s1;
	s3 =	sor.u32 s0, s3;
	s0 =	ssub.s32 $0x2, s0  }
0x9: {  	[smem:$0x7FF] =	sst s2;
	s3 =	smul.u32 $0x2710, s3;
	s24 =	sshrl.u32 s0, $0x1  }
0xa: {  	s8 =	sadd.s32 $0x1A6600, s1;
	_ =	strace $0x80000047;
	s0 =	ssub.s32 s0, s24  }
.Ltmp0:
0xb: {  	s24 =	simm.s32 $0x12F20;
	s6 =	sshrl.u32 s3, $0x3;
	(pc) =	sbr.rel .LBB2_1-.Ltmp0, $4  }
0xc: {  	s11 =	sadd.s32 $0xC8, s3;
	s0 =	smax.u32 s0, $0x1;
	s9 =	sadd.s32 s6, s1  }
0xd: {  	s6 =	sadd.s32 $0x6DE00, s1;
	[dreg:$0x4] =	wrdreg s0;
	s25 =	sadd.s32 $0x15C00, s9  }
0xe: {  	s1 =	simm.s32 $0x0;
	s26 =	sadd.s32 $0xBE00, s9;
	[dreg:$0x2] =	wrdreg s25  }
0xf: {  	[dreg:$0x3] =	wrdreg s26;
	s25 =	simm.s32 $0x2;
	s26 =	simm.s32 $0x13BA0  }
.LBB2_8:
0x10: {  	_ =	swait.ge [sflag:s30], $0xC80  }
0x11: {  	[sflag:s30] =	ssyncset.done $0x0  }
0x12: {  	[sflag:s30] =	ssyncadd.s32 $0xFFFFF380  }
0x13: {  	_ =	swait.ge [sflag:s30], $0xC80  }
0x14: {  	[sflag:s30] =	ssyncset.done $0x0  }
0x15: {  	[sflag:s30] =	ssyncadd.s32 $0xFFFFF380  }
0x16: {  	_ =	swait.ge [sflag:s30], $0xC80  }
0x17: {  	[sflag:s30] =	ssyncset.done $0x0  }
0x18: {  	[sflag:s30] =	ssyncadd.s32 $0xFFFFF380  }
0x19: {  	_ =	swait.ge [sflag:s31], $0xC80  }
0x1a: {  	[sflag:s31] =	ssyncset.done $0x0  }
0x1b: {  	[sflag:s31] =	ssyncadd.s32 $0xFFFFF380  }
0x1c: {  	_ =	swait.ge [sflag:s31], $0xC80  }
0x1d: {  	[sflag:s31] =	ssyncset.done $0x0  }
0x1e: {  	[sflag:s31] =	ssyncadd.s32 $0xFFFFF380  }
0x1f: {  	_ =	swait.ge [sflag:s31], $0xC80  }
0x20: {  	s1 =	sadd.s32 $0x1, s1;
	s0 =	rddreg [dreg:$0x4]  }
0x21: {  	p0 =	sne.s32 s1, s0  }
.Ltmp1:
0x22: {  	_ = 	snop;
	(pc) =	sbr.rel @!p0 .LBB2_9-.Ltmp1, $3  }
0x23: {  	_ =	sdelay $0x1  }
0x24: {  	[sflag:s31] =	ssyncset.done $0x0  }
0x25: {  	[sflag:s31] =	ssyncadd.s32 $0xFFFFF380  }
.LBB2_1:
0x26: {  	s0 =	rddreg [dreg:$0x2];
	s9 =	simm.s32 $0x5  }
0x27: {  	[tilespmem:s2], [sflag:$0x5] =	stream.linear.gather [hbm4b:s0+s2], $0x2710, $0x38;
	[tilespmem:$0x16120] =	vst v63  }
0x28: {  	_ =	swait.ge [sflag:s9], $0x2710  }
0x29: {  	[sflag:s9] =	ssyncset.done $0x0  }
0x2a: {  	s10 =	simm.s32 $0x2710;
	s14 =	rddreg [dreg:$0x3];
	[sflag:s9] =	ssyncadd.s32 $0xFFFFD8F0  }
0x2b: {  	[tilespmem:s10], [sflag:$0x5] =	stream.linear.gather [hbm4b:s14+s2], $0x2710, $0x38;
	[tilespmem:$0x16120] =	vst v63  }
0x2c: {  	_ =	swait.ge [sflag:s9], $0x2710  }
0x2d: {  	[sflag:s9] =	ssyncset.done $0x0  }
0x2e: {  	s16 =	simm.s32 $0x4E20;
	[sflag:s9] =	ssyncadd.s32 $0xFFFFD8F0  }
0x2f: {  	[tilespmem:s16], [sflag:$0x1] =	stream.indirect.gather [hbm4b:s4+s15], $0x40, s2, s15, $0xb8;
	[tilespmem:$0x16120] =	vst v63  }
0x30: {  	s17 =	simm.s32 $0xB220  }
0x31: {  	[tilespmem:s17], [sflag:$0x1] =	stream.indirect.gather [hbm4b:s5+s15], $0x40, s10, s15, $0xb8;
	[tilespmem:$0x16120] =	vst v63  }
0x32: {  	_ = 	snop  }
0x33: {  	[tilespmem:s18], [sflag:$0x2] =	stream.indirect.gather [hbm4b:s4+s15], $0x40, s15, s15, $0xb8;
	[tilespmem:$0x16120] =	vst v63  }
0x34: {  	s19 =	simm.s32 $0x27D8;
	s0 =	simm.s32 $0x0  }
0x35: {  	[tilespmem:s20], [sflag:$0x2] =	stream.indirect.gather [hbm4b:s5+s15], $0x40, s19, s15, $0xb8;
	[tilespmem:$0x16120] =	vst v63  }
.LBB2_2:
0x36: {  	_ =	swait.ge [sflag:s21], $0x3200  }
0x37: {  	[sflag:s21] =	ssyncset.done $0x0  }
0x38: {  	[sflag:s21] =	ssyncadd.s32 $0xFFFFCE00  }
0x39: {  	_ =	swait.ge [sflag:s21], $0x3200  }
0x3a: {  	[sflag:s21] =	ssyncset.done $0x0  }
0x3b: {  	s16 =	simm.s32 $0x4F20;
	[sflag:s21] =	ssyncadd.s32 $0xFFFFCE00  }
0x3c: {  	s17 =	simm.s32 $0xB320;
	v0 =	vld [tilespmem:s16+$0xFFFFFF00]  }
0x3d: {  	v1 =	vld [tilespmem:s17+$0xFFFFFF00];
	_ =	sdelay $0x4  }
0x3e: {  	v0 =	vadd.f32 v1, v0  }
0x3f: {  	s19 =	simm.s32 $0x0  }
0x40: {  	[tilespmem:s19+$0x11620] =	vst v0  }
0x41: {  	v0 =	vld [tilespmem:s16+$0xFFFFFF10]  }
0x42: {  	v1 =	vld [tilespmem:s17+$0xFFFFFF10];
	_ =	sdelay $0x4  }
0x43: {  	v0 =	vadd.f32 v1, v0;
	_ =	sdelay $0x1  }
0x44: {  	[tilespmem:s19+$0x11630] =	vst v0  }
0x45: {  	v0 =	vld [tilespmem:s16+$0xFFFFFF20]  }
0x46: {  	v1 =	vld [tilespmem:s17+$0xFFFFFF20];
	_ =	sdelay $0x4  }
0x47: {  	v0 =	vadd.f32 v1, v0;
	_ =	sdelay $0x1  }
0x48: {  	[tilespmem:s19+$0x11640] =	vst v0  }
0x49: {  	v0 =	vld [tilespmem:s16+$0xFFFFFF40]  }
0x4a: {  	v1 =	vld [tilespmem:s17+$0xFFFFFF40];
	_ =	sdelay $0x4  }
0x4b: {  	v0 =	vadd.f32 v1, v0;
	_ =	sdelay $0x1  }
0x4c: {  	[tilespmem:s19+$0x11650] =	vst v0  }
0x4d: {  	v0 =	vld [tilespmem:s16+$0xFFFFFF50]  }
0x4e: {  	v1 =	vld [tilespmem:s17+$0xFFFFFF50];
	_ =	sdelay $0x4  }
0x4f: {  	v0 =	vadd.f32 v1, v0;
	_ =	sdelay $0x1  }
0x50: {  	[tilespmem:s19+$0x11660] =	vst v0  }
0x51: {  	v0 =	vld [tilespmem:s16+$0xFFFFFF60]  }
0x52: {  	v1 =	vld [tilespmem:s17+$0xFFFFFF60];
	_ =	sdelay $0x4  }
0x53: {  	v0 =	vadd.f32 v1, v0;
	_ =	sdelay $0x1  }
0x54: {  	[tilespmem:s19+$0x11670] =	vst v0  }
0x55: {  	v0 =	vld [tilespmem:s16+$0xFFFFFF80]  }
0x56: {  	v1 =	vld [tilespmem:s17+$0xFFFFFF80];
	_ =	sdelay $0x4  }
0x57: {  	v0 =	vadd.f32 v1, v0;
	_ =	sdelay $0x1  }
0x58: {  	[tilespmem:s19+$0x11680] =	vst v0  }
0x59: {  	v0 =	vld [tilespmem:s16+$0xFFFFFF90]  }
0x5a: {  	v1 =	vld [tilespmem:s17+$0xFFFFFF90];
	_ =	sdelay $0x4  }
0x5b: {  	v0 =	vadd.f32 v1, v0;
	_ =	sdelay $0x1  }
0x5c: {  	[tilespmem:s19+$0x11690] =	vst v0  }
0x5d: {  	v0 =	vld [tilespmem:s16+$0xFFFFFFA0]  }
0x5e: {  	v1 =	vld [tilespmem:s17+$0xFFFFFFA0];
	_ =	sdelay $0x4  }
0x5f: {  	v0 =	vadd.f32 v1, v0;
	_ =	sdelay $0x1  }
0x60: {  	[tilespmem:s19+$0x122A0] =	vst v0  }
0x61: {  	v0 =	vld [tilespmem:s16+$0xFFFFFFC0]  }
0x62: {  	v1 =	vld [tilespmem:s17+$0xFFFFFFC0];
	_ =	sdelay $0x4  }
0x63: {  	v0 =	vadd.f32 v1, v0;
	_ =	sdelay $0x1  }
0x64: {  	[tilespmem:s19+$0x122B0] =	vst v0  }
0x65: {  	v0 =	vld [tilespmem:s16+$0xFFFFFFD0]  }
0x66: {  	v1 =	vld [tilespmem:s17+$0xFFFFFFD0];
	_ =	sdelay $0x4  }
0x67: {  	v0 =	vadd.f32 v1, v0;
	_ =	sdelay $0x1  }
0x68: {  	[tilespmem:s19+$0x122C0] =	vst v0  }
0x69: {  	v0 =	vld [tilespmem:s16+$0xFFFFFFE0]  }
0x6a: {  	v1 =	vld [tilespmem:s17+$0xFFFFFFE0];
	_ =	sdelay $0x4  }
0x6b: {  	v0 =	vadd.f32 v1, v0;
	_ =	sdelay $0x1  }
0x6c: {  	[tilespmem:s19+$0x122D0] =	vst v0  }
0x6d: {  	v0 =	vld [tilespmem:s16+$0x0]  }
0x6e: {  	v1 =	vld [tilespmem:s17+$0x0];
	_ =	sdelay $0x4  }
0x6f: {  	v0 =	vadd.f32 v1, v0;
	_ =	sdelay $0x1  }
0x70: {  	[tilespmem:s19+$0x122E0] =	vst v0  }
0x71: {  	v0 =	vld [tilespmem:s16+$0x10]  }
0x72: {  	v1 =	vld [tilespmem:s17+$0x10];
	_ =	sdelay $0x4  }
0x73: {  	v0 =	vadd.f32 v1, v0;
	_ =	sdelay $0x1  }
0x74: {  	[tilespmem:s19+$0x122F0] =	vst v0  }
0x75: {  	v0 =	vld [tilespmem:s16+$0x20]  }
0x76: {  	v1 =	vld [tilespmem:s17+$0x20];
	_ =	sdelay $0x4  }
0x77: {  	v0 =	vadd.f32 v1, v0;
	_ =	sdelay $0x1  }
0x78: {  	[tilespmem:s19+$0x12300] =	vst v0  }
0x79: {  	v0 =	vld [tilespmem:s16+$0x40]  }
0x7a: {  	v1 =	vld [tilespmem:s17+$0x40];
	_ =	sdelay $0x4  }
0x7b: {  	v0 =	vadd.f32 v1, v0;
	_ =	sdelay $0x1  }
0x7c: {  	[tilespmem:s19+$0x12310] =	vst v0  }
0x7d: {  	v0 =	vld [tilespmem:s16+$0x50]  }
0x7e: {  	v1 =	vld [tilespmem:s17+$0x50];
	_ =	sdelay $0x4  }
0x7f: {  	v0 =	vadd.f32 v1, v0;
	_ =	sdelay $0x1  }
0x80: {  	[tilespmem:s19+$0x12F20] =	vst v0  }
0x81: {  	v0 =	vld [tilespmem:s16+$0x60]  }
0x82: {  	v1 =	vld [tilespmem:s17+$0x60];
	_ =	sdelay $0x4  }
0x83: {  	v0 =	vadd.f32 v1, v0;
	_ =	sdelay $0x1  }
0x84: {  	[tilespmem:s19+$0x12F30] =	vst v0  }
0x85: {  	v0 =	vld [tilespmem:s16+$0x80]  }
0x86: {  	v1 =	vld [tilespmem:s17+$0x80];
	_ =	sdelay $0x4  }
0x87: {  	v0 =	vadd.f32 v1, v0;
	_ =	sdelay $0x1  }
0x88: {  	[tilespmem:s19+$0x12F40] =	vst v0  }
0x89: {  	v0 =	vld [tilespmem:s16+$0x90]  }
0x8a: {  	v1 =	vld [tilespmem:s17+$0x90];
	_ =	sdelay $0x4  }
0x8b: {  	v0 =	vadd.f32 v1, v0;
	_ =	sdelay $0x1  }
0x8c: {  	[tilespmem:s19+$0x12F50] =	vst v0  }
0x8d: {  	v0 =	vld [tilespmem:s16+$0xA0]  }
0x8e: {  	v1 =	vld [tilespmem:s17+$0xA0];
	_ =	sdelay $0x4  }
0x8f: {  	v0 =	vadd.f32 v1, v0;
	_ =	sdelay $0x1  }
0x90: {  	[tilespmem:s19+$0x12F60] =	vst v0  }
0x91: {  	v0 =	vld [tilespmem:s16+$0xC0]  }
0x92: {  	s10 =	simm.s32 $0x200;
	s14 =	simm.s32 $0x4F20;
	s9 =	simm.s32 $0xB320;
	v1 =	vld [tilespmem:s17+$0xC0]  }
.LBB2_3:
0x93: {  	_ = 	snop  }
0x94: {  	p0 =	sne.s32 s10, $0x3000;
	s16 =	sadd.s32 $0x200, s16;
	s17 =	sadd.s32 $0x200, s17  }
0x95: {  	s12 =	smov.u32 s10;
	s10 =	sadd.s32 $0x200, s10;
	_ =	sdelay $0x1  }
0x96: {  	v0 =	vadd.f32 v1, v0;
	_ =	sdelay $0x1  }
0x97: {  	[tilespmem:s19+$0x12F70] =	vst v0  }
0x98: {  	v0 =	vld [tilespmem:s14+$0xD0]  }
0x99: {  	v1 =	vld [tilespmem:s9+$0xD0];
	_ =	sdelay $0x4  }
0x9a: {  	v0 =	vadd.f32 v1, v0;
	_ =	sdelay $0x1  }
0x9b: {  	[tilespmem:s19+$0x12F80] =	vst v0  }
0x9c: {  	v0 =	vld [tilespmem:s14+$0xE0];
	s14 =	smov.u32 s16  }
0x9d: {  	v1 =	vld [tilespmem:s9+$0xE0];
	s9 =	smov.u32 s17;
	_ =	sdelay $0x4  }
0x9e: {  	v0 =	vadd.f32 v1, v0;
	_ =	sdelay $0x1  }
0x9f: {  	[tilespmem:s19+$0x12F90] =	vst v0  }
0xa0: {  	v0 =	vld [tilespmem:s16+$0xFFFFFF00]  }
0xa1: {  	v1 =	vld [tilespmem:s17+$0xFFFFFF00];
	_ =	sdelay $0x4  }
0xa2: {  	v0 =	vadd.f32 v1, v0  }
0xa3: {  	s19 =	sshra.s32 s12, $0x2  }
0xa4: {  	[tilespmem:s19+$0x11620] =	vst v0  }
0xa5: {  	v0 =	vld [tilespmem:s16+$0xFFFFFF10]  }
0xa6: {  	v1 =	vld [tilespmem:s17+$0xFFFFFF10];
	_ =	sdelay $0x4  }
0xa7: {  	v0 =	vadd.f32 v1, v0;
	_ =	sdelay $0x1  }
0xa8: {  	[tilespmem:s19+$0x11630] =	vst v0  }
0xa9: {  	v0 =	vld [tilespmem:s16+$0xFFFFFF20]  }
0xaa: {  	v1 =	vld [tilespmem:s17+$0xFFFFFF20];
	_ =	sdelay $0x4  }
0xab: {  	v0 =	vadd.f32 v1, v0;
	_ =	sdelay $0x1  }
0xac: {  	[tilespmem:s19+$0x11640] =	vst v0  }
0xad: {  	v0 =	vld [tilespmem:s16+$0xFFFFFF40]  }
0xae: {  	v1 =	vld [tilespmem:s17+$0xFFFFFF40];
	_ =	sdelay $0x4  }
0xaf: {  	v0 =	vadd.f32 v1, v0;
	_ =	sdelay $0x1  }
0xb0: {  	[tilespmem:s19+$0x11650] =	vst v0  }
0xb1: {  	v0 =	vld [tilespmem:s16+$0xFFFFFF50]  }
0xb2: {  	v1 =	vld [tilespmem:s17+$0xFFFFFF50];
	_ =	sdelay $0x4  }
0xb3: {  	v0 =	vadd.f32 v1, v0;
	_ =	sdelay $0x1  }
0xb4: {  	[tilespmem:s19+$0x11660] =	vst v0  }
0xb5: {  	v0 =	vld [tilespmem:s16+$0xFFFFFF60]  }
0xb6: {  	v1 =	vld [tilespmem:s17+$0xFFFFFF60];
	_ =	sdelay $0x4  }
0xb7: {  	v0 =	vadd.f32 v1, v0;
	_ =	sdelay $0x1  }
0xb8: {  	[tilespmem:s19+$0x11670] =	vst v0  }
0xb9: {  	v0 =	vld [tilespmem:s16+$0xFFFFFF80]  }
0xba: {  	v1 =	vld [tilespmem:s17+$0xFFFFFF80];
	_ =	sdelay $0x4  }
0xbb: {  	v0 =	vadd.f32 v1, v0;
	_ =	sdelay $0x1  }
0xbc: {  	[tilespmem:s19+$0x11680] =	vst v0  }
0xbd: {  	v0 =	vld [tilespmem:s16+$0xFFFFFF90]  }
0xbe: {  	v1 =	vld [tilespmem:s17+$0xFFFFFF90];
	_ =	sdelay $0x4  }
0xbf: {  	v0 =	vadd.f32 v1, v0;
	_ =	sdelay $0x1  }
0xc0: {  	[tilespmem:s19+$0x11690] =	vst v0  }
0xc1: {  	v0 =	vld [tilespmem:s16+$0xFFFFFFA0]  }
0xc2: {  	v1 =	vld [tilespmem:s17+$0xFFFFFFA0];
	_ =	sdelay $0x4  }
0xc3: {  	v0 =	vadd.f32 v1, v0;
	_ =	sdelay $0x1  }
0xc4: {  	[tilespmem:s19+$0x122A0] =	vst v0  }
0xc5: {  	v0 =	vld [tilespmem:s16+$0xFFFFFFC0]  }
0xc6: {  	v1 =	vld [tilespmem:s17+$0xFFFFFFC0];
	_ =	sdelay $0x4  }
0xc7: {  	v0 =	vadd.f32 v1, v0;
	_ =	sdelay $0x1  }
0xc8: {  	[tilespmem:s19+$0x122B0] =	vst v0  }
0xc9: {  	v0 =	vld [tilespmem:s16+$0xFFFFFFD0]  }
0xca: {  	v1 =	vld [tilespmem:s17+$0xFFFFFFD0];
	_ =	sdelay $0x4  }
0xcb: {  	v0 =	vadd.f32 v1, v0;
	_ =	sdelay $0x1  }
0xcc: {  	[tilespmem:s19+$0x122C0] =	vst v0  }
0xcd: {  	v0 =	vld [tilespmem:s16+$0xFFFFFFE0]  }
0xce: {  	v1 =	vld [tilespmem:s17+$0xFFFFFFE0];
	_ =	sdelay $0x4  }
0xcf: {  	v0 =	vadd.f32 v1, v0;
	_ =	sdelay $0x1  }
0xd0: {  	[tilespmem:s19+$0x122D0] =	vst v0  }
0xd1: {  	v0 =	vld [tilespmem:s16+$0x0]  }
0xd2: {  	v1 =	vld [tilespmem:s17+$0x0];
	_ =	sdelay $0x4  }
0xd3: {  	v0 =	vadd.f32 v1, v0;
	_ =	sdelay $0x1  }
0xd4: {  	[tilespmem:s19+$0x122E0] =	vst v0  }
0xd5: {  	v0 =	vld [tilespmem:s16+$0x10]  }
0xd6: {  	v1 =	vld [tilespmem:s17+$0x10];
	_ =	sdelay $0x4  }
0xd7: {  	v0 =	vadd.f32 v1, v0;
	_ =	sdelay $0x1  }
0xd8: {  	[tilespmem:s19+$0x122F0] =	vst v0  }
0xd9: {  	v0 =	vld [tilespmem:s16+$0x20]  }
0xda: {  	v1 =	vld [tilespmem:s17+$0x20];
	_ =	sdelay $0x4  }
0xdb: {  	v0 =	vadd.f32 v1, v0;
	_ =	sdelay $0x1  }
0xdc: {  	[tilespmem:s19+$0x12300] =	vst v0  }
0xdd: {  	v0 =	vld [tilespmem:s16+$0x40]  }
0xde: {  	v1 =	vld [tilespmem:s17+$0x40];
	_ =	sdelay $0x4  }
0xdf: {  	v0 =	vadd.f32 v1, v0;
	_ =	sdelay $0x1  }
0xe0: {  	[tilespmem:s19+$0x12310] =	vst v0  }
0xe1: {  	v0 =	vld [tilespmem:s16+$0x50]  }
0xe2: {  	v1 =	vld [tilespmem:s17+$0x50];
	_ =	sdelay $0x4  }
0xe3: {  	v0 =	vadd.f32 v1, v0;
	_ =	sdelay $0x1  }
0xe4: {  	[tilespmem:s19+$0x12F20] =	vst v0  }
0xe5: {  	v0 =	vld [tilespmem:s16+$0x60]  }
0xe6: {  	v1 =	vld [tilespmem:s17+$0x60];
	_ =	sdelay $0x4  }
0xe7: {  	v0 =	vadd.f32 v1, v0;
	_ =	sdelay $0x1  }
0xe8: {  	[tilespmem:s19+$0x12F30] =	vst v0  }
0xe9: {  	v0 =	vld [tilespmem:s16+$0x80]  }
0xea: {  	v1 =	vld [tilespmem:s17+$0x80];
	_ =	sdelay $0x4  }
0xeb: {  	v0 =	vadd.f32 v1, v0;
	_ =	sdelay $0x1  }
0xec: {  	[tilespmem:s19+$0x12F40] =	vst v0  }
0xed: {  	v0 =	vld [tilespmem:s16+$0x90]  }
0xee: {  	v1 =	vld [tilespmem:s17+$0x90];
	_ =	sdelay $0x4  }
0xef: {  	v0 =	vadd.f32 v1, v0;
	_ =	sdelay $0x1  }
0xf0: {  	[tilespmem:s19+$0x12F50] =	vst v0  }
0xf1: {  	v0 =	vld [tilespmem:s16+$0xA0]  }
0xf2: {  	v1 =	vld [tilespmem:s17+$0xA0];
	_ =	sdelay $0x4  }
.Ltmp2:
0xf3: {  	v0 =	vadd.f32 v1, v0;
	(pc) =	sbr.rel @p0 .LBB2_3-.Ltmp2, $4  }
0xf4: {  	_ = 	snop  }
0xf5: {  	[tilespmem:s19+$0x12F60] =	vst v0  }
0xf6: {  	v0 =	vld [tilespmem:s16+$0xC0]  }
0xf7: {  	v1 =	vld [tilespmem:s17+$0xC0]  }
0xf8: {  	_ =	sdelay $0x3  }
0xf9: {  	v0 =	vadd.f32 v1, v0;
	_ =	sdelay $0x1  }
0xfa: {  	[tilespmem:s19+$0x12F70] =	vst v0  }
0xfb: {  	v0 =	vld [tilespmem:s14+$0xD0]  }
0xfc: {  	v1 =	vld [tilespmem:s9+$0xD0];
	_ =	sdelay $0x4  }
0xfd: {  	v0 =	vadd.f32 v1, v0;
	_ =	sdelay $0x1  }
0xfe: {  	[tilespmem:s19+$0x12F80] =	vst v0  }
0xff: {  	v0 =	vld [tilespmem:s14+$0xE0]  }
0x100: {  	v1 =	vld [tilespmem:s9+$0xE0];
	_ =	sdelay $0x2  }
0x101: {  	s16 =	smul.u32 $0x190, s0;
	_ =	sdelay $0x1  }
0x102: {  	s17 =	sadd.s32 s3, s16;
	v0 =	vadd.f32 v1, v0  }
0x103: {  	s9 =	sshll.u32 s17, $0x1  }
0x104: {  	s10 =	sadd.s32 s6, s9;
	[tilespmem:s19+$0x12F90] =	vst v0  }
0x105: {  	[hbm4b:s10+s2] =	stream.linear.scatter [tilespmem:s22], [sflag:$0x3], $0xC80, $0x38;
	[tilespmem:$0x16120] =	vst v63  }
0x106: {  	s19 =	sadd.s32 s7, s9  }
0x107: {  	[hbm4b:s19+s2] =	stream.linear.scatter [tilespmem:s23], [sflag:$0x3], $0xC80, $0x38;
	[tilespmem:$0x16120] =	vst v63  }
0x108: {  	p0 =	seq.s32 s0, $0x18;
	s9 =	sadd.s32 s8, s9  }
0x109: {  	[hbm4b:s9+s2] =	stream.linear.scatter [tilespmem:s24], [sflag:$0x3], $0xC80, $0x38;
	[tilespmem:$0x16120] =	vst v63  }
0x10a: {  	s9 =	simm.s32 @!p0 $0x3  }
0x10b: {  	_ =	swait.ge @!p0 [sflag:s9], $0xC80  }
0x10c: {  	[sflag:s9] =	ssyncset.done @!p0 $0x0  }
0x10d: {  	[sflag:s9] =	ssyncadd.s32 @!p0 $0xFFFFF380  }
0x10e: {  	_ =	swait.ge @!p0 [sflag:s9], $0xC80  }
0x10f: {  	[sflag:s9] =	ssyncset.done @!p0 $0x0  }
0x110: {  	[sflag:s9] =	ssyncadd.s32 @!p0 $0xFFFFF380  }
0x111: {  	_ =	swait.ge @!p0 [sflag:s9], $0xC80  }
0x112: {  	s12 =	simm.s32 @!p0 $0x4E20;
	[sflag:s9] =	ssyncset.done @!p0 $0x0  }
0x113: {  	s10 =	simm.s32 @!p0 $0xC8;
	[sflag:s9] =	ssyncadd.s32 @!p0 $0xFFFFF380;
	s9 =	sadd.s32 @!p0 $0x190, s16  }
0x114: {  	[tilespmem:s12], [sflag:$0x1] =	stream.indirect.gather @!p0 [hbm4b:s4+s10], $0x40, s9, s10, $0xb8;
	[tilespmem:$0x16120] =	vst v63  }
0x115: {  	s9 =	sadd.s32 @!p0 $0x28A0, s16;
	s12 =	simm.s32 @!p0 $0xB220  }
0x116: {  	[tilespmem:s12], [sflag:$0x1] =	stream.indirect.gather @!p0 [hbm4b:s5+s10], $0x40, s9, s10, $0xb8;
	[tilespmem:$0x16120] =	vst v63  }
0x117: {  	_ =	swait.ge [sflag:s25], $0x3200  }
0x118: {  	[sflag:s25] =	ssyncset.done $0x0  }
0x119: {  	[sflag:s25] =	ssyncadd.s32 $0xFFFFCE00  }
0x11a: {  	_ =	swait.ge [sflag:s25], $0x3200  }
0x11b: {  	[sflag:s25] =	ssyncset.done $0x0  }
0x11c: {  	s17 =	simm.s32 $0x8120;
	[sflag:s25] =	ssyncadd.s32 $0xFFFFCE00  }
0x11d: {  	s19 =	simm.s32 $0xE520;
	v0 =	vld [tilespmem:s17+$0xFFFFFF00]  }
0x11e: {  	v1 =	vld [tilespmem:s19+$0xFFFFFF00];
	_ =	sdelay $0x4  }
0x11f: {  	v0 =	vadd.f32 v1, v0  }
0x120: {  	s14 =	simm.s32 $0x0  }
0x121: {  	[tilespmem:s14+$0x13BA0] =	vst v0  }
0x122: {  	v0 =	vld [tilespmem:s17+$0xFFFFFF10]  }
0x123: {  	v1 =	vld [tilespmem:s19+$0xFFFFFF10];
	_ =	sdelay $0x4  }
0x124: {  	v0 =	vadd.f32 v1, v0;
	_ =	sdelay $0x1  }
0x125: {  	[tilespmem:s14+$0x13BB0] =	vst v0  }
0x126: {  	v0 =	vld [tilespmem:s17+$0xFFFFFF20]  }
0x127: {  	v1 =	vld [tilespmem:s19+$0xFFFFFF20];
	_ =	sdelay $0x4  }
0x128: {  	v0 =	vadd.f32 v1, v0;
	_ =	sdelay $0x1  }
0x129: {  	[tilespmem:s14+$0x13BC0] =	vst v0  }
0x12a: {  	v0 =	vld [tilespmem:s17+$0xFFFFFF40]  }
0x12b: {  	v1 =	vld [tilespmem:s19+$0xFFFFFF40];
	_ =	sdelay $0x4  }
0x12c: {  	v0 =	vadd.f32 v1, v0;
	_ =	sdelay $0x1  }
0x12d: {  	[tilespmem:s14+$0x13BD0] =	vst v0  }
0x12e: {  	v0 =	vld [tilespmem:s17+$0xFFFFFF50]  }
0x12f: {  	v1 =	vld [tilespmem:s19+$0xFFFFFF50];
	_ =	sdelay $0x4  }
0x130: {  	v0 =	vadd.f32 v1, v0;
	_ =	sdelay $0x1  }
0x131: {  	[tilespmem:s14+$0x13BE0] =	vst v0  }
0x132: {  	v0 =	vld [tilespmem:s17+$0xFFFFFF60]  }
0x133: {  	v1 =	vld [tilespmem:s19+$0xFFFFFF60];
	_ =	sdelay $0x4  }
0x134: {  	v0 =	vadd.f32 v1, v0;
	_ =	sdelay $0x1  }
0x135: {  	[tilespmem:s14+$0x13BF0] =	vst v0  }
0x136: {  	v0 =	vld [tilespmem:s17+$0xFFFFFF80]  }
0x137: {  	v1 =	vld [tilespmem:s19+$0xFFFFFF80];
	_ =	sdelay $0x4  }
0x138: {  	v0 =	vadd.f32 v1, v0;
	_ =	sdelay $0x1  }
0x139: {  	[tilespmem:s14+$0x13C00] =	vst v0  }
0x13a: {  	v0 =	vld [tilespmem:s17+$0xFFFFFF90]  }
0x13b: {  	v1 =	vld [tilespmem:s19+$0xFFFFFF90];
	_ =	sdelay $0x4  }
0x13c: {  	v0 =	vadd.f32 v1, v0;
	_ =	sdelay $0x1  }
0x13d: {  	[tilespmem:s14+$0x13C10] =	vst v0  }
0x13e: {  	v0 =	vld [tilespmem:s17+$0xFFFFFFA0]  }
0x13f: {  	v1 =	vld [tilespmem:s19+$0xFFFFFFA0];
	_ =	sdelay $0x4  }
0x140: {  	v0 =	vadd.f32 v1, v0;
	_ =	sdelay $0x1  }
0x141: {  	[tilespmem:s14+$0x14820] =	vst v0  }
0x142: {  	v0 =	vld [tilespmem:s17+$0xFFFFFFC0]  }
0x143: {  	v1 =	vld [tilespmem:s19+$0xFFFFFFC0];
	_ =	sdelay $0x4  }
0x144: {  	v0 =	vadd.f32 v1, v0;
	_ =	sdelay $0x1  }
0x145: {  	[tilespmem:s14+$0x14830] =	vst v0  }
0x146: {  	v0 =	vld [tilespmem:s17+$0xFFFFFFD0]  }
0x147: {  	v1 =	vld [tilespmem:s19+$0xFFFFFFD0];
	_ =	sdelay $0x4  }
0x148: {  	v0 =	vadd.f32 v1, v0;
	_ =	sdelay $0x1  }
0x149: {  	[tilespmem:s14+$0x14840] =	vst v0  }
0x14a: {  	v0 =	vld [tilespmem:s17+$0xFFFFFFE0]  }
0x14b: {  	v1 =	vld [tilespmem:s19+$0xFFFFFFE0];
	_ =	sdelay $0x4  }
0x14c: {  	v0 =	vadd.f32 v1, v0;
	_ =	sdelay $0x1  }
0x14d: {  	[tilespmem:s14+$0x14850] =	vst v0  }
0x14e: {  	v0 =	vld [tilespmem:s17+$0x0]  }
0x14f: {  	v1 =	vld [tilespmem:s19+$0x0];
	_ =	sdelay $0x4  }
0x150: {  	v0 =	vadd.f32 v1, v0;
	_ =	sdelay $0x1  }
0x151: {  	[tilespmem:s14+$0x14860] =	vst v0  }
0x152: {  	v0 =	vld [tilespmem:s17+$0x10]  }
0x153: {  	v1 =	vld [tilespmem:s19+$0x10];
	_ =	sdelay $0x4  }
0x154: {  	v0 =	vadd.f32 v1, v0;
	_ =	sdelay $0x1  }
0x155: {  	[tilespmem:s14+$0x14870] =	vst v0  }
0x156: {  	v0 =	vld [tilespmem:s17+$0x20]  }
0x157: {  	v1 =	vld [tilespmem:s19+$0x20];
	_ =	sdelay $0x4  }
0x158: {  	v0 =	vadd.f32 v1, v0;
	_ =	sdelay $0x1  }
0x159: {  	[tilespmem:s14+$0x14880] =	vst v0  }
0x15a: {  	v0 =	vld [tilespmem:s17+$0x40]  }
0x15b: {  	v1 =	vld [tilespmem:s19+$0x40];
	_ =	sdelay $0x4  }
0x15c: {  	v0 =	vadd.f32 v1, v0;
	_ =	sdelay $0x1  }
0x15d: {  	[tilespmem:s14+$0x14890] =	vst v0  }
0x15e: {  	v0 =	vld [tilespmem:s17+$0x50]  }
0x15f: {  	v1 =	vld [tilespmem:s19+$0x50];
	_ =	sdelay $0x4  }
0x160: {  	v0 =	vadd.f32 v1, v0;
	_ =	sdelay $0x1  }
0x161: {  	[tilespmem:s14+$0x154A0] =	vst v0  }
0x162: {  	v0 =	vld [tilespmem:s17+$0x60]  }
0x163: {  	v1 =	vld [tilespmem:s19+$0x60];
	_ =	sdelay $0x4  }
0x164: {  	v0 =	vadd.f32 v1, v0;
	_ =	sdelay $0x1  }
0x165: {  	[tilespmem:s14+$0x154B0] =	vst v0  }
0x166: {  	v0 =	vld [tilespmem:s17+$0x80]  }
0x167: {  	v1 =	vld [tilespmem:s19+$0x80];
	_ =	sdelay $0x4  }
0x168: {  	v0 =	vadd.f32 v1, v0;
	_ =	sdelay $0x1  }
0x169: {  	[tilespmem:s14+$0x154C0] =	vst v0  }
0x16a: {  	v0 =	vld [tilespmem:s17+$0x90]  }
0x16b: {  	v1 =	vld [tilespmem:s19+$0x90];
	_ =	sdelay $0x4  }
0x16c: {  	v0 =	vadd.f32 v1, v0;
	_ =	sdelay $0x1  }
0x16d: {  	[tilespmem:s14+$0x154D0] =	vst v0  }
0x16e: {  	v0 =	vld [tilespmem:s17+$0xA0]  }
0x16f: {  	v1 =	vld [tilespmem:s19+$0xA0];
	_ =	sdelay $0x4  }
0x170: {  	v0 =	vadd.f32 v1, v0;
	_ =	sdelay $0x1  }
0x171: {  	[tilespmem:s14+$0x154E0] =	vst v0  }
0x172: {  	v0 =	vld [tilespmem:s17+$0xC0]  }
0x173: {  	s12 =	simm.s32 $0x200;
	s9 =	simm.s32 $0x8120;
	s10 =	simm.s32 $0xE520;
	v1 =	vld [tilespmem:s19+$0xC0]  }
.LBB2_5:
0x174: {  	_ = 	snop  }
0x175: {  	p1 =	sne.s32 s12, $0x3000;
	s17 =	sadd.s32 $0x200, s17;
	s19 =	sadd.s32 $0x200, s19  }
0x176: {  	s13 =	smov.u32 s12;
	s12 =	sadd.s32 $0x200, s12;
	_ =	sdelay $0x1  }
0x177: {  	v0 =	vadd.f32 v1, v0;
	_ =	sdelay $0x1  }
0x178: {  	[tilespmem:s14+$0x154F0] =	vst v0  }
0x179: {  	v0 =	vld [tilespmem:s9+$0xD0]  }
0x17a: {  	v1 =	vld [tilespmem:s10+$0xD0];
	_ =	sdelay $0x4  }
0x17b: {  	v0 =	vadd.f32 v1, v0;
	_ =	sdelay $0x1  }
0x17c: {  	[tilespmem:s14+$0x15500] =	vst v0  }
0x17d: {  	v0 =	vld [tilespmem:s9+$0xE0];
	s9 =	smov.u32 s17  }
0x17e: {  	v1 =	vld [tilespmem:s10+$0xE0];
	s10 =	smov.u32 s19;
	_ =	sdelay $0x4  }
0x17f: {  	v0 =	vadd.f32 v1, v0;
	_ =	sdelay $0x1  }
0x180: {  	[tilespmem:s14+$0x15510] =	vst v0  }
0x181: {  	v0 =	vld [tilespmem:s17+$0xFFFFFF00]  }
0x182: {  	v1 =	vld [tilespmem:s19+$0xFFFFFF00];
	_ =	sdelay $0x4  }
0x183: {  	v0 =	vadd.f32 v1, v0  }
0x184: {  	s14 =	sshra.s32 s13, $0x2  }
0x185: {  	[tilespmem:s14+$0x13BA0] =	vst v0  }
0x186: {  	v0 =	vld [tilespmem:s17+$0xFFFFFF10]  }
0x187: {  	v1 =	vld [tilespmem:s19+$0xFFFFFF10];
	_ =	sdelay $0x4  }
0x188: {  	v0 =	vadd.f32 v1, v0;
	_ =	sdelay $0x1  }
0x189: {  	[tilespmem:s14+$0x13BB0] =	vst v0  }
0x18a: {  	v0 =	vld [tilespmem:s17+$0xFFFFFF20]  }
0x18b: {  	v1 =	vld [tilespmem:s19+$0xFFFFFF20];
	_ =	sdelay $0x4  }
0x18c: {  	v0 =	vadd.f32 v1, v0;
	_ =	sdelay $0x1  }
0x18d: {  	[tilespmem:s14+$0x13BC0] =	vst v0  }
0x18e: {  	v0 =	vld [tilespmem:s17+$0xFFFFFF40]  }
0x18f: {  	v1 =	vld [tilespmem:s19+$0xFFFFFF40];
	_ =	sdelay $0x4  }
0x190: {  	v0 =	vadd.f32 v1, v0;
	_ =	sdelay $0x1  }
0x191: {  	[tilespmem:s14+$0x13BD0] =	vst v0  }
0x192: {  	v0 =	vld [tilespmem:s17+$0xFFFFFF50]  }
0x193: {  	v1 =	vld [tilespmem:s19+$0xFFFFFF50];
	_ =	sdelay $0x4  }
0x194: {  	v0 =	vadd.f32 v1, v0;
	_ =	sdelay $0x1  }
0x195: {  	[tilespmem:s14+$0x13BE0] =	vst v0  }
0x196: {  	v0 =	vld [tilespmem:s17+$0xFFFFFF60]  }
0x197: {  	v1 =	vld [tilespmem:s19+$0xFFFFFF60];
	_ =	sdelay $0x4  }
0x198: {  	v0 =	vadd.f32 v1, v0;
	_ =	sdelay $0x1  }
0x199: {  	[tilespmem:s14+$0x13BF0] =	vst v0  }
0x19a: {  	v0 =	vld [tilespmem:s17+$0xFFFFFF80]  }
0x19b: {  	v1 =	vld [tilespmem:s19+$0xFFFFFF80];
	_ =	sdelay $0x4  }
0x19c: {  	v0 =	vadd.f32 v1, v0;
	_ =	sdelay $0x1  }
0x19d: {  	[tilespmem:s14+$0x13C00] =	vst v0  }
0x19e: {  	v0 =	vld [tilespmem:s17+$0xFFFFFF90]  }
0x19f: {  	v1 =	vld [tilespmem:s19+$0xFFFFFF90];
	_ =	sdelay $0x4  }
0x1a0: {  	v0 =	vadd.f32 v1, v0;
	_ =	sdelay $0x1  }
0x1a1: {  	[tilespmem:s14+$0x13C10] =	vst v0  }
0x1a2: {  	v0 =	vld [tilespmem:s17+$0xFFFFFFA0]  }
0x1a3: {  	v1 =	vld [tilespmem:s19+$0xFFFFFFA0];
	_ =	sdelay $0x4  }
0x1a4: {  	v0 =	vadd.f32 v1, v0;
	_ =	sdelay $0x1  }
0x1a5: {  	[tilespmem:s14+$0x14820] =	vst v0  }
0x1a6: {  	v0 =	vld [tilespmem:s17+$0xFFFFFFC0]  }
0x1a7: {  	v1 =	vld [tilespmem:s19+$0xFFFFFFC0];
	_ =	sdelay $0x4  }
0x1a8: {  	v0 =	vadd.f32 v1, v0;
	_ =	sdelay $0x1  }
0x1a9: {  	[tilespmem:s14+$0x14830] =	vst v0  }
0x1aa: {  	v0 =	vld [tilespmem:s17+$0xFFFFFFD0]  }
0x1ab: {  	v1 =	vld [tilespmem:s19+$0xFFFFFFD0];
	_ =	sdelay $0x4  }
0x1ac: {  	v0 =	vadd.f32 v1, v0;
	_ =	sdelay $0x1  }
0x1ad: {  	[tilespmem:s14+$0x14840] =	vst v0  }
0x1ae: {  	v0 =	vld [tilespmem:s17+$0xFFFFFFE0]  }
0x1af: {  	v1 =	vld [tilespmem:s19+$0xFFFFFFE0];
	_ =	sdelay $0x4  }
0x1b0: {  	v0 =	vadd.f32 v1, v0;
	_ =	sdelay $0x1  }
0x1b1: {  	[tilespmem:s14+$0x14850] =	vst v0  }
0x1b2: {  	v0 =	vld [tilespmem:s17+$0x0]  }
0x1b3: {  	v1 =	vld [tilespmem:s19+$0x0];
	_ =	sdelay $0x4  }
0x1b4: {  	v0 =	vadd.f32 v1, v0;
	_ =	sdelay $0x1  }
0x1b5: {  	[tilespmem:s14+$0x14860] =	vst v0  }
0x1b6: {  	v0 =	vld [tilespmem:s17+$0x10]  }
0x1b7: {  	v1 =	vld [tilespmem:s19+$0x10];
	_ =	sdelay $0x4  }
0x1b8: {  	v0 =	vadd.f32 v1, v0;
	_ =	sdelay $0x1  }
0x1b9: {  	[tilespmem:s14+$0x14870] =	vst v0  }
0x1ba: {  	v0 =	vld [tilespmem:s17+$0x20]  }
0x1bb: {  	v1 =	vld [tilespmem:s19+$0x20];
	_ =	sdelay $0x4  }
0x1bc: {  	v0 =	vadd.f32 v1, v0;
	_ =	sdelay $0x1  }
0x1bd: {  	[tilespmem:s14+$0x14880] =	vst v0  }
0x1be: {  	v0 =	vld [tilespmem:s17+$0x40]  }
0x1bf: {  	v1 =	vld [tilespmem:s19+$0x40];
	_ =	sdelay $0x4  }
0x1c0: {  	v0 =	vadd.f32 v1, v0;
	_ =	sdelay $0x1  }
0x1c1: {  	[tilespmem:s14+$0x14890] =	vst v0  }
0x1c2: {  	v0 =	vld [tilespmem:s17+$0x50]  }
0x1c3: {  	v1 =	vld [tilespmem:s19+$0x50];
	_ =	sdelay $0x4  }
0x1c4: {  	v0 =	vadd.f32 v1, v0;
	_ =	sdelay $0x1  }
0x1c5: {  	[tilespmem:s14+$0x154A0] =	vst v0  }
0x1c6: {  	v0 =	vld [tilespmem:s17+$0x60]  }
0x1c7: {  	v1 =	vld [tilespmem:s19+$0x60];
	_ =	sdelay $0x4  }
0x1c8: {  	v0 =	vadd.f32 v1, v0;
	_ =	sdelay $0x1  }
0x1c9: {  	[tilespmem:s14+$0x154B0] =	vst v0  }
0x1ca: {  	v0 =	vld [tilespmem:s17+$0x80]  }
0x1cb: {  	v1 =	vld [tilespmem:s19+$0x80];
	_ =	sdelay $0x4  }
0x1cc: {  	v0 =	vadd.f32 v1, v0;
	_ =	sdelay $0x1  }
0x1cd: {  	[tilespmem:s14+$0x154C0] =	vst v0  }
0x1ce: {  	v0 =	vld [tilespmem:s17+$0x90]  }
0x1cf: {  	v1 =	vld [tilespmem:s19+$0x90];
	_ =	sdelay $0x4  }
0x1d0: {  	v0 =	vadd.f32 v1, v0;
	_ =	sdelay $0x1  }
0x1d1: {  	[tilespmem:s14+$0x154D0] =	vst v0  }
0x1d2: {  	v0 =	vld [tilespmem:s17+$0xA0]  }
0x1d3: {  	v1 =	vld [tilespmem:s19+$0xA0];
	_ =	sdelay $0x4  }
.Ltmp3:
0x1d4: {  	v0 =	vadd.f32 v1, v0;
	(pc) =	sbr.rel @p1 .LBB2_5-.Ltmp3, $4  }
0x1d5: {  	_ = 	snop  }
0x1d6: {  	[tilespmem:s14+$0x154E0] =	vst v0  }
0x1d7: {  	v0 =	vld [tilespmem:s17+$0xC0]  }
0x1d8: {  	v1 =	vld [tilespmem:s19+$0xC0]  }
0x1d9: {  	_ =	sdelay $0x3  }
0x1da: {  	v0 =	vadd.f32 v1, v0;
	_ =	sdelay $0x1  }
0x1db: {  	[tilespmem:s14+$0x154F0] =	vst v0  }
0x1dc: {  	v0 =	vld [tilespmem:s9+$0xD0]  }
0x1dd: {  	v62 =	vld [tilespmem:s10+$0xD0];
	_ =	sdelay $0x4  }
0x1de: {  	v0 =	vadd.f32 v62, v0;
	_ =	sdelay $0x1  }
0x1df: {  	[tilespmem:s14+$0x15500] =	vst v0  }
0x1e0: {  	v0 =	vld [tilespmem:s9+$0xE0]  }
0x1e1: {  	v63 =	vld [tilespmem:s10+$0xE0];
	_ =	sdelay $0x3  }
0x1e2: {  	s13 =	sadd.s32 s16, s11  }
0x1e3: {  	s9 =	sshll.u32 s13, $0x1;
	v0 =	vadd.f32 v63, v0  }
0x1e4: {  	s9 =	sand.u32 $0x1FFFFFF0, s9  }
0x1e5: {  	s17 =	sadd.s32 s6, s9;
	[tilespmem:s14+$0x15510] =	vst v0  }
0x1e6: {  	[hbm4b:s17+s2] =	stream.linear.scatter [tilespmem:s26], [sflag:$0x4], $0xC80, $0x38;
	[tilespmem:$0x16120] =	vst v63  }
.Ltmp4:
0x1e7: {  	_ = 	snop;
	(pc) =	sbr.rel @p0 .LBB2_8-.Ltmp4, $4  }
0x1e8: {  	s19 =	sadd.s32 s7, s9  }
0x1e9: {  	[hbm4b:s19+s2] =	stream.linear.scatter [tilespmem:s28], [sflag:$0x4], $0xC80, $0x38;
	[tilespmem:$0x16120] =	vst v63  }
0x1ea: {  	s9 =	sadd.s32 s8, s9  }
0x1eb: {  	[hbm4b:s9+s2] =	stream.linear.scatter [tilespmem:s29], [sflag:$0x4], $0xC80, $0x38;
	[tilespmem:$0x16120] =	vst v63  }
0x1ec: {  	_ =	swait.ge [sflag:s31], $0xC80  }
0x1ed: {  	[sflag:s31] =	ssyncset.done $0x0  }
0x1ee: {  	[sflag:s31] =	ssyncadd.s32 $0xFFFFF380  }
0x1ef: {  	_ =	swait.ge [sflag:s31], $0xC80  }
0x1f0: {  	[sflag:s31] =	ssyncset.done $0x0  }
0x1f1: {  	[sflag:s31] =	ssyncadd.s32 $0xFFFFF380  }
0x1f2: {  	_ =	swait.ge [sflag:s31], $0xC80  }
.Ltmp5:
0x1f3: {  	[sflag:s31] =	ssyncset.done $0x0;
	(pc) =	sbr.rel .LBB2_2-.Ltmp5, $4  }
0x1f4: {  	s9 =	sadd.s32 $0x258, s16;
	[sflag:s31] =	ssyncadd.s32 $0xFFFFF380  }
0x1f5: {  	[tilespmem:s18], [sflag:$0x2] =	stream.indirect.gather [hbm4b:s4+s15], $0x40, s9, s15, $0xb8;
	[tilespmem:$0x16120] =	vst v63  }
0x1f6: {  	s19 =	sadd.s32 $0x2968, s16;
	s0 =	sadd.s32 $0x1, s0  }
0x1f7: {  	[tilespmem:s20], [sflag:$0x2] =	stream.indirect.gather [hbm4b:s5+s15], $0x40, s19, s15, $0xb8;
	[tilespmem:$0x16120] =	vst v63  }
.LBB2_9:
0x1f8: {  	_ =	sfence.sel $0x180000  }
0x1f9: {  	[bflag:$0x0] =	sbarrier.arrive $0xFFFF  }
0x1fa: {  	_ =	strace $0x90000047  }
0x1fb: {  	s0 =	stileid.u32;
	[bflag:$0x2] =	sbarrier.arrive $0xFFFF  }
0x1fc: {  	p0 =	sne.s32 s0, $0x0;
	s0 =	rddreg [dreg:$0x1]  }
0x1fd: {  	s0 =	sadd.s32 @!p0 $0x100000, s0  }
0x1fe: {  	[sflag:s0] =	ssyncadd.tile.s32 @!p0 $0x1;
	_ =	shalt  }
.Lfunc_end2:
_tile_overlayer_lowered:
.L_overlay_start_2:
0x1ff: {  	(tag) =	ssettag $0x2  }
0x200: {  	s0 =	rddreg [dreg:$0x0];
	s2 =	stileid.u32  }
0x201: {  	s1 =	rddreg [dreg:$0x1];
	p0 =	sne.s32 s2, $0x0  }
0x202: {  	s3 =	rddreg [dreg:$0x2];
	[bflag:$0x3] =	sbarrier.arrive $0xFFFF;
	s2 =	simm.s32 @!p0 $0x1C05  }
0x203: {  	[timem:s3], [sflag:s2] =	dma.local @!p0 [hbm:s0], s1  }
0x204: {  	s0 =	simm.s32 @!p0 $0x5  }
0x205: {  	_ =	swait.ge @!p0 [sflag:s0], s1  }
0x206: {  	s1 =	ssub.s32 @!p0 $0x0, s1;
	[sflag:s0] =	ssyncset.done @!p0 $0x0  }
0x207: {  	[sflag:s0] =	ssyncadd.s32 @!p0 s1  }
0x208: {  	[bflag:$0x3] =	sbarrier.arrive $0xFFFF  }
0x209: {  	_ =	shalt  }

// kernel: kernel.17.cloned.1.call-start
scs
__scs_entry_jumppad:
0x0: {  	(pc) =	sbr.rel $0x88, $3  }
0x1: {  	(tag) =	ssettag $0x0;
	lr =	simm.s32 $0x1  }
0x2: {  	[smem:$0x3F86] =	sst lr;
	_ =	strace $0xD0000000  }
0x3: {  	_ = 	snop  }
0x4: {  	_ = 	snop  }
0x5: {  	_ = 	snop  }
0x6: {  	_ = 	snop  }
0x7: {  	_ = 	snop  }
__scs_overlays_trampoline_lowered:
0x8: {  	[smem:$0x3F95] =	sst s0  }
0x9: {  	[smem:$0x3F96] =	sst s1  }
0xa: {  	[smem:$0x3F97] =	sst s2  }
0xb: {  	[smem:$0x3F98] =	sst s3  }
0xc: {  	[smem:$0x3F99] =	sst s4  }
0xd: {  	[smem:$0x3F9A] =	sst s5  }
0xe: {  	[smem:$0x3F9B] =	sst s6  }
0xf: {  	[smem:$0x3F9C] =	sst s7  }
0x10: {  	[smem:$0x3F9D] =	sst s8  }
0x11: {  	[smem:$0x3F9E] =	sst s9;
	s0 =	simm.s32 @!p0 $0x0  }
0x12: {  	s1 =	sld [smem:$0x3F84];
	s0 =	simm.s32 @p0 $0x1  }
0x13: {  	[smem:$0x3F9F] =	sst s0;
	s0 =	simm.s32 @!p1 $0x0  }
0x14: {  	s2 =	sld [smem:$0x3F83];
	s0 =	simm.s32 @p1 $0x1  }
0x15: {  	[smem:$0x3FA0] =	sst s0;
	s0 =	simm.s32 @!p2 $0x0  }
0x16: {  	s3 =	sld [smem:$0x3FDB];
	s0 =	simm.s32 @p2 $0x1  }
0x17: {  	s4 =	simm.s32 $0x1BF5;
	[smem:$0x3FA2] =	sst s0  }
0x18: {  	s0 =	sld [smem:$0x3F85];
	_ =	swait.ge [sflag:s4], $0x0  }
0x19: {  	s7 =	sld [smem:$0x3F86]  }
0x1a: {  	s8 =	sadd.s32 $0xFFFFE003, lr  }
0x1b: {  	s9 =	sadd.s32 $0xFFFFFEF7, lr;
	s5 =	simm.s32 $0xFFFFFFFF;
	p2 =	slt.u32 s8, $0xFFFFF086  }
0x1c: {  	p1 =	slt.u32 s9, $0xF7A;
	s5 =	simm.s32 @!p2 $0x0  }
0x1d: {  	s5 =	simm.s32 @p1 $0x1;
	p0 =	seq.s32 s7, s2  }
0x1e: {  	s7 =	smul.u32 @!p0 $0xF7A, s2;
	p2 =	seq.s32 @!p0 s5, $0x0  }
0x1f: {  	s9 =	smul.u32 $0xF7A, s1;
	s8 =	simm.s32 @!p0 $0x1BF5;
	p2 =	por !p2, p0  }
0x20: {  	[sflag:s8] =	ssyncset.s32 @!p0 $0xFFFFF086;
	s6 =	sadd.s32 @!p0 s3, s7;
	s7 =	simm.s32 @!p0 $0x108  }
0x21: {  	s3 =	sadd.s32 s3, s9;
	s6 =	sadd.s32 @!p0 $0x88, s6;
	s7 =	simm.s32 @p2 $0x1082  }
0x22: {  	[simem:s7], [sflag:s8] =	dma.local @!p0 [hbm:s6], $0xF7A  }
0x23: {  	s9 =	sor.u32 $0xD0000000, s2;
	s6 =	simm.s32 $0x108;
	_ =	swait.ge @!p0 [sflag:s8], $0x0  }
0x24: {  	s3 =	sadd.s32 $0x88, s3;
	s6 =	simm.s32 @!p1 $0x1082;
	[sflag:s4] =	ssyncset.s32 $0xFFFFF086  }
0x25: {  	[simem:s6], [sflag:s4] =	dma.local [hbm:s3], $0xF7A  }
0x26: {  	[smem:$0x3F86] =	sst s1;
	(tag) =	ssettag s2;
	_ =	strace s9  }
0x27: {  	s1 =	sld [smem:$0x3F96]  }
0x28: {  	s2 =	sld [smem:$0x3F97]  }
0x29: {  	s4 =	sld [smem:$0x3F99]  }
0x2a: {  	p0 =	seq.s32 s5, $0x0;
	s5 =	sld [smem:$0x3F9A]  }
0x2b: {  	s6 =	sld [smem:$0x3F9B]  }
0x2c: {  	s7 =	sld [smem:$0x3F9C]  }
0x2d: {  	s3 =	simm.s32 $0x108;
	s8 =	sld [smem:$0x3F9D]  }
0x2e: {  	s3 =	simm.s32 @!p0 $0x1082;
	s9 =	sld [smem:$0x3F9E]  }
0x2f: {  	lr =	sadd.s32 s0, s3;
	s0 =	sld [smem:$0x3F95]  }
0x30: {  	s3 =	sld [smem:$0x3F98]  }
0x31: {  	[smem:$0x3FA1] =	sst s10  }
0x32: {  	s10 =	sld [smem:$0x3F9F];
	_ =	sdelay $0x3  }
0x33: {  	p0 =	seq.s32 s10, $0x1;
	s10 =	sld [smem:$0x3FA1];
	_ =	sdelay $0x3  }
0x34: {  	[smem:$0x3FA1] =	sst s10  }
0x35: {  	s10 =	sld [smem:$0x3FA0];
	_ =	sdelay $0x3  }
0x36: {  	p1 =	seq.s32 s10, $0x1;
	s10 =	sld [smem:$0x3FA1];
	_ =	sdelay $0x3  }
0x37: {  	[smem:$0x3FA1] =	sst s10  }
0x38: {  	s10 =	sld [smem:$0x3FA2]  }
0x39: {  	_ = 	snop;
	(pc) =	sbr.ind lr, $3  }
0x3a: {  	_ = 	snop  }
0x3b: {  	_ = 	snop  }
0x3c: {  	p2 =	seq.s32 s10, $0x1;
	s10 =	sld [smem:$0x3FA1]  }
0x3d: {  	_ =	shalt  }
0x3e: {  	_ =	shalt  }
0x3f: {  	_ =	shalt  }
0x40: {  	_ =	shalt  }
0x41: {  	_ =	shalt  }
0x42: {  	_ =	shalt  }
0x43: {  	_ =	shalt  }
0x44: {  	_ =	shalt  }
0x45: {  	_ =	shalt  }
0x46: {  	_ =	shalt  }
0x47: {  	_ =	shalt  }
0x48: {  	_ =	shalt  }
0x49: {  	_ =	shalt  }
0x4a: {  	_ =	shalt  }
0x4b: {  	_ =	shalt  }
0x4c: {  	_ =	shalt  }
0x4d: {  	_ =	shalt  }
0x4e: {  	_ =	shalt  }
0x4f: {  	_ =	shalt  }
0x50: {  	_ =	shalt  }
0x51: {  	_ =	shalt  }
0x52: {  	_ =	shalt  }
0x53: {  	_ =	shalt  }
0x54: {  	_ =	shalt  }
0x55: {  	_ =	shalt  }
0x56: {  	_ =	shalt  }
0x57: {  	_ =	shalt  }
0x58: {  	_ =	shalt  }
0x59: {  	_ =	shalt  }
0x5a: {  	_ =	shalt  }
0x5b: {  	_ =	shalt  }
0x5c: {  	_ =	shalt  }
0x5d: {  	_ =	shalt  }
0x5e: {  	_ =	shalt  }
0x5f: {  	_ =	shalt  }
0x60: {  	_ =	shalt  }
0x61: {  	_ =	shalt  }
0x62: {  	_ =	shalt  }
0x63: {  	_ =	shalt  }
0x64: {  	_ =	shalt  }
0x65: {  	_ =	shalt  }
0x66: {  	_ =	shalt  }
0x67: {  	_ =	shalt  }
0x68: {  	_ =	shalt  }
0x69: {  	_ =	shalt  }
0x6a: {  	_ =	shalt  }
0x6b: {  	_ =	shalt  }
0x6c: {  	_ =	shalt  }
0x6d: {  	_ =	shalt  }
0x6e: {  	_ =	shalt  }
0x6f: {  	_ =	shalt  }
0x70: {  	_ =	shalt  }
0x71: {  	_ =	shalt  }
0x72: {  	_ =	shalt  }
0x73: {  	_ =	shalt  }
0x74: {  	_ =	shalt  }
0x75: {  	_ =	shalt  }
0x76: {  	_ =	shalt  }
0x77: {  	_ =	shalt  }
0x78: {  	_ =	shalt  }
0x79: {  	_ =	shalt  }
0x7a: {  	_ =	shalt  }
0x7b: {  	_ =	shalt  }
0x7c: {  	_ =	shalt  }
0x7d: {  	_ =	shalt  }
0x7e: {  	_ =	shalt  }
0x7f: {  	_ =	shalt  }
0x80: {  	_ =	shalt  }
0x81: {  	_ =	shalt  }
0x82: {  	_ =	shalt  }
0x83: {  	_ =	shalt  }
0x84: {  	_ =	shalt  }
0x85: {  	_ =	shalt  }
0x86: {  	_ =	shalt  }
0x87: {  	_ =	shalt  }
.Lfunc_end0:
.L_simem_size_0:
called_computation.1_lowered:
.L_overlay_start_0:
0x88: {  	s2 =	sld [smem:$0x3FD9]  }
0x89: {  	s3 =	sld [smem:$0x3FFE];
	_ =	sdelay $0x1  }
0x8a: {  	s1 =	srdreg.scid  }
0x8b: {  	s0 =	sand.u32 $0x1, s1  }
0x8c: {  	s16 =	sshll.u32 s0, $0xA;
	s2 =	sadd.s32 s3, s2  }
0x8d: {  	s2 =	sadd.s32 s2, s16  }
0x8e: {  	[smem:$0x3FAD] =	sst s2  }
0x8f: {  	_ = 	snop  }
0x90: {  	(tm) =	ssettm $0x1  }
0x91: {  	s17 =	sld [smem:$0x3FFB];
	_ =	sdelay $0x3  }
0x92: {  	_ =	strace s17  }
0x93: {  	s2 =	sld [smem:$0x3FFC];
	_ =	sdelay $0x3  }
0x94: {  	_ =	strace s2  }
0x95: {  	s2 =	sld [smem:$0x3FFD];
	_ =	sdelay $0x3  }
0x96: {  	_ =	strace s2  }
0x97: {  	_ =	strace $0x8FFFFFFF  }
0x98: {  	s18 =	sld [smem:$0x3FDB];
	_ =	sdelay $0x1  }
0x99: {  	s19 =	simm.s32 $_scs_section_size  }
0x9a: {  	s4 =	simm.s32 $_size__tile_overlayer_lowered;
	s5 =	simm.s32 $_tile_overlayer_lowered  }
0x9b: {  	s22 =	simm.s32 $0x1BFF;
	s21 =	sshll.u32 s5, $0x1;
	s2 =	sadd.s32 s19, s18  }
0x9c: {  	s6 =	simm.s32 $0x0;
	s20 =	sshll.u32 s4, $0x1;
	s4 =	sadd.s32 s21, s2  }
0x9d: {  	[timem:s6], [sflag:s22] =	dma.local [hbm:s4], s20  }
0x9e: {  	_ =	swait.ge [sflag:s22], s20  }
0x9f: {  	s3 =	ssub.s32 $0x0, s20;
	[sflag:s22] =	ssyncset.done $0x0  }
0xa0: {  	[sflag:s22] =	ssyncadd.s32 s3;
	_ =	sdelay $0x1  }
0xa1: {  	s23 =	simm.s32 $0x1B8B  }
0xa2: {  	_ =	swait.ge [sflag:s23], $0x1  }
0xa3: {  	[sflag:s23] =	ssyncset.done $0x0  }
0xa4: {  	s25 =	simm.s32 $0x1B8E;
	s24 =	sld [smem:$0x3FFE];
	[sflag:s23] =	ssyncadd.s32 $0xFFFFFFFF  }
0xa5: {  	s26 =	simm.s32 $execute0_lowered;
	[smem:$0x3FD2] =	sst s25  }
0xa6: {  	s4 =	sshll.u32 s26, $0x1;
	_ =	strace $0x80000049;
	[dreg:$0x1] =	wrdreg $0xFFFFFFFF  }
0xa7: {  	s28 =	simm.s32 $_size_execute0_lowered;
	s2 =	sadd.s32 s2, s4;
	[dreg:$0x0] =	wrdreg $0x0  }
0xa8: {  	s4 =	sshll.u32 s28, $0x1;
	[dreg:$0x2] =	wrdreg s2  }
0xa9: {  	[dreg:$0x3] =	wrdreg s4  }
0xaa: {  	[dreg:$0x4] =	wrdreg $0xC0  }
0xab: {  	_ =	task [dreg:s6], $0x5FFFF  }
0xac: {  	[dreg:$0x1] =	wrdreg $0xFFFFFFFF  }
0xad: {  	[dreg:$0x0] =	wrdreg $0x60  }
0xae: {  	[dreg:$0x2] =	wrdreg s24  }
0xaf: {  	[dreg:$0x3] =	wrdreg $0x4FB00  }
0xb0: {  	[dreg:$0x4] =	wrdreg $0x9  }
0xb1: {  	_ =	task.clear_ibuf [dreg:s6], $0x5FFFF;
	_ =	strace $0x90000049  }
0xb2: {  	s29 =	simm.s32 $0x9;
	_ =	strace $0x8000004B  }
0xb3: {  	_ =	swait.ge [sflag:s29], $0x1  }
0xb4: {  	[sflag:s29] =	ssyncadd.s32 $0xFFFFFFFF  }
0xb5: {  	_ =	strace $0x9000004B  }
0xb6: {  	_ =	sfence  }
0xb7: {  	s30 =	sld [smem:$0x0];
	_ =	sdelay $0x2  }
0xb8: {  	s31 =	sshll.u32 s1, $0xD;
	s1 =	sshrl.u32 s1, $0x2  }
0xb9: {  	s3 =	sand.u32 $0x4000, s31;
	s1 =	sadd.s32 s1, s30  }
0xba: {  	s0 =	sor.u32 s3, s0;
	s1 =	sshll.u32 s1, $0x11  }
0xbb: {  	s0 =	sor.u32 s1, s0  }
0xbc: {  	s0 =	sadd.s32 $0x8F2B, s0  }
0xbd: {  	[sflag:s0] =	ssyncadd.remote.s32 $0x1  }
0xbe: {  	_ =	sfence.sel $0xFFFF  }
0xbf: {  	[dreg:$0x0] =	wrdreg $0xFFFFFFFF;
	(pc) =	sbr.abs _section_cstart, $3  }
0xc0: {  	[dreg:$0x1] =	wrdreg $0xFFFFFFFF  }
0xc1: {  	_ =	task.clear_ibuf [dreg:s6], $0x2FFFF;
	_ =	strace $0x9FFFFFFF  }
0xc2: {  	(tm) =	ssettm $0x7FFFFFFF  }
0xc3: {  	_ =	shalt  }
tec
execute0_lowered:
.L_overlay_start_1:
0x0: {  	(tag) =	ssettag $0x1  }
0x1: {  	s1 =	srdreg.scid;
	s5 =	rddreg [dreg:$0x0]  }
0x2: {  	s0 =	stileid.u32;
	s2 =	rddreg [dreg:$0x1]  }
0x3: {  	s3 =	simm.s32 $0x0;
	s15 =	simm.s32 $0x7D00;
	s16 =	simm.s32 $0x1  }
0x4: {  	s17 =	simm.s32 $0x64;
	s18 =	simm.s32 $0x2;
	s8 =	smul.u32 $0x2710, s0  }
0x5: {  	s19 =	simm.s32 $0x27D0;
	s4 =	sand.u32 $0x1, s1;
	s14 =	smul.u32 $0x4E20, s0  }
0x6: {  	s20 =	simm.s32 $0x2838;
	s25 =	sshll.u32 s0, $0x1;
	s9 =	smul.u32 $0x27100, s4  }
0x7: {  	s1 =	rddreg [dreg:$0x2];
	s6 =	sor.u32 s4, s25;
	s26 =	smul.u32 $0x2710, s4  }
0x8: {  	s21 =	simm.s32 $0x0;
	[smem:$0x7FF] =	sst s3;
	s7 =	smul.u32 $0x514, s6  }
0x9: {  	s10 =	sadd.s32 $0x1FA00, s5;
	s11 =	ssub.s32 $0x2, s4;
	s12 =	smul.u32 $0x27100, s6  }
0xa: {  	_ =	strace $0x8000004A;
	s13 =	sshrl.u32 s11, $0x1;
	s6 =	smul.u32 $0x4E20, s6  }
0xb: {  	s9 =	sadd.s32 s8, s9;
	s11 =	ssub.s32 s11, s13;
	s29 =	sadd.s32 s26, s14  }
0xc: {  	s13 =	simm.s32 $0x28A0;
	s14 =	simm.s32 $0x76C0;
	s7 =	sadd.s32 s7, s5  }
0xd: {  	s9 =	sshrl.u32 s9, $0x3;
	s28 =	sshrl.u32 s12, $0x3;
	s6 =	sadd.s32 s10, s6  }
0xe: {  	s30 =	sshll.u32 s29, $0x1;
	s12 =	simm.s32 $0x3;
	s9 =	sadd.s32 s9, s5  }
0xf: {  	s4 =	sadd.s32 $0x242A00, s7;
	s5 =	sadd.s32 s8, s2;
	s7 =	sadd.s32 s10, s28  }
0x10: {  	s31 =	sadd.s32 s10, s30;
	s7 =	sadd.s32 $0xC8, s7;
	s8 =	sadd.s32 $0xBBE00, s9  }
0x11: {  	v0 =	vimm.f32 $0.0e+00;
	s9 =	smax.u32 s11, $0x1;
	s10 =	sadd.s32 $0x258, s31;
	s11 =	sadd.s32 $0x190, s31  }
.LBB2_1:
0x12: {  	[tilespmem:s3], [sflag:$0x3] =	stream.linear.gather [hbm4b:s4+s3], $0x28A0, $0x38;
	[tilespmem:$0x8340] =	vst v63  }
0x13: {  	_ =	swait.ge [sflag:s12], $0x28A0  }
0x14: {  	[sflag:s12] =	ssyncset.done $0x0  }
0x15: {  	s22 =	simm.s32 $0x40;
	s23 =	simm.s32 $0x0;
	[sflag:s12] =	ssyncadd.s32 $0xFFFFD760  }
.LBB2_2:
0x16: {  	p0 =	sne.s32 s22, $0x9C00;
	[tilespmem:s23+$0x28A0] =	vst v0;
	s23 =	smov.u32 s22;
	s22 =	sadd.s32 $0x40, s22  }
.Ltmp0:
0x17: {  	(pc) =	sbr.rel @p0 .LBB2_2-.Ltmp0, $2  }
0x18: {  	_ =	sdelay $0x2  }
0x19: {  	s23 =	sshra.s32 s23, $0x2  }
0x1a: {  	[tilespmem:s23+$0x28A0] =	vst v0  }
0x1b: {  	[spmem:s5] =	stream.linear.scatter [tilespmem:s13], [sflag:$0x3], $0x2710, $0x38;
	[tilespmem:$0x8340] =	vst v63  }
0x1c: {  	_ =	swait.ge [sflag:s12], $0x2710  }
0x1d: {  	[sflag:s12] =	ssyncset.done $0x0  }
0x1e: {  	[sflag:s12] =	ssyncadd.s32 $0xFFFFD8F0  }
0x1f: {  	s22 =	simm.s32 $0x0;
	[bflag:$0x0] =	sbarrier.arrive $0xFFFF  }
0x20: {  	[tilespmem:s14], [sflag:$0x1] =	stream.linear.gather [hbm4b:s6+s22], $0x640, $0x38;
	[tilespmem:$0x8340] =	vst v63  }
0x21: {  	_ = 	snop  }
0x22: {  	[tilespmem:s15], [sflag:$0x2] =	stream.linear.gather [hbm4b:s7+s22], $0x640, $0x38;
	[tilespmem:$0x8340] =	vst v63  }
0x23: {  	_ =	swait.ge [sflag:s16], $0x640  }
0x24: {  	[sflag:s16] =	ssyncset.done $0x0  }
0x25: {  	s29 =	simm.s32 $0x0;
	[sflag:s16] =	ssyncadd.s32 $0xFFFFF9C0  }
0x26: {  	[spmem:s2] =	stream.indirect.scatter.add.f32 [tilespmem:s14], [sflag:$0x3], $0x10, s29, s17, $0xb8;
	[tilespmem:$0x8340] =	vst v63  }
0x27: {  	_ =	swait.ge [sflag:s12], $0x640  }
0x28: {  	[sflag:s12] =	ssyncset.done $0x0  }
0x29: {  	s30 =	sadd.s32 $0x0, s11;
	[sflag:s12] =	ssyncadd.s32 $0xFFFFF9C0  }
0x2a: {  	[tilespmem:s14], [sflag:$0x1] =	stream.linear.gather [hbm4b:s30+s3], $0x640, $0x38;
	[tilespmem:$0x8340] =	vst v63  }
0x2b: {  	_ =	swait.ge [sflag:s18], $0x640  }
0x2c: {  	[sflag:s18] =	ssyncset.done $0x0  }
0x2d: {  	s31 =	simm.s32 $0x68;
	[sflag:s18] =	ssyncadd.s32 $0xFFFFF9C0  }
0x2e: {  	[spmem:s2] =	stream.indirect.scatter.add.f32 [tilespmem:s15], [sflag:$0x3], $0x10, s31, s17, $0xb8;
	[tilespmem:$0x8340] =	vst v63  }
0x2f: {  	_ =	swait.ge [sflag:s12], $0x640  }
0x30: {  	s24 =	sadd.s32 $0x0, s10;
	[sflag:s12] =	ssyncset.done $0x0  }
0x31: {  	s23 =	simm.s32 $0x138;
	s22 =	simm.s32 $0x190;
	[sflag:s12] =	ssyncadd.s32 $0xFFFFF9C0  }
.LBB2_4:
0x32: {  	[tilespmem:s15], [sflag:$0x2] =	stream.linear.gather [hbm4b:s24+s3], $0x640, $0x38;
	[tilespmem:$0x8340] =	vst v63  }
0x33: {  	s24 =	smov.u32 s22  }
0x34: {  	p0 =	sne.s32 s22, $0x4B00;
	s22 =	sadd.s32 $0x190, s22;
	_ =	swait.ge [sflag:s16], $0x640  }
0x35: {  	[sflag:s16] =	ssyncset.done $0x0  }
0x36: {  	s25 =	sadd.s32 $0xFFFFFF98, s23;
	[sflag:s16] =	ssyncadd.s32 $0xFFFFF9C0  }
0x37: {  	[spmem:s2] =	stream.indirect.scatter.add.f32 [tilespmem:s14], [sflag:$0x3], $0x10, s25, s17, $0xb8;
	[tilespmem:$0x8340] =	vst v63  }
0x38: {  	_ =	swait.ge [sflag:s12], $0x640  }
0x39: {  	[sflag:s12] =	ssyncset.done $0x0  }
0x3a: {  	s25 =	sadd.s32 s24, s11;
	[sflag:s12] =	ssyncadd.s32 $0xFFFFF9C0  }
0x3b: {  	[tilespmem:s14], [sflag:$0x1] =	stream.linear.gather [hbm4b:s25+s3], $0x640, $0x38;
	[tilespmem:$0x8340] =	vst v63  }
0x3c: {  	_ =	swait.ge [sflag:s18], $0x640  }
0x3d: {  	[sflag:s18] =	ssyncset.done $0x0  }
.Ltmp1:
0x3e: {  	[sflag:s18] =	ssyncadd.s32 $0xFFFFF9C0;
	(pc) =	sbr.rel @p0 .LBB2_4-.Ltmp1, $4  }
0x3f: {  	[spmem:s2] =	stream.indirect.scatter.add.f32 [tilespmem:s15], [sflag:$0x3], $0x10, s23, s17, $0xb8;
	[tilespmem:$0x8340] =	vst v63  }
0x40: {  	_ =	swait.ge [sflag:s12], $0x640  }
0x41: {  	[sflag:s12] =	ssyncset.done $0x0  }
0x42: {  	s24 =	sadd.s32 s24, s10;
	s23 =	sadd.s32 $0xD0, s23;
	[sflag:s12] =	ssyncadd.s32 $0xFFFFF9C0  }
0x43: {  	[tilespmem:s15], [sflag:$0x2] =	stream.linear.gather [hbm4b:s24+s3], $0x640, $0x38;
	[tilespmem:$0x8340] =	vst v63  }
0x44: {  	_ =	swait.ge [sflag:s16], $0x640  }
0x45: {  	[sflag:s16] =	ssyncset.done $0x0  }
0x46: {  	[sflag:s16] =	ssyncadd.s32 $0xFFFFF9C0  }
0x47: {  	[spmem:s2] =	stream.indirect.scatter.add.f32 [tilespmem:s14], [sflag:$0x3], $0x10, s19, s17, $0xb8;
	[tilespmem:$0x8340] =	vst v63  }
0x48: {  	_ =	swait.ge [sflag:s12], $0x640  }
0x49: {  	[sflag:s12] =	ssyncset.done $0x0  }
0x4a: {  	[sflag:s12] =	ssyncadd.s32 $0xFFFFF9C0  }
0x4b: {  	_ =	swait.ge [sflag:s18], $0x640  }
0x4c: {  	[sflag:s18] =	ssyncset.done $0x0  }
0x4d: {  	[sflag:s18] =	ssyncadd.s32 $0xFFFFF9C0  }
0x4e: {  	[spmem:s2] =	stream.indirect.scatter.add.f32 [tilespmem:s15], [sflag:$0x3], $0x10, s20, s17, $0xb8;
	[tilespmem:$0x8340] =	vst v63  }
0x4f: {  	_ =	swait.ge [sflag:s12], $0x640  }
0x50: {  	[sflag:s12] =	ssyncset.done $0x0  }
0x51: {  	[sflag:s12] =	ssyncadd.s32 $0xFFFFF9C0  }
0x52: {  	[bflag:$0x0] =	sbarrier.arrive $0xFFFF  }
0x53: {  	[tilespmem:s13], [sflag:$0x3] =	stream.linear.gather [spmem:s5], $0x2710, $0x38;
	[tilespmem:$0x8340] =	vst v63  }
0x54: {  	s21 =	sadd.s32 $0x1, s21;
	_ =	swait.ge [sflag:s12], $0x2710  }
0x55: {  	p0 =	sne.s32 s21, s9;
	[sflag:s12] =	ssyncset.done $0x0  }
.Ltmp2:
0x56: {  	[sflag:s12] =	ssyncadd.s32 $0xFFFFD8F0;
	(pc) =	sbr.rel @p0 .LBB2_1-.Ltmp2, $4  }
0x57: {  	[hbm4b:s8+s3] =	stream.linear.scatter [tilespmem:s13], [sflag:$0x3], $0x2710, $0x38;
	[tilespmem:$0x8340] =	vst v63  }
0x58: {  	_ =	swait.ge [sflag:s12], $0x2710  }
0x59: {  	[sflag:s12] =	ssyncset.done $0x0  }
0x5a: {  	[sflag:s12] =	ssyncadd.s32 $0xFFFFD8F0  }
0x5b: {  	_ =	sfence.sel $0x180000  }
0x5c: {  	[bflag:$0x0] =	sbarrier.arrive $0xFFFF  }
0x5d: {  	p0 =	sne.s32 s0, $0x0;
	_ =	strace $0x9000004A  }
0x5e: {  	s0 =	sadd.s32 @!p0 $0x100000, s1;
	[bflag:$0x2] =	sbarrier.arrive $0xFFFF  }
0x5f: {  	[sflag:s0] =	ssyncadd.tile.s32 @!p0 $0x1;
	_ =	shalt  }
.Lfunc_end2:
_tile_overlayer_lowered:
.L_overlay_start_2:
0x60: {  	(tag) =	ssettag $0x2  }
0x61: {  	s0 =	rddreg [dreg:$0x0];
	s2 =	stileid.u32  }
0x62: {  	s1 =	rddreg [dreg:$0x1];
	p0 =	sne.s32 s2, $0x0  }
0x63: {  	s3 =	rddreg [dreg:$0x2];
	[bflag:$0x3] =	sbarrier.arrive $0xFFFF;
	s2 =	simm.s32 @!p0 $0x1C03  }
0x64: {  	[timem:s3], [sflag:s2] =	dma.local @!p0 [hbm:s0], s1  }
0x65: {  	s0 =	simm.s32 @!p0 $0x3  }
0x66: {  	_ =	swait.ge @!p0 [sflag:s0], s1  }
0x67: {  	s1 =	ssub.s32 @!p0 $0x0, s1;
	[sflag:s0] =	ssyncset.done @!p0 $0x0  }
0x68: {  	[sflag:s0] =	ssyncadd.s32 @!p0 s1  }
0x69: {  	[bflag:$0x3] =	sbarrier.arrive $0xFFFF  }
0x6a: {  	_ =	shalt  }

// kernel: kernel.20.cloned.1.call-start
scs
__scs_entry_jumppad:
0x0: {  	(pc) =	sbr.rel $0x88, $3  }
0x1: {  	(tag) =	ssettag $0x0;
	lr =	simm.s32 $0x1  }
0x2: {  	[smem:$0x3F86] =	sst lr;
	_ =	strace $0xD0000000  }
0x3: {  	_ = 	snop  }
0x4: {  	_ = 	snop  }
0x5: {  	_ = 	snop  }
0x6: {  	_ = 	snop  }
0x7: {  	_ = 	snop  }
__scs_overlays_trampoline_lowered:
0x8: {  	[smem:$0x3F95] =	sst s0  }
0x9: {  	[smem:$0x3F96] =	sst s1  }
0xa: {  	[smem:$0x3F97] =	sst s2  }
0xb: {  	[smem:$0x3F98] =	sst s3  }
0xc: {  	[smem:$0x3F99] =	sst s4  }
0xd: {  	[smem:$0x3F9A] =	sst s5  }
0xe: {  	[smem:$0x3F9B] =	sst s6  }
0xf: {  	[smem:$0x3F9C] =	sst s7  }
0x10: {  	[smem:$0x3F9D] =	sst s8  }
0x11: {  	[smem:$0x3F9E] =	sst s9;
	s0 =	simm.s32 @!p0 $0x0  }
0x12: {  	s1 =	sld [smem:$0x3F84];
	s0 =	simm.s32 @p0 $0x1  }
0x13: {  	[smem:$0x3F9F] =	sst s0;
	s0 =	simm.s32 @!p1 $0x0  }
0x14: {  	s2 =	sld [smem:$0x3F83];
	s0 =	simm.s32 @p1 $0x1  }
0x15: {  	[smem:$0x3FA0] =	sst s0;
	s0 =	simm.s32 @!p2 $0x0  }
0x16: {  	s3 =	sld [smem:$0x3FDB];
	s0 =	simm.s32 @p2 $0x1  }
0x17: {  	s4 =	simm.s32 $0x1BF5;
	[smem:$0x3FA2] =	sst s0  }
0x18: {  	s0 =	sld [smem:$0x3F85];
	_ =	swait.ge [sflag:s4], $0x0  }
0x19: {  	s7 =	sld [smem:$0x3F86]  }
0x1a: {  	s8 =	sadd.s32 $0xFFFFE003, lr  }
0x1b: {  	s9 =	sadd.s32 $0xFFFFFEF7, lr;
	s5 =	simm.s32 $0xFFFFFFFF;
	p2 =	slt.u32 s8, $0xFFFFF086  }
0x1c: {  	p1 =	slt.u32 s9, $0xF7A;
	s5 =	simm.s32 @!p2 $0x0  }
0x1d: {  	s5 =	simm.s32 @p1 $0x1;
	p0 =	seq.s32 s7, s2  }
0x1e: {  	s7 =	smul.u32 @!p0 $0xF7A, s2;
	p2 =	seq.s32 @!p0 s5, $0x0  }
0x1f: {  	s9 =	smul.u32 $0xF7A, s1;
	s8 =	simm.s32 @!p0 $0x1BF5;
	p2 =	por !p2, p0  }
0x20: {  	[sflag:s8] =	ssyncset.s32 @!p0 $0xFFFFF086;
	s6 =	sadd.s32 @!p0 s3, s7;
	s7 =	simm.s32 @!p0 $0x108  }
0x21: {  	s3 =	sadd.s32 s3, s9;
	s6 =	sadd.s32 @!p0 $0x88, s6;
	s7 =	simm.s32 @p2 $0x1082  }
0x22: {  	[simem:s7], [sflag:s8] =	dma.local @!p0 [hbm:s6], $0xF7A  }
0x23: {  	s9 =	sor.u32 $0xD0000000, s2;
	s6 =	simm.s32 $0x108;
	_ =	swait.ge @!p0 [sflag:s8], $0x0  }
0x24: {  	s3 =	sadd.s32 $0x88, s3;
	s6 =	simm.s32 @!p1 $0x1082;
	[sflag:s4] =	ssyncset.s32 $0xFFFFF086  }
0x25: {  	[simem:s6], [sflag:s4] =	dma.local [hbm:s3], $0xF7A  }
0x26: {  	[smem:$0x3F86] =	sst s1;
	(tag) =	ssettag s2;
	_ =	strace s9  }
0x27: {  	s1 =	sld [smem:$0x3F96]  }
0x28: {  	s2 =	sld [smem:$0x3F97]  }
0x29: {  	s4 =	sld [smem:$0x3F99]  }
0x2a: {  	p0 =	seq.s32 s5, $0x0;
	s5 =	sld [smem:$0x3F9A]  }
0x2b: {  	s6 =	sld [smem:$0x3F9B]  }
0x2c: {  	s7 =	sld [smem:$0x3F9C]  }
0x2d: {  	s3 =	simm.s32 $0x108;
	s8 =	sld [smem:$0x3F9D]  }
0x2e: {  	s3 =	simm.s32 @!p0 $0x1082;
	s9 =	sld [smem:$0x3F9E]  }
0x2f: {  	lr =	sadd.s32 s0, s3;
	s0 =	sld [smem:$0x3F95]  }
0x30: {  	s3 =	sld [smem:$0x3F98]  }
0x31: {  	[smem:$0x3FA1] =	sst s10  }
0x32: {  	s10 =	sld [smem:$0x3F9F];
	_ =	sdelay $0x3  }
0x33: {  	p0 =	seq.s32 s10, $0x1;
	s10 =	sld [smem:$0x3FA1];
	_ =	sdelay $0x3  }
0x34: {  	[smem:$0x3FA1] =	sst s10  }
0x35: {  	s10 =	sld [smem:$0x3FA0];
	_ =	sdelay $0x3  }
0x36: {  	p1 =	seq.s32 s10, $0x1;
	s10 =	sld [smem:$0x3FA1];
	_ =	sdelay $0x3  }
0x37: {  	[smem:$0x3FA1] =	sst s10  }
0x38: {  	s10 =	sld [smem:$0x3FA2]  }
0x39: {  	_ = 	snop;
	(pc) =	sbr.ind lr, $3  }
0x3a: {  	_ = 	snop  }
0x3b: {  	_ = 	snop  }
0x3c: {  	p2 =	seq.s32 s10, $0x1;
	s10 =	sld [smem:$0x3FA1]  }
0x3d: {  	_ =	shalt  }
0x3e: {  	_ =	shalt  }
0x3f: {  	_ =	shalt  }
0x40: {  	_ =	shalt  }
0x41: {  	_ =	shalt  }
0x42: {  	_ =	shalt  }
0x43: {  	_ =	shalt  }
0x44: {  	_ =	shalt  }
0x45: {  	_ =	shalt  }
0x46: {  	_ =	shalt  }
0x47: {  	_ =	shalt  }
0x48: {  	_ =	shalt  }
0x49: {  	_ =	shalt  }
0x4a: {  	_ =	shalt  }
0x4b: {  	_ =	shalt  }
0x4c: {  	_ =	shalt  }
0x4d: {  	_ =	shalt  }
0x4e: {  	_ =	shalt  }
0x4f: {  	_ =	shalt  }
0x50: {  	_ =	shalt  }
0x51: {  	_ =	shalt  }
0x52: {  	_ =	shalt  }
0x53: {  	_ =	shalt  }
0x54: {  	_ =	shalt  }
0x55: {  	_ =	shalt  }
0x56: {  	_ =	shalt  }
0x57: {  	_ =	shalt  }
0x58: {  	_ =	shalt  }
0x59: {  	_ =	shalt  }
0x5a: {  	_ =	shalt  }
0x5b: {  	_ =	shalt  }
0x5c: {  	_ =	shalt  }
0x5d: {  	_ =	shalt  }
0x5e: {  	_ =	shalt  }
0x5f: {  	_ =	shalt  }
0x60: {  	_ =	shalt  }
0x61: {  	_ =	shalt  }
0x62: {  	_ =	shalt  }
0x63: {  	_ =	shalt  }
0x64: {  	_ =	shalt  }
0x65: {  	_ =	shalt  }
0x66: {  	_ =	shalt  }
0x67: {  	_ =	shalt  }
0x68: {  	_ =	shalt  }
0x69: {  	_ =	shalt  }
0x6a: {  	_ =	shalt  }
0x6b: {  	_ =	shalt  }
0x6c: {  	_ =	shalt  }
0x6d: {  	_ =	shalt  }
0x6e: {  	_ =	shalt  }
0x6f: {  	_ =	shalt  }
0x70: {  	_ =	shalt  }
0x71: {  	_ =	shalt  }
0x72: {  	_ =	shalt  }
0x73: {  	_ =	shalt  }
0x74: {  	_ =	shalt  }
0x75: {  	_ =	shalt  }
0x76: {  	_ =	shalt  }
0x77: {  	_ =	shalt  }
0x78: {  	_ =	shalt  }
0x79: {  	_ =	shalt  }
0x7a: {  	_ =	shalt  }
0x7b: {  	_ =	shalt  }
0x7c: {  	_ =	shalt  }
0x7d: {  	_ =	shalt  }
0x7e: {  	_ =	shalt  }
0x7f: {  	_ =	shalt  }
0x80: {  	_ =	shalt  }
0x81: {  	_ =	shalt  }
0x82: {  	_ =	shalt  }
0x83: {  	_ =	shalt  }
0x84: {  	_ =	shalt  }
0x85: {  	_ =	shalt  }
0x86: {  	_ =	shalt  }
0x87: {  	_ =	shalt  }
.Lfunc_end0:
.L_simem_size_0:
called_computation.2_lowered:
.L_overlay_start_0:
0x88: {  	s2 =	sld [smem:$0x3FD9]  }
0x89: {  	s3 =	sld [smem:$0x3FFE];
	_ =	sdelay $0x1  }
0x8a: {  	s1 =	srdreg.scid  }
0x8b: {  	s0 =	sand.u32 $0x1, s1  }
0x8c: {  	s16 =	sshll.u32 s0, $0xA;
	s2 =	sadd.s32 s3, s2  }
0x8d: {  	s2 =	sadd.s32 s2, s16  }
0x8e: {  	[smem:$0x3FAD] =	sst s2  }
0x8f: {  	_ = 	snop  }
0x90: {  	(tm) =	ssettm $0x1  }
0x91: {  	s17 =	sld [smem:$0x3FFB];
	_ =	sdelay $0x3  }
0x92: {  	_ =	strace s17  }
0x93: {  	s2 =	sld [smem:$0x3FFC];
	_ =	sdelay $0x3  }
0x94: {  	_ =	strace s2  }
0x95: {  	s2 =	sld [smem:$0x3FFD];
	_ =	sdelay $0x3  }
0x96: {  	_ =	strace s2  }
0x97: {  	_ =	strace $0x8FFFFFFF  }
0x98: {  	s18 =	sld [smem:$0x3FDB];
	_ =	sdelay $0x1  }
0x99: {  	s19 =	simm.s32 $_scs_section_size  }
0x9a: {  	s4 =	simm.s32 $_size__tile_overlayer_lowered;
	s5 =	simm.s32 $_tile_overlayer_lowered  }
0x9b: {  	s22 =	simm.s32 $0x1BFF;
	s21 =	sshll.u32 s5, $0x1;
	s2 =	sadd.s32 s19, s18  }
0x9c: {  	s6 =	simm.s32 $0x0;
	s20 =	sshll.u32 s4, $0x1;
	s4 =	sadd.s32 s21, s2  }
0x9d: {  	[timem:s6], [sflag:s22] =	dma.local [hbm:s4], s20  }
0x9e: {  	_ =	swait.ge [sflag:s22], s20  }
0x9f: {  	s3 =	ssub.s32 $0x0, s20;
	[sflag:s22] =	ssyncset.done $0x0  }
0xa0: {  	[sflag:s22] =	ssyncadd.s32 s3;
	_ =	sdelay $0x1  }
0xa1: {  	s23 =	simm.s32 $0x1B8B  }
0xa2: {  	_ =	swait.ge [sflag:s23], $0x1  }
0xa3: {  	[sflag:s23] =	ssyncset.done $0x0  }
0xa4: {  	s25 =	simm.s32 $0x1B8E;
	s24 =	sld [smem:$0x3FFE];
	[sflag:s23] =	ssyncadd.s32 $0xFFFFFFFF  }
0xa5: {  	s26 =	simm.s32 $execute0_lowered;
	[smem:$0x3FD2] =	sst s25  }
0xa6: {  	s4 =	sshll.u32 s26, $0x1;
	_ =	strace $0x8000004C;
	[dreg:$0x1] =	wrdreg $0xFFFFFFFF  }
0xa7: {  	s28 =	simm.s32 $_size_execute0_lowered;
	s2 =	sadd.s32 s2, s4;
	[dreg:$0x0] =	wrdreg $0x0  }
0xa8: {  	s4 =	sshll.u32 s28, $0x1;
	[dreg:$0x2] =	wrdreg s2  }
0xa9: {  	[dreg:$0x3] =	wrdreg s4  }
0xaa: {  	[dreg:$0x4] =	wrdreg $0xC0  }
0xab: {  	_ =	task [dreg:s6], $0x5FFFF  }
0xac: {  	[dreg:$0x1] =	wrdreg $0xFFFFFFFF  }
0xad: {  	[dreg:$0x0] =	wrdreg $0x60  }
0xae: {  	[dreg:$0x2] =	wrdreg s24  }
0xaf: {  	[dreg:$0x3] =	wrdreg $0x9  }
0xb0: {  	_ =	task.clear_ibuf [dreg:s6], $0x4FFFF;
	_ =	strace $0x9000004C  }
0xb1: {  	s29 =	simm.s32 $0x9;
	_ =	strace $0x8000004E  }
0xb2: {  	_ =	swait.ge [sflag:s29], $0x1  }
0xb3: {  	[sflag:s29] =	ssyncadd.s32 $0xFFFFFFFF  }
0xb4: {  	_ =	strace $0x9000004E  }
0xb5: {  	_ =	sfence  }
0xb6: {  	s30 =	sld [smem:$0x0];
	_ =	sdelay $0x2  }
0xb7: {  	s31 =	sshll.u32 s1, $0xD;
	s1 =	sshrl.u32 s1, $0x2  }
0xb8: {  	s3 =	sand.u32 $0x4000, s31;
	s1 =	sadd.s32 s1, s30  }
0xb9: {  	s0 =	sor.u32 s3, s0;
	s1 =	sshll.u32 s1, $0x11  }
0xba: {  	s0 =	sor.u32 s1, s0  }
0xbb: {  	s0 =	sadd.s32 $0x8F2B, s0  }
0xbc: {  	[sflag:s0] =	ssyncadd.remote.s32 $0x1  }
0xbd: {  	_ =	sfence.sel $0xFFFF  }
0xbe: {  	[dreg:$0x0] =	wrdreg $0xFFFFFFFF;
	(pc) =	sbr.abs _section_cstart, $3  }
0xbf: {  	[dreg:$0x1] =	wrdreg $0xFFFFFFFF  }
0xc0: {  	_ =	task.clear_ibuf [dreg:s6], $0x2FFFF;
	_ =	strace $0x9FFFFFFF  }
0xc1: {  	(tm) =	ssettm $0x7FFFFFFF  }
tec
execute0_lowered:
.L_overlay_start_1:
0x0: {  	(tag) =	ssettag $0x1  }
0x1: {  	s0 =	srdreg.scid  }
0x2: {  	s2 =	stileid.u32;
	s1 =	rddreg [dreg:$0x0]  }
0x3: {  	s15 =	simm.s32 $0xC8;
	s18 =	simm.s32 $0x8020;
	s20 =	simm.s32 $0xE420  }
0x4: {  	s21 =	simm.s32 $0x1;
	s22 =	simm.s32 $0x11620;
	s23 =	simm.s32 $0x122A0  }
0x5: {  	s28 =	simm.s32 $0x14820;
	s29 =	simm.s32 $0x154A0;
	s30 =	simm.s32 $0x3  }
0x6: {  	s31 =	simm.s32 $0x4;
	s0 =	sand.u32 $0x1, s0;
	s3 =	sshll.u32 s2, $0x1  }
0x7: {  	s2 =	simm.s32 $0x0;
	s4 =	sadd.s32 $0xBBE00, s1;
	s5 =	sadd.s32 $0xE3000, s1  }
0x8: {  	s7 =	sadd.s32 $0x1A6600, s1;
	s3 =	sor.u32 s0, s3;
	s0 =	ssub.s32 $0x2, s0  }
0x9: {  	[smem:$0x7FF] =	sst s2;
	s3 =	smul.u32 $0x2710, s3;
	s24 =	sshrl.u32 s0, $0x1  }
0xa: {  	s8 =	sadd.s32 $0x24CE00, s1;
	_ =	strace $0x8000004D;
	s0 =	ssub.s32 s0, s24  }
.Ltmp0:
0xb: {  	s24 =	simm.s32 $0x12F20;
	s6 =	sshrl.u32 s3, $0x3;
	(pc) =	sbr.rel .LBB2_1-.Ltmp0, $4  }
0xc: {  	s11 =	sadd.s32 $0xC8, s3;
	s0 =	smax.u32 s0, $0x1;
	s9 =	sadd.s32 s6, s1  }
0xd: {  	s6 =	sadd.s32 $0x10A200, s1;
	[dreg:$0x4] =	wrdreg s0;
	s25 =	sadd.s32 $0x15C00, s9  }
0xe: {  	s1 =	simm.s32 $0x0;
	s26 =	sadd.s32 $0xBE00, s9;
	[dreg:$0x2] =	wrdreg s25  }
0xf: {  	[dreg:$0x3] =	wrdreg s26;
	s25 =	simm.s32 $0x2;
	s26 =	simm.s32 $0x13BA0  }
.LBB2_8:
0x10: {  	_ =	swait.ge [sflag:s30], $0xC80  }
0x11: {  	[sflag:s30] =	ssyncset.done $0x0  }
0x12: {  	[sflag:s30] =	ssyncadd.s32 $0xFFFFF380  }
0x13: {  	_ =	swait.ge [sflag:s30], $0xC80  }
0x14: {  	[sflag:s30] =	ssyncset.done $0x0  }
0x15: {  	[sflag:s30] =	ssyncadd.s32 $0xFFFFF380  }
0x16: {  	_ =	swait.ge [sflag:s30], $0xC80  }
0x17: {  	[sflag:s30] =	ssyncset.done $0x0  }
0x18: {  	[sflag:s30] =	ssyncadd.s32 $0xFFFFF380  }
0x19: {  	_ =	swait.ge [sflag:s31], $0xC80  }
0x1a: {  	[sflag:s31] =	ssyncset.done $0x0  }
0x1b: {  	[sflag:s31] =	ssyncadd.s32 $0xFFFFF380  }
0x1c: {  	_ =	swait.ge [sflag:s31], $0xC80  }
0x1d: {  	[sflag:s31] =	ssyncset.done $0x0  }
0x1e: {  	[sflag:s31] =	ssyncadd.s32 $0xFFFFF380  }
0x1f: {  	_ =	swait.ge [sflag:s31], $0xC80  }
0x20: {  	s1 =	sadd.s32 $0x1, s1;
	s0 =	rddreg [dreg:$0x4]  }
0x21: {  	p0 =	sne.s32 s1, s0  }
.Ltmp1:
0x22: {  	_ = 	snop;
	(pc) =	sbr.rel @!p0 .LBB2_9-.Ltmp1, $3  }
0x23: {  	_ =	sdelay $0x1  }
0x24: {  	[sflag:s31] =	ssyncset.done $0x0  }
0x25: {  	[sflag:s31] =	ssyncadd.s32 $0xFFFFF380  }
.LBB2_1:
0x26: {  	s0 =	rddreg [dreg:$0x2];
	s9 =	simm.s32 $0x5  }
0x27: {  	[tilespmem:s2], [sflag:$0x5] =	stream.linear.gather [hbm4b:s0+s2], $0x2710, $0x38;
	[tilespmem:$0x16120] =	vst v63  }
0x28: {  	_ =	swait.ge [sflag:s9], $0x2710  }
0x29: {  	[sflag:s9] =	ssyncset.done $0x0  }
0x2a: {  	s10 =	simm.s32 $0x2710;
	s14 =	rddreg [dreg:$0x3];
	[sflag:s9] =	ssyncadd.s32 $0xFFFFD8F0  }
0x2b: {  	[tilespmem:s10], [sflag:$0x5] =	stream.linear.gather [hbm4b:s14+s2], $0x2710, $0x38;
	[tilespmem:$0x16120] =	vst v63  }
0x2c: {  	_ =	swait.ge [sflag:s9], $0x2710  }
0x2d: {  	[sflag:s9] =	ssyncset.done $0x0  }
0x2e: {  	s16 =	simm.s32 $0x4E20;
	[sflag:s9] =	ssyncadd.s32 $0xFFFFD8F0  }
0x2f: {  	[tilespmem:s16], [sflag:$0x1] =	stream.indirect.gather [hbm4b:s4+s15], $0x40, s2, s15, $0xb8;
	[tilespmem:$0x16120] =	vst v63  }
0x30: {  	s17 =	simm.s32 $0xB220  }
0x31: {  	[tilespmem:s17], [sflag:$0x1] =	stream.indirect.gather [hbm4b:s5+s15], $0x40, s10, s15, $0xb8;
	[tilespmem:$0x16120] =	vst v63  }
0x32: {  	_ = 	snop  }
0x33: {  	[tilespmem:s18], [sflag:$0x2] =	stream.indirect.gather [hbm4b:s4+s15], $0x40, s15, s15, $0xb8;
	[tilespmem:$0x16120] =	vst v63  }
0x34: {  	s19 =	simm.s32 $0x27D8;
	s0 =	simm.s32 $0x0  }
0x35: {  	[tilespmem:s20], [sflag:$0x2] =	stream.indirect.gather [hbm4b:s5+s15], $0x40, s19, s15, $0xb8;
	[tilespmem:$0x16120] =	vst v63  }
.LBB2_2:
0x36: {  	_ =	swait.ge [sflag:s21], $0x3200  }
0x37: {  	[sflag:s21] =	ssyncset.done $0x0  }
0x38: {  	[sflag:s21] =	ssyncadd.s32 $0xFFFFCE00  }
0x39: {  	_ =	swait.ge [sflag:s21], $0x3200  }
0x3a: {  	[sflag:s21] =	ssyncset.done $0x0  }
0x3b: {  	s16 =	simm.s32 $0x4F20;
	[sflag:s21] =	ssyncadd.s32 $0xFFFFCE00  }
0x3c: {  	s17 =	simm.s32 $0xB320;
	v0 =	vld [tilespmem:s16+$0xFFFFFF00]  }
0x3d: {  	v1 =	vld [tilespmem:s17+$0xFFFFFF00];
	_ =	sdelay $0x4  }
0x3e: {  	v0 =	vadd.f32 v1, v0  }
0x3f: {  	s19 =	simm.s32 $0x0  }
0x40: {  	[tilespmem:s19+$0x11620] =	vst v0  }
0x41: {  	v0 =	vld [tilespmem:s16+$0xFFFFFF10]  }
0x42: {  	v1 =	vld [tilespmem:s17+$0xFFFFFF10];
	_ =	sdelay $0x4  }
0x43: {  	v0 =	vadd.f32 v1, v0;
	_ =	sdelay $0x1  }
0x44: {  	[tilespmem:s19+$0x11630] =	vst v0  }
0x45: {  	v0 =	vld [tilespmem:s16+$0xFFFFFF20]  }
0x46: {  	v1 =	vld [tilespmem:s17+$0xFFFFFF20];
	_ =	sdelay $0x4  }
0x47: {  	v0 =	vadd.f32 v1, v0;
	_ =	sdelay $0x1  }
0x48: {  	[tilespmem:s19+$0x11640] =	vst v0  }
0x49: {  	v0 =	vld [tilespmem:s16+$0xFFFFFF40]  }
0x4a: {  	v1 =	vld [tilespmem:s17+$0xFFFFFF40];
	_ =	sdelay $0x4  }
0x4b: {  	v0 =	vadd.f32 v1, v0;
	_ =	sdelay $0x1  }
0x4c: {  	[tilespmem:s19+$0x11650] =	vst v0  }
0x4d: {  	v0 =	vld [tilespmem:s16+$0xFFFFFF50]  }
0x4e: {  	v1 =	vld [tilespmem:s17+$0xFFFFFF50];
	_ =	sdelay $0x4  }
0x4f: {  	v0 =	vadd.f32 v1, v0;
	_ =	sdelay $0x1  }
0x50: {  	[tilespmem:s19+$0x11660] =	vst v0  }
0x51: {  	v0 =	vld [tilespmem:s16+$0xFFFFFF60]  }
0x52: {  	v1 =	vld [tilespmem:s17+$0xFFFFFF60];
	_ =	sdelay $0x4  }
0x53: {  	v0 =	vadd.f32 v1, v0;
	_ =	sdelay $0x1  }
0x54: {  	[tilespmem:s19+$0x11670] =	vst v0  }
0x55: {  	v0 =	vld [tilespmem:s16+$0xFFFFFF80]  }
0x56: {  	v1 =	vld [tilespmem:s17+$0xFFFFFF80];
	_ =	sdelay $0x4  }
0x57: {  	v0 =	vadd.f32 v1, v0;
	_ =	sdelay $0x1  }
0x58: {  	[tilespmem:s19+$0x11680] =	vst v0  }
0x59: {  	v0 =	vld [tilespmem:s16+$0xFFFFFF90]  }
0x5a: {  	v1 =	vld [tilespmem:s17+$0xFFFFFF90];
	_ =	sdelay $0x4  }
0x5b: {  	v0 =	vadd.f32 v1, v0;
	_ =	sdelay $0x1  }
0x5c: {  	[tilespmem:s19+$0x11690] =	vst v0  }
0x5d: {  	v0 =	vld [tilespmem:s16+$0xFFFFFFA0]  }
0x5e: {  	v1 =	vld [tilespmem:s17+$0xFFFFFFA0];
	_ =	sdelay $0x4  }
0x5f: {  	v0 =	vadd.f32 v1, v0;
	_ =	sdelay $0x1  }
0x60: {  	[tilespmem:s19+$0x122A0] =	vst v0  }
0x61: {  	v0 =	vld [tilespmem:s16+$0xFFFFFFC0]  }
0x62: {  	v1 =	vld [tilespmem:s17+$0xFFFFFFC0];
	_ =	sdelay $0x4  }
0x63: {  	v0 =	vadd.f32 v1, v0;
	_ =	sdelay $0x1  }
0x64: {  	[tilespmem:s19+$0x122B0] =	vst v0  }
0x65: {  	v0 =	vld [tilespmem:s16+$0xFFFFFFD0]  }
0x66: {  	v1 =	vld [tilespmem:s17+$0xFFFFFFD0];
	_ =	sdelay $0x4  }
0x67: {  	v0 =	vadd.f32 v1, v0;
	_ =	sdelay $0x1  }
0x68: {  	[tilespmem:s19+$0x122C0] =	vst v0  }
0x69: {  	v0 =	vld [tilespmem:s16+$0xFFFFFFE0]  }
0x6a: {  	v1 =	vld [tilespmem:s17+$0xFFFFFFE0];
	_ =	sdelay $0x4  }
0x6b: {  	v0 =	vadd.f32 v1, v0;
	_ =	sdelay $0x1  }
0x6c: {  	[tilespmem:s19+$0x122D0] =	vst v0  }
0x6d: {  	v0 =	vld [tilespmem:s16+$0x0]  }
0x6e: {  	v1 =	vld [tilespmem:s17+$0x0];
	_ =	sdelay $0x4  }
0x6f: {  	v0 =	vadd.f32 v1, v0;
	_ =	sdelay $0x1  }
0x70: {  	[tilespmem:s19+$0x122E0] =	vst v0  }
0x71: {  	v0 =	vld [tilespmem:s16+$0x10]  }
0x72: {  	v1 =	vld [tilespmem:s17+$0x10];
	_ =	sdelay $0x4  }
0x73: {  	v0 =	vadd.f32 v1, v0;
	_ =	sdelay $0x1  }
0x74: {  	[tilespmem:s19+$0x122F0] =	vst v0  }
0x75: {  	v0 =	vld [tilespmem:s16+$0x20]  }
0x76: {  	v1 =	vld [tilespmem:s17+$0x20];
	_ =	sdelay $0x4  }
0x77: {  	v0 =	vadd.f32 v1, v0;
	_ =	sdelay $0x1  }
0x78: {  	[tilespmem:s19+$0x12300] =	vst v0  }
0x79: {  	v0 =	vld [tilespmem:s16+$0x40]  }
0x7a: {  	v1 =	vld [tilespmem:s17+$0x40];
	_ =	sdelay $0x4  }
0x7b: {  	v0 =	vadd.f32 v1, v0;
	_ =	sdelay $0x1  }
0x7c: {  	[tilespmem:s19+$0x12310] =	vst v0  }
0x7d: {  	v0 =	vld [tilespmem:s16+$0x50]  }
0x7e: {  	v1 =	vld [tilespmem:s17+$0x50];
	_ =	sdelay $0x4  }
0x7f: {  	v0 =	vadd.f32 v1, v0;
	_ =	sdelay $0x1  }
0x80: {  	[tilespmem:s19+$0x12F20] =	vst v0  }
0x81: {  	v0 =	vld [tilespmem:s16+$0x60]  }
0x82: {  	v1 =	vld [tilespmem:s17+$0x60];
	_ =	sdelay $0x4  }
0x83: {  	v0 =	vadd.f32 v1, v0;
	_ =	sdelay $0x1  }
0x84: {  	[tilespmem:s19+$0x12F30] =	vst v0  }
0x85: {  	v0 =	vld [tilespmem:s16+$0x80]  }
0x86: {  	v1 =	vld [tilespmem:s17+$0x80];
	_ =	sdelay $0x4  }
0x87: {  	v0 =	vadd.f32 v1, v0;
	_ =	sdelay $0x1  }
0x88: {  	[tilespmem:s19+$0x12F40] =	vst v0  }
0x89: {  	v0 =	vld [tilespmem:s16+$0x90]  }
0x8a: {  	v1 =	vld [tilespmem:s17+$0x90];
	_ =	sdelay $0x4  }
0x8b: {  	v0 =	vadd.f32 v1, v0;
	_ =	sdelay $0x1  }
0x8c: {  	[tilespmem:s19+$0x12F50] =	vst v0  }
0x8d: {  	v0 =	vld [tilespmem:s16+$0xA0]  }
0x8e: {  	v1 =	vld [tilespmem:s17+$0xA0];
	_ =	sdelay $0x4  }
0x8f: {  	v0 =	vadd.f32 v1, v0;
	_ =	sdelay $0x1  }
0x90: {  	[tilespmem:s19+$0x12F60] =	vst v0  }
0x91: {  	v0 =	vld [tilespmem:s16+$0xC0]  }
0x92: {  	s10 =	simm.s32 $0x200;
	s14 =	simm.s32 $0x4F20;
	s9 =	simm.s32 $0xB320;
	v1 =	vld [tilespmem:s17+$0xC0]  }
.LBB2_3:
0x93: {  	_ = 	snop  }
0x94: {  	p0 =	sne.s32 s10, $0x3000;
	s16 =	sadd.s32 $0x200, s16;
	s17 =	sadd.s32 $0x200, s17  }
0x95: {  	s12 =	smov.u32 s10;
	s10 =	sadd.s32 $0x200, s10;
	_ =	sdelay $0x1  }
0x96: {  	v0 =	vadd.f32 v1, v0;
	_ =	sdelay $0x1  }
0x97: {  	[tilespmem:s19+$0x12F70] =	vst v0  }
0x98: {  	v0 =	vld [tilespmem:s14+$0xD0]  }
0x99: {  	v1 =	vld [tilespmem:s9+$0xD0];
	_ =	sdelay $0x4  }
0x9a: {  	v0 =	vadd.f32 v1, v0;
	_ =	sdelay $0x1  }
0x9b: {  	[tilespmem:s19+$0x12F80] =	vst v0  }
0x9c: {  	v0 =	vld [tilespmem:s14+$0xE0];
	s14 =	smov.u32 s16  }
0x9d: {  	v1 =	vld [tilespmem:s9+$0xE0];
	s9 =	smov.u32 s17;
	_ =	sdelay $0x4  }
0x9e: {  	v0 =	vadd.f32 v1, v0;
	_ =	sdelay $0x1  }
0x9f: {  	[tilespmem:s19+$0x12F90] =	vst v0  }
0xa0: {  	v0 =	vld [tilespmem:s16+$0xFFFFFF00]  }
0xa1: {  	v1 =	vld [tilespmem:s17+$0xFFFFFF00];
	_ =	sdelay $0x4  }
0xa2: {  	v0 =	vadd.f32 v1, v0  }
0xa3: {  	s19 =	sshra.s32 s12, $0x2  }
0xa4: {  	[tilespmem:s19+$0x11620] =	vst v0  }
0xa5: {  	v0 =	vld [tilespmem:s16+$0xFFFFFF10]  }
0xa6: {  	v1 =	vld [tilespmem:s17+$0xFFFFFF10];
	_ =	sdelay $0x4  }
0xa7: {  	v0 =	vadd.f32 v1, v0;
	_ =	sdelay $0x1  }
0xa8: {  	[tilespmem:s19+$0x11630] =	vst v0  }
0xa9: {  	v0 =	vld [tilespmem:s16+$0xFFFFFF20]  }
0xaa: {  	v1 =	vld [tilespmem:s17+$0xFFFFFF20];
	_ =	sdelay $0x4  }
0xab: {  	v0 =	vadd.f32 v1, v0;
	_ =	sdelay $0x1  }
0xac: {  	[tilespmem:s19+$0x11640] =	vst v0  }
0xad: {  	v0 =	vld [tilespmem:s16+$0xFFFFFF40]  }
0xae: {  	v1 =	vld [tilespmem:s17+$0xFFFFFF40];
	_ =	sdelay $0x4  }
0xaf: {  	v0 =	vadd.f32 v1, v0;
	_ =	sdelay $0x1  }
0xb0: {  	[tilespmem:s19+$0x11650] =	vst v0  }
0xb1: {  	v0 =	vld [tilespmem:s16+$0xFFFFFF50]  }
0xb2: {  	v1 =	vld [tilespmem:s17+$0xFFFFFF50];
	_ =	sdelay $0x4  }
0xb3: {  	v0 =	vadd.f32 v1, v0;
	_ =	sdelay $0x1  }
0xb4: {  	[tilespmem:s19+$0x11660] =	vst v0  }
0xb5: {  	v0 =	vld [tilespmem:s16+$0xFFFFFF60]  }
0xb6: {  	v1 =	vld [tilespmem:s17+$0xFFFFFF60];
	_ =	sdelay $0x4  }
0xb7: {  	v0 =	vadd.f32 v1, v0;
	_ =	sdelay $0x1  }
0xb8: {  	[tilespmem:s19+$0x11670] =	vst v0  }
0xb9: {  	v0 =	vld [tilespmem:s16+$0xFFFFFF80]  }
0xba: {  	v1 =	vld [tilespmem:s17+$0xFFFFFF80];
	_ =	sdelay $0x4  }
0xbb: {  	v0 =	vadd.f32 v1, v0;
	_ =	sdelay $0x1  }
0xbc: {  	[tilespmem:s19+$0x11680] =	vst v0  }
0xbd: {  	v0 =	vld [tilespmem:s16+$0xFFFFFF90]  }
0xbe: {  	v1 =	vld [tilespmem:s17+$0xFFFFFF90];
	_ =	sdelay $0x4  }
0xbf: {  	v0 =	vadd.f32 v1, v0;
	_ =	sdelay $0x1  }
0xc0: {  	[tilespmem:s19+$0x11690] =	vst v0  }
0xc1: {  	v0 =	vld [tilespmem:s16+$0xFFFFFFA0]  }
0xc2: {  	v1 =	vld [tilespmem:s17+$0xFFFFFFA0];
	_ =	sdelay $0x4  }
0xc3: {  	v0 =	vadd.f32 v1, v0;
	_ =	sdelay $0x1  }
0xc4: {  	[tilespmem:s19+$0x122A0] =	vst v0  }
0xc5: {  	v0 =	vld [tilespmem:s16+$0xFFFFFFC0]  }
0xc6: {  	v1 =	vld [tilespmem:s17+$0xFFFFFFC0];
	_ =	sdelay $0x4  }
0xc7: {  	v0 =	vadd.f32 v1, v0;
	_ =	sdelay $0x1  }
0xc8: {  	[tilespmem:s19+$0x122B0] =	vst v0  }
0xc9: {  	v0 =	vld [tilespmem:s16+$0xFFFFFFD0]  }
0xca: {  	v1 =	vld [tilespmem:s17+$0xFFFFFFD0];
	_ =	sdelay $0x4  }
0xcb: {  	v0 =	vadd.f32 v1, v0;
	_ =	sdelay $0x1  }
0xcc: {  	[tilespmem:s19+$0x122C0] =	vst v0  }
0xcd: {  	v0 =	vld [tilespmem:s16+$0xFFFFFFE0]  }
0xce: {  	v1 =	vld [tilespmem:s17+$0xFFFFFFE0];
	_ =	sdelay $0x4  }
0xcf: {  	v0 =	vadd.f32 v1, v0;
	_ =	sdelay $0x1  }
0xd0: {  	[tilespmem:s19+$0x122D0] =	vst v0  }
0xd1: {  	v0 =	vld [tilespmem:s16+$0x0]  }
0xd2: {  	v1 =	vld [tilespmem:s17+$0x0];
	_ =	sdelay $0x4  }
0xd3: {  	v0 =	vadd.f32 v1, v0;
	_ =	sdelay $0x1  }
0xd4: {  	[tilespmem:s19+$0x122E0] =	vst v0  }
0xd5: {  	v0 =	vld [tilespmem:s16+$0x10]  }
0xd6: {  	v1 =	vld [tilespmem:s17+$0x10];
	_ =	sdelay $0x4  }
0xd7: {  	v0 =	vadd.f32 v1, v0;
	_ =	sdelay $0x1  }
0xd8: {  	[tilespmem:s19+$0x122F0] =	vst v0  }
0xd9: {  	v0 =	vld [tilespmem:s16+$0x20]  }
0xda: {  	v1 =	vld [tilespmem:s17+$0x20];
	_ =	sdelay $0x4  }
0xdb: {  	v0 =	vadd.f32 v1, v0;
	_ =	sdelay $0x1  }
0xdc: {  	[tilespmem:s19+$0x12300] =	vst v0  }
0xdd: {  	v0 =	vld [tilespmem:s16+$0x40]  }
0xde: {  	v1 =	vld [tilespmem:s17+$0x40];
	_ =	sdelay $0x4  }
0xdf: {  	v0 =	vadd.f32 v1, v0;
	_ =	sdelay $0x1  }
0xe0: {  	[tilespmem:s19+$0x12310] =	vst v0  }
0xe1: {  	v0 =	vld [tilespmem:s16+$0x50]  }
0xe2: {  	v1 =	vld [tilespmem:s17+$0x50];
	_ =	sdelay $0x4  }
0xe3: {  	v0 =	vadd.f32 v1, v0;
	_ =	sdelay $0x1  }
0xe4: {  	[tilespmem:s19+$0x12F20] =	vst v0  }
0xe5: {  	v0 =	vld [tilespmem:s16+$0x60]  }
0xe6: {  	v1 =	vld [tilespmem:s17+$0x60];
	_ =	sdelay $0x4  }
0xe7: {  	v0 =	vadd.f32 v1, v0;
	_ =	sdelay $0x1  }
0xe8: {  	[tilespmem:s19+$0x12F30] =	vst v0  }
0xe9: {  	v0 =	vld [tilespmem:s16+$0x80]  }
0xea: {  	v1 =	vld [tilespmem:s17+$0x80];
	_ =	sdelay $0x4  }
0xeb: {  	v0 =	vadd.f32 v1, v0;
	_ =	sdelay $0x1  }
0xec: {  	[tilespmem:s19+$0x12F40] =	vst v0  }
0xed: {  	v0 =	vld [tilespmem:s16+$0x90]  }
0xee: {  	v1 =	vld [tilespmem:s17+$0x90];
	_ =	sdelay $0x4  }
0xef: {  	v0 =	vadd.f32 v1, v0;
	_ =	sdelay $0x1  }
0xf0: {  	[tilespmem:s19+$0x12F50] =	vst v0  }
0xf1: {  	v0 =	vld [tilespmem:s16+$0xA0]  }
0xf2: {  	v1 =	vld [tilespmem:s17+$0xA0];
	_ =	sdelay $0x4  }
.Ltmp2:
0xf3: {  	v0 =	vadd.f32 v1, v0;
	(pc) =	sbr.rel @p0 .LBB2_3-.Ltmp2, $4  }
0xf4: {  	_ = 	snop  }
0xf5: {  	[tilespmem:s19+$0x12F60] =	vst v0  }
0xf6: {  	v0 =	vld [tilespmem:s16+$0xC0]  }
0xf7: {  	v1 =	vld [tilespmem:s17+$0xC0]  }
0xf8: {  	_ =	sdelay $0x3  }
0xf9: {  	v0 =	vadd.f32 v1, v0;
	_ =	sdelay $0x1  }
0xfa: {  	[tilespmem:s19+$0x12F70] =	vst v0  }
0xfb: {  	v0 =	vld [tilespmem:s14+$0xD0]  }
0xfc: {  	v1 =	vld [tilespmem:s9+$0xD0];
	_ =	sdelay $0x4  }
0xfd: {  	v0 =	vadd.f32 v1, v0;
	_ =	sdelay $0x1  }
0xfe: {  	[tilespmem:s19+$0x12F80] =	vst v0  }
0xff: {  	v0 =	vld [tilespmem:s14+$0xE0]  }
0x100: {  	v1 =	vld [tilespmem:s9+$0xE0];
	_ =	sdelay $0x2  }
0x101: {  	s16 =	smul.u32 $0x190, s0;
	_ =	sdelay $0x1  }
0x102: {  	s17 =	sadd.s32 s3, s16;
	v0 =	vadd.f32 v1, v0  }
0x103: {  	s9 =	sshll.u32 s17, $0x1  }
0x104: {  	s10 =	sadd.s32 s6, s9;
	[tilespmem:s19+$0x12F90] =	vst v0  }
0x105: {  	[hbm4b:s10+s2] =	stream.linear.scatter [tilespmem:s22], [sflag:$0x3], $0xC80, $0x38;
	[tilespmem:$0x16120] =	vst v63  }
0x106: {  	s19 =	sadd.s32 s7, s9  }
0x107: {  	[hbm4b:s19+s2] =	stream.linear.scatter [tilespmem:s23], [sflag:$0x3], $0xC80, $0x38;
	[tilespmem:$0x16120] =	vst v63  }
0x108: {  	p0 =	seq.s32 s0, $0x18;
	s9 =	sadd.s32 s8, s9  }
0x109: {  	[hbm4b:s9+s2] =	stream.linear.scatter [tilespmem:s24], [sflag:$0x3], $0xC80, $0x38;
	[tilespmem:$0x16120] =	vst v63  }
0x10a: {  	s9 =	simm.s32 @!p0 $0x3  }
0x10b: {  	_ =	swait.ge @!p0 [sflag:s9], $0xC80  }
0x10c: {  	[sflag:s9] =	ssyncset.done @!p0 $0x0  }
0x10d: {  	[sflag:s9] =	ssyncadd.s32 @!p0 $0xFFFFF380  }
0x10e: {  	_ =	swait.ge @!p0 [sflag:s9], $0xC80  }
0x10f: {  	[sflag:s9] =	ssyncset.done @!p0 $0x0  }
0x110: {  	[sflag:s9] =	ssyncadd.s32 @!p0 $0xFFFFF380  }
0x111: {  	_ =	swait.ge @!p0 [sflag:s9], $0xC80  }
0x112: {  	s12 =	simm.s32 @!p0 $0x4E20;
	[sflag:s9] =	ssyncset.done @!p0 $0x0  }
0x113: {  	s10 =	simm.s32 @!p0 $0xC8;
	[sflag:s9] =	ssyncadd.s32 @!p0 $0xFFFFF380;
	s9 =	sadd.s32 @!p0 $0x190, s16  }
0x114: {  	[tilespmem:s12], [sflag:$0x1] =	stream.indirect.gather @!p0 [hbm4b:s4+s10], $0x40, s9, s10, $0xb8;
	[tilespmem:$0x16120] =	vst v63  }
0x115: {  	s9 =	sadd.s32 @!p0 $0x28A0, s16;
	s12 =	simm.s32 @!p0 $0xB220  }
0x116: {  	[tilespmem:s12], [sflag:$0x1] =	stream.indirect.gather @!p0 [hbm4b:s5+s10], $0x40, s9, s10, $0xb8;
	[tilespmem:$0x16120] =	vst v63  }
0x117: {  	_ =	swait.ge [sflag:s25], $0x3200  }
0x118: {  	[sflag:s25] =	ssyncset.done $0x0  }
0x119: {  	[sflag:s25] =	ssyncadd.s32 $0xFFFFCE00  }
0x11a: {  	_ =	swait.ge [sflag:s25], $0x3200  }
0x11b: {  	[sflag:s25] =	ssyncset.done $0x0  }
0x11c: {  	s17 =	simm.s32 $0x8120;
	[sflag:s25] =	ssyncadd.s32 $0xFFFFCE00  }
0x11d: {  	s19 =	simm.s32 $0xE520;
	v0 =	vld [tilespmem:s17+$0xFFFFFF00]  }
0x11e: {  	v1 =	vld [tilespmem:s19+$0xFFFFFF00];
	_ =	sdelay $0x4  }
0x11f: {  	v0 =	vadd.f32 v1, v0  }
0x120: {  	s14 =	simm.s32 $0x0  }
0x121: {  	[tilespmem:s14+$0x13BA0] =	vst v0  }
0x122: {  	v0 =	vld [tilespmem:s17+$0xFFFFFF10]  }
0x123: {  	v1 =	vld [tilespmem:s19+$0xFFFFFF10];
	_ =	sdelay $0x4  }
0x124: {  	v0 =	vadd.f32 v1, v0;
	_ =	sdelay $0x1  }
0x125: {  	[tilespmem:s14+$0x13BB0] =	vst v0  }
0x126: {  	v0 =	vld [tilespmem:s17+$0xFFFFFF20]  }
0x127: {  	v1 =	vld [tilespmem:s19+$0xFFFFFF20];
	_ =	sdelay $0x4  }
0x128: {  	v0 =	vadd.f32 v1, v0;
	_ =	sdelay $0x1  }
0x129: {  	[tilespmem:s14+$0x13BC0] =	vst v0  }
0x12a: {  	v0 =	vld [tilespmem:s17+$0xFFFFFF40]  }
0x12b: {  	v1 =	vld [tilespmem:s19+$0xFFFFFF40];
	_ =	sdelay $0x4  }
0x12c: {  	v0 =	vadd.f32 v1, v0;
	_ =	sdelay $0x1  }
0x12d: {  	[tilespmem:s14+$0x13BD0] =	vst v0  }
0x12e: {  	v0 =	vld [tilespmem:s17+$0xFFFFFF50]  }
0x12f: {  	v1 =	vld [tilespmem:s19+$0xFFFFFF50];
	_ =	sdelay $0x4  }
0x130: {  	v0 =	vadd.f32 v1, v0;
	_ =	sdelay $0x1  }
0x131: {  	[tilespmem:s14+$0x13BE0] =	vst v0  }
0x132: {  	v0 =	vld [tilespmem:s17+$0xFFFFFF60]  }
0x133: {  	v1 =	vld [tilespmem:s19+$0xFFFFFF60];
	_ =	sdelay $0x4  }
0x134: {  	v0 =	vadd.f32 v1, v0;
	_ =	sdelay $0x1  }
0x135: {  	[tilespmem:s14+$0x13BF0] =	vst v0  }
0x136: {  	v0 =	vld [tilespmem:s17+$0xFFFFFF80]  }
0x137: {  	v1 =	vld [tilespmem:s19+$0xFFFFFF80];
	_ =	sdelay $0x4  }
0x138: {  	v0 =	vadd.f32 v1, v0;
	_ =	sdelay $0x1  }
0x139: {  	[tilespmem:s14+$0x13C00] =	vst v0  }
0x13a: {  	v0 =	vld [tilespmem:s17+$0xFFFFFF90]  }
0x13b: {  	v1 =	vld [tilespmem:s19+$0xFFFFFF90];
	_ =	sdelay $0x4  }
0x13c: {  	v0 =	vadd.f32 v1, v0;
	_ =	sdelay $0x1  }
0x13d: {  	[tilespmem:s14+$0x13C10] =	vst v0  }
0x13e: {  	v0 =	vld [tilespmem:s17+$0xFFFFFFA0]  }
0x13f: {  	v1 =	vld [tilespmem:s19+$0xFFFFFFA0];
	_ =	sdelay $0x4  }
0x140: {  	v0 =	vadd.f32 v1, v0;
	_ =	sdelay $0x1  }
0x141: {  	[tilespmem:s14+$0x14820] =	vst v0  }
0x142: {  	v0 =	vld [tilespmem:s17+$0xFFFFFFC0]  }
0x143: {  	v1 =	vld [tilespmem:s19+$0xFFFFFFC0];
	_ =	sdelay $0x4  }
0x144: {  	v0 =	vadd.f32 v1, v0;
	_ =	sdelay $0x1  }
0x145: {  	[tilespmem:s14+$0x14830] =	vst v0  }
0x146: {  	v0 =	vld [tilespmem:s17+$0xFFFFFFD0]  }
0x147: {  	v1 =	vld [tilespmem:s19+$0xFFFFFFD0];
	_ =	sdelay $0x4  }
0x148: {  	v0 =	vadd.f32 v1, v0;
	_ =	sdelay $0x1  }
0x149: {  	[tilespmem:s14+$0x14840] =	vst v0  }
0x14a: {  	v0 =	vld [tilespmem:s17+$0xFFFFFFE0]  }
0x14b: {  	v1 =	vld [tilespmem:s19+$0xFFFFFFE0];
	_ =	sdelay $0x4  }
0x14c: {  	v0 =	vadd.f32 v1, v0;
	_ =	sdelay $0x1  }
0x14d: {  	[tilespmem:s14+$0x14850] =	vst v0  }
0x14e: {  	v0 =	vld [tilespmem:s17+$0x0]  }
0x14f: {  	v1 =	vld [tilespmem:s19+$0x0];
	_ =	sdelay $0x4  }
0x150: {  	v0 =	vadd.f32 v1, v0;
	_ =	sdelay $0x1  }
0x151: {  	[tilespmem:s14+$0x14860] =	vst v0  }
0x152: {  	v0 =	vld [tilespmem:s17+$0x10]  }
0x153: {  	v1 =	vld [tilespmem:s19+$0x10];
	_ =	sdelay $0x4  }
0x154: {  	v0 =	vadd.f32 v1, v0;
	_ =	sdelay $0x1  }
0x155: {  	[tilespmem:s14+$0x14870] =	vst v0  }
0x156: {  	v0 =	vld [tilespmem:s17+$0x20]  }
0x157: {  	v1 =	vld [tilespmem:s19+$0x20];
	_ =	sdelay $0x4  }
0x158: {  	v0 =	vadd.f32 v1, v0;
	_ =	sdelay $0x1  }
0x159: {  	[tilespmem:s14+$0x14880] =	vst v0  }
0x15a: {  	v0 =	vld [tilespmem:s17+$0x40]  }
0x15b: {  	v1 =	vld [tilespmem:s19+$0x40];
	_ =	sdelay $0x4  }
0x15c: {  	v0 =	vadd.f32 v1, v0;
	_ =	sdelay $0x1  }
0x15d: {  	[tilespmem:s14+$0x14890] =	vst v0  }
0x15e: {  	v0 =	vld [tilespmem:s17+$0x50]  }
0x15f: {  	v1 =	vld [tilespmem:s19+$0x50];
	_ =	sdelay $0x4  }
0x160: {  	v0 =	vadd.f32 v1, v0;
	_ =	sdelay $0x1  }
0x161: {  	[tilespmem:s14+$0x154A0] =	vst v0  }
0x162: {  	v0 =	vld [tilespmem:s17+$0x60]  }
0x163: {  	v1 =	vld [tilespmem:s19+$0x60];
	_ =	sdelay $0x4  }
0x164: {  	v0 =	vadd.f32 v1, v0;
	_ =	sdelay $0x1  }
0x165: {  	[tilespmem:s14+$0x154B0] =	vst v0  }
0x166: {  	v0 =	vld [tilespmem:s17+$0x80]  }
0x167: {  	v1 =	vld [tilespmem:s19+$0x80];
	_ =	sdelay $0x4  }
0x168: {  	v0 =	vadd.f32 v1, v0;
	_ =	sdelay $0x1  }
0x169: {  	[tilespmem:s14+$0x154C0] =	vst v0  }
0x16a: {  	v0 =	vld [tilespmem:s17+$0x90]  }
0x16b: {  	v1 =	vld [tilespmem:s19+$0x90];
	_ =	sdelay $0x4  }
0x16c: {  	v0 =	vadd.f32 v1, v0;
	_ =	sdelay $0x1  }
0x16d: {  	[tilespmem:s14+$0x154D0] =	vst v0  }
0x16e: {  	v0 =	vld [tilespmem:s17+$0xA0]  }
0x16f: {  	v1 =	vld [tilespmem:s19+$0xA0];
	_ =	sdelay $0x4  }
0x170: {  	v0 =	vadd.f32 v1, v0;
	_ =	sdelay $0x1  }
0x171: {  	[tilespmem:s14+$0x154E0] =	vst v0  }
0x172: {  	v0 =	vld [tilespmem:s17+$0xC0]  }
0x173: {  	s12 =	simm.s32 $0x200;
	s9 =	simm.s32 $0x8120;
	s10 =	simm.s32 $0xE520;
	v1 =	vld [tilespmem:s19+$0xC0]  }
.LBB2_5:
0x174: {  	_ = 	snop  }
0x175: {  	p1 =	sne.s32 s12, $0x3000;
	s17 =	sadd.s32 $0x200, s17;
	s19 =	sadd.s32 $0x200, s19  }
0x176: {  	s13 =	smov.u32 s12;
	s12 =	sadd.s32 $0x200, s12;
	_ =	sdelay $0x1  }
0x177: {  	v0 =	vadd.f32 v1, v0;
	_ =	sdelay $0x1  }
0x178: {  	[tilespmem:s14+$0x154F0] =	vst v0  }
0x179: {  	v0 =	vld [tilespmem:s9+$0xD0]  }
0x17a: {  	v1 =	vld [tilespmem:s10+$0xD0];
	_ =	sdelay $0x4  }
0x17b: {  	v0 =	vadd.f32 v1, v0;
	_ =	sdelay $0x1  }
0x17c: {  	[tilespmem:s14+$0x15500] =	vst v0  }
0x17d: {  	v0 =	vld [tilespmem:s9+$0xE0];
	s9 =	smov.u32 s17  }
0x17e: {  	v1 =	vld [tilespmem:s10+$0xE0];
	s10 =	smov.u32 s19;
	_ =	sdelay $0x4  }
0x17f: {  	v0 =	vadd.f32 v1, v0;
	_ =	sdelay $0x1  }
0x180: {  	[tilespmem:s14+$0x15510] =	vst v0  }
0x181: {  	v0 =	vld [tilespmem:s17+$0xFFFFFF00]  }
0x182: {  	v1 =	vld [tilespmem:s19+$0xFFFFFF00];
	_ =	sdelay $0x4  }
0x183: {  	v0 =	vadd.f32 v1, v0  }
0x184: {  	s14 =	sshra.s32 s13, $0x2  }
0x185: {  	[tilespmem:s14+$0x13BA0] =	vst v0  }
0x186: {  	v0 =	vld [tilespmem:s17+$0xFFFFFF10]  }
0x187: {  	v1 =	vld [tilespmem:s19+$0xFFFFFF10];
	_ =	sdelay $0x4  }
0x188: {  	v0 =	vadd.f32 v1, v0;
	_ =	sdelay $0x1  }
0x189: {  	[tilespmem:s14+$0x13BB0] =	vst v0  }
0x18a: {  	v0 =	vld [tilespmem:s17+$0xFFFFFF20]  }
0x18b: {  	v1 =	vld [tilespmem:s19+$0xFFFFFF20];
	_ =	sdelay $0x4  }
0x18c: {  	v0 =	vadd.f32 v1, v0;
	_ =	sdelay $0x1  }
0x18d: {  	[tilespmem:s14+$0x13BC0] =	vst v0  }
0x18e: {  	v0 =	vld [tilespmem:s17+$0xFFFFFF40]  }
0x18f: {  	v1 =	vld [tilespmem:s19+$0xFFFFFF40];
	_ =	sdelay $0x4  }
0x190: {  	v0 =	vadd.f32 v1, v0;
	_ =	sdelay $0x1  }
0x191: {  	[tilespmem:s14+$0x13BD0] =	vst v0  }
0x192: {  	v0 =	vld [tilespmem:s17+$0xFFFFFF50]  }
0x193: {  	v1 =	vld [tilespmem:s19+$0xFFFFFF50];
	_ =	sdelay $0x4  }
0x194: {  	v0 =	vadd.f32 v1, v0;
	_ =	sdelay $0x1  }
0x195: {  	[tilespmem:s14+$0x13BE0] =	vst v0  }
0x196: {  	v0 =	vld [tilespmem:s17+$0xFFFFFF60]  }
0x197: {  	v1 =	vld [tilespmem:s19+$0xFFFFFF60];
	_ =	sdelay $0x4  }
0x198: {  	v0 =	vadd.f32 v1, v0;
	_ =	sdelay $0x1  }
0x199: {  	[tilespmem:s14+$0x13BF0] =	vst v0  }
0x19a: {  	v0 =	vld [tilespmem:s17+$0xFFFFFF80]  }
0x19b: {  	v1 =	vld [tilespmem:s19+$0xFFFFFF80];
	_ =	sdelay $0x4  }
0x19c: {  	v0 =	vadd.f32 v1, v0;
	_ =	sdelay $0x1  }
0x19d: {  	[tilespmem:s14+$0x13C00] =	vst v0  }
0x19e: {  	v0 =	vld [tilespmem:s17+$0xFFFFFF90]  }
0x19f: {  	v1 =	vld [tilespmem:s19+$0xFFFFFF90];
	_ =	sdelay $0x4  }
0x1a0: {  	v0 =	vadd.f32 v1, v0;
	_ =	sdelay $0x1  }
0x1a1: {  	[tilespmem:s14+$0x13C10] =	vst v0  }
0x1a2: {  	v0 =	vld [tilespmem:s17+$0xFFFFFFA0]  }
0x1a3: {  	v1 =	vld [tilespmem:s19+$0xFFFFFFA0];
	_ =	sdelay $0x4  }
0x1a4: {  	v0 =	vadd.f32 v1, v0;
	_ =	sdelay $0x1  }
0x1a5: {  	[tilespmem:s14+$0x14820] =	vst v0  }
0x1a6: {  	v0 =	vld [tilespmem:s17+$0xFFFFFFC0]  }
0x1a7: {  	v1 =	vld [tilespmem:s19+$0xFFFFFFC0];
	_ =	sdelay $0x4  }
0x1a8: {  	v0 =	vadd.f32 v1, v0;
	_ =	sdelay $0x1  }
0x1a9: {  	[tilespmem:s14+$0x14830] =	vst v0  }
0x1aa: {  	v0 =	vld [tilespmem:s17+$0xFFFFFFD0]  }
0x1ab: {  	v1 =	vld [tilespmem:s19+$0xFFFFFFD0];
	_ =	sdelay $0x4  }
0x1ac: {  	v0 =	vadd.f32 v1, v0;
	_ =	sdelay $0x1  }
0x1ad: {  	[tilespmem:s14+$0x14840] =	vst v0  }
0x1ae: {  	v0 =	vld [tilespmem:s17+$0xFFFFFFE0]  }
0x1af: {  	v1 =	vld [tilespmem:s19+$0xFFFFFFE0];
	_ =	sdelay $0x4  }
0x1b0: {  	v0 =	vadd.f32 v1, v0;
	_ =	sdelay $0x1  }
0x1b1: {  	[tilespmem:s14+$0x14850] =	vst v0  }
0x1b2: {  	v0 =	vld [tilespmem:s17+$0x0]  }
0x1b3: {  	v1 =	vld [tilespmem:s19+$0x0];
	_ =	sdelay $0x4  }
0x1b4: {  	v0 =	vadd.f32 v1, v0;
	_ =	sdelay $0x1  }
0x1b5: {  	[tilespmem:s14+$0x14860] =	vst v0  }
0x1b6: {  	v0 =	vld [tilespmem:s17+$0x10]  }
0x1b7: {  	v1 =	vld [tilespmem:s19+$0x10];
	_ =	sdelay $0x4  }
0x1b8: {  	v0 =	vadd.f32 v1, v0;
	_ =	sdelay $0x1  }
0x1b9: {  	[tilespmem:s14+$0x14870] =	vst v0  }
0x1ba: {  	v0 =	vld [tilespmem:s17+$0x20]  }
0x1bb: {  	v1 =	vld [tilespmem:s19+$0x20];
	_ =	sdelay $0x4  }
0x1bc: {  	v0 =	vadd.f32 v1, v0;
	_ =	sdelay $0x1  }
0x1bd: {  	[tilespmem:s14+$0x14880] =	vst v0  }
0x1be: {  	v0 =	vld [tilespmem:s17+$0x40]  }
0x1bf: {  	v1 =	vld [tilespmem:s19+$0x40];
	_ =	sdelay $0x4  }
0x1c0: {  	v0 =	vadd.f32 v1, v0;
	_ =	sdelay $0x1  }
0x1c1: {  	[tilespmem:s14+$0x14890] =	vst v0  }
0x1c2: {  	v0 =	vld [tilespmem:s17+$0x50]  }
0x1c3: {  	v1 =	vld [tilespmem:s19+$0x50];
	_ =	sdelay $0x4  }
0x1c4: {  	v0 =	vadd.f32 v1, v0;
	_ =	sdelay $0x1  }
0x1c5: {  	[tilespmem:s14+$0x154A0] =	vst v0  }
0x1c6: {  	v0 =	vld [tilespmem:s17+$0x60]  }
0x1c7: {  	v1 =	vld [tilespmem:s19+$0x60];
	_ =	sdelay $0x4  }
0x1c8: {  	v0 =	vadd.f32 v1, v0;
	_ =	sdelay $0x1  }
0x1c9: {  	[tilespmem:s14+$0x154B0] =	vst v0  }
0x1ca: {  	v0 =	vld [tilespmem:s17+$0x80]  }
0x1cb: {  	v1 =	vld [tilespmem:s19+$0x80];
	_ =	sdelay $0x4  }
0x1cc: {  	v0 =	vadd.f32 v1, v0;
	_ =	sdelay $0x1  }
0x1cd: {  	[tilespmem:s14+$0x154C0] =	vst v0  }
0x1ce: {  	v0 =	vld [tilespmem:s17+$0x90]  }
0x1cf: {  	v1 =	vld [tilespmem:s19+$0x90];
	_ =	sdelay $0x4  }
0x1d0: {  	v0 =	vadd.f32 v1, v0;
	_ =	sdelay $0x1  }
0x1d1: {  	[tilespmem:s14+$0x154D0] =	vst v0  }
0x1d2: {  	v0 =	vld [tilespmem:s17+$0xA0]  }
0x1d3: {  	v1 =	vld [tilespmem:s19+$0xA0];
	_ =	sdelay $0x4  }
.Ltmp3:
0x1d4: {  	v0 =	vadd.f32 v1, v0;
	(pc) =	sbr.rel @p1 .LBB2_5-.Ltmp3, $4  }
0x1d5: {  	_ = 	snop  }
0x1d6: {  	[tilespmem:s14+$0x154E0] =	vst v0  }
0x1d7: {  	v0 =	vld [tilespmem:s17+$0xC0]  }
0x1d8: {  	v1 =	vld [tilespmem:s19+$0xC0]  }
0x1d9: {  	_ =	sdelay $0x3  }
0x1da: {  	v0 =	vadd.f32 v1, v0;
	_ =	sdelay $0x1  }
0x1db: {  	[tilespmem:s14+$0x154F0] =	vst v0  }
0x1dc: {  	v0 =	vld [tilespmem:s9+$0xD0]  }
0x1dd: {  	v62 =	vld [tilespmem:s10+$0xD0];
	_ =	sdelay $0x4  }
0x1de: {  	v0 =	vadd.f32 v62, v0;
	_ =	sdelay $0x1  }
0x1df: {  	[tilespmem:s14+$0x15500] =	vst v0  }
0x1e0: {  	v0 =	vld [tilespmem:s9+$0xE0]  }
0x1e1: {  	v63 =	vld [tilespmem:s10+$0xE0];
	_ =	sdelay $0x3  }
0x1e2: {  	s13 =	sadd.s32 s16, s11  }
0x1e3: {  	s9 =	sshll.u32 s13, $0x1;
	v0 =	vadd.f32 v63, v0  }
0x1e4: {  	s9 =	sand.u32 $0x1FFFFFF0, s9  }
0x1e5: {  	s17 =	sadd.s32 s6, s9;
	[tilespmem:s14+$0x15510] =	vst v0  }
0x1e6: {  	[hbm4b:s17+s2] =	stream.linear.scatter [tilespmem:s26], [sflag:$0x4], $0xC80, $0x38;
	[tilespmem:$0x16120] =	vst v63  }
.Ltmp4:
0x1e7: {  	_ = 	snop;
	(pc) =	sbr.rel @p0 .LBB2_8-.Ltmp4, $4  }
0x1e8: {  	s19 =	sadd.s32 s7, s9  }
0x1e9: {  	[hbm4b:s19+s2] =	stream.linear.scatter [tilespmem:s28], [sflag:$0x4], $0xC80, $0x38;
	[tilespmem:$0x16120] =	vst v63  }
0x1ea: {  	s9 =	sadd.s32 s8, s9  }
0x1eb: {  	[hbm4b:s9+s2] =	stream.linear.scatter [tilespmem:s29], [sflag:$0x4], $0xC80, $0x38;
	[tilespmem:$0x16120] =	vst v63  }
0x1ec: {  	_ =	swait.ge [sflag:s31], $0xC80  }
0x1ed: {  	[sflag:s31] =	ssyncset.done $0x0  }
0x1ee: {  	[sflag:s31] =	ssyncadd.s32 $0xFFFFF380  }
0x1ef: {  	_ =	swait.ge [sflag:s31], $0xC80  }
0x1f0: {  	[sflag:s31] =	ssyncset.done $0x0  }
0x1f1: {  	[sflag:s31] =	ssyncadd.s32 $0xFFFFF380  }
0x1f2: {  	_ =	swait.ge [sflag:s31], $0xC80  }
.Ltmp5:
0x1f3: {  	[sflag:s31] =	ssyncset.done $0x0;
	(pc) =	sbr.rel .LBB2_2-.Ltmp5, $4  }
0x1f4: {  	s9 =	sadd.s32 $0x258, s16;
	[sflag:s31] =	ssyncadd.s32 $0xFFFFF380  }
0x1f5: {  	[tilespmem:s18], [sflag:$0x2] =	stream.indirect.gather [hbm4b:s4+s15], $0x40, s9, s15, $0xb8;
	[tilespmem:$0x16120] =	vst v63  }
0x1f6: {  	s19 =	sadd.s32 $0x2968, s16;
	s0 =	sadd.s32 $0x1, s0  }
0x1f7: {  	[tilespmem:s20], [sflag:$0x2] =	stream.indirect.gather [hbm4b:s5+s15], $0x40, s19, s15, $0xb8;
	[tilespmem:$0x16120] =	vst v63  }
.LBB2_9:
0x1f8: {  	_ =	sfence.sel $0x180000  }
0x1f9: {  	[bflag:$0x0] =	sbarrier.arrive $0xFFFF  }
0x1fa: {  	_ =	strace $0x9000004D  }
0x1fb: {  	s0 =	stileid.u32;
	[bflag:$0x2] =	sbarrier.arrive $0xFFFF  }
0x1fc: {  	p0 =	sne.s32 s0, $0x0;
	s0 =	rddreg [dreg:$0x1]  }
0x1fd: {  	s0 =	sadd.s32 @!p0 $0x100000, s0  }
0x1fe: {  	[sflag:s0] =	ssyncadd.tile.s32 @!p0 $0x1;
	_ =	shalt  }
.Lfunc_end2:
_tile_overlayer_lowered:
.L_overlay_start_2:
0x1ff: {  	(tag) =	ssettag $0x2  }
0x200: {  	s0 =	rddreg [dreg:$0x0];
	s2 =	stileid.u32  }
0x201: {  	s1 =	rddreg [dreg:$0x1];
	p0 =	sne.s32 s2, $0x0  }
0x202: {  	s3 =	rddreg [dreg:$0x2];
	[bflag:$0x3] =	sbarrier.arrive $0xFFFF;
	s2 =	simm.s32 @!p0 $0x1C05  }
0x203: {  	[timem:s3], [sflag:s2] =	dma.local @!p0 [hbm:s0], s1  }
0x204: {  	s0 =	simm.s32 @!p0 $0x5  }
0x205: {  	_ =	swait.ge @!p0 [sflag:s0], s1  }
0x206: {  	s1 =	ssub.s32 @!p0 $0x0, s1;
	[sflag:s0] =	ssyncset.done @!p0 $0x0  }
0x207: {  	[sflag:s0] =	ssyncadd.s32 @!p0 s1  }
0x208: {  	[bflag:$0x3] =	sbarrier.arrive $0xFFFF  }
0x209: {  	_ =	shalt  }

// kernel: kernel.23.cloned.1.call-start
scs
__scs_entry_jumppad:
0x0: {  	(pc) =	sbr.rel $0x88, $3  }
0x1: {  	(tag) =	ssettag $0x0;
	lr =	simm.s32 $0x1  }
0x2: {  	[smem:$0x3F86] =	sst lr;
	_ =	strace $0xD0000000  }
0x3: {  	_ = 	snop  }
0x4: {  	_ = 	snop  }
0x5: {  	_ = 	snop  }
0x6: {  	_ = 	snop  }
0x7: {  	_ = 	snop  }
__scs_overlays_trampoline_lowered:
0x8: {  	[smem:$0x3F95] =	sst s0  }
0x9: {  	[smem:$0x3F96] =	sst s1  }
0xa: {  	[smem:$0x3F97] =	sst s2  }
0xb: {  	[smem:$0x3F98] =	sst s3  }
0xc: {  	[smem:$0x3F99] =	sst s4  }
0xd: {  	[smem:$0x3F9A] =	sst s5  }
0xe: {  	[smem:$0x3F9B] =	sst s6  }
0xf: {  	[smem:$0x3F9C] =	sst s7  }
0x10: {  	[smem:$0x3F9D] =	sst s8  }
0x11: {  	[smem:$0x3F9E] =	sst s9;
	s0 =	simm.s32 @!p0 $0x0  }
0x12: {  	s1 =	sld [smem:$0x3F84];
	s0 =	simm.s32 @p0 $0x1  }
0x13: {  	[smem:$0x3F9F] =	sst s0;
	s0 =	simm.s32 @!p1 $0x0  }
0x14: {  	s2 =	sld [smem:$0x3F83];
	s0 =	simm.s32 @p1 $0x1  }
0x15: {  	[smem:$0x3FA0] =	sst s0;
	s0 =	simm.s32 @!p2 $0x0  }
0x16: {  	s3 =	sld [smem:$0x3FDB];
	s0 =	simm.s32 @p2 $0x1  }
0x17: {  	s4 =	simm.s32 $0x1BF5;
	[smem:$0x3FA2] =	sst s0  }
0x18: {  	s0 =	sld [smem:$0x3F85];
	_ =	swait.ge [sflag:s4], $0x0  }
0x19: {  	s7 =	sld [smem:$0x3F86]  }
0x1a: {  	s8 =	sadd.s32 $0xFFFFE003, lr  }
0x1b: {  	s9 =	sadd.s32 $0xFFFFFEF7, lr;
	s5 =	simm.s32 $0xFFFFFFFF;
	p2 =	slt.u32 s8, $0xFFFFF086  }
0x1c: {  	p1 =	slt.u32 s9, $0xF7A;
	s5 =	simm.s32 @!p2 $0x0  }
0x1d: {  	s5 =	simm.s32 @p1 $0x1;
	p0 =	seq.s32 s7, s2  }
0x1e: {  	s7 =	smul.u32 @!p0 $0xF7A, s2;
	p2 =	seq.s32 @!p0 s5, $0x0  }
0x1f: {  	s9 =	smul.u32 $0xF7A, s1;
	s8 =	simm.s32 @!p0 $0x1BF5;
	p2 =	por !p2, p0  }
0x20: {  	[sflag:s8] =	ssyncset.s32 @!p0 $0xFFFFF086;
	s6 =	sadd.s32 @!p0 s3, s7;
	s7 =	simm.s32 @!p0 $0x108  }
0x21: {  	s3 =	sadd.s32 s3, s9;
	s6 =	sadd.s32 @!p0 $0x88, s6;
	s7 =	simm.s32 @p2 $0x1082  }
0x22: {  	[simem:s7], [sflag:s8] =	dma.local @!p0 [hbm:s6], $0xF7A  }
0x23: {  	s9 =	sor.u32 $0xD0000000, s2;
	s6 =	simm.s32 $0x108;
	_ =	swait.ge @!p0 [sflag:s8], $0x0  }
0x24: {  	s3 =	sadd.s32 $0x88, s3;
	s6 =	simm.s32 @!p1 $0x1082;
	[sflag:s4] =	ssyncset.s32 $0xFFFFF086  }
0x25: {  	[simem:s6], [sflag:s4] =	dma.local [hbm:s3], $0xF7A  }
0x26: {  	[smem:$0x3F86] =	sst s1;
	(tag) =	ssettag s2;
	_ =	strace s9  }
0x27: {  	s1 =	sld [smem:$0x3F96]  }
0x28: {  	s2 =	sld [smem:$0x3F97]  }
0x29: {  	s4 =	sld [smem:$0x3F99]  }
0x2a: {  	p0 =	seq.s32 s5, $0x0;
	s5 =	sld [smem:$0x3F9A]  }
0x2b: {  	s6 =	sld [smem:$0x3F9B]  }
0x2c: {  	s7 =	sld [smem:$0x3F9C]  }
0x2d: {  	s3 =	simm.s32 $0x108;
	s8 =	sld [smem:$0x3F9D]  }
0x2e: {  	s3 =	simm.s32 @!p0 $0x1082;
	s9 =	sld [smem:$0x3F9E]  }
0x2f: {  	lr =	sadd.s32 s0, s3;
	s0 =	sld [smem:$0x3F95]  }
0x30: {  	s3 =	sld [smem:$0x3F98]  }
0x31: {  	[smem:$0x3FA1] =	sst s10  }
0x32: {  	s10 =	sld [smem:$0x3F9F];
	_ =	sdelay $0x3  }
0x33: {  	p0 =	seq.s32 s10, $0x1;
	s10 =	sld [smem:$0x3FA1];
	_ =	sdelay $0x3  }
0x34: {  	[smem:$0x3FA1] =	sst s10  }
0x35: {  	s10 =	sld [smem:$0x3FA0];
	_ =	sdelay $0x3  }
0x36: {  	p1 =	seq.s32 s10, $0x1;
	s10 =	sld [smem:$0x3FA1];
	_ =	sdelay $0x3  }
0x37: {  	[smem:$0x3FA1] =	sst s10  }
0x38: {  	s10 =	sld [smem:$0x3FA2]  }
0x39: {  	_ = 	snop;
	(pc) =	sbr.ind lr, $3  }
0x3a: {  	_ = 	snop  }
0x3b: {  	_ = 	snop  }
0x3c: {  	p2 =	seq.s32 s10, $0x1;
	s10 =	sld [smem:$0x3FA1]  }
0x3d: {  	_ =	shalt  }
0x3e: {  	_ =	shalt  }
0x3f: {  	_ =	shalt  }
0x40: {  	_ =	shalt  }
0x41: {  	_ =	shalt  }
0x42: {  	_ =	shalt  }
0x43: {  	_ =	shalt  }
0x44: {  	_ =	shalt  }
0x45: {  	_ =	shalt  }
0x46: {  	_ =	shalt  }
0x47: {  	_ =	shalt  }
0x48: {  	_ =	shalt  }
0x49: {  	_ =	shalt  }
0x4a: {  	_ =	shalt  }
0x4b: {  	_ =	shalt  }
0x4c: {  	_ =	shalt  }
0x4d: {  	_ =	shalt  }
0x4e: {  	_ =	shalt  }
0x4f: {  	_ =	shalt  }
0x50: {  	_ =	shalt  }
0x51: {  	_ =	shalt  }
0x52: {  	_ =	shalt  }
0x53: {  	_ =	shalt  }
0x54: {  	_ =	shalt  }
0x55: {  	_ =	shalt  }
0x56: {  	_ =	shalt  }
0x57: {  	_ =	shalt  }
0x58: {  	_ =	shalt  }
0x59: {  	_ =	shalt  }
0x5a: {  	_ =	shalt  }
0x5b: {  	_ =	shalt  }
0x5c: {  	_ =	shalt  }
0x5d: {  	_ =	shalt  }
0x5e: {  	_ =	shalt  }
0x5f: {  	_ =	shalt  }
0x60: {  	_ =	shalt  }
0x61: {  	_ =	shalt  }
0x62: {  	_ =	shalt  }
0x63: {  	_ =	shalt  }
0x64: {  	_ =	shalt  }
0x65: {  	_ =	shalt  }
0x66: {  	_ =	shalt  }
0x67: {  	_ =	shalt  }
0x68: {  	_ =	shalt  }
0x69: {  	_ =	shalt  }
0x6a: {  	_ =	shalt  }
0x6b: {  	_ =	shalt  }
0x6c: {  	_ =	shalt  }
0x6d: {  	_ =	shalt  }
0x6e: {  	_ =	shalt  }
0x6f: {  	_ =	shalt  }
0x70: {  	_ =	shalt  }
0x71: {  	_ =	shalt  }
0x72: {  	_ =	shalt  }
0x73: {  	_ =	shalt  }
0x74: {  	_ =	shalt  }
0x75: {  	_ =	shalt  }
0x76: {  	_ =	shalt  }
0x77: {  	_ =	shalt  }
0x78: {  	_ =	shalt  }
0x79: {  	_ =	shalt  }
0x7a: {  	_ =	shalt  }
0x7b: {  	_ =	shalt  }
0x7c: {  	_ =	shalt  }
0x7d: {  	_ =	shalt  }
0x7e: {  	_ =	shalt  }
0x7f: {  	_ =	shalt  }
0x80: {  	_ =	shalt  }
0x81: {  	_ =	shalt  }
0x82: {  	_ =	shalt  }
0x83: {  	_ =	shalt  }
0x84: {  	_ =	shalt  }
0x85: {  	_ =	shalt  }
0x86: {  	_ =	shalt  }
0x87: {  	_ =	shalt  }
.Lfunc_end0:
.L_simem_size_0:
called_computation.3_lowered:
.L_overlay_start_0:
0x88: {  	s2 =	sld [smem:$0x3FD9]  }
0x89: {  	s3 =	sld [smem:$0x3FFE];
	_ =	sdelay $0x1  }
0x8a: {  	s1 =	srdreg.scid  }
0x8b: {  	s0 =	sand.u32 $0x1, s1  }
0x8c: {  	s16 =	sshll.u32 s0, $0xA;
	s2 =	sadd.s32 s3, s2  }
0x8d: {  	s2 =	sadd.s32 s2, s16  }
0x8e: {  	[smem:$0x3FAD] =	sst s2  }
0x8f: {  	_ = 	snop  }
0x90: {  	(tm) =	ssettm $0x1  }
0x91: {  	s17 =	sld [smem:$0x3FFB];
	_ =	sdelay $0x3  }
0x92: {  	_ =	strace s17  }
0x93: {  	s2 =	sld [smem:$0x3FFC];
	_ =	sdelay $0x3  }
0x94: {  	_ =	strace s2  }
0x95: {  	s2 =	sld [smem:$0x3FFD];
	_ =	sdelay $0x3  }
0x96: {  	_ =	strace s2  }
0x97: {  	_ =	strace $0x8FFFFFFF  }
0x98: {  	s18 =	sld [smem:$0x3FDB];
	_ =	sdelay $0x1  }
0x99: {  	s19 =	simm.s32 $_scs_section_size  }
0x9a: {  	s4 =	simm.s32 $_size__tile_overlayer_lowered;
	s5 =	simm.s32 $_tile_overlayer_lowered  }
0x9b: {  	s22 =	simm.s32 $0x1BFF;
	s21 =	sshll.u32 s5, $0x1;
	s2 =	sadd.s32 s19, s18  }
0x9c: {  	s6 =	simm.s32 $0x0;
	s20 =	sshll.u32 s4, $0x1;
	s4 =	sadd.s32 s21, s2  }
0x9d: {  	[timem:s6], [sflag:s22] =	dma.local [hbm:s4], s20  }
0x9e: {  	_ =	swait.ge [sflag:s22], s20  }
0x9f: {  	s3 =	ssub.s32 $0x0, s20;
	[sflag:s22] =	ssyncset.done $0x0  }
0xa0: {  	[sflag:s22] =	ssyncadd.s32 s3;
	_ =	sdelay $0x1  }
0xa1: {  	s23 =	simm.s32 $0x1B8B  }
0xa2: {  	_ =	swait.ge [sflag:s23], $0x1  }
0xa3: {  	[sflag:s23] =	ssyncset.done $0x0  }
0xa4: {  	s25 =	simm.s32 $0x1B8E;
	s24 =	sld [smem:$0x3FFE];
	[sflag:s23] =	ssyncadd.s32 $0xFFFFFFFF  }
0xa5: {  	s26 =	simm.s32 $execute0_lowered;
	[smem:$0x3FD2] =	sst s25  }
0xa6: {  	s4 =	sshll.u32 s26, $0x1;
	_ =	strace $0x8000004F;
	[dreg:$0x1] =	wrdreg $0xFFFFFFFF  }
0xa7: {  	s28 =	simm.s32 $_size_execute0_lowered;
	s2 =	sadd.s32 s2, s4;
	[dreg:$0x0] =	wrdreg $0x0  }
0xa8: {  	s4 =	sshll.u32 s28, $0x1;
	[dreg:$0x2] =	wrdreg s2  }
0xa9: {  	[dreg:$0x3] =	wrdreg s4  }
0xaa: {  	[dreg:$0x4] =	wrdreg $0xC0  }
0xab: {  	_ =	task [dreg:s6], $0x5FFFF  }
0xac: {  	[dreg:$0x1] =	wrdreg $0xFFFFFFFF  }
0xad: {  	[dreg:$0x0] =	wrdreg $0x60  }
0xae: {  	[dreg:$0x2] =	wrdreg s24  }
0xaf: {  	[dreg:$0x3] =	wrdreg $0x4FB00  }
0xb0: {  	[dreg:$0x4] =	wrdreg $0x9  }
0xb1: {  	_ =	task.clear_ibuf [dreg:s6], $0x5FFFF;
	_ =	strace $0x9000004F  }
0xb2: {  	s29 =	simm.s32 $0x9;
	_ =	strace $0x80000051  }
0xb3: {  	_ =	swait.ge [sflag:s29], $0x1  }
0xb4: {  	[sflag:s29] =	ssyncadd.s32 $0xFFFFFFFF  }
0xb5: {  	_ =	strace $0x90000051  }
0xb6: {  	_ =	sfence  }
0xb7: {  	s30 =	sld [smem:$0x0];
	_ =	sdelay $0x2  }
0xb8: {  	s31 =	sshll.u32 s1, $0xD;
	s1 =	sshrl.u32 s1, $0x2  }
0xb9: {  	s3 =	sand.u32 $0x4000, s31;
	s1 =	sadd.s32 s1, s30  }
0xba: {  	s0 =	sor.u32 s3, s0;
	s1 =	sshll.u32 s1, $0x11  }
0xbb: {  	s0 =	sor.u32 s1, s0  }
0xbc: {  	s0 =	sadd.s32 $0x8F2B, s0  }
0xbd: {  	[sflag:s0] =	ssyncadd.remote.s32 $0x1  }
0xbe: {  	_ =	sfence.sel $0xFFFF  }
0xbf: {  	[dreg:$0x0] =	wrdreg $0xFFFFFFFF;
	(pc) =	sbr.abs _section_cstart, $3  }
0xc0: {  	[dreg:$0x1] =	wrdreg $0xFFFFFFFF  }
0xc1: {  	_ =	task.clear_ibuf [dreg:s6], $0x2FFFF;
	_ =	strace $0x9FFFFFFF  }
0xc2: {  	(tm) =	ssettm $0x7FFFFFFF  }
0xc3: {  	_ =	shalt  }
tec
execute0_lowered:
.L_overlay_start_1:
0x0: {  	(tag) =	ssettag $0x1  }
0x1: {  	s1 =	srdreg.scid;
	s5 =	rddreg [dreg:$0x0]  }
0x2: {  	s0 =	stileid.u32;
	s2 =	rddreg [dreg:$0x1]  }
0x3: {  	s3 =	simm.s32 $0x0;
	s15 =	simm.s32 $0x7D00;
	s16 =	simm.s32 $0x1  }
0x4: {  	s17 =	simm.s32 $0x64;
	s18 =	simm.s32 $0x2;
	s8 =	smul.u32 $0x2710, s0  }
0x5: {  	s19 =	simm.s32 $0x27D0;
	s4 =	sand.u32 $0x1, s1;
	s14 =	smul.u32 $0x4E20, s0  }
0x6: {  	s20 =	simm.s32 $0x2838;
	s25 =	sshll.u32 s0, $0x1;
	s9 =	smul.u32 $0x27100, s4  }
0x7: {  	s1 =	rddreg [dreg:$0x2];
	s6 =	sor.u32 s4, s25;
	s26 =	smul.u32 $0x2710, s4  }
0x8: {  	s21 =	simm.s32 $0x0;
	[smem:$0x7FF] =	sst s3;
	s7 =	smul.u32 $0x514, s6  }
0x9: {  	s10 =	sadd.s32 $0x24CE00, s5;
	s11 =	ssub.s32 $0x2, s4;
	s12 =	smul.u32 $0x27100, s6  }
0xa: {  	_ =	strace $0x80000050;
	s13 =	sshrl.u32 s11, $0x1;
	s6 =	smul.u32 $0x4E20, s6  }
0xb: {  	s9 =	sadd.s32 s8, s9;
	s11 =	ssub.s32 s11, s13;
	s29 =	sadd.s32 s26, s14  }
0xc: {  	s13 =	simm.s32 $0x28A0;
	s14 =	simm.s32 $0x76C0;
	s7 =	sadd.s32 s7, s5  }
0xd: {  	s9 =	sshrl.u32 s9, $0x3;
	s28 =	sshrl.u32 s12, $0x3;
	s6 =	sadd.s32 s10, s6  }
0xe: {  	s30 =	sshll.u32 s29, $0x1;
	s12 =	simm.s32 $0x3;
	s9 =	sadd.s32 s9, s5  }
0xf: {  	s4 =	sadd.s32 $0x242A00, s7;
	s5 =	sadd.s32 s8, s2;
	s7 =	sadd.s32 s10, s28  }
0x10: {  	s31 =	sadd.s32 s10, s30;
	s7 =	sadd.s32 $0xC8, s7;
	s8 =	sadd.s32 $0xBE00, s9  }
0x11: {  	v0 =	vimm.f32 $0.0e+00;
	s9 =	smax.u32 s11, $0x1;
	s10 =	sadd.s32 $0x258, s31;
	s11 =	sadd.s32 $0x190, s31  }
.LBB2_1:
0x12: {  	[tilespmem:s3], [sflag:$0x3] =	stream.linear.gather [hbm4b:s4+s3], $0x28A0, $0x38;
	[tilespmem:$0x8340] =	vst v63  }
0x13: {  	_ =	swait.ge [sflag:s12], $0x28A0  }
0x14: {  	[sflag:s12] =	ssyncset.done $0x0  }
0x15: {  	s22 =	simm.s32 $0x40;
	s23 =	simm.s32 $0x0;
	[sflag:s12] =	ssyncadd.s32 $0xFFFFD760  }
.LBB2_2:
0x16: {  	p0 =	sne.s32 s22, $0x9C00;
	[tilespmem:s23+$0x28A0] =	vst v0;
	s23 =	smov.u32 s22;
	s22 =	sadd.s32 $0x40, s22  }
.Ltmp0:
0x17: {  	(pc) =	sbr.rel @p0 .LBB2_2-.Ltmp0, $2  }
0x18: {  	_ =	sdelay $0x2  }
0x19: {  	s23 =	sshra.s32 s23, $0x2  }
0x1a: {  	[tilespmem:s23+$0x28A0] =	vst v0  }
0x1b: {  	[spmem:s5] =	stream.linear.scatter [tilespmem:s13], [sflag:$0x3], $0x2710, $0x38;
	[tilespmem:$0x8340] =	vst v63  }
0x1c: {  	_ =	swait.ge [sflag:s12], $0x2710  }
0x1d: {  	[sflag:s12] =	ssyncset.done $0x0  }
0x1e: {  	[sflag:s12] =	ssyncadd.s32 $0xFFFFD8F0  }
0x1f: {  	s22 =	simm.s32 $0x0;
	[bflag:$0x0] =	sbarrier.arrive $0xFFFF  }
0x20: {  	[tilespmem:s14], [sflag:$0x1] =	stream.linear.gather [hbm4b:s6+s22], $0x640, $0x38;
	[tilespmem:$0x8340] =	vst v63  }
0x21: {  	_ = 	snop  }
0x22: {  	[tilespmem:s15], [sflag:$0x2] =	stream.linear.gather [hbm4b:s7+s22], $0x640, $0x38;
	[tilespmem:$0x8340] =	vst v63  }
0x23: {  	_ =	swait.ge [sflag:s16], $0x640  }
0x24: {  	[sflag:s16] =	ssyncset.done $0x0  }
0x25: {  	s29 =	simm.s32 $0x0;
	[sflag:s16] =	ssyncadd.s32 $0xFFFFF9C0  }
0x26: {  	[spmem:s2] =	stream.indirect.scatter.add.f32 [tilespmem:s14], [sflag:$0x3], $0x10, s29, s17, $0xb8;
	[tilespmem:$0x8340] =	vst v63  }
0x27: {  	_ =	swait.ge [sflag:s12], $0x640  }
0x28: {  	[sflag:s12] =	ssyncset.done $0x0  }
0x29: {  	s30 =	sadd.s32 $0x0, s11;
	[sflag:s12] =	ssyncadd.s32 $0xFFFFF9C0  }
0x2a: {  	[tilespmem:s14], [sflag:$0x1] =	stream.linear.gather [hbm4b:s30+s3], $0x640, $0x38;
	[tilespmem:$0x8340] =	vst v63  }
0x2b: {  	_ =	swait.ge [sflag:s18], $0x640  }
0x2c: {  	[sflag:s18] =	ssyncset.done $0x0  }
0x2d: {  	s31 =	simm.s32 $0x68;
	[sflag:s18] =	ssyncadd.s32 $0xFFFFF9C0  }
0x2e: {  	[spmem:s2] =	stream.indirect.scatter.add.f32 [tilespmem:s15], [sflag:$0x3], $0x10, s31, s17, $0xb8;
	[tilespmem:$0x8340] =	vst v63  }
0x2f: {  	_ =	swait.ge [sflag:s12], $0x640  }
0x30: {  	s24 =	sadd.s32 $0x0, s10;
	[sflag:s12] =	ssyncset.done $0x0  }
0x31: {  	s23 =	simm.s32 $0x138;
	s22 =	simm.s32 $0x190;
	[sflag:s12] =	ssyncadd.s32 $0xFFFFF9C0  }
.LBB2_4:
0x32: {  	[tilespmem:s15], [sflag:$0x2] =	stream.linear.gather [hbm4b:s24+s3], $0x640, $0x38;
	[tilespmem:$0x8340] =	vst v63  }
0x33: {  	s24 =	smov.u32 s22  }
0x34: {  	p0 =	sne.s32 s22, $0x4B00;
	s22 =	sadd.s32 $0x190, s22;
	_ =	swait.ge [sflag:s16], $0x640  }
0x35: {  	[sflag:s16] =	ssyncset.done $0x0  }
0x36: {  	s25 =	sadd.s32 $0xFFFFFF98, s23;
	[sflag:s16] =	ssyncadd.s32 $0xFFFFF9C0  }
0x37: {  	[spmem:s2] =	stream.indirect.scatter.add.f32 [tilespmem:s14], [sflag:$0x3], $0x10, s25, s17, $0xb8;
	[tilespmem:$0x8340] =	vst v63  }
0x38: {  	_ =	swait.ge [sflag:s12], $0x640  }
0x39: {  	[sflag:s12] =	ssyncset.done $0x0  }
0x3a: {  	s25 =	sadd.s32 s24, s11;
	[sflag:s12] =	ssyncadd.s32 $0xFFFFF9C0  }
0x3b: {  	[tilespmem:s14], [sflag:$0x1] =	stream.linear.gather [hbm4b:s25+s3], $0x640, $0x38;
	[tilespmem:$0x8340] =	vst v63  }
0x3c: {  	_ =	swait.ge [sflag:s18], $0x640  }
0x3d: {  	[sflag:s18] =	ssyncset.done $0x0  }
.Ltmp1:
0x3e: {  	[sflag:s18] =	ssyncadd.s32 $0xFFFFF9C0;
	(pc) =	sbr.rel @p0 .LBB2_4-.Ltmp1, $4  }
0x3f: {  	[spmem:s2] =	stream.indirect.scatter.add.f32 [tilespmem:s15], [sflag:$0x3], $0x10, s23, s17, $0xb8;
	[tilespmem:$0x8340] =	vst v63  }
0x40: {  	_ =	swait.ge [sflag:s12], $0x640  }
0x41: {  	[sflag:s12] =	ssyncset.done $0x0  }
0x42: {  	s24 =	sadd.s32 s24, s10;
	s23 =	sadd.s32 $0xD0, s23;
	[sflag:s12] =	ssyncadd.s32 $0xFFFFF9C0  }
0x43: {  	[tilespmem:s15], [sflag:$0x2] =	stream.linear.gather [hbm4b:s24+s3], $0x640, $0x38;
	[tilespmem:$0x8340] =	vst v63  }
0x44: {  	_ =	swait.ge [sflag:s16], $0x640  }
0x45: {  	[sflag:s16] =	ssyncset.done $0x0  }
0x46: {  	[sflag:s16] =	ssyncadd.s32 $0xFFFFF9C0  }
0x47: {  	[spmem:s2] =	stream.indirect.scatter.add.f32 [tilespmem:s14], [sflag:$0x3], $0x10, s19, s17, $0xb8;
	[tilespmem:$0x8340] =	vst v63  }
0x48: {  	_ =	swait.ge [sflag:s12], $0x640  }
0x49: {  	[sflag:s12] =	ssyncset.done $0x0  }
0x4a: {  	[sflag:s12] =	ssyncadd.s32 $0xFFFFF9C0  }
0x4b: {  	_ =	swait.ge [sflag:s18], $0x640  }
0x4c: {  	[sflag:s18] =	ssyncset.done $0x0  }
0x4d: {  	[sflag:s18] =	ssyncadd.s32 $0xFFFFF9C0  }
0x4e: {  	[spmem:s2] =	stream.indirect.scatter.add.f32 [tilespmem:s15], [sflag:$0x3], $0x10, s20, s17, $0xb8;
	[tilespmem:$0x8340] =	vst v63  }
0x4f: {  	_ =	swait.ge [sflag:s12], $0x640  }
0x50: {  	[sflag:s12] =	ssyncset.done $0x0  }
0x51: {  	[sflag:s12] =	ssyncadd.s32 $0xFFFFF9C0  }
0x52: {  	[bflag:$0x0] =	sbarrier.arrive $0xFFFF  }
0x53: {  	[tilespmem:s13], [sflag:$0x3] =	stream.linear.gather [spmem:s5], $0x2710, $0x38;
	[tilespmem:$0x8340] =	vst v63  }
0x54: {  	s21 =	sadd.s32 $0x1, s21;
	_ =	swait.ge [sflag:s12], $0x2710  }
0x55: {  	p0 =	sne.s32 s21, s9;
	[sflag:s12] =	ssyncset.done $0x0  }
.Ltmp2:
0x56: {  	[sflag:s12] =	ssyncadd.s32 $0xFFFFD8F0;
	(pc) =	sbr.rel @p0 .LBB2_1-.Ltmp2, $4  }
0x57: {  	[hbm4b:s8+s3] =	stream.linear.scatter [tilespmem:s13], [sflag:$0x3], $0x2710, $0x38;
	[tilespmem:$0x8340] =	vst v63  }
0x58: {  	_ =	swait.ge [sflag:s12], $0x2710  }
0x59: {  	[sflag:s12] =	ssyncset.done $0x0  }
0x5a: {  	[sflag:s12] =	ssyncadd.s32 $0xFFFFD8F0  }
0x5b: {  	_ =	sfence.sel $0x180000  }
0x5c: {  	[bflag:$0x0] =	sbarrier.arrive $0xFFFF  }
0x5d: {  	p0 =	sne.s32 s0, $0x0;
	_ =	strace $0x90000050  }
0x5e: {  	s0 =	sadd.s32 @!p0 $0x100000, s1;
	[bflag:$0x2] =	sbarrier.arrive $0xFFFF  }
0x5f: {  	[sflag:s0] =	ssyncadd.tile.s32 @!p0 $0x1;
	_ =	shalt  }
.Lfunc_end2:
_tile_overlayer_lowered:
.L_overlay_start_2:
0x60: {  	(tag) =	ssettag $0x2  }
0x61: {  	s0 =	rddreg [dreg:$0x0];
	s2 =	stileid.u32  }
0x62: {  	s1 =	rddreg [dreg:$0x1];
	p0 =	sne.s32 s2, $0x0  }
0x63: {  	s3 =	rddreg [dreg:$0x2];
	[bflag:$0x3] =	sbarrier.arrive $0xFFFF;
	s2 =	simm.s32 @!p0 $0x1C03  }
0x64: {  	[timem:s3], [sflag:s2] =	dma.local @!p0 [hbm:s0], s1  }
0x65: {  	s0 =	simm.s32 @!p0 $0x3  }
0x66: {  	_ =	swait.ge @!p0 [sflag:s0], s1  }
0x67: {  	s1 =	ssub.s32 @!p0 $0x0, s1;
	[sflag:s0] =	ssyncset.done @!p0 $0x0  }
0x68: {  	[sflag:s0] =	ssyncadd.s32 @!p0 s1  }
0x69: {  	[bflag:$0x3] =	sbarrier.arrive $0xFFFF  }
0x6a: {  	_ =	shalt  }

</sc_bundles>
